<compile_context>
chip_gen: v7x
topology: tpu7x:2x2x1
jax: 0.10.2.dev20260603
libtpu: 0.0.44.dev20260713+nightly
codegen_flags: <defaults>
</compile_context>

<pallas_src>
import functools

import jax
import jax.numpy as jnp
from jax import lax
from jax.experimental import pallas as pl
from jax.experimental.pallas import tpu as pltpu
from jax.experimental.pallas import tpu_sc as plsc

B, C_IN, C_OUT, E, K = 1, 64, 64, 320000, 5
EPS = 1e-05
C_PK = C_IN // 2
HC = C_IN // 2

ET = 2560
SL = ET // 4
NBLOCK = E // ET
UR = 1280
PH = UR // 4
NUNIT = NBLOCK * K * 2
NW = 32
NC = 2
CHUNK = 128
NCH = UR // CHUNK
NPIECE = 14


def _sc_gather(feT, idx_km):
    mesh = plsc.VectorSubcoreMesh(core_axis_name="c", subcore_axis_name="s")

    @functools.partial(
        pl.kernel,
        out_type=jax.ShapeDtypeStruct((K * E, C_PK), jnp.int32),
        mesh=mesh,
        scratch_types=[
            pltpu.VMEM((2, UR), jnp.int32),
            pltpu.VMEM((2, UR), jnp.int32),
            pltpu.VMEM((2, UR, C_PK), jnp.int32),
            pltpu.SemaphoreType.DMA,
            pltpu.SemaphoreType.DMA,
            pltpu.SemaphoreType.DMA,
        ],
        compiler_params=pltpu.CompilerParams(use_tc_tiling_on_sc=False,
                                             needs_layout_passes=False),
    )
    def k(feT_hbm, idx_hbm, out_hbm, idx_raw, idx_v, rows_v, isem, gsem, wsem):
        wid = lax.axis_index("s") * NC + lax.axis_index("c")
        nfull = NUNIT // NW
        rem = NUNIT - nfull * NW
        count = jnp.where(wid < rem, nfull + 1, nfull)

        def load_idx(u, p):
            s, h = u // 2, lax.rem(u, 2)
            i, kk = s // K, lax.rem(s, K)
            base = kk * E + i * ET + h * PH
            for j in range(4):
                pltpu.async_copy(
                    idx_hbm.at[pl.ds(base + j * SL, PH)],
                    idx_raw.at[p, pl.ds(j * PH, PH)], isem)

        def wait_idx(p):
            for j in range(4):
                pltpu.make_async_copy(
                    idx_hbm.at[pl.ds(0, PH)],
                    idx_raw.at[p, pl.ds(0, PH)], isem).wait()

        load_idx(wid, 0)

        def unit(t, carry):
            p = lax.rem(t, 2)
            u = wid + NW * t

            @pl.when(t < count)
            def _work():
                wait_idx(p)

                @pl.when(t + 1 < count)
                def _pf():
                    load_idx(u + NW, 1 - p)

                iota = lax.iota(jnp.int32, 16)
                for bq in range(UR // 16):
                    rv = iota + (16 * bq)
                    pos = (rv & 3) * PH + (rv >> 2)
                    vals = plsc.load_gather(idx_raw.at[p], [pos])
                    idx_v[p, pl.ds(16 * bq, 16)] = vals

                @pl.when(t >= 2)
                def _drain():
                    pltpu.make_async_copy(
                        rows_v.at[p], out_hbm.at[pl.ds(0, UR)], wsem).wait()

                gh = []
                for c in range(NCH):
                    isl = idx_v.at[p, pl.ds(c * CHUNK, CHUNK)]
                    gh.append(pltpu.async_copy(
                        feT_hbm.at[isl], rows_v.at[p, pl.ds(c * CHUNK, CHUNK)],
                        gsem))
                for h in gh:
                    h.wait()
                pltpu.async_copy(rows_v.at[p], out_hbm.at[pl.ds(u * UR, UR)], wsem)

            return carry

        lax.fori_loop(0, nfull + 1, unit, 0, unroll=False)

        for p in range(2):
            @pl.when(count >= 2 - p)
            def _final_drain():
                pltpu.make_async_copy(
                    rows_v.at[p], out_hbm.at[pl.ds(0, UR)], wsem).wait()

    return k(feT, idx_km)


ET1 = 2560


def _round_bf16_bits(u):
    return (u + jnp.uint32(0x7FFF) + ((u >> 16) & jnp.uint32(1))) >> 16


def _tc_transpose(fe2):

    def body(fe_ref, o_ref):
        u = lax.bitcast_convert_type(fe_ref[...], jnp.uint32)
        rb = _round_bf16_bits(u)
        y = (rb[HC:, :] << 16) | rb[:HC, :]
        t = lax.bitcast_convert_type(y.T, jnp.int32)
        t4 = t.reshape(ET1 // 4, 4, C_PK)
        for j in range(4):
            o_ref[:, C_PK * j:C_PK * (j + 1)] = t4[:, j, :]

    return pl.pallas_call(
        body,
        grid=(E // ET1,),
        in_specs=[pl.BlockSpec((C_IN, ET1), lambda i: (0, i))],
        out_specs=pl.BlockSpec((ET1 // 4, 128), lambda i: (i, 0)),
        out_shape=jax.ShapeDtypeStruct((E // 4, 128), jnp.int32),
    )(fe2)


def _unpack(y):
    u = lax.bitcast_convert_type(y, jnp.uint32)
    lo = lax.bitcast_convert_type(u << 16, jnp.float32)
    hi = lax.bitcast_convert_type(u & jnp.uint32(0xFFFF0000), jnp.float32)
    return lo, hi


def _tc_conv(fgq, wx4):

    def body(fg_ref, w_ref, raw_ref, stats_ref):
        i = pl.program_id(0)
        x = fg_ref[...]
        los, his = [], []
        for kk in range(K):
            lo, hi = _unpack(x[kk * SL:(kk + 1) * SL, :])
            los.append(lo)
            his.append(hi)
        d13lo = jnp.abs(los[1] - los[3])
        d24lo = jnp.abs(los[2] - los[4])
        d13hi = jnp.abs(his[1] - his[3])
        d24hi = jnp.abs(his[2] - his[4])
        pieces = los + his + [d13lo, d24lo, d13hi, d24hi]
        fnx = jnp.concatenate(pieces, axis=1).astype(jnp.bfloat16)
        out4 = lax.dot_general(w_ref[...], fnx, (((1,), (1,)), ((), ())),
                               preferred_element_type=jnp.float32)
        raw_ref[...] = out4.astype(jnp.bfloat16)

        @pl.when(i == 0)
        def _init():
            stats_ref[...] = jnp.zeros_like(stats_ref)

        s = jnp.sum(out4, axis=1, keepdims=True)
        sq = jnp.sum(out4 * out4, axis=1, keepdims=True)
        stats_ref[...] += jnp.concatenate([s, sq], axis=1)

    return pl.pallas_call(
        body,
        grid=(NBLOCK,),
        in_specs=[pl.BlockSpec((K * SL, 128), lambda i: (i, 0)),
                  pl.BlockSpec((4 * C_OUT, NPIECE * 128), lambda i: (0, 0))],
        out_specs=[pl.BlockSpec((4 * C_OUT, SL), lambda i: (0, i)),
                   pl.BlockSpec((4 * C_OUT, 2), lambda i: (0, 0))],
        out_shape=[jax.ShapeDtypeStruct((4 * C_OUT, E // 4), jnp.bfloat16),
                   jax.ShapeDtypeStruct((4 * C_OUT, 2), jnp.float32)],
    )(fgq, wx4)


def _tc_norm(raw, stats):
    inv_e = 1.0 / E

    def body(raw_ref, st_ref, o_ref):
        st4 = st_ref[...]
        st = (st4[0:C_OUT] + st4[C_OUT:2 * C_OUT]
              + st4[2 * C_OUT:3 * C_OUT] + st4[3 * C_OUT:])
        mean = st[:, 0:1] * inv_e
        ex2 = st[:, 1:2] * inv_e
        var = jnp.maximum(ex2 - mean * mean, 0.0)
        rstd = 1.0 / (jnp.sqrt(var) + EPS)
        mean4 = jnp.concatenate([mean] * 4, axis=0)
        rstd4 = jnp.concatenate([rstd] * 4, axis=0)
        x = raw_ref[...].astype(jnp.float32)
        y = jnp.maximum((x - mean4) * rstd4, 0.0)
        for j in range(4):
            o_ref[:, j * SL:(j + 1) * SL] = y[j * C_OUT:(j + 1) * C_OUT, :]

    return pl.pallas_call(
        body,
        grid=(NBLOCK,),
        in_specs=[pl.BlockSpec((4 * C_OUT, SL), lambda i: (0, i)),
                  pl.BlockSpec((4 * C_OUT, 2), lambda i: (0, 0))],
        out_specs=pl.BlockSpec((C_OUT, ET), lambda i: (0, i)),
        out_shape=jax.ShapeDtypeStruct((C_OUT, E), jnp.float32),
    )(raw, stats)


def _build_wx4(W):
    lk = [0, 1, 2, 1, 2]
    lo_cols = [W[:, :HC, lk[k]] for k in range(K)]
    hi_cols = [W[:, HC:, lk[k]] for k in range(K)]
    d_cols = [W[:, :HC, 3], W[:, :HC, 4], W[:, HC:, 3], W[:, HC:, 4]]
    wx = jnp.stack(lo_cols + hi_cols + d_cols, axis=1)
    rows = []
    for j in range(4):
        blk = jnp.zeros((C_OUT, NPIECE, 4, HC), jnp.float32)
        blk = blk.at[:, :, j, :].set(wx)
        rows.append(blk.reshape(C_OUT, NPIECE * 128))
    return jnp.concatenate(rows, axis=0).astype(jnp.bfloat16)


def kernel(fe, gemm_edges, W, b):
    del b
    fe2 = fe[0]
    idx_km = gemm_edges[0].T.reshape(K * E)
    wx4 = _build_wx4(W)
    feT4 = _tc_transpose(fe2)
    fg = _sc_gather(feT4.reshape(E, C_PK), idx_km)
    fgq = fg.reshape(K * E // 4, 128)
    raw, stats = _tc_conv(fgq, wx4)
    out = _tc_norm(raw, stats)
    return out[None]

# --- scband reference (transcript-rebuilt; emitter-appended) ---
"""Pipeline reference for scband-down-conv-609885356704 (READ-ONLY COPY).

The authoritative reference and input builder live on the scoring server;
editing this copy changes nothing except your own understanding.
"""

import jax, jax.numpy as jnp
import numpy as np

B, C_IN, C_OUT, E, K = 1, 64, 64, 320000, 5
EPS = 1e-05


def setup_inputs(seed: int = 0) -> dict:
    key = jax.random.key(seed)
    k1, k2, k3, k4 = jax.random.split(key, 4)
    fe = jax.random.normal(k1, (B, C_IN, E), dtype=jnp.float32)
    gemm_edges = jax.random.randint(k2, (B, E, K), 0, E, dtype=jnp.int32)
    W = jax.random.normal(k3, (C_OUT, C_IN, K), dtype=jnp.float32) * (1.0 / np.sqrt(C_IN * K))
    b = jax.random.normal(k4, (C_OUT,), dtype=jnp.float32) * 0.01
    return {"fe": fe, "gemm_edges": gemm_edges, "W": W, "b": b}


def _mesh_conv(fe, gemm, W, b):
    # fe: [B, C_in, E]; gemm: [B, E, K] neighbor edge indices (MeshCNN GeMM)
    # gather neighborhood features -> [B, C_in, E, K]
    f = jax.vmap(lambda feb, gb: feb[:, gb])(fe, gemm)
    f0 = f[..., 0]
    x1 = f[..., 1] + f[..., 3]
    x2 = f[..., 2] + f[..., 4]
    x3 = jnp.abs(f[..., 1] - f[..., 3])
    x4 = jnp.abs(f[..., 2] - f[..., 4])
    fn = jnp.stack([f0, x1, x2, x3, x4], axis=3)  # [B, C_in, E, K]
    out = jnp.einsum('bcek,ock->boe', fn, W) + b[None, :, None]
    return out[..., None]  # [B, C_out, E, 1]


def _instance_norm_pad(x):
    # InstanceNormPad with all meshes fully occupied (mask == 1 everywhere):
    # counts = E per (b, c); normalize over the edge dimension (dim 2).
    counts = jnp.float32(x.shape[2])
    means = jnp.sum(x, axis=2, keepdims=True) / counts
    stds = jnp.sqrt(jnp.sum((x - means) ** 2 / counts, axis=2, keepdims=True)) + EPS
    return (x - means) / stds


def reference(fe, gemm_edges, W, b):
    # DownConv.forward with blocks=0, pool=0, resconv=False, ln=False
    x1 = _mesh_conv(fe, gemm_edges, W, b)          # conv1
    x1 = _instance_norm_pad(x1)                     # bn[0]
    x1 = jax.nn.relu(x1)                            # relu
    x2 = jnp.squeeze(x1, 3)                         # squeeze(3)
    # returns (x2, before_pool, unpools=None, unpool_weights=None); before_pool == x2 when pool=0
    return x2

if __name__ == "__main__":
    import jax
    _d = setup_inputs()
    print(jax.jit(kernel)(*tuple(_d.values())))

</pallas_src>

<mosaic_0001>
#map = affine_map<(d0, d1) -> (0, 0)>
#map1 = affine_map<(d0, d1) -> (0)>
module attributes {stable_mosaic.version = 14 : i64} {
  func.func @k(%arg0: i32, %arg1: i32, %arg2: memref<320000x32xi32, #tpu.memory_space<hbm>>, %arg3: memref<1600000xi32, #tpu.memory_space<hbm>>, %arg4: memref<1600000x32xi32, #tpu.memory_space<hbm>>, %arg5: memref<2x1280xi32, #tpu.memory_space<vmem>>, %arg6: memref<2x1280xi32, #tpu.memory_space<vmem>>, %arg7: memref<2x1280x32xi32, #tpu.memory_space<vmem>>, %arg8: memref<!tpu.dma_semaphore, #tpu.memory_space<semaphore_mem>>, %arg9: memref<!tpu.dma_semaphore, #tpu.memory_space<semaphore_mem>>, %arg10: memref<!tpu.dma_semaphore, #tpu.memory_space<semaphore_mem>>) attributes {dimension_semantics = [#tpu.dimension_semantics<core_parallel>, #tpu.dimension_semantics<subcore_parallel>], iteration_bounds = array<i64: 2, 16>, scalar_prefetch = 0 : i64, scratch_operands = 6 : i64, tpu.core_type = #tpu.core_type<sc_vector_subcore>, window_params = [{transform_indices = #map}, {transform_indices = #map1}, {transform_indices = #map}]} {
    %mul3A = arith.constant 2 : i32
    %mul3A_0 = arith.muli %arg1, %mul3A : i32
    %add3A = arith.addi %mul3A_0, %arg0 : i32
    %lt3A = arith.constant 2 : i32
    %lt3A_1 = arith.cmpi slt, %add3A, %lt3A : i32
    %jit3A = arith.constant 40 : i32
    %jit3A_2 = arith.constant 39 : i32
    %select_n3A = arith.select %lt3A_1, %jit3A, %jit3A_2 : i32
    %jit3A_3 = arith.constant 2 : i32
    %div3A = arith.divsi %add3A, %jit3A_3 : i32
    %sign3A = arith.constant 0 : i32
    %sign3A_4 = arith.cmpi sgt, %add3A, %sign3A : i32
    %sign3A_5 = arith.extui %sign3A_4 : i1 to i32
    %sign3A_6 = arith.constant 0 : i32
    %sign3A_7 = arith.cmpi slt, %add3A, %sign3A_6 : i32
    %sign3A_8 = arith.extui %sign3A_7 : i1 to i32
    %sign3A_9 = arith.subi %sign3A_5, %sign3A_8 : i32
    %sign3A_10 = arith.constant 0 : i32
    %sign3A_11 = arith.cmpi sgt, %jit3A_3, %sign3A_10 : i32
    %sign3A_12 = arith.extui %sign3A_11 : i1 to i32
    %sign3A_13 = arith.constant 0 : i32
    %sign3A_14 = arith.cmpi slt, %jit3A_3, %sign3A_13 : i32
    %sign3A_15 = arith.extui %sign3A_14 : i1 to i32
    %sign3A_16 = arith.subi %sign3A_12, %sign3A_15 : i32
    %ne3A = arith.cmpi ne, %sign3A_9, %sign3A_16 : i32
    %rem3A = arith.remsi %add3A, %jit3A_3 : i32
    %ne3A_17 = arith.constant 0 : i32
    %ne3A_18 = arith.cmpi ne, %rem3A, %ne3A_17 : i32
    %and3A = arith.andi %ne3A, %ne3A_18 : i1
    %sub3A = arith.constant 1 : i32
    %sub3A_19 = arith.subi %div3A, %sub3A : i32
    %select_n3A_20 = arith.select %and3A, %sub3A_19, %div3A : i32
    %rem3A_21 = arith.constant 2 : i32
    %rem3A_22 = arith.remsi %add3A, %rem3A_21 : i32
    %jit3A_23 = arith.constant 5 : i32
    %div3A_24 = arith.divsi %select_n3A_20, %jit3A_23 : i32
    %sign3A_25 = arith.constant 0 : i32
    %sign3A_26 = arith.cmpi sgt, %select_n3A_20, %sign3A_25 : i32
    %sign3A_27 = arith.extui %sign3A_26 : i1 to i32
    %sign3A_28 = arith.constant 0 : i32
    %sign3A_29 = arith.cmpi slt, %select_n3A_20, %sign3A_28 : i32
    %sign3A_30 = arith.extui %sign3A_29 : i1 to i32
    %sign3A_31 = arith.subi %sign3A_27, %sign3A_30 : i32
    %sign3A_32 = arith.constant 0 : i32
    %sign3A_33 = arith.cmpi sgt, %jit3A_23, %sign3A_32 : i32
    %sign3A_34 = arith.extui %sign3A_33 : i1 to i32
    %sign3A_35 = arith.constant 0 : i32
    %sign3A_36 = arith.cmpi slt, %jit3A_23, %sign3A_35 : i32
    %sign3A_37 = arith.extui %sign3A_36 : i1 to i32
    %sign3A_38 = arith.subi %sign3A_34, %sign3A_37 : i32
    %ne3A_39 = arith.cmpi ne, %sign3A_31, %sign3A_38 : i32
    %rem3A_40 = arith.remsi %select_n3A_20, %jit3A_23 : i32
    %ne3A_41 = arith.constant 0 : i32
    %ne3A_42 = arith.cmpi ne, %rem3A_40, %ne3A_41 : i32
    %and3A_43 = arith.andi %ne3A_39, %ne3A_42 : i1
    %sub3A_44 = arith.constant 1 : i32
    %sub3A_45 = arith.subi %div3A_24, %sub3A_44 : i32
    %select_n3A_46 = arith.select %and3A_43, %sub3A_45, %div3A_24 : i32
    %rem3A_47 = arith.constant 5 : i32
    %rem3A_48 = arith.remsi %select_n3A_20, %rem3A_47 : i32
    %mul3A_49 = arith.constant 320000 : i32
    %mul3A_50 = arith.muli %rem3A_48, %mul3A_49 : i32
    %mul3A_51 = arith.constant 2560 : i32
    %mul3A_52 = arith.muli %select_n3A_46, %mul3A_51 : i32
    %add3A_53 = arith.addi %mul3A_50, %mul3A_52 : i32
    %mul3A_54 = arith.constant 320 : i32
    %mul3A_55 = arith.muli %rem3A_22, %mul3A_54 : i32
    %add3A_56 = arith.addi %add3A_53, %mul3A_55 : i32
    %add3A_57 = arith.constant 0 : i32
    %add3A_58 = arith.addi %add3A_56, %add3A_57 : i32
    %dma_start3A = arith.constant 0 : i32
    %dma_start3A_59 = arith.constant 0 : i32
    %dma_start3A_60 = tpu.memref_slice %arg5[%dma_start3A, %dma_start3A_59] : memref<2x1280xi32, #tpu.memory_space<vmem>> -> memref<1x320xi32, #tpu.memory_space<vmem>>
    %dma_start3A_61 = tpu.memref_squeeze %dma_start3A_60 : memref<1x320xi32, #tpu.memory_space<vmem>> -> memref<320xi32, #tpu.memory_space<vmem>>
    %dma_start3A_62 = tpu.memref_slice %arg3[%add3A_58] : memref<1600000xi32, #tpu.memory_space<hbm>> -> memref<320xi32, #tpu.memory_space<hbm>>
    %dma_start3A_63 = arith.constant 0 : i32
    %dma_start3A_64 = tpu.memref_slice %arg5[%dma_start3A, %dma_start3A_63] : memref<2x1280xi32, #tpu.memory_space<vmem>> -> memref<1x320xi32, #tpu.memory_space<vmem>>
    %dma_start3A_65 = tpu.memref_squeeze %dma_start3A_64 : memref<1x320xi32, #tpu.memory_space<vmem>> -> memref<320xi32, #tpu.memory_space<vmem>>
    %dma_start3A_66 = tpu.memref_slice %arg3[%add3A_58] : memref<1600000xi32, #tpu.memory_space<hbm>> -> memref<320xi32, #tpu.memory_space<hbm>>
    tpu.enqueue_dma source(%dma_start3A_66 : memref<320xi32, #tpu.memory_space<hbm>>) target(%dma_start3A_65 : memref<320xi32, #tpu.memory_space<vmem>>) target_semaphore(%arg8 : memref<!tpu.dma_semaphore, #tpu.memory_space<semaphore_mem>>)
    %add3A_67 = arith.constant 640 : i32
    %add3A_68 = arith.addi %add3A_56, %add3A_67 : i32
    %dma_start3A_69 = arith.constant 0 : i32
    %dma_start3A_70 = arith.constant 320 : i32
    %dma_start3A_71 = tpu.memref_slice %arg5[%dma_start3A_69, %dma_start3A_70] : memref<2x1280xi32, #tpu.memory_space<vmem>> -> memref<1x320xi32, #tpu.memory_space<vmem>>
    %dma_start3A_72 = tpu.memref_squeeze %dma_start3A_71 : memref<1x320xi32, #tpu.memory_space<vmem>> -> memref<320xi32, #tpu.memory_space<vmem>>
    %dma_start3A_73 = tpu.memref_slice %arg3[%add3A_68] : memref<1600000xi32, #tpu.memory_space<hbm>> -> memref<320xi32, #tpu.memory_space<hbm>>
    %dma_start3A_74 = arith.constant 320 : i32
    %dma_start3A_75 = tpu.memref_slice %arg5[%dma_start3A_69, %dma_start3A_74] : memref<2x1280xi32, #tpu.memory_space<vmem>> -> memref<1x320xi32, #tpu.memory_space<vmem>>
    %dma_start3A_76 = tpu.memref_squeeze %dma_start3A_75 : memref<1x320xi32, #tpu.memory_space<vmem>> -> memref<320xi32, #tpu.memory_space<vmem>>
    %dma_start3A_77 = tpu.memref_slice %arg3[%add3A_68] : memref<1600000xi32, #tpu.memory_space<hbm>> -> memref<320xi32, #tpu.memory_space<hbm>>
    tpu.enqueue_dma source(%dma_start3A_77 : memref<320xi32, #tpu.memory_space<hbm>>) target(%dma_start3A_76 : memref<320xi32, #tpu.memory_space<vmem>>) target_semaphore(%arg8 : memref<!tpu.dma_semaphore, #tpu.memory_space<semaphore_mem>>)
    %add3A_78 = arith.constant 1280 : i32
    %add3A_79 = arith.addi %add3A_56, %add3A_78 : i32
    %dma_start3A_80 = arith.constant 0 : i32
    %dma_start3A_81 = arith.constant 640 : i32
    %dma_start3A_82 = tpu.memref_slice %arg5[%dma_start3A_80, %dma_start3A_81] : memref<2x1280xi32, #tpu.memory_space<vmem>> -> memref<1x320xi32, #tpu.memory_space<vmem>>
    %dma_start3A_83 = tpu.memref_squeeze %dma_start3A_82 : memref<1x320xi32, #tpu.memory_space<vmem>> -> memref<320xi32, #tpu.memory_space<vmem>>
    %dma_start3A_84 = tpu.memref_slice %arg3[%add3A_79] : memref<1600000xi32, #tpu.memory_space<hbm>> -> memref<320xi32, #tpu.memory_space<hbm>>
    %dma_start3A_85 = arith.constant 640 : i32
    %dma_start3A_86 = tpu.memref_slice %arg5[%dma_start3A_80, %dma_start3A_85] : memref<2x1280xi32, #tpu.memory_space<vmem>> -> memref<1x320xi32, #tpu.memory_space<vmem>>
    %dma_start3A_87 = tpu.memref_squeeze %dma_start3A_86 : memref<1x320xi32, #tpu.memory_space<vmem>> -> memref<320xi32, #tpu.memory_space<vmem>>
    %dma_start3A_88 = tpu.memref_slice %arg3[%add3A_79] : memref<1600000xi32, #tpu.memory_space<hbm>> -> memref<320xi32, #tpu.memory_space<hbm>>
    tpu.enqueue_dma source(%dma_start3A_88 : memref<320xi32, #tpu.memory_space<hbm>>) target(%dma_start3A_87 : memref<320xi32, #tpu.memory_space<vmem>>) target_semaphore(%arg8 : memref<!tpu.dma_semaphore, #tpu.memory_space<semaphore_mem>>)
    %add3A_89 = arith.constant 1920 : i32
    %add3A_90 = arith.addi %add3A_56, %add3A_89 : i32
    %dma_start3A_91 = arith.constant 0 : i32
    %dma_start3A_92 = arith.constant 960 : i32
    %dma_start3A_93 = tpu.memref_slice %arg5[%dma_start3A_91, %dma_start3A_92] : memref<2x1280xi32, #tpu.memory_space<vmem>> -> memref<1x320xi32, #tpu.memory_space<vmem>>
    %dma_start3A_94 = tpu.memref_squeeze %dma_start3A_93 : memref<1x320xi32, #tpu.memory_space<vmem>> -> memref<320xi32, #tpu.memory_space<vmem>>
    %dma_start3A_95 = tpu.memref_slice %arg3[%add3A_90] : memref<1600000xi32, #tpu.memory_space<hbm>> -> memref<320xi32, #tpu.memory_space<hbm>>
    %dma_start3A_96 = arith.constant 960 : i32
    %dma_start3A_97 = tpu.memref_slice %arg5[%dma_start3A_91, %dma_start3A_96] : memref<2x1280xi32, #tpu.memory_space<vmem>> -> memref<1x320xi32, #tpu.memory_space<vmem>>
    %dma_start3A_98 = tpu.memref_squeeze %dma_start3A_97 : memref<1x320xi32, #tpu.memory_space<vmem>> -> memref<320xi32, #tpu.memory_space<vmem>>
    %dma_start3A_99 = tpu.memref_slice %arg3[%add3A_90] : memref<1600000xi32, #tpu.memory_space<hbm>> -> memref<320xi32, #tpu.memory_space<hbm>>
    tpu.enqueue_dma source(%dma_start3A_99 : memref<320xi32, #tpu.memory_space<hbm>>) target(%dma_start3A_98 : memref<320xi32, #tpu.memory_space<vmem>>) target_semaphore(%arg8 : memref<!tpu.dma_semaphore, #tpu.memory_space<semaphore_mem>>)
    %scan3A = arith.constant 0 : i32
    %scan3A_100 = arith.constant 0 : i32
    %scan3A_101 = arith.constant 40 : i32
    %scan3A_102 = arith.addi %scan3A_100, %scan3A_101 : i32
    %scan3A_103 = arith.constant 1 : i32
    scf.for %scan3A_112 = %scan3A_100 to %scan3A_102 step %scan3A_103  : i32 {
      %rem3A_113 = arith.constant 2 : i32
      %rem3A_114 = arith.remsi %scan3A_112, %rem3A_113 : i32
      %mul3A_115 = arith.constant 32 : i32
      %mul3A_116 = arith.muli %mul3A_115, %scan3A_112 : i32
      %add3A_117 = arith.addi %add3A, %mul3A_116 : i32
      %lt3A_118 = arith.cmpi slt, %scan3A_112, %select_n3A : i32
      %convert_element_type3A_119 = arith.extui %lt3A_118 : i1 to i32
      %cond3A_120 = arith.constant 0 : i32
      %cond3A_121 = arith.cmpi ne, %convert_element_type3A_119, %cond3A_120 : i32
      scf.if %cond3A_121 {
        %dma_wait3A = arith.constant 0 : i32
        %dma_wait3A_122 = tpu.memref_slice %arg5[%rem3A_114, %dma_wait3A] : memref<2x1280xi32, #tpu.memory_space<vmem>> -> memref<1x320xi32, #tpu.memory_space<vmem>>
        %dma_wait3A_123 = tpu.memref_squeeze %dma_wait3A_122 : memref<1x320xi32, #tpu.memory_space<vmem>> -> memref<320xi32, #tpu.memory_space<vmem>>
        %dma_wait3A_124 = arith.constant 0 : i32
        %dma_wait3A_125 = tpu.memref_slice %arg3[%dma_wait3A_124] : memref<1600000xi32, #tpu.memory_space<hbm>> -> memref<320xi32, #tpu.memory_space<hbm>>
        %dma_wait3A_126 = arith.constant 0 : i32
        %dma_wait3A_127 = tpu.memref_slice %arg5[%rem3A_114, %dma_wait3A_126] : memref<2x1280xi32, #tpu.memory_space<vmem>> -> memref<1x320xi32, #tpu.memory_space<vmem>>
        %dma_wait3A_128 = tpu.memref_squeeze %dma_wait3A_127 : memref<1x320xi32, #tpu.memory_space<vmem>> -> memref<320xi32, #tpu.memory_space<vmem>>
        %dma_wait3A_129 = arith.constant 0 : i32
        %dma_wait3A_130 = tpu.memref_slice %arg3[%dma_wait3A_129] : memref<1600000xi32, #tpu.memory_space<hbm>> -> memref<320xi32, #tpu.memory_space<hbm>>
        tpu.wait_dma2 semaphore(%arg8 : memref<!tpu.dma_semaphore, #tpu.memory_space<semaphore_mem>>) src(%dma_wait3A_130 : memref<320xi32, #tpu.memory_space<hbm>>) dst(%dma_wait3A_128 : memref<320xi32, #tpu.memory_space<vmem>>)
        %dma_wait3A_131 = arith.constant 0 : i32
        %dma_wait3A_132 = tpu.memref_slice %arg5[%rem3A_114, %dma_wait3A_131] : memref<2x1280xi32, #tpu.memory_space<vmem>> -> memref<1x320xi32, #tpu.memory_space<vmem>>
        %dma_wait3A_133 = tpu.memref_squeeze %dma_wait3A_132 : memref<1x320xi32, #tpu.memory_space<vmem>> -> memref<320xi32, #tpu.memory_space<vmem>>
        %dma_wait3A_134 = arith.constant 0 : i32
        %dma_wait3A_135 = tpu.memref_slice %arg3[%dma_wait3A_134] : memref<1600000xi32, #tpu.memory_space<hbm>> -> memref<320xi32, #tpu.memory_space<hbm>>
        %dma_wait3A_136 = arith.constant 0 : i32
        %dma_wait3A_137 = tpu.memref_slice %arg5[%rem3A_114, %dma_wait3A_136] : memref<2x1280xi32, #tpu.memory_space<vmem>> -> memref<1x320xi32, #tpu.memory_space<vmem>>
        %dma_wait3A_138 = tpu.memref_squeeze %dma_wait3A_137 : memref<1x320xi32, #tpu.memory_space<vmem>> -> memref<320xi32, #tpu.memory_space<vmem>>
        %dma_wait3A_139 = arith.constant 0 : i32
        %dma_wait3A_140 = tpu.memref_slice %arg3[%dma_wait3A_139] : memref<1600000xi32, #tpu.memory_space<hbm>> -> memref<320xi32, #tpu.memory_space<hbm>>
        tpu.wait_dma2 semaphore(%arg8 : memref<!tpu.dma_semaphore, #tpu.memory_space<semaphore_mem>>) src(%dma_wait3A_140 : memref<320xi32, #tpu.memory_space<hbm>>) dst(%dma_wait3A_138 : memref<320xi32, #tpu.memory_space<vmem>>)
        %dma_wait3A_141 = arith.constant 0 : i32
        %dma_wait3A_142 = tpu.memref_slice %arg5[%rem3A_114, %dma_wait3A_141] : memref<2x1280xi32, #tpu.memory_space<vmem>> -> memref<1x320xi32, #tpu.memory_space<vmem>>
        %dma_wait3A_143 = tpu.memref_squeeze %dma_wait3A_142 : memref<1x320xi32, #tpu.memory_space<vmem>> -> memref<320xi32, #tpu.memory_space<vmem>>
        %dma_wait3A_144 = arith.constant 0 : i32
        %dma_wait3A_145 = tpu.memref_slice %arg3[%dma_wait3A_144] : memref<1600000xi32, #tpu.memory_space<hbm>> -> memref<320xi32, #tpu.memory_space<hbm>>
        %dma_wait3A_146 = arith.constant 0 : i32
        %dma_wait3A_147 = tpu.memref_slice %arg5[%rem3A_114, %dma_wait3A_146] : memref<2x1280xi32, #tpu.memory_space<vmem>> -> memref<1x320xi32, #tpu.memory_space<vmem>>
        %dma_wait3A_148 = tpu.memref_squeeze %dma_wait3A_147 : memref<1x320xi32, #tpu.memory_space<vmem>> -> memref<320xi32, #tpu.memory_space<vmem>>
        %dma_wait3A_149 = arith.constant 0 : i32
        %dma_wait3A_150 = tpu.memref_slice %arg3[%dma_wait3A_149] : memref<1600000xi32, #tpu.memory_space<hbm>> -> memref<320xi32, #tpu.memory_space<hbm>>
        tpu.wait_dma2 semaphore(%arg8 : memref<!tpu.dma_semaphore, #tpu.memory_space<semaphore_mem>>) src(%dma_wait3A_150 : memref<320xi32, #tpu.memory_space<hbm>>) dst(%dma_wait3A_148 : memref<320xi32, #tpu.memory_space<vmem>>)
        %dma_wait3A_151 = arith.constant 0 : i32
        %dma_wait3A_152 = tpu.memref_slice %arg5[%rem3A_114, %dma_wait3A_151] : memref<2x1280xi32, #tpu.memory_space<vmem>> -> memref<1x320xi32, #tpu.memory_space<vmem>>
        %dma_wait3A_153 = tpu.memref_squeeze %dma_wait3A_152 : memref<1x320xi32, #tpu.memory_space<vmem>> -> memref<320xi32, #tpu.memory_space<vmem>>
        %dma_wait3A_154 = arith.constant 0 : i32
        %dma_wait3A_155 = tpu.memref_slice %arg3[%dma_wait3A_154] : memref<1600000xi32, #tpu.memory_space<hbm>> -> memref<320xi32, #tpu.memory_space<hbm>>
        %dma_wait3A_156 = arith.constant 0 : i32
        %dma_wait3A_157 = tpu.memref_slice %arg5[%rem3A_114, %dma_wait3A_156] : memref<2x1280xi32, #tpu.memory_space<vmem>> -> memref<1x320xi32, #tpu.memory_space<vmem>>
        %dma_wait3A_158 = tpu.memref_squeeze %dma_wait3A_157 : memref<1x320xi32, #tpu.memory_space<vmem>> -> memref<320xi32, #tpu.memory_space<vmem>>
        %dma_wait3A_159 = arith.constant 0 : i32
        %dma_wait3A_160 = tpu.memref_slice %arg3[%dma_wait3A_159] : memref<1600000xi32, #tpu.memory_space<hbm>> -> memref<320xi32, #tpu.memory_space<hbm>>
        tpu.wait_dma2 semaphore(%arg8 : memref<!tpu.dma_semaphore, #tpu.memory_space<semaphore_mem>>) src(%dma_wait3A_160 : memref<320xi32, #tpu.memory_space<hbm>>) dst(%dma_wait3A_158 : memref<320xi32, #tpu.memory_space<vmem>>)
        %add3A_161 = arith.constant 1 : i32
        %add3A_162 = arith.addi %scan3A_112, %add3A_161 : i32
        %lt3A_163 = arith.cmpi slt, %add3A_162, %select_n3A : i32
        %convert_element_type3A_164 = arith.extui %lt3A_163 : i1 to i32
        %cond3A_165 = arith.constant 0 : i32
        %cond3A_166 = arith.cmpi ne, %convert_element_type3A_164, %cond3A_165 : i32
        scf.if %cond3A_166 {
          %add3A_1983 = arith.constant 32 : i32
          %add3A_1984 = arith.addi %add3A_117, %add3A_1983 : i32
          %sub3A_1985 = arith.constant 1 : i32
          %sub3A_1986 = arith.subi %sub3A_1985, %rem3A_114 : i32
          %jit3A_1987 = arith.constant 2 : i32
          %div3A_1988 = arith.divsi %add3A_1984, %jit3A_1987 : i32
          %sign3A_1989 = arith.constant 0 : i32
          %sign3A_1990 = arith.cmpi sgt, %add3A_1984, %sign3A_1989 : i32
          %sign3A_1991 = arith.extui %sign3A_1990 : i1 to i32
          %sign3A_1992 = arith.constant 0 : i32
          %sign3A_1993 = arith.cmpi slt, %add3A_1984, %sign3A_1992 : i32
          %sign3A_1994 = arith.extui %sign3A_1993 : i1 to i32
          %sign3A_1995 = arith.subi %sign3A_1991, %sign3A_1994 : i32
          %sign3A_1996 = arith.constant 0 : i32
          %sign3A_1997 = arith.cmpi sgt, %jit3A_1987, %sign3A_1996 : i32
          %sign3A_1998 = arith.extui %sign3A_1997 : i1 to i32
          %sign3A_1999 = arith.constant 0 : i32
          %sign3A_2000 = arith.cmpi slt, %jit3A_1987, %sign3A_1999 : i32
          %sign3A_2001 = arith.extui %sign3A_2000 : i1 to i32
          %sign3A_2002 = arith.subi %sign3A_1998, %sign3A_2001 : i32
          %ne3A_2003 = arith.cmpi ne, %sign3A_1995, %sign3A_2002 : i32
          %rem3A_2004 = arith.remsi %add3A_1984, %jit3A_1987 : i32
          %ne3A_2005 = arith.constant 0 : i32
          %ne3A_2006 = arith.cmpi ne, %rem3A_2004, %ne3A_2005 : i32
          %and3A_2007 = arith.andi %ne3A_2003, %ne3A_2006 : i1
          %sub3A_2008 = arith.constant 1 : i32
          %sub3A_2009 = arith.subi %div3A_1988, %sub3A_2008 : i32
          %select_n3A_2010 = arith.select %and3A_2007, %sub3A_2009, %div3A_1988 : i32
          %rem3A_2011 = arith.constant 2 : i32
          %rem3A_2012 = arith.remsi %add3A_1984, %rem3A_2011 : i32
          %jit3A_2013 = arith.constant 5 : i32
          %div3A_2014 = arith.divsi %select_n3A_2010, %jit3A_2013 : i32
          %sign3A_2015 = arith.constant 0 : i32
          %sign3A_2016 = arith.cmpi sgt, %select_n3A_2010, %sign3A_2015 : i32
          %sign3A_2017 = arith.extui %sign3A_2016 : i1 to i32
          %sign3A_2018 = arith.constant 0 : i32
          %sign3A_2019 = arith.cmpi slt, %select_n3A_2010, %sign3A_2018 : i32
          %sign3A_2020 = arith.extui %sign3A_2019 : i1 to i32
          %sign3A_2021 = arith.subi %sign3A_2017, %sign3A_2020 : i32
          %sign3A_2022 = arith.constant 0 : i32
          %sign3A_2023 = arith.cmpi sgt, %jit3A_2013, %sign3A_2022 : i32
          %sign3A_2024 = arith.extui %sign3A_2023 : i1 to i32
          %sign3A_2025 = arith.constant 0 : i32
          %sign3A_2026 = arith.cmpi slt, %jit3A_2013, %sign3A_2025 : i32
          %sign3A_2027 = arith.extui %sign3A_2026 : i1 to i32
          %sign3A_2028 = arith.subi %sign3A_2024, %sign3A_2027 : i32
          %ne3A_2029 = arith.cmpi ne, %sign3A_2021, %sign3A_2028 : i32
          %rem3A_2030 = arith.remsi %select_n3A_2010, %jit3A_2013 : i32
          %ne3A_2031 = arith.constant 0 : i32
          %ne3A_2032 = arith.cmpi ne, %rem3A_2030, %ne3A_2031 : i32
          %and3A_2033 = arith.andi %ne3A_2029, %ne3A_2032 : i1
          %sub3A_2034 = arith.constant 1 : i32
          %sub3A_2035 = arith.subi %div3A_2014, %sub3A_2034 : i32
          %select_n3A_2036 = arith.select %and3A_2033, %sub3A_2035, %div3A_2014 : i32
          %rem3A_2037 = arith.constant 5 : i32
          %rem3A_2038 = arith.remsi %select_n3A_2010, %rem3A_2037 : i32
          %mul3A_2039 = arith.constant 320000 : i32
          %mul3A_2040 = arith.muli %rem3A_2038, %mul3A_2039 : i32
          %mul3A_2041 = arith.constant 2560 : i32
          %mul3A_2042 = arith.muli %select_n3A_2036, %mul3A_2041 : i32
          %add3A_2043 = arith.addi %mul3A_2040, %mul3A_2042 : i32
          %mul3A_2044 = arith.constant 320 : i32
          %mul3A_2045 = arith.muli %rem3A_2012, %mul3A_2044 : i32
          %add3A_2046 = arith.addi %add3A_2043, %mul3A_2045 : i32
          %add3A_2047 = arith.constant 0 : i32
          %add3A_2048 = arith.addi %add3A_2046, %add3A_2047 : i32
          %dma_start3A_2049 = arith.constant 0 : i32
          %dma_start3A_2050 = tpu.memref_slice %arg5[%sub3A_1986, %dma_start3A_2049] : memref<2x1280xi32, #tpu.memory_space<vmem>> -> memref<1x320xi32, #tpu.memory_space<vmem>>
          %dma_start3A_2051 = tpu.memref_squeeze %dma_start3A_2050 : memref<1x320xi32, #tpu.memory_space<vmem>> -> memref<320xi32, #tpu.memory_space<vmem>>
          %dma_start3A_2052 = tpu.memref_slice %arg3[%add3A_2048] : memref<1600000xi32, #tpu.memory_space<hbm>> -> memref<320xi32, #tpu.memory_space<hbm>>
          %dma_start3A_2053 = arith.constant 0 : i32
          %dma_start3A_2054 = tpu.memref_slice %arg5[%sub3A_1986, %dma_start3A_2053] : memref<2x1280xi32, #tpu.memory_space<vmem>> -> memref<1x320xi32, #tpu.memory_space<vmem>>
          %dma_start3A_2055 = tpu.memref_squeeze %dma_start3A_2054 : memref<1x320xi32, #tpu.memory_space<vmem>> -> memref<320xi32, #tpu.memory_space<vmem>>
          %dma_start3A_2056 = tpu.memref_slice %arg3[%add3A_2048] : memref<1600000xi32, #tpu.memory_space<hbm>> -> memref<320xi32, #tpu.memory_space<hbm>>
          tpu.enqueue_dma source(%dma_start3A_2056 : memref<320xi32, #tpu.memory_space<hbm>>) target(%dma_start3A_2055 : memref<320xi32, #tpu.memory_space<vmem>>) target_semaphore(%arg8 : memref<!tpu.dma_semaphore, #tpu.memory_space<semaphore_mem>>)
          %add3A_2057 = arith.constant 640 : i32
          %add3A_2058 = arith.addi %add3A_2046, %add3A_2057 : i32
          %dma_start3A_2059 = arith.constant 320 : i32
          %dma_start3A_2060 = tpu.memref_slice %arg5[%sub3A_1986, %dma_start3A_2059] : memref<2x1280xi32, #tpu.memory_space<vmem>> -> memref<1x320xi32, #tpu.memory_space<vmem>>
          %dma_start3A_2061 = tpu.memref_squeeze %dma_start3A_2060 : memref<1x320xi32, #tpu.memory_space<vmem>> -> memref<320xi32, #tpu.memory_space<vmem>>
          %dma_start3A_2062 = tpu.memref_slice %arg3[%add3A_2058] : memref<1600000xi32, #tpu.memory_space<hbm>> -> memref<320xi32, #tpu.memory_space<hbm>>
          %dma_start3A_2063 = arith.constant 320 : i32
          %dma_start3A_2064 = tpu.memref_slice %arg5[%sub3A_1986, %dma_start3A_2063] : memref<2x1280xi32, #tpu.memory_space<vmem>> -> memref<1x320xi32, #tpu.memory_space<vmem>>
          %dma_start3A_2065 = tpu.memref_squeeze %dma_start3A_2064 : memref<1x320xi32, #tpu.memory_space<vmem>> -> memref<320xi32, #tpu.memory_space<vmem>>
          %dma_start3A_2066 = tpu.memref_slice %arg3[%add3A_2058] : memref<1600000xi32, #tpu.memory_space<hbm>> -> memref<320xi32, #tpu.memory_space<hbm>>
          tpu.enqueue_dma source(%dma_start3A_2066 : memref<320xi32, #tpu.memory_space<hbm>>) target(%dma_start3A_2065 : memref<320xi32, #tpu.memory_space<vmem>>) target_semaphore(%arg8 : memref<!tpu.dma_semaphore, #tpu.memory_space<semaphore_mem>>)
          %add3A_2067 = arith.constant 1280 : i32
          %add3A_2068 = arith.addi %add3A_2046, %add3A_2067 : i32
          %dma_start3A_2069 = arith.constant 640 : i32
          %dma_start3A_2070 = tpu.memref_slice %arg5[%sub3A_1986, %dma_start3A_2069] : memref<2x1280xi32, #tpu.memory_space<vmem>> -> memref<1x320xi32, #tpu.memory_space<vmem>>
          %dma_start3A_2071 = tpu.memref_squeeze %dma_start3A_2070 : memref<1x320xi32, #tpu.memory_space<vmem>> -> memref<320xi32, #tpu.memory_space<vmem>>
          %dma_start3A_2072 = tpu.memref_slice %arg3[%add3A_2068] : memref<1600000xi32, #tpu.memory_space<hbm>> -> memref<320xi32, #tpu.memory_space<hbm>>
          %dma_start3A_2073 = arith.constant 640 : i32
          %dma_start3A_2074 = tpu.memref_slice %arg5[%sub3A_1986, %dma_start3A_2073] : memref<2x1280xi32, #tpu.memory_space<vmem>> -> memref<1x320xi32, #tpu.memory_space<vmem>>
          %dma_start3A_2075 = tpu.memref_squeeze %dma_start3A_2074 : memref<1x320xi32, #tpu.memory_space<vmem>> -> memref<320xi32, #tpu.memory_space<vmem>>
          %dma_start3A_2076 = tpu.memref_slice %arg3[%add3A_2068] : memref<1600000xi32, #tpu.memory_space<hbm>> -> memref<320xi32, #tpu.memory_space<hbm>>
          tpu.enqueue_dma source(%dma_start3A_2076 : memref<320xi32, #tpu.memory_space<hbm>>) target(%dma_start3A_2075 : memref<320xi32, #tpu.memory_space<vmem>>) target_semaphore(%arg8 : memref<!tpu.dma_semaphore, #tpu.memory_space<semaphore_mem>>)
          %add3A_2077 = arith.constant 1920 : i32
          %add3A_2078 = arith.addi %add3A_2046, %add3A_2077 : i32
          %dma_start3A_2079 = arith.constant 960 : i32
          %dma_start3A_2080 = tpu.memref_slice %arg5[%sub3A_1986, %dma_start3A_2079] : memref<2x1280xi32, #tpu.memory_space<vmem>> -> memref<1x320xi32, #tpu.memory_space<vmem>>
          %dma_start3A_2081 = tpu.memref_squeeze %dma_start3A_2080 : memref<1x320xi32, #tpu.memory_space<vmem>> -> memref<320xi32, #tpu.memory_space<vmem>>
          %dma_start3A_2082 = tpu.memref_slice %arg3[%add3A_2078] : memref<1600000xi32, #tpu.memory_space<hbm>> -> memref<320xi32, #tpu.memory_space<hbm>>
          %dma_start3A_2083 = arith.constant 960 : i32
          %dma_start3A_2084 = tpu.memref_slice %arg5[%sub3A_1986, %dma_start3A_2083] : memref<2x1280xi32, #tpu.memory_space<vmem>> -> memref<1x320xi32, #tpu.memory_space<vmem>>
          %dma_start3A_2085 = tpu.memref_squeeze %dma_start3A_2084 : memref<1x320xi32, #tpu.memory_space<vmem>> -> memref<320xi32, #tpu.memory_space<vmem>>
          %dma_start3A_2086 = tpu.memref_slice %arg3[%add3A_2078] : memref<1600000xi32, #tpu.memory_space<hbm>> -> memref<320xi32, #tpu.memory_space<hbm>>
          tpu.enqueue_dma source(%dma_start3A_2086 : memref<320xi32, #tpu.memory_space<hbm>>) target(%dma_start3A_2085 : memref<320xi32, #tpu.memory_space<vmem>>) target_semaphore(%arg8 : memref<!tpu.dma_semaphore, #tpu.memory_space<semaphore_mem>>)
        } else {
        }
        %iota3A = tpu.iota {dimensions = array<i32: 0>} : vector<16xi32>
        %add3A_167 = arith.constant 0 : i32
        %add3A_168 = vector.broadcast %add3A_167 : i32 to vector<16xi32>
        %add3A_169 = arith.addi %iota3A, %add3A_168 : vector<16xi32>
        %and3A_170 = arith.constant 3 : i32
        %and3A_171 = vector.broadcast %and3A_170 : i32 to vector<16xi32>
        %and3A_172 = arith.andi %add3A_169, %and3A_171 : vector<16xi32>
        %mul3A_173 = arith.constant 320 : i32
        %mul3A_174 = vector.broadcast %mul3A_173 : i32 to vector<16xi32>
        %mul3A_175 = arith.muli %and3A_172, %mul3A_174 : vector<16xi32>
        %shift_right_arithmetic3A = arith.constant 2 : i32
        %shift_right_arithmetic3A_176 = vector.broadcast %shift_right_arithmetic3A : i32 to vector<16xi32>
        %shift_right_arithmetic3A_177 = arith.shrsi %add3A_169, %shift_right_arithmetic3A_176 : vector<16xi32>
        %add3A_178 = arith.addi %mul3A_175, %shift_right_arithmetic3A_177 : vector<16xi32>
        %gather3A = arith.constant 0 : i32
        %gather3A_179 = tpu.memref_slice %arg5[%rem3A_114, %gather3A] : memref<2x1280xi32, #tpu.memory_space<vmem>> -> memref<1x1280xi32, #tpu.memory_space<vmem>>
        %gather3A_180 = tpu.memref_squeeze %gather3A_179 : memref<1x1280xi32, #tpu.memory_space<vmem>> -> memref<1280xi32, #tpu.memory_space<vmem>>
        %gather3A_181 = tpu.vector_load_idx %gather3A_180[%add3A_178] : memref<1280xi32, #tpu.memory_space<vmem>>[vector<16xi32>], vector<16xi32>,
        %swap3A = arith.index_cast %rem3A_114 : i32 to index
        %swap3A_182 = arith.constant 0 : index
        %swap3A_183 = tpu.vector_load %arg6[%swap3A, %swap3A_182] {strides = array<i32>} : memref<2x1280xi32, #tpu.memory_space<vmem>>, vector<16xi32>,
        tpu.vector_store %arg6[%swap3A, %swap3A_182], %gather3A_181 {strides = array<i32>} : memref<2x1280xi32, #tpu.memory_space<vmem>>, vector<16xi32>,
        %add3A_184 = arith.constant 16 : i32
        %add3A_185 = vector.broadcast %add3A_184 : i32 to vector<16xi32>
        %add3A_186 = arith.addi %iota3A, %add3A_185 : vector<16xi32>
        %and3A_187 = arith.constant 3 : i32
        %and3A_188 = vector.broadcast %and3A_187 : i32 to vector<16xi32>
        %and3A_189 = arith.andi %add3A_186, %and3A_188 : vector<16xi32>
        %mul3A_190 = arith.constant 320 : i32
        %mul3A_191 = vector.broadcast %mul3A_190 : i32 to vector<16xi32>
        %mul3A_192 = arith.muli %and3A_189, %mul3A_191 : vector<16xi32>
        %shift_right_arithmetic3A_193 = arith.constant 2 : i32
        %shift_right_arithmetic3A_194 = vector.broadcast %shift_right_arithmetic3A_193 : i32 to vector<16xi32>
        %shift_right_arithmetic3A_195 = arith.shrsi %add3A_186, %shift_right_arithmetic3A_194 : vector<16xi32>
        %add3A_196 = arith.addi %mul3A_192, %shift_right_arithmetic3A_195 : vector<16xi32>
        %gather3A_197 = arith.constant 0 : i32
        %gather3A_198 = tpu.memref_slice %arg5[%rem3A_114, %gather3A_197] : memref<2x1280xi32, #tpu.memory_space<vmem>> -> memref<1x1280xi32, #tpu.memory_space<vmem>>
        %gather3A_199 = tpu.memref_squeeze %gather3A_198 : memref<1x1280xi32, #tpu.memory_space<vmem>> -> memref<1280xi32, #tpu.memory_space<vmem>>
        %gather3A_200 = tpu.vector_load_idx %gather3A_199[%add3A_196] : memref<1280xi32, #tpu.memory_space<vmem>>[vector<16xi32>], vector<16xi32>,
        %swap3A_201 = arith.index_cast %rem3A_114 : i32 to index
        %swap3A_202 = arith.constant 16 : index
        %swap3A_203 = tpu.vector_load %arg6[%swap3A_201, %swap3A_202] {strides = array<i32>} : memref<2x1280xi32, #tpu.memory_space<vmem>>, vector<16xi32>,
        tpu.vector_store %arg6[%swap3A_201, %swap3A_202], %gather3A_200 {strides = array<i32>} : memref<2x1280xi32, #tpu.memory_space<vmem>>, vector<16xi32>,
        %add3A_204 = arith.constant 32 : i32
        %add3A_205 = vector.broadcast %add3A_204 : i32 to vector<16xi32>
        %add3A_206 = arith.addi %iota3A, %add3A_205 : vector<16xi32>
        %and3A_207 = arith.constant 3 : i32
        %and3A_208 = vector.broadcast %and3A_207 : i32 to vector<16xi32>
        %and3A_209 = arith.andi %add3A_206, %and3A_208 : vector<16xi32>
        %mul3A_210 = arith.constant 320 : i32
        %mul3A_211 = vector.broadcast %mul3A_210 : i32 to vector<16xi32>
        %mul3A_212 = arith.muli %and3A_209, %mul3A_211 : vector<16xi32>
        %shift_right_arithmetic3A_213 = arith.constant 2 : i32
        %shift_right_arithmetic3A_214 = vector.broadcast %shift_right_arithmetic3A_213 : i32 to vector<16xi32>
        %shift_right_arithmetic3A_215 = arith.shrsi %add3A_206, %shift_right_arithmetic3A_214 : vector<16xi32>
        %add3A_216 = arith.addi %mul3A_212, %shift_right_arithmetic3A_215 : vector<16xi32>
        %gather3A_217 = arith.constant 0 : i32
        %gather3A_218 = tpu.memref_slice %arg5[%rem3A_114, %gather3A_217] : memref<2x1280xi32, #tpu.memory_space<vmem>> -> memref<1x1280xi32, #tpu.memory_space<vmem>>
        %gather3A_219 = tpu.memref_squeeze %gather3A_218 : memref<1x1280xi32, #tpu.memory_space<vmem>> -> memref<1280xi32, #tpu.memory_space<vmem>>
        %gather3A_220 = tpu.vector_load_idx %gather3A_219[%add3A_216] : memref<1280xi32, #tpu.memory_space<vmem>>[vector<16xi32>], vector<16xi32>,
        %swap3A_221 = arith.index_cast %rem3A_114 : i32 to index
        %swap3A_222 = arith.constant 32 : index
        %swap3A_223 = tpu.vector_load %arg6[%swap3A_221, %swap3A_222] {strides = array<i32>} : memref<2x1280xi32, #tpu.memory_space<vmem>>, vector<16xi32>,
        tpu.vector_store %arg6[%swap3A_221, %swap3A_222], %gather3A_220 {strides = array<i32>} : memref<2x1280xi32, #tpu.memory_space<vmem>>, vector<16xi32>,
        %add3A_224 = arith.constant 48 : i32
        %add3A_225 = vector.broadcast %add3A_224 : i32 to vector<16xi32>
        %add3A_226 = arith.addi %iota3A, %add3A_225 : vector<16xi32>
        %and3A_227 = arith.constant 3 : i32
        %and3A_228 = vector.broadcast %and3A_227 : i32 to vector<16xi32>
        %and3A_229 = arith.andi %add3A_226, %and3A_228 : vector<16xi32>
        %mul3A_230 = arith.constant 320 : i32
        %mul3A_231 = vector.broadcast %mul3A_230 : i32 to vector<16xi32>
        %mul3A_232 = arith.muli %and3A_229, %mul3A_231 : vector<16xi32>
        %shift_right_arithmetic3A_233 = arith.constant 2 : i32
        %shift_right_arithmetic3A_234 = vector.broadcast %shift_right_arithmetic3A_233 : i32 to vector<16xi32>
        %shift_right_arithmetic3A_235 = arith.shrsi %add3A_226, %shift_right_arithmetic3A_234 : vector<16xi32>
        %add3A_236 = arith.addi %mul3A_232, %shift_right_arithmetic3A_235 : vector<16xi32>
        %gather3A_237 = arith.constant 0 : i32
        %gather3A_238 = tpu.memref_slice %arg5[%rem3A_114, %gather3A_237] : memref<2x1280xi32, #tpu.memory_space<vmem>> -> memref<1x1280xi32, #tpu.memory_space<vmem>>
        %gather3A_239 = tpu.memref_squeeze %gather3A_238 : memref<1x1280xi32, #tpu.memory_space<vmem>> -> memref<1280xi32, #tpu.memory_space<vmem>>
        %gather3A_240 = tpu.vector_load_idx %gather3A_239[%add3A_236] : memref<1280xi32, #tpu.memory_space<vmem>>[vector<16xi32>], vector<16xi32>,
        %swap3A_241 = arith.index_cast %rem3A_114 : i32 to index
        %swap3A_242 = arith.constant 48 : index
        %swap3A_243 = tpu.vector_load %arg6[%swap3A_241, %swap3A_242] {strides = array<i32>} : memref<2x1280xi32, #tpu.memory_space<vmem>>, vector<16xi32>,
        tpu.vector_store %arg6[%swap3A_241, %swap3A_242], %gather3A_240 {strides = array<i32>} : memref<2x1280xi32, #tpu.memory_space<vmem>>, vector<16xi32>,
        %add3A_244 = arith.constant 64 : i32
        %add3A_245 = vector.broadcast %add3A_244 : i32 to vector<16xi32>
        %add3A_246 = arith.addi %iota3A, %add3A_245 : vector<16xi32>
        %and3A_247 = arith.constant 3 : i32
        %and3A_248 = vector.broadcast %and3A_247 : i32 to vector<16xi32>
        %and3A_249 = arith.andi %add3A_246, %and3A_248 : vector<16xi32>
        %mul3A_250 = arith.constant 320 : i32
        %mul3A_251 = vector.broadcast %mul3A_250 : i32 to vector<16xi32>
        %mul3A_252 = arith.muli %and3A_249, %mul3A_251 : vector<16xi32>
        %shift_right_arithmetic3A_253 = arith.constant 2 : i32
        %shift_right_arithmetic3A_254 = vector.broadcast %shift_right_arithmetic3A_253 : i32 to vector<16xi32>
        %shift_right_arithmetic3A_255 = arith.shrsi %add3A_246, %shift_right_arithmetic3A_254 : vector<16xi32>
        %add3A_256 = arith.addi %mul3A_252, %shift_right_arithmetic3A_255 : vector<16xi32>
        %gather3A_257 = arith.constant 0 : i32
        %gather3A_258 = tpu.memref_slice %arg5[%rem3A_114, %gather3A_257] : memref<2x1280xi32, #tpu.memory_space<vmem>> -> memref<1x1280xi32, #tpu.memory_space<vmem>>
        %gather3A_259 = tpu.memref_squeeze %gather3A_258 : memref<1x1280xi32, #tpu.memory_space<vmem>> -> memref<1280xi32, #tpu.memory_space<vmem>>
        %gather3A_260 = tpu.vector_load_idx %gather3A_259[%add3A_256] : memref<1280xi32, #tpu.memory_space<vmem>>[vector<16xi32>], vector<16xi32>,
        %swap3A_261 = arith.index_cast %rem3A_114 : i32 to index
        %swap3A_262 = arith.constant 64 : index
        %swap3A_263 = tpu.vector_load %arg6[%swap3A_261, %swap3A_262] {strides = array<i32>} : memref<2x1280xi32, #tpu.memory_space<vmem>>, vector<16xi32>,
        tpu.vector_store %arg6[%swap3A_261, %swap3A_262], %gather3A_260 {strides = array<i32>} : memref<2x1280xi32, #tpu.memory_space<vmem>>, vector<16xi32>,
        %add3A_264 = arith.constant 80 : i32
        %add3A_265 = vector.broadcast %add3A_264 : i32 to vector<16xi32>
        %add3A_266 = arith.addi %iota3A, %add3A_265 : vector<16xi32>
        %and3A_267 = arith.constant 3 : i32
        %and3A_268 = vector.broadcast %and3A_267 : i32 to vector<16xi32>
        %and3A_269 = arith.andi %add3A_266, %and3A_268 : vector<16xi32>
        %mul3A_270 = arith.constant 320 : i32
        %mul3A_271 = vector.broadcast %mul3A_270 : i32 to vector<16xi32>
        %mul3A_272 = arith.muli %and3A_269, %mul3A_271 : vector<16xi32>
        %shift_right_arithmetic3A_273 = arith.constant 2 : i32
        %shift_right_arithmetic3A_274 = vector.broadcast %shift_right_arithmetic3A_273 : i32 to vector<16xi32>
        %shift_right_arithmetic3A_275 = arith.shrsi %add3A_266, %shift_right_arithmetic3A_274 : vector<16xi32>
        %add3A_276 = arith.addi %mul3A_272, %shift_right_arithmetic3A_275 : vector<16xi32>
        %gather3A_277 = arith.constant 0 : i32
        %gather3A_278 = tpu.memref_slice %arg5[%rem3A_114, %gather3A_277] : memref<2x1280xi32, #tpu.memory_space<vmem>> -> memref<1x1280xi32, #tpu.memory_space<vmem>>
        %gather3A_279 = tpu.memref_squeeze %gather3A_278 : memref<1x1280xi32, #tpu.memory_space<vmem>> -> memref<1280xi32, #tpu.memory_space<vmem>>
        %gather3A_280 = tpu.vector_load_idx %gather3A_279[%add3A_276] : memref<1280xi32, #tpu.memory_space<vmem>>[vector<16xi32>], vector<16xi32>,
        %swap3A_281 = arith.index_cast %rem3A_114 : i32 to index
        %swap3A_282 = arith.constant 80 : index
        %swap3A_283 = tpu.vector_load %arg6[%swap3A_281, %swap3A_282] {strides = array<i32>} : memref<2x1280xi32, #tpu.memory_space<vmem>>, vector<16xi32>,
        tpu.vector_store %arg6[%swap3A_281, %swap3A_282], %gather3A_280 {strides = array<i32>} : memref<2x1280xi32, #tpu.memory_space<vmem>>, vector<16xi32>,
        %add3A_284 = arith.constant 96 : i32
        %add3A_285 = vector.broadcast %add3A_284 : i32 to vector<16xi32>
        %add3A_286 = arith.addi %iota3A, %add3A_285 : vector<16xi32>
        %and3A_287 = arith.constant 3 : i32
        %and3A_288 = vector.broadcast %and3A_287 : i32 to vector<16xi32>
        %and3A_289 = arith.andi %add3A_286, %and3A_288 : vector<16xi32>
        %mul3A_290 = arith.constant 320 : i32
        %mul3A_291 = vector.broadcast %mul3A_290 : i32 to vector<16xi32>
        %mul3A_292 = arith.muli %and3A_289, %mul3A_291 : vector<16xi32>
        %shift_right_arithmetic3A_293 = arith.constant 2 : i32
        %shift_right_arithmetic3A_294 = vector.broadcast %shift_right_arithmetic3A_293 : i32 to vector<16xi32>
        %shift_right_arithmetic3A_295 = arith.shrsi %add3A_286, %shift_right_arithmetic3A_294 : vector<16xi32>
        %add3A_296 = arith.addi %mul3A_292, %shift_right_arithmetic3A_295 : vector<16xi32>
        %gather3A_297 = arith.constant 0 : i32
        %gather3A_298 = tpu.memref_slice %arg5[%rem3A_114, %gather3A_297] : memref<2x1280xi32, #tpu.memory_space<vmem>> -> memref<1x1280xi32, #tpu.memory_space<vmem>>
        %gather3A_299 = tpu.memref_squeeze %gather3A_298 : memref<1x1280xi32, #tpu.memory_space<vmem>> -> memref<1280xi32, #tpu.memory_space<vmem>>
        %gather3A_300 = tpu.vector_load_idx %gather3A_299[%add3A_296] : memref<1280xi32, #tpu.memory_space<vmem>>[vector<16xi32>], vector<16xi32>,
        %swap3A_301 = arith.index_cast %rem3A_114 : i32 to index
        %swap3A_302 = arith.constant 96 : index
        %swap3A_303 = tpu.vector_load %arg6[%swap3A_301, %swap3A_302] {strides = array<i32>} : memref<2x1280xi32, #tpu.memory_space<vmem>>, vector<16xi32>,
        tpu.vector_store %arg6[%swap3A_301, %swap3A_302], %gather3A_300 {strides = array<i32>} : memref<2x1280xi32, #tpu.memory_space<vmem>>, vector<16xi32>,
        %add3A_304 = arith.constant 112 : i32
        %add3A_305 = vector.broadcast %add3A_304 : i32 to vector<16xi32>
        %add3A_306 = arith.addi %iota3A, %add3A_305 : vector<16xi32>
        %and3A_307 = arith.constant 3 : i32
        %and3A_308 = vector.broadcast %and3A_307 : i32 to vector<16xi32>
        %and3A_309 = arith.andi %add3A_306, %and3A_308 : vector<16xi32>
        %mul3A_310 = arith.constant 320 : i32
        %mul3A_311 = vector.broadcast %mul3A_310 : i32 to vector<16xi32>
        %mul3A_312 = arith.muli %and3A_309, %mul3A_311 : vector<16xi32>
        %shift_right_arithmetic3A_313 = arith.constant 2 : i32
        %shift_right_arithmetic3A_314 = vector.broadcast %shift_right_arithmetic3A_313 : i32 to vector<16xi32>
        %shift_right_arithmetic3A_315 = arith.shrsi %add3A_306, %shift_right_arithmetic3A_314 : vector<16xi32>
        %add3A_316 = arith.addi %mul3A_312, %shift_right_arithmetic3A_315 : vector<16xi32>
        %gather3A_317 = arith.constant 0 : i32
        %gather3A_318 = tpu.memref_slice %arg5[%rem3A_114, %gather3A_317] : memref<2x1280xi32, #tpu.memory_space<vmem>> -> memref<1x1280xi32, #tpu.memory_space<vmem>>
        %gather3A_319 = tpu.memref_squeeze %gather3A_318 : memref<1x1280xi32, #tpu.memory_space<vmem>> -> memref<1280xi32, #tpu.memory_space<vmem>>
        %gather3A_320 = tpu.vector_load_idx %gather3A_319[%add3A_316] : memref<1280xi32, #tpu.memory_space<vmem>>[vector<16xi32>], vector<16xi32>,
        %swap3A_321 = arith.index_cast %rem3A_114 : i32 to index
        %swap3A_322 = arith.constant 112 : index
        %swap3A_323 = tpu.vector_load %arg6[%swap3A_321, %swap3A_322] {strides = array<i32>} : memref<2x1280xi32, #tpu.memory_space<vmem>>, vector<16xi32>,
        tpu.vector_store %arg6[%swap3A_321, %swap3A_322], %gather3A_320 {strides = array<i32>} : memref<2x1280xi32, #tpu.memory_space<vmem>>, vector<16xi32>,
        %add3A_324 = arith.constant 128 : i32
        %add3A_325 = vector.broadcast %add3A_324 : i32 to vector<16xi32>
        %add3A_326 = arith.addi %iota3A, %add3A_325 : vector<16xi32>
        %and3A_327 = arith.constant 3 : i32
        %and3A_328 = vector.broadcast %and3A_327 : i32 to vector<16xi32>
        %and3A_329 = arith.andi %add3A_326, %and3A_328 : vector<16xi32>
        %mul3A_330 = arith.constant 320 : i32
        %mul3A_331 = vector.broadcast %mul3A_330 : i32 to vector<16xi32>
        %mul3A_332 = arith.muli %and3A_329, %mul3A_331 : vector<16xi32>
        %shift_right_arithmetic3A_333 = arith.constant 2 : i32
        %shift_right_arithmetic3A_334 = vector.broadcast %shift_right_arithmetic3A_333 : i32 to vector<16xi32>
        %shift_right_arithmetic3A_335 = arith.shrsi %add3A_326, %shift_right_arithmetic3A_334 : vector<16xi32>
        %add3A_336 = arith.addi %mul3A_332, %shift_right_arithmetic3A_335 : vector<16xi32>
        %gather3A_337 = arith.constant 0 : i32
        %gather3A_338 = tpu.memref_slice %arg5[%rem3A_114, %gather3A_337] : memref<2x1280xi32, #tpu.memory_space<vmem>> -> memref<1x1280xi32, #tpu.memory_space<vmem>>
        %gather3A_339 = tpu.memref_squeeze %gather3A_338 : memref<1x1280xi32, #tpu.memory_space<vmem>> -> memref<1280xi32, #tpu.memory_space<vmem>>
        %gather3A_340 = tpu.vector_load_idx %gather3A_339[%add3A_336] : memref<1280xi32, #tpu.memory_space<vmem>>[vector<16xi32>], vector<16xi32>,
        %swap3A_341 = arith.index_cast %rem3A_114 : i32 to index
        %swap3A_342 = arith.constant 128 : index
        %swap3A_343 = tpu.vector_load %arg6[%swap3A_341, %swap3A_342] {strides = array<i32>} : memref<2x1280xi32, #tpu.memory_space<vmem>>, vector<16xi32>,
        tpu.vector_store %arg6[%swap3A_341, %swap3A_342], %gather3A_340 {strides = array<i32>} : memref<2x1280xi32, #tpu.memory_space<vmem>>, vector<16xi32>,
        %add3A_344 = arith.constant 144 : i32
        %add3A_345 = vector.broadcast %add3A_344 : i32 to vector<16xi32>
        %add3A_346 = arith.addi %iota3A, %add3A_345 : vector<16xi32>
        %and3A_347 = arith.constant 3 : i32
        %and3A_348 = vector.broadcast %and3A_347 : i32 to vector<16xi32>
        %and3A_349 = arith.andi %add3A_346, %and3A_348 : vector<16xi32>
        %mul3A_350 = arith.constant 320 : i32
        %mul3A_351 = vector.broadcast %mul3A_350 : i32 to vector<16xi32>
        %mul3A_352 = arith.muli %and3A_349, %mul3A_351 : vector<16xi32>
        %shift_right_arithmetic3A_353 = arith.constant 2 : i32
        %shift_right_arithmetic3A_354 = vector.broadcast %shift_right_arithmetic3A_353 : i32 to vector<16xi32>
        %shift_right_arithmetic3A_355 = arith.shrsi %add3A_346, %shift_right_arithmetic3A_354 : vector<16xi32>
        %add3A_356 = arith.addi %mul3A_352, %shift_right_arithmetic3A_355 : vector<16xi32>
        %gather3A_357 = arith.constant 0 : i32
        %gather3A_358 = tpu.memref_slice %arg5[%rem3A_114, %gather3A_357] : memref<2x1280xi32, #tpu.memory_space<vmem>> -> memref<1x1280xi32, #tpu.memory_space<vmem>>
        %gather3A_359 = tpu.memref_squeeze %gather3A_358 : memref<1x1280xi32, #tpu.memory_space<vmem>> -> memref<1280xi32, #tpu.memory_space<vmem>>
        %gather3A_360 = tpu.vector_load_idx %gather3A_359[%add3A_356] : memref<1280xi32, #tpu.memory_space<vmem>>[vector<16xi32>], vector<16xi32>,
        %swap3A_361 = arith.index_cast %rem3A_114 : i32 to index
        %swap3A_362 = arith.constant 144 : index
        %swap3A_363 = tpu.vector_load %arg6[%swap3A_361, %swap3A_362] {strides = array<i32>} : memref<2x1280xi32, #tpu.memory_space<vmem>>, vector<16xi32>,
        tpu.vector_store %arg6[%swap3A_361, %swap3A_362], %gather3A_360 {strides = array<i32>} : memref<2x1280xi32, #tpu.memory_space<vmem>>, vector<16xi32>,
        %add3A_364 = arith.constant 160 : i32
        %add3A_365 = vector.broadcast %add3A_364 : i32 to vector<16xi32>
        %add3A_366 = arith.addi %iota3A, %add3A_365 : vector<16xi32>
        %and3A_367 = arith.constant 3 : i32
        %and3A_368 = vector.broadcast %and3A_367 : i32 to vector<16xi32>
        %and3A_369 = arith.andi %add3A_366, %and3A_368 : vector<16xi32>
        %mul3A_370 = arith.constant 320 : i32
        %mul3A_371 = vector.broadcast %mul3A_370 : i32 to vector<16xi32>
        %mul3A_372 = arith.muli %and3A_369, %mul3A_371 : vector<16xi32>
        %shift_right_arithmetic3A_373 = arith.constant 2 : i32
        %shift_right_arithmetic3A_374 = vector.broadcast %shift_right_arithmetic3A_373 : i32 to vector<16xi32>
        %shift_right_arithmetic3A_375 = arith.shrsi %add3A_366, %shift_right_arithmetic3A_374 : vector<16xi32>
        %add3A_376 = arith.addi %mul3A_372, %shift_right_arithmetic3A_375 : vector<16xi32>
        %gather3A_377 = arith.constant 0 : i32
        %gather3A_378 = tpu.memref_slice %arg5[%rem3A_114, %gather3A_377] : memref<2x1280xi32, #tpu.memory_space<vmem>> -> memref<1x1280xi32, #tpu.memory_space<vmem>>
        %gather3A_379 = tpu.memref_squeeze %gather3A_378 : memref<1x1280xi32, #tpu.memory_space<vmem>> -> memref<1280xi32, #tpu.memory_space<vmem>>
        %gather3A_380 = tpu.vector_load_idx %gather3A_379[%add3A_376] : memref<1280xi32, #tpu.memory_space<vmem>>[vector<16xi32>], vector<16xi32>,
        %swap3A_381 = arith.index_cast %rem3A_114 : i32 to index
        %swap3A_382 = arith.constant 160 : index
        %swap3A_383 = tpu.vector_load %arg6[%swap3A_381, %swap3A_382] {strides = array<i32>} : memref<2x1280xi32, #tpu.memory_space<vmem>>, vector<16xi32>,
        tpu.vector_store %arg6[%swap3A_381, %swap3A_382], %gather3A_380 {strides = array<i32>} : memref<2x1280xi32, #tpu.memory_space<vmem>>, vector<16xi32>,
        %add3A_384 = arith.constant 176 : i32
        %add3A_385 = vector.broadcast %add3A_384 : i32 to vector<16xi32>
        %add3A_386 = arith.addi %iota3A, %add3A_385 : vector<16xi32>
        %and3A_387 = arith.constant 3 : i32
        %and3A_388 = vector.broadcast %and3A_387 : i32 to vector<16xi32>
        %and3A_389 = arith.andi %add3A_386, %and3A_388 : vector<16xi32>
        %mul3A_390 = arith.constant 320 : i32
        %mul3A_391 = vector.broadcast %mul3A_390 : i32 to vector<16xi32>
        %mul3A_392 = arith.muli %and3A_389, %mul3A_391 : vector<16xi32>
        %shift_right_arithmetic3A_393 = arith.constant 2 : i32
        %shift_right_arithmetic3A_394 = vector.broadcast %shift_right_arithmetic3A_393 : i32 to vector<16xi32>
        %shift_right_arithmetic3A_395 = arith.shrsi %add3A_386, %shift_right_arithmetic3A_394 : vector<16xi32>
        %add3A_396 = arith.addi %mul3A_392, %shift_right_arithmetic3A_395 : vector<16xi32>
        %gather3A_397 = arith.constant 0 : i32
        %gather3A_398 = tpu.memref_slice %arg5[%rem3A_114, %gather3A_397] : memref<2x1280xi32, #tpu.memory_space<vmem>> -> memref<1x1280xi32, #tpu.memory_space<vmem>>
        %gather3A_399 = tpu.memref_squeeze %gather3A_398 : memref<1x1280xi32, #tpu.memory_space<vmem>> -> memref<1280xi32, #tpu.memory_space<vmem>>
        %gather3A_400 = tpu.vector_load_idx %gather3A_399[%add3A_396] : memref<1280xi32, #tpu.memory_space<vmem>>[vector<16xi32>], vector<16xi32>,
        %swap3A_401 = arith.index_cast %rem3A_114 : i32 to index
        %swap3A_402 = arith.constant 176 : index
        %swap3A_403 = tpu.vector_load %arg6[%swap3A_401, %swap3A_402] {strides = array<i32>} : memref<2x1280xi32, #tpu.memory_space<vmem>>, vector<16xi32>,
        tpu.vector_store %arg6[%swap3A_401, %swap3A_402], %gather3A_400 {strides = array<i32>} : memref<2x1280xi32, #tpu.memory_space<vmem>>, vector<16xi32>,
        %add3A_404 = arith.constant 192 : i32
        %add3A_405 = vector.broadcast %add3A_404 : i32 to vector<16xi32>
        %add3A_406 = arith.addi %iota3A, %add3A_405 : vector<16xi32>
        %and3A_407 = arith.constant 3 : i32
        %and3A_408 = vector.broadcast %and3A_407 : i32 to vector<16xi32>
        %and3A_409 = arith.andi %add3A_406, %and3A_408 : vector<16xi32>
        %mul3A_410 = arith.constant 320 : i32
        %mul3A_411 = vector.broadcast %mul3A_410 : i32 to vector<16xi32>
        %mul3A_412 = arith.muli %and3A_409, %mul3A_411 : vector<16xi32>
        %shift_right_arithmetic3A_413 = arith.constant 2 : i32
        %shift_right_arithmetic3A_414 = vector.broadcast %shift_right_arithmetic3A_413 : i32 to vector<16xi32>
        %shift_right_arithmetic3A_415 = arith.shrsi %add3A_406, %shift_right_arithmetic3A_414 : vector<16xi32>
        %add3A_416 = arith.addi %mul3A_412, %shift_right_arithmetic3A_415 : vector<16xi32>
        %gather3A_417 = arith.constant 0 : i32
        %gather3A_418 = tpu.memref_slice %arg5[%rem3A_114, %gather3A_417] : memref<2x1280xi32, #tpu.memory_space<vmem>> -> memref<1x1280xi32, #tpu.memory_space<vmem>>
        %gather3A_419 = tpu.memref_squeeze %gather3A_418 : memref<1x1280xi32, #tpu.memory_space<vmem>> -> memref<1280xi32, #tpu.memory_space<vmem>>
        %gather3A_420 = tpu.vector_load_idx %gather3A_419[%add3A_416] : memref<1280xi32, #tpu.memory_space<vmem>>[vector<16xi32>], vector<16xi32>,
        %swap3A_421 = arith.index_cast %rem3A_114 : i32 to index
        %swap3A_422 = arith.constant 192 : index
        %swap3A_423 = tpu.vector_load %arg6[%swap3A_421, %swap3A_422] {strides = array<i32>} : memref<2x1280xi32, #tpu.memory_space<vmem>>, vector<16xi32>,
        tpu.vector_store %arg6[%swap3A_421, %swap3A_422], %gather3A_420 {strides = array<i32>} : memref<2x1280xi32, #tpu.memory_space<vmem>>, vector<16xi32>,
        %add3A_424 = arith.constant 208 : i32
        %add3A_425 = vector.broadcast %add3A_424 : i32 to vector<16xi32>
        %add3A_426 = arith.addi %iota3A, %add3A_425 : vector<16xi32>
        %and3A_427 = arith.constant 3 : i32
        %and3A_428 = vector.broadcast %and3A_427 : i32 to vector<16xi32>
        %and3A_429 = arith.andi %add3A_426, %and3A_428 : vector<16xi32>
        %mul3A_430 = arith.constant 320 : i32
        %mul3A_431 = vector.broadcast %mul3A_430 : i32 to vector<16xi32>
        %mul3A_432 = arith.muli %and3A_429, %mul3A_431 : vector<16xi32>
        %shift_right_arithmetic3A_433 = arith.constant 2 : i32
        %shift_right_arithmetic3A_434 = vector.broadcast %shift_right_arithmetic3A_433 : i32 to vector<16xi32>
        %shift_right_arithmetic3A_435 = arith.shrsi %add3A_426, %shift_right_arithmetic3A_434 : vector<16xi32>
        %add3A_436 = arith.addi %mul3A_432, %shift_right_arithmetic3A_435 : vector<16xi32>
        %gather3A_437 = arith.constant 0 : i32
        %gather3A_438 = tpu.memref_slice %arg5[%rem3A_114, %gather3A_437] : memref<2x1280xi32, #tpu.memory_space<vmem>> -> memref<1x1280xi32, #tpu.memory_space<vmem>>
        %gather3A_439 = tpu.memref_squeeze %gather3A_438 : memref<1x1280xi32, #tpu.memory_space<vmem>> -> memref<1280xi32, #tpu.memory_space<vmem>>
        %gather3A_440 = tpu.vector_load_idx %gather3A_439[%add3A_436] : memref<1280xi32, #tpu.memory_space<vmem>>[vector<16xi32>], vector<16xi32>,
        %swap3A_441 = arith.index_cast %rem3A_114 : i32 to index
        %swap3A_442 = arith.constant 208 : index
        %swap3A_443 = tpu.vector_load %arg6[%swap3A_441, %swap3A_442] {strides = array<i32>} : memref<2x1280xi32, #tpu.memory_space<vmem>>, vector<16xi32>,
        tpu.vector_store %arg6[%swap3A_441, %swap3A_442], %gather3A_440 {strides = array<i32>} : memref<2x1280xi32, #tpu.memory_space<vmem>>, vector<16xi32>,
        %add3A_444 = arith.constant 224 : i32
        %add3A_445 = vector.broadcast %add3A_444 : i32 to vector<16xi32>
        %add3A_446 = arith.addi %iota3A, %add3A_445 : vector<16xi32>
        %and3A_447 = arith.constant 3 : i32
        %and3A_448 = vector.broadcast %and3A_447 : i32 to vector<16xi32>
        %and3A_449 = arith.andi %add3A_446, %and3A_448 : vector<16xi32>
        %mul3A_450 = arith.constant 320 : i32
        %mul3A_451 = vector.broadcast %mul3A_450 : i32 to vector<16xi32>
        %mul3A_452 = arith.muli %and3A_449, %mul3A_451 : vector<16xi32>
        %shift_right_arithmetic3A_453 = arith.constant 2 : i32
        %shift_right_arithmetic3A_454 = vector.broadcast %shift_right_arithmetic3A_453 : i32 to vector<16xi32>
        %shift_right_arithmetic3A_455 = arith.shrsi %add3A_446, %shift_right_arithmetic3A_454 : vector<16xi32>
        %add3A_456 = arith.addi %mul3A_452, %shift_right_arithmetic3A_455 : vector<16xi32>
        %gather3A_457 = arith.constant 0 : i32
        %gather3A_458 = tpu.memref_slice %arg5[%rem3A_114, %gather3A_457] : memref<2x1280xi32, #tpu.memory_space<vmem>> -> memref<1x1280xi32, #tpu.memory_space<vmem>>
        %gather3A_459 = tpu.memref_squeeze %gather3A_458 : memref<1x1280xi32, #tpu.memory_space<vmem>> -> memref<1280xi32, #tpu.memory_space<vmem>>
        %gather3A_460 = tpu.vector_load_idx %gather3A_459[%add3A_456] : memref<1280xi32, #tpu.memory_space<vmem>>[vector<16xi32>], vector<16xi32>,
        %swap3A_461 = arith.index_cast %rem3A_114 : i32 to index
        %swap3A_462 = arith.constant 224 : index
        %swap3A_463 = tpu.vector_load %arg6[%swap3A_461, %swap3A_462] {strides = array<i32>} : memref<2x1280xi32, #tpu.memory_space<vmem>>, vector<16xi32>,
        tpu.vector_store %arg6[%swap3A_461, %swap3A_462], %gather3A_460 {strides = array<i32>} : memref<2x1280xi32, #tpu.memory_space<vmem>>, vector<16xi32>,
        %add3A_464 = arith.constant 240 : i32
        %add3A_465 = vector.broadcast %add3A_464 : i32 to vector<16xi32>
        %add3A_466 = arith.addi %iota3A, %add3A_465 : vector<16xi32>
        %and3A_467 = arith.constant 3 : i32
        %and3A_468 = vector.broadcast %and3A_467 : i32 to vector<16xi32>
        %and3A_469 = arith.andi %add3A_466, %and3A_468 : vector<16xi32>
        %mul3A_470 = arith.constant 320 : i32
        %mul3A_471 = vector.broadcast %mul3A_470 : i32 to vector<16xi32>
        %mul3A_472 = arith.muli %and3A_469, %mul3A_471 : vector<16xi32>
        %shift_right_arithmetic3A_473 = arith.constant 2 : i32
        %shift_right_arithmetic3A_474 = vector.broadcast %shift_right_arithmetic3A_473 : i32 to vector<16xi32>
        %shift_right_arithmetic3A_475 = arith.shrsi %add3A_466, %shift_right_arithmetic3A_474 : vector<16xi32>
        %add3A_476 = arith.addi %mul3A_472, %shift_right_arithmetic3A_475 : vector<16xi32>
        %gather3A_477 = arith.constant 0 : i32
        %gather3A_478 = tpu.memref_slice %arg5[%rem3A_114, %gather3A_477] : memref<2x1280xi32, #tpu.memory_space<vmem>> -> memref<1x1280xi32, #tpu.memory_space<vmem>>
        %gather3A_479 = tpu.memref_squeeze %gather3A_478 : memref<1x1280xi32, #tpu.memory_space<vmem>> -> memref<1280xi32, #tpu.memory_space<vmem>>
        %gather3A_480 = tpu.vector_load_idx %gather3A_479[%add3A_476] : memref<1280xi32, #tpu.memory_space<vmem>>[vector<16xi32>], vector<16xi32>,
        %swap3A_481 = arith.index_cast %rem3A_114 : i32 to index
        %swap3A_482 = arith.constant 240 : index
        %swap3A_483 = tpu.vector_load %arg6[%swap3A_481, %swap3A_482] {strides = array<i32>} : memref<2x1280xi32, #tpu.memory_space<vmem>>, vector<16xi32>,
        tpu.vector_store %arg6[%swap3A_481, %swap3A_482], %gather3A_480 {strides = array<i32>} : memref<2x1280xi32, #tpu.memory_space<vmem>>, vector<16xi32>,
        %add3A_484 = arith.constant 256 : i32
        %add3A_485 = vector.broadcast %add3A_484 : i32 to vector<16xi32>
        %add3A_486 = arith.addi %iota3A, %add3A_485 : vector<16xi32>
        %and3A_487 = arith.constant 3 : i32
        %and3A_488 = vector.broadcast %and3A_487 : i32 to vector<16xi32>
        %and3A_489 = arith.andi %add3A_486, %and3A_488 : vector<16xi32>
        %mul3A_490 = arith.constant 320 : i32
        %mul3A_491 = vector.broadcast %mul3A_490 : i32 to vector<16xi32>
        %mul3A_492 = arith.muli %and3A_489, %mul3A_491 : vector<16xi32>
        %shift_right_arithmetic3A_493 = arith.constant 2 : i32
        %shift_right_arithmetic3A_494 = vector.broadcast %shift_right_arithmetic3A_493 : i32 to vector<16xi32>
        %shift_right_arithmetic3A_495 = arith.shrsi %add3A_486, %shift_right_arithmetic3A_494 : vector<16xi32>
        %add3A_496 = arith.addi %mul3A_492, %shift_right_arithmetic3A_495 : vector<16xi32>
        %gather3A_497 = arith.constant 0 : i32
        %gather3A_498 = tpu.memref_slice %arg5[%rem3A_114, %gather3A_497] : memref<2x1280xi32, #tpu.memory_space<vmem>> -> memref<1x1280xi32, #tpu.memory_space<vmem>>
        %gather3A_499 = tpu.memref_squeeze %gather3A_498 : memref<1x1280xi32, #tpu.memory_space<vmem>> -> memref<1280xi32, #tpu.memory_space<vmem>>
        %gather3A_500 = tpu.vector_load_idx %gather3A_499[%add3A_496] : memref<1280xi32, #tpu.memory_space<vmem>>[vector<16xi32>], vector<16xi32>,
        %swap3A_501 = arith.index_cast %rem3A_114 : i32 to index
        %swap3A_502 = arith.constant 256 : index
        %swap3A_503 = tpu.vector_load %arg6[%swap3A_501, %swap3A_502] {strides = array<i32>} : memref<2x1280xi32, #tpu.memory_space<vmem>>, vector<16xi32>,
        tpu.vector_store %arg6[%swap3A_501, %swap3A_502], %gather3A_500 {strides = array<i32>} : memref<2x1280xi32, #tpu.memory_space<vmem>>, vector<16xi32>,
        %add3A_504 = arith.constant 272 : i32
        %add3A_505 = vector.broadcast %add3A_504 : i32 to vector<16xi32>
        %add3A_506 = arith.addi %iota3A, %add3A_505 : vector<16xi32>
        %and3A_507 = arith.constant 3 : i32
        %and3A_508 = vector.broadcast %and3A_507 : i32 to vector<16xi32>
        %and3A_509 = arith.andi %add3A_506, %and3A_508 : vector<16xi32>
        %mul3A_510 = arith.constant 320 : i32
        %mul3A_511 = vector.broadcast %mul3A_510 : i32 to vector<16xi32>
        %mul3A_512 = arith.muli %and3A_509, %mul3A_511 : vector<16xi32>
        %shift_right_arithmetic3A_513 = arith.constant 2 : i32
        %shift_right_arithmetic3A_514 = vector.broadcast %shift_right_arithmetic3A_513 : i32 to vector<16xi32>
        %shift_right_arithmetic3A_515 = arith.shrsi %add3A_506, %shift_right_arithmetic3A_514 : vector<16xi32>
        %add3A_516 = arith.addi %mul3A_512, %shift_right_arithmetic3A_515 : vector<16xi32>
        %gather3A_517 = arith.constant 0 : i32
        %gather3A_518 = tpu.memref_slice %arg5[%rem3A_114, %gather3A_517] : memref<2x1280xi32, #tpu.memory_space<vmem>> -> memref<1x1280xi32, #tpu.memory_space<vmem>>
        %gather3A_519 = tpu.memref_squeeze %gather3A_518 : memref<1x1280xi32, #tpu.memory_space<vmem>> -> memref<1280xi32, #tpu.memory_space<vmem>>
        %gather3A_520 = tpu.vector_load_idx %gather3A_519[%add3A_516] : memref<1280xi32, #tpu.memory_space<vmem>>[vector<16xi32>], vector<16xi32>,
        %swap3A_521 = arith.index_cast %rem3A_114 : i32 to index
        %swap3A_522 = arith.constant 272 : index
        %swap3A_523 = tpu.vector_load %arg6[%swap3A_521, %swap3A_522] {strides = array<i32>} : memref<2x1280xi32, #tpu.memory_space<vmem>>, vector<16xi32>,
        tpu.vector_store %arg6[%swap3A_521, %swap3A_522], %gather3A_520 {strides = array<i32>} : memref<2x1280xi32, #tpu.memory_space<vmem>>, vector<16xi32>,
        %add3A_524 = arith.constant 288 : i32
        %add3A_525 = vector.broadcast %add3A_524 : i32 to vector<16xi32>
        %add3A_526 = arith.addi %iota3A, %add3A_525 : vector<16xi32>
        %and3A_527 = arith.constant 3 : i32
        %and3A_528 = vector.broadcast %and3A_527 : i32 to vector<16xi32>
        %and3A_529 = arith.andi %add3A_526, %and3A_528 : vector<16xi32>
        %mul3A_530 = arith.constant 320 : i32
        %mul3A_531 = vector.broadcast %mul3A_530 : i32 to vector<16xi32>
        %mul3A_532 = arith.muli %and3A_529, %mul3A_531 : vector<16xi32>
        %shift_right_arithmetic3A_533 = arith.constant 2 : i32
        %shift_right_arithmetic3A_534 = vector.broadcast %shift_right_arithmetic3A_533 : i32 to vector<16xi32>
        %shift_right_arithmetic3A_535 = arith.shrsi %add3A_526, %shift_right_arithmetic3A_534 : vector<16xi32>
        %add3A_536 = arith.addi %mul3A_532, %shift_right_arithmetic3A_535 : vector<16xi32>
        %gather3A_537 = arith.constant 0 : i32
        %gather3A_538 = tpu.memref_slice %arg5[%rem3A_114, %gather3A_537] : memref<2x1280xi32, #tpu.memory_space<vmem>> -> memref<1x1280xi32, #tpu.memory_space<vmem>>
        %gather3A_539 = tpu.memref_squeeze %gather3A_538 : memref<1x1280xi32, #tpu.memory_space<vmem>> -> memref<1280xi32, #tpu.memory_space<vmem>>
        %gather3A_540 = tpu.vector_load_idx %gather3A_539[%add3A_536] : memref<1280xi32, #tpu.memory_space<vmem>>[vector<16xi32>], vector<16xi32>,
        %swap3A_541 = arith.index_cast %rem3A_114 : i32 to index
        %swap3A_542 = arith.constant 288 : index
        %swap3A_543 = tpu.vector_load %arg6[%swap3A_541, %swap3A_542] {strides = array<i32>} : memref<2x1280xi32, #tpu.memory_space<vmem>>, vector<16xi32>,
        tpu.vector_store %arg6[%swap3A_541, %swap3A_542], %gather3A_540 {strides = array<i32>} : memref<2x1280xi32, #tpu.memory_space<vmem>>, vector<16xi32>,
        %add3A_544 = arith.constant 304 : i32
        %add3A_545 = vector.broadcast %add3A_544 : i32 to vector<16xi32>
        %add3A_546 = arith.addi %iota3A, %add3A_545 : vector<16xi32>
        %and3A_547 = arith.constant 3 : i32
        %and3A_548 = vector.broadcast %and3A_547 : i32 to vector<16xi32>
        %and3A_549 = arith.andi %add3A_546, %and3A_548 : vector<16xi32>
        %mul3A_550 = arith.constant 320 : i32
        %mul3A_551 = vector.broadcast %mul3A_550 : i32 to vector<16xi32>
        %mul3A_552 = arith.muli %and3A_549, %mul3A_551 : vector<16xi32>
        %shift_right_arithmetic3A_553 = arith.constant 2 : i32
        %shift_right_arithmetic3A_554 = vector.broadcast %shift_right_arithmetic3A_553 : i32 to vector<16xi32>
        %shift_right_arithmetic3A_555 = arith.shrsi %add3A_546, %shift_right_arithmetic3A_554 : vector<16xi32>
        %add3A_556 = arith.addi %mul3A_552, %shift_right_arithmetic3A_555 : vector<16xi32>
        %gather3A_557 = arith.constant 0 : i32
        %gather3A_558 = tpu.memref_slice %arg5[%rem3A_114, %gather3A_557] : memref<2x1280xi32, #tpu.memory_space<vmem>> -> memref<1x1280xi32, #tpu.memory_space<vmem>>
        %gather3A_559 = tpu.memref_squeeze %gather3A_558 : memref<1x1280xi32, #tpu.memory_space<vmem>> -> memref<1280xi32, #tpu.memory_space<vmem>>
        %gather3A_560 = tpu.vector_load_idx %gather3A_559[%add3A_556] : memref<1280xi32, #tpu.memory_space<vmem>>[vector<16xi32>], vector<16xi32>,
        %swap3A_561 = arith.index_cast %rem3A_114 : i32 to index
        %swap3A_562 = arith.constant 304 : index
        %swap3A_563 = tpu.vector_load %arg6[%swap3A_561, %swap3A_562] {strides = array<i32>} : memref<2x1280xi32, #tpu.memory_space<vmem>>, vector<16xi32>,
        tpu.vector_store %arg6[%swap3A_561, %swap3A_562], %gather3A_560 {strides = array<i32>} : memref<2x1280xi32, #tpu.memory_space<vmem>>, vector<16xi32>,
        %add3A_564 = arith.constant 320 : i32
        %add3A_565 = vector.broadcast %add3A_564 : i32 to vector<16xi32>
        %add3A_566 = arith.addi %iota3A, %add3A_565 : vector<16xi32>
        %and3A_567 = arith.constant 3 : i32
        %and3A_568 = vector.broadcast %and3A_567 : i32 to vector<16xi32>
        %and3A_569 = arith.andi %add3A_566, %and3A_568 : vector<16xi32>
        %mul3A_570 = arith.constant 320 : i32
        %mul3A_571 = vector.broadcast %mul3A_570 : i32 to vector<16xi32>
        %mul3A_572 = arith.muli %and3A_569, %mul3A_571 : vector<16xi32>
        %shift_right_arithmetic3A_573 = arith.constant 2 : i32
        %shift_right_arithmetic3A_574 = vector.broadcast %shift_right_arithmetic3A_573 : i32 to vector<16xi32>
        %shift_right_arithmetic3A_575 = arith.shrsi %add3A_566, %shift_right_arithmetic3A_574 : vector<16xi32>
        %add3A_576 = arith.addi %mul3A_572, %shift_right_arithmetic3A_575 : vector<16xi32>
        %gather3A_577 = arith.constant 0 : i32
        %gather3A_578 = tpu.memref_slice %arg5[%rem3A_114, %gather3A_577] : memref<2x1280xi32, #tpu.memory_space<vmem>> -> memref<1x1280xi32, #tpu.memory_space<vmem>>
        %gather3A_579 = tpu.memref_squeeze %gather3A_578 : memref<1x1280xi32, #tpu.memory_space<vmem>> -> memref<1280xi32, #tpu.memory_space<vmem>>
        %gather3A_580 = tpu.vector_load_idx %gather3A_579[%add3A_576] : memref<1280xi32, #tpu.memory_space<vmem>>[vector<16xi32>], vector<16xi32>,
        %swap3A_581 = arith.index_cast %rem3A_114 : i32 to index
        %swap3A_582 = arith.constant 320 : index
        %swap3A_583 = tpu.vector_load %arg6[%swap3A_581, %swap3A_582] {strides = array<i32>} : memref<2x1280xi32, #tpu.memory_space<vmem>>, vector<16xi32>,
        tpu.vector_store %arg6[%swap3A_581, %swap3A_582], %gather3A_580 {strides = array<i32>} : memref<2x1280xi32, #tpu.memory_space<vmem>>, vector<16xi32>,
        %add3A_584 = arith.constant 336 : i32
        %add3A_585 = vector.broadcast %add3A_584 : i32 to vector<16xi32>
        %add3A_586 = arith.addi %iota3A, %add3A_585 : vector<16xi32>
        %and3A_587 = arith.constant 3 : i32
        %and3A_588 = vector.broadcast %and3A_587 : i32 to vector<16xi32>
        %and3A_589 = arith.andi %add3A_586, %and3A_588 : vector<16xi32>
        %mul3A_590 = arith.constant 320 : i32
        %mul3A_591 = vector.broadcast %mul3A_590 : i32 to vector<16xi32>
        %mul3A_592 = arith.muli %and3A_589, %mul3A_591 : vector<16xi32>
        %shift_right_arithmetic3A_593 = arith.constant 2 : i32
        %shift_right_arithmetic3A_594 = vector.broadcast %shift_right_arithmetic3A_593 : i32 to vector<16xi32>
        %shift_right_arithmetic3A_595 = arith.shrsi %add3A_586, %shift_right_arithmetic3A_594 : vector<16xi32>
        %add3A_596 = arith.addi %mul3A_592, %shift_right_arithmetic3A_595 : vector<16xi32>
        %gather3A_597 = arith.constant 0 : i32
        %gather3A_598 = tpu.memref_slice %arg5[%rem3A_114, %gather3A_597] : memref<2x1280xi32, #tpu.memory_space<vmem>> -> memref<1x1280xi32, #tpu.memory_space<vmem>>
        %gather3A_599 = tpu.memref_squeeze %gather3A_598 : memref<1x1280xi32, #tpu.memory_space<vmem>> -> memref<1280xi32, #tpu.memory_space<vmem>>
        %gather3A_600 = tpu.vector_load_idx %gather3A_599[%add3A_596] : memref<1280xi32, #tpu.memory_space<vmem>>[vector<16xi32>], vector<16xi32>,
        %swap3A_601 = arith.index_cast %rem3A_114 : i32 to index
        %swap3A_602 = arith.constant 336 : index
        %swap3A_603 = tpu.vector_load %arg6[%swap3A_601, %swap3A_602] {strides = array<i32>} : memref<2x1280xi32, #tpu.memory_space<vmem>>, vector<16xi32>,
        tpu.vector_store %arg6[%swap3A_601, %swap3A_602], %gather3A_600 {strides = array<i32>} : memref<2x1280xi32, #tpu.memory_space<vmem>>, vector<16xi32>,
        %add3A_604 = arith.constant 352 : i32
        %add3A_605 = vector.broadcast %add3A_604 : i32 to vector<16xi32>
        %add3A_606 = arith.addi %iota3A, %add3A_605 : vector<16xi32>
        %and3A_607 = arith.constant 3 : i32
        %and3A_608 = vector.broadcast %and3A_607 : i32 to vector<16xi32>
        %and3A_609 = arith.andi %add3A_606, %and3A_608 : vector<16xi32>
        %mul3A_610 = arith.constant 320 : i32
        %mul3A_611 = vector.broadcast %mul3A_610 : i32 to vector<16xi32>
        %mul3A_612 = arith.muli %and3A_609, %mul3A_611 : vector<16xi32>
        %shift_right_arithmetic3A_613 = arith.constant 2 : i32
        %shift_right_arithmetic3A_614 = vector.broadcast %shift_right_arithmetic3A_613 : i32 to vector<16xi32>
        %shift_right_arithmetic3A_615 = arith.shrsi %add3A_606, %shift_right_arithmetic3A_614 : vector<16xi32>
        %add3A_616 = arith.addi %mul3A_612, %shift_right_arithmetic3A_615 : vector<16xi32>
        %gather3A_617 = arith.constant 0 : i32
        %gather3A_618 = tpu.memref_slice %arg5[%rem3A_114, %gather3A_617] : memref<2x1280xi32, #tpu.memory_space<vmem>> -> memref<1x1280xi32, #tpu.memory_space<vmem>>
        %gather3A_619 = tpu.memref_squeeze %gather3A_618 : memref<1x1280xi32, #tpu.memory_space<vmem>> -> memref<1280xi32, #tpu.memory_space<vmem>>
        %gather3A_620 = tpu.vector_load_idx %gather3A_619[%add3A_616] : memref<1280xi32, #tpu.memory_space<vmem>>[vector<16xi32>], vector<16xi32>,
        %swap3A_621 = arith.index_cast %rem3A_114 : i32 to index
        %swap3A_622 = arith.constant 352 : index
        %swap3A_623 = tpu.vector_load %arg6[%swap3A_621, %swap3A_622] {strides = array<i32>} : memref<2x1280xi32, #tpu.memory_space<vmem>>, vector<16xi32>,
        tpu.vector_store %arg6[%swap3A_621, %swap3A_622], %gather3A_620 {strides = array<i32>} : memref<2x1280xi32, #tpu.memory_space<vmem>>, vector<16xi32>,
        %add3A_624 = arith.constant 368 : i32
        %add3A_625 = vector.broadcast %add3A_624 : i32 to vector<16xi32>
        %add3A_626 = arith.addi %iota3A, %add3A_625 : vector<16xi32>
        %and3A_627 = arith.constant 3 : i32
        %and3A_628 = vector.broadcast %and3A_627 : i32 to vector<16xi32>
        %and3A_629 = arith.andi %add3A_626, %and3A_628 : vector<16xi32>
        %mul3A_630 = arith.constant 320 : i32
        %mul3A_631 = vector.broadcast %mul3A_630 : i32 to vector<16xi32>
        %mul3A_632 = arith.muli %and3A_629, %mul3A_631 : vector<16xi32>
        %shift_right_arithmetic3A_633 = arith.constant 2 : i32
        %shift_right_arithmetic3A_634 = vector.broadcast %shift_right_arithmetic3A_633 : i32 to vector<16xi32>
        %shift_right_arithmetic3A_635 = arith.shrsi %add3A_626, %shift_right_arithmetic3A_634 : vector<16xi32>
        %add3A_636 = arith.addi %mul3A_632, %shift_right_arithmetic3A_635 : vector<16xi32>
        %gather3A_637 = arith.constant 0 : i32
        %gather3A_638 = tpu.memref_slice %arg5[%rem3A_114, %gather3A_637] : memref<2x1280xi32, #tpu.memory_space<vmem>> -> memref<1x1280xi32, #tpu.memory_space<vmem>>
        %gather3A_639 = tpu.memref_squeeze %gather3A_638 : memref<1x1280xi32, #tpu.memory_space<vmem>> -> memref<1280xi32, #tpu.memory_space<vmem>>
        %gather3A_640 = tpu.vector_load_idx %gather3A_639[%add3A_636] : memref<1280xi32, #tpu.memory_space<vmem>>[vector<16xi32>], vector<16xi32>,
        %swap3A_641 = arith.index_cast %rem3A_114 : i32 to index
        %swap3A_642 = arith.constant 368 : index
        %swap3A_643 = tpu.vector_load %arg6[%swap3A_641, %swap3A_642] {strides = array<i32>} : memref<2x1280xi32, #tpu.memory_space<vmem>>, vector<16xi32>,
        tpu.vector_store %arg6[%swap3A_641, %swap3A_642], %gather3A_640 {strides = array<i32>} : memref<2x1280xi32, #tpu.memory_space<vmem>>, vector<16xi32>,
        %add3A_644 = arith.constant 384 : i32
        %add3A_645 = vector.broadcast %add3A_644 : i32 to vector<16xi32>
        %add3A_646 = arith.addi %iota3A, %add3A_645 : vector<16xi32>
        %and3A_647 = arith.constant 3 : i32
        %and3A_648 = vector.broadcast %and3A_647 : i32 to vector<16xi32>
        %and3A_649 = arith.andi %add3A_646, %and3A_648 : vector<16xi32>
        %mul3A_650 = arith.constant 320 : i32
        %mul3A_651 = vector.broadcast %mul3A_650 : i32 to vector<16xi32>
        %mul3A_652 = arith.muli %and3A_649, %mul3A_651 : vector<16xi32>
        %shift_right_arithmetic3A_653 = arith.constant 2 : i32
        %shift_right_arithmetic3A_654 = vector.broadcast %shift_right_arithmetic3A_653 : i32 to vector<16xi32>
        %shift_right_arithmetic3A_655 = arith.shrsi %add3A_646, %shift_right_arithmetic3A_654 : vector<16xi32>
        %add3A_656 = arith.addi %mul3A_652, %shift_right_arithmetic3A_655 : vector<16xi32>
        %gather3A_657 = arith.constant 0 : i32
        %gather3A_658 = tpu.memref_slice %arg5[%rem3A_114, %gather3A_657] : memref<2x1280xi32, #tpu.memory_space<vmem>> -> memref<1x1280xi32, #tpu.memory_space<vmem>>
        %gather3A_659 = tpu.memref_squeeze %gather3A_658 : memref<1x1280xi32, #tpu.memory_space<vmem>> -> memref<1280xi32, #tpu.memory_space<vmem>>
        %gather3A_660 = tpu.vector_load_idx %gather3A_659[%add3A_656] : memref<1280xi32, #tpu.memory_space<vmem>>[vector<16xi32>], vector<16xi32>,
        %swap3A_661 = arith.index_cast %rem3A_114 : i32 to index
        %swap3A_662 = arith.constant 384 : index
        %swap3A_663 = tpu.vector_load %arg6[%swap3A_661, %swap3A_662] {strides = array<i32>} : memref<2x1280xi32, #tpu.memory_space<vmem>>, vector<16xi32>,
        tpu.vector_store %arg6[%swap3A_661, %swap3A_662], %gather3A_660 {strides = array<i32>} : memref<2x1280xi32, #tpu.memory_space<vmem>>, vector<16xi32>,
        %add3A_664 = arith.constant 400 : i32
        %add3A_665 = vector.broadcast %add3A_664 : i32 to vector<16xi32>
        %add3A_666 = arith.addi %iota3A, %add3A_665 : vector<16xi32>
        %and3A_667 = arith.constant 3 : i32
        %and3A_668 = vector.broadcast %and3A_667 : i32 to vector<16xi32>
        %and3A_669 = arith.andi %add3A_666, %and3A_668 : vector<16xi32>
        %mul3A_670 = arith.constant 320 : i32
        %mul3A_671 = vector.broadcast %mul3A_670 : i32 to vector<16xi32>
        %mul3A_672 = arith.muli %and3A_669, %mul3A_671 : vector<16xi32>
        %shift_right_arithmetic3A_673 = arith.constant 2 : i32
        %shift_right_arithmetic3A_674 = vector.broadcast %shift_right_arithmetic3A_673 : i32 to vector<16xi32>
        %shift_right_arithmetic3A_675 = arith.shrsi %add3A_666, %shift_right_arithmetic3A_674 : vector<16xi32>
        %add3A_676 = arith.addi %mul3A_672, %shift_right_arithmetic3A_675 : vector<16xi32>
        %gather3A_677 = arith.constant 0 : i32
        %gather3A_678 = tpu.memref_slice %arg5[%rem3A_114, %gather3A_677] : memref<2x1280xi32, #tpu.memory_space<vmem>> -> memref<1x1280xi32, #tpu.memory_space<vmem>>
        %gather3A_679 = tpu.memref_squeeze %gather3A_678 : memref<1x1280xi32, #tpu.memory_space<vmem>> -> memref<1280xi32, #tpu.memory_space<vmem>>
        %gather3A_680 = tpu.vector_load_idx %gather3A_679[%add3A_676] : memref<1280xi32, #tpu.memory_space<vmem>>[vector<16xi32>], vector<16xi32>,
        %swap3A_681 = arith.index_cast %rem3A_114 : i32 to index
        %swap3A_682 = arith.constant 400 : index
        %swap3A_683 = tpu.vector_load %arg6[%swap3A_681, %swap3A_682] {strides = array<i32>} : memref<2x1280xi32, #tpu.memory_space<vmem>>, vector<16xi32>,
        tpu.vector_store %arg6[%swap3A_681, %swap3A_682], %gather3A_680 {strides = array<i32>} : memref<2x1280xi32, #tpu.memory_space<vmem>>, vector<16xi32>,
        %add3A_684 = arith.constant 416 : i32
        %add3A_685 = vector.broadcast %add3A_684 : i32 to vector<16xi32>
        %add3A_686 = arith.addi %iota3A, %add3A_685 : vector<16xi32>
        %and3A_687 = arith.constant 3 : i32
        %and3A_688 = vector.broadcast %and3A_687 : i32 to vector<16xi32>
        %and3A_689 = arith.andi %add3A_686, %and3A_688 : vector<16xi32>
        %mul3A_690 = arith.constant 320 : i32
        %mul3A_691 = vector.broadcast %mul3A_690 : i32 to vector<16xi32>
        %mul3A_692 = arith.muli %and3A_689, %mul3A_691 : vector<16xi32>
        %shift_right_arithmetic3A_693 = arith.constant 2 : i32
        %shift_right_arithmetic3A_694 = vector.broadcast %shift_right_arithmetic3A_693 : i32 to vector<16xi32>
        %shift_right_arithmetic3A_695 = arith.shrsi %add3A_686, %shift_right_arithmetic3A_694 : vector<16xi32>
        %add3A_696 = arith.addi %mul3A_692, %shift_right_arithmetic3A_695 : vector<16xi32>
        %gather3A_697 = arith.constant 0 : i32
        %gather3A_698 = tpu.memref_slice %arg5[%rem3A_114, %gather3A_697] : memref<2x1280xi32, #tpu.memory_space<vmem>> -> memref<1x1280xi32, #tpu.memory_space<vmem>>
        %gather3A_699 = tpu.memref_squeeze %gather3A_698 : memref<1x1280xi32, #tpu.memory_space<vmem>> -> memref<1280xi32, #tpu.memory_space<vmem>>
        %gather3A_700 = tpu.vector_load_idx %gather3A_699[%add3A_696] : memref<1280xi32, #tpu.memory_space<vmem>>[vector<16xi32>], vector<16xi32>,
        %swap3A_701 = arith.index_cast %rem3A_114 : i32 to index
        %swap3A_702 = arith.constant 416 : index
        %swap3A_703 = tpu.vector_load %arg6[%swap3A_701, %swap3A_702] {strides = array<i32>} : memref<2x1280xi32, #tpu.memory_space<vmem>>, vector<16xi32>,
        tpu.vector_store %arg6[%swap3A_701, %swap3A_702], %gather3A_700 {strides = array<i32>} : memref<2x1280xi32, #tpu.memory_space<vmem>>, vector<16xi32>,
        %add3A_704 = arith.constant 432 : i32
        %add3A_705 = vector.broadcast %add3A_704 : i32 to vector<16xi32>
        %add3A_706 = arith.addi %iota3A, %add3A_705 : vector<16xi32>
        %and3A_707 = arith.constant 3 : i32
        %and3A_708 = vector.broadcast %and3A_707 : i32 to vector<16xi32>
        %and3A_709 = arith.andi %add3A_706, %and3A_708 : vector<16xi32>
        %mul3A_710 = arith.constant 320 : i32
        %mul3A_711 = vector.broadcast %mul3A_710 : i32 to vector<16xi32>
        %mul3A_712 = arith.muli %and3A_709, %mul3A_711 : vector<16xi32>
        %shift_right_arithmetic3A_713 = arith.constant 2 : i32
        %shift_right_arithmetic3A_714 = vector.broadcast %shift_right_arithmetic3A_713 : i32 to vector<16xi32>
        %shift_right_arithmetic3A_715 = arith.shrsi %add3A_706, %shift_right_arithmetic3A_714 : vector<16xi32>
        %add3A_716 = arith.addi %mul3A_712, %shift_right_arithmetic3A_715 : vector<16xi32>
        %gather3A_717 = arith.constant 0 : i32
        %gather3A_718 = tpu.memref_slice %arg5[%rem3A_114, %gather3A_717] : memref<2x1280xi32, #tpu.memory_space<vmem>> -> memref<1x1280xi32, #tpu.memory_space<vmem>>
        %gather3A_719 = tpu.memref_squeeze %gather3A_718 : memref<1x1280xi32, #tpu.memory_space<vmem>> -> memref<1280xi32, #tpu.memory_space<vmem>>
        %gather3A_720 = tpu.vector_load_idx %gather3A_719[%add3A_716] : memref<1280xi32, #tpu.memory_space<vmem>>[vector<16xi32>], vector<16xi32>,
        %swap3A_721 = arith.index_cast %rem3A_114 : i32 to index
        %swap3A_722 = arith.constant 432 : index
        %swap3A_723 = tpu.vector_load %arg6[%swap3A_721, %swap3A_722] {strides = array<i32>} : memref<2x1280xi32, #tpu.memory_space<vmem>>, vector<16xi32>,
        tpu.vector_store %arg6[%swap3A_721, %swap3A_722], %gather3A_720 {strides = array<i32>} : memref<2x1280xi32, #tpu.memory_space<vmem>>, vector<16xi32>,
        %add3A_724 = arith.constant 448 : i32
        %add3A_725 = vector.broadcast %add3A_724 : i32 to vector<16xi32>
        %add3A_726 = arith.addi %iota3A, %add3A_725 : vector<16xi32>
        %and3A_727 = arith.constant 3 : i32
        %and3A_728 = vector.broadcast %and3A_727 : i32 to vector<16xi32>
        %and3A_729 = arith.andi %add3A_726, %and3A_728 : vector<16xi32>
        %mul3A_730 = arith.constant 320 : i32
        %mul3A_731 = vector.broadcast %mul3A_730 : i32 to vector<16xi32>
        %mul3A_732 = arith.muli %and3A_729, %mul3A_731 : vector<16xi32>
        %shift_right_arithmetic3A_733 = arith.constant 2 : i32
        %shift_right_arithmetic3A_734 = vector.broadcast %shift_right_arithmetic3A_733 : i32 to vector<16xi32>
        %shift_right_arithmetic3A_735 = arith.shrsi %add3A_726, %shift_right_arithmetic3A_734 : vector<16xi32>
        %add3A_736 = arith.addi %mul3A_732, %shift_right_arithmetic3A_735 : vector<16xi32>
        %gather3A_737 = arith.constant 0 : i32
        %gather3A_738 = tpu.memref_slice %arg5[%rem3A_114, %gather3A_737] : memref<2x1280xi32, #tpu.memory_space<vmem>> -> memref<1x1280xi32, #tpu.memory_space<vmem>>
        %gather3A_739 = tpu.memref_squeeze %gather3A_738 : memref<1x1280xi32, #tpu.memory_space<vmem>> -> memref<1280xi32, #tpu.memory_space<vmem>>
        %gather3A_740 = tpu.vector_load_idx %gather3A_739[%add3A_736] : memref<1280xi32, #tpu.memory_space<vmem>>[vector<16xi32>], vector<16xi32>,
        %swap3A_741 = arith.index_cast %rem3A_114 : i32 to index
        %swap3A_742 = arith.constant 448 : index
        %swap3A_743 = tpu.vector_load %arg6[%swap3A_741, %swap3A_742] {strides = array<i32>} : memref<2x1280xi32, #tpu.memory_space<vmem>>, vector<16xi32>,
        tpu.vector_store %arg6[%swap3A_741, %swap3A_742], %gather3A_740 {strides = array<i32>} : memref<2x1280xi32, #tpu.memory_space<vmem>>, vector<16xi32>,
        %add3A_744 = arith.constant 464 : i32
        %add3A_745 = vector.broadcast %add3A_744 : i32 to vector<16xi32>
        %add3A_746 = arith.addi %iota3A, %add3A_745 : vector<16xi32>
        %and3A_747 = arith.constant 3 : i32
        %and3A_748 = vector.broadcast %and3A_747 : i32 to vector<16xi32>
        %and3A_749 = arith.andi %add3A_746, %and3A_748 : vector<16xi32>
        %mul3A_750 = arith.constant 320 : i32
        %mul3A_751 = vector.broadcast %mul3A_750 : i32 to vector<16xi32>
        %mul3A_752 = arith.muli %and3A_749, %mul3A_751 : vector<16xi32>
        %shift_right_arithmetic3A_753 = arith.constant 2 : i32
        %shift_right_arithmetic3A_754 = vector.broadcast %shift_right_arithmetic3A_753 : i32 to vector<16xi32>
        %shift_right_arithmetic3A_755 = arith.shrsi %add3A_746, %shift_right_arithmetic3A_754 : vector<16xi32>
        %add3A_756 = arith.addi %mul3A_752, %shift_right_arithmetic3A_755 : vector<16xi32>
        %gather3A_757 = arith.constant 0 : i32
        %gather3A_758 = tpu.memref_slice %arg5[%rem3A_114, %gather3A_757] : memref<2x1280xi32, #tpu.memory_space<vmem>> -> memref<1x1280xi32, #tpu.memory_space<vmem>>
        %gather3A_759 = tpu.memref_squeeze %gather3A_758 : memref<1x1280xi32, #tpu.memory_space<vmem>> -> memref<1280xi32, #tpu.memory_space<vmem>>
        %gather3A_760 = tpu.vector_load_idx %gather3A_759[%add3A_756] : memref<1280xi32, #tpu.memory_space<vmem>>[vector<16xi32>], vector<16xi32>,
        %swap3A_761 = arith.index_cast %rem3A_114 : i32 to index
        %swap3A_762 = arith.constant 464 : index
        %swap3A_763 = tpu.vector_load %arg6[%swap3A_761, %swap3A_762] {strides = array<i32>} : memref<2x1280xi32, #tpu.memory_space<vmem>>, vector<16xi32>,
        tpu.vector_store %arg6[%swap3A_761, %swap3A_762], %gather3A_760 {strides = array<i32>} : memref<2x1280xi32, #tpu.memory_space<vmem>>, vector<16xi32>,
        %add3A_764 = arith.constant 480 : i32
        %add3A_765 = vector.broadcast %add3A_764 : i32 to vector<16xi32>
        %add3A_766 = arith.addi %iota3A, %add3A_765 : vector<16xi32>
        %and3A_767 = arith.constant 3 : i32
        %and3A_768 = vector.broadcast %and3A_767 : i32 to vector<16xi32>
        %and3A_769 = arith.andi %add3A_766, %and3A_768 : vector<16xi32>
        %mul3A_770 = arith.constant 320 : i32
        %mul3A_771 = vector.broadcast %mul3A_770 : i32 to vector<16xi32>
        %mul3A_772 = arith.muli %and3A_769, %mul3A_771 : vector<16xi32>
        %shift_right_arithmetic3A_773 = arith.constant 2 : i32
        %shift_right_arithmetic3A_774 = vector.broadcast %shift_right_arithmetic3A_773 : i32 to vector<16xi32>
        %shift_right_arithmetic3A_775 = arith.shrsi %add3A_766, %shift_right_arithmetic3A_774 : vector<16xi32>
        %add3A_776 = arith.addi %mul3A_772, %shift_right_arithmetic3A_775 : vector<16xi32>
        %gather3A_777 = arith.constant 0 : i32
        %gather3A_778 = tpu.memref_slice %arg5[%rem3A_114, %gather3A_777] : memref<2x1280xi32, #tpu.memory_space<vmem>> -> memref<1x1280xi32, #tpu.memory_space<vmem>>
        %gather3A_779 = tpu.memref_squeeze %gather3A_778 : memref<1x1280xi32, #tpu.memory_space<vmem>> -> memref<1280xi32, #tpu.memory_space<vmem>>
        %gather3A_780 = tpu.vector_load_idx %gather3A_779[%add3A_776] : memref<1280xi32, #tpu.memory_space<vmem>>[vector<16xi32>], vector<16xi32>,
        %swap3A_781 = arith.index_cast %rem3A_114 : i32 to index
        %swap3A_782 = arith.constant 480 : index
        %swap3A_783 = tpu.vector_load %arg6[%swap3A_781, %swap3A_782] {strides = array<i32>} : memref<2x1280xi32, #tpu.memory_space<vmem>>, vector<16xi32>,
        tpu.vector_store %arg6[%swap3A_781, %swap3A_782], %gather3A_780 {strides = array<i32>} : memref<2x1280xi32, #tpu.memory_space<vmem>>, vector<16xi32>,
        %add3A_784 = arith.constant 496 : i32
        %add3A_785 = vector.broadcast %add3A_784 : i32 to vector<16xi32>
        %add3A_786 = arith.addi %iota3A, %add3A_785 : vector<16xi32>
        %and3A_787 = arith.constant 3 : i32
        %and3A_788 = vector.broadcast %and3A_787 : i32 to vector<16xi32>
        %and3A_789 = arith.andi %add3A_786, %and3A_788 : vector<16xi32>
        %mul3A_790 = arith.constant 320 : i32
        %mul3A_791 = vector.broadcast %mul3A_790 : i32 to vector<16xi32>
        %mul3A_792 = arith.muli %and3A_789, %mul3A_791 : vector<16xi32>
        %shift_right_arithmetic3A_793 = arith.constant 2 : i32
        %shift_right_arithmetic3A_794 = vector.broadcast %shift_right_arithmetic3A_793 : i32 to vector<16xi32>
        %shift_right_arithmetic3A_795 = arith.shrsi %add3A_786, %shift_right_arithmetic3A_794 : vector<16xi32>
        %add3A_796 = arith.addi %mul3A_792, %shift_right_arithmetic3A_795 : vector<16xi32>
        %gather3A_797 = arith.constant 0 : i32
        %gather3A_798 = tpu.memref_slice %arg5[%rem3A_114, %gather3A_797] : memref<2x1280xi32, #tpu.memory_space<vmem>> -> memref<1x1280xi32, #tpu.memory_space<vmem>>
        %gather3A_799 = tpu.memref_squeeze %gather3A_798 : memref<1x1280xi32, #tpu.memory_space<vmem>> -> memref<1280xi32, #tpu.memory_space<vmem>>
        %gather3A_800 = tpu.vector_load_idx %gather3A_799[%add3A_796] : memref<1280xi32, #tpu.memory_space<vmem>>[vector<16xi32>], vector<16xi32>,
        %swap3A_801 = arith.index_cast %rem3A_114 : i32 to index
        %swap3A_802 = arith.constant 496 : index
        %swap3A_803 = tpu.vector_load %arg6[%swap3A_801, %swap3A_802] {strides = array<i32>} : memref<2x1280xi32, #tpu.memory_space<vmem>>, vector<16xi32>,
        tpu.vector_store %arg6[%swap3A_801, %swap3A_802], %gather3A_800 {strides = array<i32>} : memref<2x1280xi32, #tpu.memory_space<vmem>>, vector<16xi32>,
        %add3A_804 = arith.constant 512 : i32
        %add3A_805 = vector.broadcast %add3A_804 : i32 to vector<16xi32>
        %add3A_806 = arith.addi %iota3A, %add3A_805 : vector<16xi32>
        %and3A_807 = arith.constant 3 : i32
        %and3A_808 = vector.broadcast %and3A_807 : i32 to vector<16xi32>
        %and3A_809 = arith.andi %add3A_806, %and3A_808 : vector<16xi32>
        %mul3A_810 = arith.constant 320 : i32
        %mul3A_811 = vector.broadcast %mul3A_810 : i32 to vector<16xi32>
        %mul3A_812 = arith.muli %and3A_809, %mul3A_811 : vector<16xi32>
        %shift_right_arithmetic3A_813 = arith.constant 2 : i32
        %shift_right_arithmetic3A_814 = vector.broadcast %shift_right_arithmetic3A_813 : i32 to vector<16xi32>
        %shift_right_arithmetic3A_815 = arith.shrsi %add3A_806, %shift_right_arithmetic3A_814 : vector<16xi32>
        %add3A_816 = arith.addi %mul3A_812, %shift_right_arithmetic3A_815 : vector<16xi32>
        %gather3A_817 = arith.constant 0 : i32
        %gather3A_818 = tpu.memref_slice %arg5[%rem3A_114, %gather3A_817] : memref<2x1280xi32, #tpu.memory_space<vmem>> -> memref<1x1280xi32, #tpu.memory_space<vmem>>
        %gather3A_819 = tpu.memref_squeeze %gather3A_818 : memref<1x1280xi32, #tpu.memory_space<vmem>> -> memref<1280xi32, #tpu.memory_space<vmem>>
        %gather3A_820 = tpu.vector_load_idx %gather3A_819[%add3A_816] : memref<1280xi32, #tpu.memory_space<vmem>>[vector<16xi32>], vector<16xi32>,
        %swap3A_821 = arith.index_cast %rem3A_114 : i32 to index
        %swap3A_822 = arith.constant 512 : index
        %swap3A_823 = tpu.vector_load %arg6[%swap3A_821, %swap3A_822] {strides = array<i32>} : memref<2x1280xi32, #tpu.memory_space<vmem>>, vector<16xi32>,
        tpu.vector_store %arg6[%swap3A_821, %swap3A_822], %gather3A_820 {strides = array<i32>} : memref<2x1280xi32, #tpu.memory_space<vmem>>, vector<16xi32>,
        %add3A_824 = arith.constant 528 : i32
        %add3A_825 = vector.broadcast %add3A_824 : i32 to vector<16xi32>
        %add3A_826 = arith.addi %iota3A, %add3A_825 : vector<16xi32>
        %and3A_827 = arith.constant 3 : i32
        %and3A_828 = vector.broadcast %and3A_827 : i32 to vector<16xi32>
        %and3A_829 = arith.andi %add3A_826, %and3A_828 : vector<16xi32>
        %mul3A_830 = arith.constant 320 : i32
        %mul3A_831 = vector.broadcast %mul3A_830 : i32 to vector<16xi32>
        %mul3A_832 = arith.muli %and3A_829, %mul3A_831 : vector<16xi32>
        %shift_right_arithmetic3A_833 = arith.constant 2 : i32
        %shift_right_arithmetic3A_834 = vector.broadcast %shift_right_arithmetic3A_833 : i32 to vector<16xi32>
        %shift_right_arithmetic3A_835 = arith.shrsi %add3A_826, %shift_right_arithmetic3A_834 : vector<16xi32>
        %add3A_836 = arith.addi %mul3A_832, %shift_right_arithmetic3A_835 : vector<16xi32>
        %gather3A_837 = arith.constant 0 : i32
        %gather3A_838 = tpu.memref_slice %arg5[%rem3A_114, %gather3A_837] : memref<2x1280xi32, #tpu.memory_space<vmem>> -> memref<1x1280xi32, #tpu.memory_space<vmem>>
        %gather3A_839 = tpu.memref_squeeze %gather3A_838 : memref<1x1280xi32, #tpu.memory_space<vmem>> -> memref<1280xi32, #tpu.memory_space<vmem>>
        %gather3A_840 = tpu.vector_load_idx %gather3A_839[%add3A_836] : memref<1280xi32, #tpu.memory_space<vmem>>[vector<16xi32>], vector<16xi32>,
        %swap3A_841 = arith.index_cast %rem3A_114 : i32 to index
        %swap3A_842 = arith.constant 528 : index
        %swap3A_843 = tpu.vector_load %arg6[%swap3A_841, %swap3A_842] {strides = array<i32>} : memref<2x1280xi32, #tpu.memory_space<vmem>>, vector<16xi32>,
        tpu.vector_store %arg6[%swap3A_841, %swap3A_842], %gather3A_840 {strides = array<i32>} : memref<2x1280xi32, #tpu.memory_space<vmem>>, vector<16xi32>,
        %add3A_844 = arith.constant 544 : i32
        %add3A_845 = vector.broadcast %add3A_844 : i32 to vector<16xi32>
        %add3A_846 = arith.addi %iota3A, %add3A_845 : vector<16xi32>
        %and3A_847 = arith.constant 3 : i32
        %and3A_848 = vector.broadcast %and3A_847 : i32 to vector<16xi32>
        %and3A_849 = arith.andi %add3A_846, %and3A_848 : vector<16xi32>
        %mul3A_850 = arith.constant 320 : i32
        %mul3A_851 = vector.broadcast %mul3A_850 : i32 to vector<16xi32>
        %mul3A_852 = arith.muli %and3A_849, %mul3A_851 : vector<16xi32>
        %shift_right_arithmetic3A_853 = arith.constant 2 : i32
        %shift_right_arithmetic3A_854 = vector.broadcast %shift_right_arithmetic3A_853 : i32 to vector<16xi32>
        %shift_right_arithmetic3A_855 = arith.shrsi %add3A_846, %shift_right_arithmetic3A_854 : vector<16xi32>
        %add3A_856 = arith.addi %mul3A_852, %shift_right_arithmetic3A_855 : vector<16xi32>
        %gather3A_857 = arith.constant 0 : i32
        %gather3A_858 = tpu.memref_slice %arg5[%rem3A_114, %gather3A_857] : memref<2x1280xi32, #tpu.memory_space<vmem>> -> memref<1x1280xi32, #tpu.memory_space<vmem>>
        %gather3A_859 = tpu.memref_squeeze %gather3A_858 : memref<1x1280xi32, #tpu.memory_space<vmem>> -> memref<1280xi32, #tpu.memory_space<vmem>>
        %gather3A_860 = tpu.vector_load_idx %gather3A_859[%add3A_856] : memref<1280xi32, #tpu.memory_space<vmem>>[vector<16xi32>], vector<16xi32>,
        %swap3A_861 = arith.index_cast %rem3A_114 : i32 to index
        %swap3A_862 = arith.constant 544 : index
        %swap3A_863 = tpu.vector_load %arg6[%swap3A_861, %swap3A_862] {strides = array<i32>} : memref<2x1280xi32, #tpu.memory_space<vmem>>, vector<16xi32>,
        tpu.vector_store %arg6[%swap3A_861, %swap3A_862], %gather3A_860 {strides = array<i32>} : memref<2x1280xi32, #tpu.memory_space<vmem>>, vector<16xi32>,
        %add3A_864 = arith.constant 560 : i32
        %add3A_865 = vector.broadcast %add3A_864 : i32 to vector<16xi32>
        %add3A_866 = arith.addi %iota3A, %add3A_865 : vector<16xi32>
        %and3A_867 = arith.constant 3 : i32
        %and3A_868 = vector.broadcast %and3A_867 : i32 to vector<16xi32>
        %and3A_869 = arith.andi %add3A_866, %and3A_868 : vector<16xi32>
        %mul3A_870 = arith.constant 320 : i32
        %mul3A_871 = vector.broadcast %mul3A_870 : i32 to vector<16xi32>
        %mul3A_872 = arith.muli %and3A_869, %mul3A_871 : vector<16xi32>
        %shift_right_arithmetic3A_873 = arith.constant 2 : i32
        %shift_right_arithmetic3A_874 = vector.broadcast %shift_right_arithmetic3A_873 : i32 to vector<16xi32>
        %shift_right_arithmetic3A_875 = arith.shrsi %add3A_866, %shift_right_arithmetic3A_874 : vector<16xi32>
        %add3A_876 = arith.addi %mul3A_872, %shift_right_arithmetic3A_875 : vector<16xi32>
        %gather3A_877 = arith.constant 0 : i32
        %gather3A_878 = tpu.memref_slice %arg5[%rem3A_114, %gather3A_877] : memref<2x1280xi32, #tpu.memory_space<vmem>> -> memref<1x1280xi32, #tpu.memory_space<vmem>>
        %gather3A_879 = tpu.memref_squeeze %gather3A_878 : memref<1x1280xi32, #tpu.memory_space<vmem>> -> memref<1280xi32, #tpu.memory_space<vmem>>
        %gather3A_880 = tpu.vector_load_idx %gather3A_879[%add3A_876] : memref<1280xi32, #tpu.memory_space<vmem>>[vector<16xi32>], vector<16xi32>,
        %swap3A_881 = arith.index_cast %rem3A_114 : i32 to index
        %swap3A_882 = arith.constant 560 : index
        %swap3A_883 = tpu.vector_load %arg6[%swap3A_881, %swap3A_882] {strides = array<i32>} : memref<2x1280xi32, #tpu.memory_space<vmem>>, vector<16xi32>,
        tpu.vector_store %arg6[%swap3A_881, %swap3A_882], %gather3A_880 {strides = array<i32>} : memref<2x1280xi32, #tpu.memory_space<vmem>>, vector<16xi32>,
        %add3A_884 = arith.constant 576 : i32
        %add3A_885 = vector.broadcast %add3A_884 : i32 to vector<16xi32>
        %add3A_886 = arith.addi %iota3A, %add3A_885 : vector<16xi32>
        %and3A_887 = arith.constant 3 : i32
        %and3A_888 = vector.broadcast %and3A_887 : i32 to vector<16xi32>
        %and3A_889 = arith.andi %add3A_886, %and3A_888 : vector<16xi32>
        %mul3A_890 = arith.constant 320 : i32
        %mul3A_891 = vector.broadcast %mul3A_890 : i32 to vector<16xi32>
        %mul3A_892 = arith.muli %and3A_889, %mul3A_891 : vector<16xi32>
        %shift_right_arithmetic3A_893 = arith.constant 2 : i32
        %shift_right_arithmetic3A_894 = vector.broadcast %shift_right_arithmetic3A_893 : i32 to vector<16xi32>
        %shift_right_arithmetic3A_895 = arith.shrsi %add3A_886, %shift_right_arithmetic3A_894 : vector<16xi32>
        %add3A_896 = arith.addi %mul3A_892, %shift_right_arithmetic3A_895 : vector<16xi32>
        %gather3A_897 = arith.constant 0 : i32
        %gather3A_898 = tpu.memref_slice %arg5[%rem3A_114, %gather3A_897] : memref<2x1280xi32, #tpu.memory_space<vmem>> -> memref<1x1280xi32, #tpu.memory_space<vmem>>
        %gather3A_899 = tpu.memref_squeeze %gather3A_898 : memref<1x1280xi32, #tpu.memory_space<vmem>> -> memref<1280xi32, #tpu.memory_space<vmem>>
        %gather3A_900 = tpu.vector_load_idx %gather3A_899[%add3A_896] : memref<1280xi32, #tpu.memory_space<vmem>>[vector<16xi32>], vector<16xi32>,
        %swap3A_901 = arith.index_cast %rem3A_114 : i32 to index
        %swap3A_902 = arith.constant 576 : index
        %swap3A_903 = tpu.vector_load %arg6[%swap3A_901, %swap3A_902] {strides = array<i32>} : memref<2x1280xi32, #tpu.memory_space<vmem>>, vector<16xi32>,
        tpu.vector_store %arg6[%swap3A_901, %swap3A_902], %gather3A_900 {strides = array<i32>} : memref<2x1280xi32, #tpu.memory_space<vmem>>, vector<16xi32>,
        %add3A_904 = arith.constant 592 : i32
        %add3A_905 = vector.broadcast %add3A_904 : i32 to vector<16xi32>
        %add3A_906 = arith.addi %iota3A, %add3A_905 : vector<16xi32>
        %and3A_907 = arith.constant 3 : i32
        %and3A_908 = vector.broadcast %and3A_907 : i32 to vector<16xi32>
        %and3A_909 = arith.andi %add3A_906, %and3A_908 : vector<16xi32>
        %mul3A_910 = arith.constant 320 : i32
        %mul3A_911 = vector.broadcast %mul3A_910 : i32 to vector<16xi32>
        %mul3A_912 = arith.muli %and3A_909, %mul3A_911 : vector<16xi32>
        %shift_right_arithmetic3A_913 = arith.constant 2 : i32
        %shift_right_arithmetic3A_914 = vector.broadcast %shift_right_arithmetic3A_913 : i32 to vector<16xi32>
        %shift_right_arithmetic3A_915 = arith.shrsi %add3A_906, %shift_right_arithmetic3A_914 : vector<16xi32>
        %add3A_916 = arith.addi %mul3A_912, %shift_right_arithmetic3A_915 : vector<16xi32>
        %gather3A_917 = arith.constant 0 : i32
        %gather3A_918 = tpu.memref_slice %arg5[%rem3A_114, %gather3A_917] : memref<2x1280xi32, #tpu.memory_space<vmem>> -> memref<1x1280xi32, #tpu.memory_space<vmem>>
        %gather3A_919 = tpu.memref_squeeze %gather3A_918 : memref<1x1280xi32, #tpu.memory_space<vmem>> -> memref<1280xi32, #tpu.memory_space<vmem>>
        %gather3A_920 = tpu.vector_load_idx %gather3A_919[%add3A_916] : memref<1280xi32, #tpu.memory_space<vmem>>[vector<16xi32>], vector<16xi32>,
        %swap3A_921 = arith.index_cast %rem3A_114 : i32 to index
        %swap3A_922 = arith.constant 592 : index
        %swap3A_923 = tpu.vector_load %arg6[%swap3A_921, %swap3A_922] {strides = array<i32>} : memref<2x1280xi32, #tpu.memory_space<vmem>>, vector<16xi32>,
        tpu.vector_store %arg6[%swap3A_921, %swap3A_922], %gather3A_920 {strides = array<i32>} : memref<2x1280xi32, #tpu.memory_space<vmem>>, vector<16xi32>,
        %add3A_924 = arith.constant 608 : i32
        %add3A_925 = vector.broadcast %add3A_924 : i32 to vector<16xi32>
        %add3A_926 = arith.addi %iota3A, %add3A_925 : vector<16xi32>
        %and3A_927 = arith.constant 3 : i32
        %and3A_928 = vector.broadcast %and3A_927 : i32 to vector<16xi32>
        %and3A_929 = arith.andi %add3A_926, %and3A_928 : vector<16xi32>
        %mul3A_930 = arith.constant 320 : i32
        %mul3A_931 = vector.broadcast %mul3A_930 : i32 to vector<16xi32>
        %mul3A_932 = arith.muli %and3A_929, %mul3A_931 : vector<16xi32>
        %shift_right_arithmetic3A_933 = arith.constant 2 : i32
        %shift_right_arithmetic3A_934 = vector.broadcast %shift_right_arithmetic3A_933 : i32 to vector<16xi32>
        %shift_right_arithmetic3A_935 = arith.shrsi %add3A_926, %shift_right_arithmetic3A_934 : vector<16xi32>
        %add3A_936 = arith.addi %mul3A_932, %shift_right_arithmetic3A_935 : vector<16xi32>
        %gather3A_937 = arith.constant 0 : i32
        %gather3A_938 = tpu.memref_slice %arg5[%rem3A_114, %gather3A_937] : memref<2x1280xi32, #tpu.memory_space<vmem>> -> memref<1x1280xi32, #tpu.memory_space<vmem>>
        %gather3A_939 = tpu.memref_squeeze %gather3A_938 : memref<1x1280xi32, #tpu.memory_space<vmem>> -> memref<1280xi32, #tpu.memory_space<vmem>>
        %gather3A_940 = tpu.vector_load_idx %gather3A_939[%add3A_936] : memref<1280xi32, #tpu.memory_space<vmem>>[vector<16xi32>], vector<16xi32>,
        %swap3A_941 = arith.index_cast %rem3A_114 : i32 to index
        %swap3A_942 = arith.constant 608 : index
        %swap3A_943 = tpu.vector_load %arg6[%swap3A_941, %swap3A_942] {strides = array<i32>} : memref<2x1280xi32, #tpu.memory_space<vmem>>, vector<16xi32>,
        tpu.vector_store %arg6[%swap3A_941, %swap3A_942], %gather3A_940 {strides = array<i32>} : memref<2x1280xi32, #tpu.memory_space<vmem>>, vector<16xi32>,
        %add3A_944 = arith.constant 624 : i32
        %add3A_945 = vector.broadcast %add3A_944 : i32 to vector<16xi32>
        %add3A_946 = arith.addi %iota3A, %add3A_945 : vector<16xi32>
        %and3A_947 = arith.constant 3 : i32
        %and3A_948 = vector.broadcast %and3A_947 : i32 to vector<16xi32>
        %and3A_949 = arith.andi %add3A_946, %and3A_948 : vector<16xi32>
        %mul3A_950 = arith.constant 320 : i32
        %mul3A_951 = vector.broadcast %mul3A_950 : i32 to vector<16xi32>
        %mul3A_952 = arith.muli %and3A_949, %mul3A_951 : vector<16xi32>
        %shift_right_arithmetic3A_953 = arith.constant 2 : i32
        %shift_right_arithmetic3A_954 = vector.broadcast %shift_right_arithmetic3A_953 : i32 to vector<16xi32>
        %shift_right_arithmetic3A_955 = arith.shrsi %add3A_946, %shift_right_arithmetic3A_954 : vector<16xi32>
        %add3A_956 = arith.addi %mul3A_952, %shift_right_arithmetic3A_955 : vector<16xi32>
        %gather3A_957 = arith.constant 0 : i32
        %gather3A_958 = tpu.memref_slice %arg5[%rem3A_114, %gather3A_957] : memref<2x1280xi32, #tpu.memory_space<vmem>> -> memref<1x1280xi32, #tpu.memory_space<vmem>>
        %gather3A_959 = tpu.memref_squeeze %gather3A_958 : memref<1x1280xi32, #tpu.memory_space<vmem>> -> memref<1280xi32, #tpu.memory_space<vmem>>
        %gather3A_960 = tpu.vector_load_idx %gather3A_959[%add3A_956] : memref<1280xi32, #tpu.memory_space<vmem>>[vector<16xi32>], vector<16xi32>,
        %swap3A_961 = arith.index_cast %rem3A_114 : i32 to index
        %swap3A_962 = arith.constant 624 : index
        %swap3A_963 = tpu.vector_load %arg6[%swap3A_961, %swap3A_962] {strides = array<i32>} : memref<2x1280xi32, #tpu.memory_space<vmem>>, vector<16xi32>,
        tpu.vector_store %arg6[%swap3A_961, %swap3A_962], %gather3A_960 {strides = array<i32>} : memref<2x1280xi32, #tpu.memory_space<vmem>>, vector<16xi32>,
        %add3A_964 = arith.constant 640 : i32
        %add3A_965 = vector.broadcast %add3A_964 : i32 to vector<16xi32>
        %add3A_966 = arith.addi %iota3A, %add3A_965 : vector<16xi32>
        %and3A_967 = arith.constant 3 : i32
        %and3A_968 = vector.broadcast %and3A_967 : i32 to vector<16xi32>
        %and3A_969 = arith.andi %add3A_966, %and3A_968 : vector<16xi32>
        %mul3A_970 = arith.constant 320 : i32
        %mul3A_971 = vector.broadcast %mul3A_970 : i32 to vector<16xi32>
        %mul3A_972 = arith.muli %and3A_969, %mul3A_971 : vector<16xi32>
        %shift_right_arithmetic3A_973 = arith.constant 2 : i32
        %shift_right_arithmetic3A_974 = vector.broadcast %shift_right_arithmetic3A_973 : i32 to vector<16xi32>
        %shift_right_arithmetic3A_975 = arith.shrsi %add3A_966, %shift_right_arithmetic3A_974 : vector<16xi32>
        %add3A_976 = arith.addi %mul3A_972, %shift_right_arithmetic3A_975 : vector<16xi32>
        %gather3A_977 = arith.constant 0 : i32
        %gather3A_978 = tpu.memref_slice %arg5[%rem3A_114, %gather3A_977] : memref<2x1280xi32, #tpu.memory_space<vmem>> -> memref<1x1280xi32, #tpu.memory_space<vmem>>
        %gather3A_979 = tpu.memref_squeeze %gather3A_978 : memref<1x1280xi32, #tpu.memory_space<vmem>> -> memref<1280xi32, #tpu.memory_space<vmem>>
        %gather3A_980 = tpu.vector_load_idx %gather3A_979[%add3A_976] : memref<1280xi32, #tpu.memory_space<vmem>>[vector<16xi32>], vector<16xi32>,
        %swap3A_981 = arith.index_cast %rem3A_114 : i32 to index
        %swap3A_982 = arith.constant 640 : index
        %swap3A_983 = tpu.vector_load %arg6[%swap3A_981, %swap3A_982] {strides = array<i32>} : memref<2x1280xi32, #tpu.memory_space<vmem>>, vector<16xi32>,
        tpu.vector_store %arg6[%swap3A_981, %swap3A_982], %gather3A_980 {strides = array<i32>} : memref<2x1280xi32, #tpu.memory_space<vmem>>, vector<16xi32>,
        %add3A_984 = arith.constant 656 : i32
        %add3A_985 = vector.broadcast %add3A_984 : i32 to vector<16xi32>
        %add3A_986 = arith.addi %iota3A, %add3A_985 : vector<16xi32>
        %and3A_987 = arith.constant 3 : i32
        %and3A_988 = vector.broadcast %and3A_987 : i32 to vector<16xi32>
        %and3A_989 = arith.andi %add3A_986, %and3A_988 : vector<16xi32>
        %mul3A_990 = arith.constant 320 : i32
        %mul3A_991 = vector.broadcast %mul3A_990 : i32 to vector<16xi32>
        %mul3A_992 = arith.muli %and3A_989, %mul3A_991 : vector<16xi32>
        %shift_right_arithmetic3A_993 = arith.constant 2 : i32
        %shift_right_arithmetic3A_994 = vector.broadcast %shift_right_arithmetic3A_993 : i32 to vector<16xi32>
        %shift_right_arithmetic3A_995 = arith.shrsi %add3A_986, %shift_right_arithmetic3A_994 : vector<16xi32>
        %add3A_996 = arith.addi %mul3A_992, %shift_right_arithmetic3A_995 : vector<16xi32>
        %gather3A_997 = arith.constant 0 : i32
        %gather3A_998 = tpu.memref_slice %arg5[%rem3A_114, %gather3A_997] : memref<2x1280xi32, #tpu.memory_space<vmem>> -> memref<1x1280xi32, #tpu.memory_space<vmem>>
        %gather3A_999 = tpu.memref_squeeze %gather3A_998 : memref<1x1280xi32, #tpu.memory_space<vmem>> -> memref<1280xi32, #tpu.memory_space<vmem>>
        %gather3A_1000 = tpu.vector_load_idx %gather3A_999[%add3A_996] : memref<1280xi32, #tpu.memory_space<vmem>>[vector<16xi32>], vector<16xi32>,
        %swap3A_1001 = arith.index_cast %rem3A_114 : i32 to index
        %swap3A_1002 = arith.constant 656 : index
        %swap3A_1003 = tpu.vector_load %arg6[%swap3A_1001, %swap3A_1002] {strides = array<i32>} : memref<2x1280xi32, #tpu.memory_space<vmem>>, vector<16xi32>,
        tpu.vector_store %arg6[%swap3A_1001, %swap3A_1002], %gather3A_1000 {strides = array<i32>} : memref<2x1280xi32, #tpu.memory_space<vmem>>, vector<16xi32>,
        %add3A_1004 = arith.constant 672 : i32
        %add3A_1005 = vector.broadcast %add3A_1004 : i32 to vector<16xi32>
        %add3A_1006 = arith.addi %iota3A, %add3A_1005 : vector<16xi32>
        %and3A_1007 = arith.constant 3 : i32
        %and3A_1008 = vector.broadcast %and3A_1007 : i32 to vector<16xi32>
        %and3A_1009 = arith.andi %add3A_1006, %and3A_1008 : vector<16xi32>
        %mul3A_1010 = arith.constant 320 : i32
        %mul3A_1011 = vector.broadcast %mul3A_1010 : i32 to vector<16xi32>
        %mul3A_1012 = arith.muli %and3A_1009, %mul3A_1011 : vector<16xi32>
        %shift_right_arithmetic3A_1013 = arith.constant 2 : i32
        %shift_right_arithmetic3A_1014 = vector.broadcast %shift_right_arithmetic3A_1013 : i32 to vector<16xi32>
        %shift_right_arithmetic3A_1015 = arith.shrsi %add3A_1006, %shift_right_arithmetic3A_1014 : vector<16xi32>
        %add3A_1016 = arith.addi %mul3A_1012, %shift_right_arithmetic3A_1015 : vector<16xi32>
        %gather3A_1017 = arith.constant 0 : i32
        %gather3A_1018 = tpu.memref_slice %arg5[%rem3A_114, %gather3A_1017] : memref<2x1280xi32, #tpu.memory_space<vmem>> -> memref<1x1280xi32, #tpu.memory_space<vmem>>
        %gather3A_1019 = tpu.memref_squeeze %gather3A_1018 : memref<1x1280xi32, #tpu.memory_space<vmem>> -> memref<1280xi32, #tpu.memory_space<vmem>>
        %gather3A_1020 = tpu.vector_load_idx %gather3A_1019[%add3A_1016] : memref<1280xi32, #tpu.memory_space<vmem>>[vector<16xi32>], vector<16xi32>,
        %swap3A_1021 = arith.index_cast %rem3A_114 : i32 to index
        %swap3A_1022 = arith.constant 672 : index
        %swap3A_1023 = tpu.vector_load %arg6[%swap3A_1021, %swap3A_1022] {strides = array<i32>} : memref<2x1280xi32, #tpu.memory_space<vmem>>, vector<16xi32>,
        tpu.vector_store %arg6[%swap3A_1021, %swap3A_1022], %gather3A_1020 {strides = array<i32>} : memref<2x1280xi32, #tpu.memory_space<vmem>>, vector<16xi32>,
        %add3A_1024 = arith.constant 688 : i32
        %add3A_1025 = vector.broadcast %add3A_1024 : i32 to vector<16xi32>
        %add3A_1026 = arith.addi %iota3A, %add3A_1025 : vector<16xi32>
        %and3A_1027 = arith.constant 3 : i32
        %and3A_1028 = vector.broadcast %and3A_1027 : i32 to vector<16xi32>
        %and3A_1029 = arith.andi %add3A_1026, %and3A_1028 : vector<16xi32>
        %mul3A_1030 = arith.constant 320 : i32
        %mul3A_1031 = vector.broadcast %mul3A_1030 : i32 to vector<16xi32>
        %mul3A_1032 = arith.muli %and3A_1029, %mul3A_1031 : vector<16xi32>
        %shift_right_arithmetic3A_1033 = arith.constant 2 : i32
        %shift_right_arithmetic3A_1034 = vector.broadcast %shift_right_arithmetic3A_1033 : i32 to vector<16xi32>
        %shift_right_arithmetic3A_1035 = arith.shrsi %add3A_1026, %shift_right_arithmetic3A_1034 : vector<16xi32>
        %add3A_1036 = arith.addi %mul3A_1032, %shift_right_arithmetic3A_1035 : vector<16xi32>
        %gather3A_1037 = arith.constant 0 : i32
        %gather3A_1038 = tpu.memref_slice %arg5[%rem3A_114, %gather3A_1037] : memref<2x1280xi32, #tpu.memory_space<vmem>> -> memref<1x1280xi32, #tpu.memory_space<vmem>>
        %gather3A_1039 = tpu.memref_squeeze %gather3A_1038 : memref<1x1280xi32, #tpu.memory_space<vmem>> -> memref<1280xi32, #tpu.memory_space<vmem>>
        %gather3A_1040 = tpu.vector_load_idx %gather3A_1039[%add3A_1036] : memref<1280xi32, #tpu.memory_space<vmem>>[vector<16xi32>], vector<16xi32>,
        %swap3A_1041 = arith.index_cast %rem3A_114 : i32 to index
        %swap3A_1042 = arith.constant 688 : index
        %swap3A_1043 = tpu.vector_load %arg6[%swap3A_1041, %swap3A_1042] {strides = array<i32>} : memref<2x1280xi32, #tpu.memory_space<vmem>>, vector<16xi32>,
        tpu.vector_store %arg6[%swap3A_1041, %swap3A_1042], %gather3A_1040 {strides = array<i32>} : memref<2x1280xi32, #tpu.memory_space<vmem>>, vector<16xi32>,
        %add3A_1044 = arith.constant 704 : i32
        %add3A_1045 = vector.broadcast %add3A_1044 : i32 to vector<16xi32>
        %add3A_1046 = arith.addi %iota3A, %add3A_1045 : vector<16xi32>
        %and3A_1047 = arith.constant 3 : i32
        %and3A_1048 = vector.broadcast %and3A_1047 : i32 to vector<16xi32>
        %and3A_1049 = arith.andi %add3A_1046, %and3A_1048 : vector<16xi32>
        %mul3A_1050 = arith.constant 320 : i32
        %mul3A_1051 = vector.broadcast %mul3A_1050 : i32 to vector<16xi32>
        %mul3A_1052 = arith.muli %and3A_1049, %mul3A_1051 : vector<16xi32>
        %shift_right_arithmetic3A_1053 = arith.constant 2 : i32
        %shift_right_arithmetic3A_1054 = vector.broadcast %shift_right_arithmetic3A_1053 : i32 to vector<16xi32>
        %shift_right_arithmetic3A_1055 = arith.shrsi %add3A_1046, %shift_right_arithmetic3A_1054 : vector<16xi32>
        %add3A_1056 = arith.addi %mul3A_1052, %shift_right_arithmetic3A_1055 : vector<16xi32>
        %gather3A_1057 = arith.constant 0 : i32
        %gather3A_1058 = tpu.memref_slice %arg5[%rem3A_114, %gather3A_1057] : memref<2x1280xi32, #tpu.memory_space<vmem>> -> memref<1x1280xi32, #tpu.memory_space<vmem>>
        %gather3A_1059 = tpu.memref_squeeze %gather3A_1058 : memref<1x1280xi32, #tpu.memory_space<vmem>> -> memref<1280xi32, #tpu.memory_space<vmem>>
        %gather3A_1060 = tpu.vector_load_idx %gather3A_1059[%add3A_1056] : memref<1280xi32, #tpu.memory_space<vmem>>[vector<16xi32>], vector<16xi32>,
        %swap3A_1061 = arith.index_cast %rem3A_114 : i32 to index
        %swap3A_1062 = arith.constant 704 : index
        %swap3A_1063 = tpu.vector_load %arg6[%swap3A_1061, %swap3A_1062] {strides = array<i32>} : memref<2x1280xi32, #tpu.memory_space<vmem>>, vector<16xi32>,
        tpu.vector_store %arg6[%swap3A_1061, %swap3A_1062], %gather3A_1060 {strides = array<i32>} : memref<2x1280xi32, #tpu.memory_space<vmem>>, vector<16xi32>,
        %add3A_1064 = arith.constant 720 : i32
        %add3A_1065 = vector.broadcast %add3A_1064 : i32 to vector<16xi32>
        %add3A_1066 = arith.addi %iota3A, %add3A_1065 : vector<16xi32>
        %and3A_1067 = arith.constant 3 : i32
        %and3A_1068 = vector.broadcast %and3A_1067 : i32 to vector<16xi32>
        %and3A_1069 = arith.andi %add3A_1066, %and3A_1068 : vector<16xi32>
        %mul3A_1070 = arith.constant 320 : i32
        %mul3A_1071 = vector.broadcast %mul3A_1070 : i32 to vector<16xi32>
        %mul3A_1072 = arith.muli %and3A_1069, %mul3A_1071 : vector<16xi32>
        %shift_right_arithmetic3A_1073 = arith.constant 2 : i32
        %shift_right_arithmetic3A_1074 = vector.broadcast %shift_right_arithmetic3A_1073 : i32 to vector<16xi32>
        %shift_right_arithmetic3A_1075 = arith.shrsi %add3A_1066, %shift_right_arithmetic3A_1074 : vector<16xi32>
        %add3A_1076 = arith.addi %mul3A_1072, %shift_right_arithmetic3A_1075 : vector<16xi32>
        %gather3A_1077 = arith.constant 0 : i32
        %gather3A_1078 = tpu.memref_slice %arg5[%rem3A_114, %gather3A_1077] : memref<2x1280xi32, #tpu.memory_space<vmem>> -> memref<1x1280xi32, #tpu.memory_space<vmem>>
        %gather3A_1079 = tpu.memref_squeeze %gather3A_1078 : memref<1x1280xi32, #tpu.memory_space<vmem>> -> memref<1280xi32, #tpu.memory_space<vmem>>
        %gather3A_1080 = tpu.vector_load_idx %gather3A_1079[%add3A_1076] : memref<1280xi32, #tpu.memory_space<vmem>>[vector<16xi32>], vector<16xi32>,
        %swap3A_1081 = arith.index_cast %rem3A_114 : i32 to index
        %swap3A_1082 = arith.constant 720 : index
        %swap3A_1083 = tpu.vector_load %arg6[%swap3A_1081, %swap3A_1082] {strides = array<i32>} : memref<2x1280xi32, #tpu.memory_space<vmem>>, vector<16xi32>,
        tpu.vector_store %arg6[%swap3A_1081, %swap3A_1082], %gather3A_1080 {strides = array<i32>} : memref<2x1280xi32, #tpu.memory_space<vmem>>, vector<16xi32>,
        %add3A_1084 = arith.constant 736 : i32
        %add3A_1085 = vector.broadcast %add3A_1084 : i32 to vector<16xi32>
        %add3A_1086 = arith.addi %iota3A, %add3A_1085 : vector<16xi32>
        %and3A_1087 = arith.constant 3 : i32
        %and3A_1088 = vector.broadcast %and3A_1087 : i32 to vector<16xi32>
        %and3A_1089 = arith.andi %add3A_1086, %and3A_1088 : vector<16xi32>
        %mul3A_1090 = arith.constant 320 : i32
        %mul3A_1091 = vector.broadcast %mul3A_1090 : i32 to vector<16xi32>
        %mul3A_1092 = arith.muli %and3A_1089, %mul3A_1091 : vector<16xi32>
        %shift_right_arithmetic3A_1093 = arith.constant 2 : i32
        %shift_right_arithmetic3A_1094 = vector.broadcast %shift_right_arithmetic3A_1093 : i32 to vector<16xi32>
        %shift_right_arithmetic3A_1095 = arith.shrsi %add3A_1086, %shift_right_arithmetic3A_1094 : vector<16xi32>
        %add3A_1096 = arith.addi %mul3A_1092, %shift_right_arithmetic3A_1095 : vector<16xi32>
        %gather3A_1097 = arith.constant 0 : i32
        %gather3A_1098 = tpu.memref_slice %arg5[%rem3A_114, %gather3A_1097] : memref<2x1280xi32, #tpu.memory_space<vmem>> -> memref<1x1280xi32, #tpu.memory_space<vmem>>
        %gather3A_1099 = tpu.memref_squeeze %gather3A_1098 : memref<1x1280xi32, #tpu.memory_space<vmem>> -> memref<1280xi32, #tpu.memory_space<vmem>>
        %gather3A_1100 = tpu.vector_load_idx %gather3A_1099[%add3A_1096] : memref<1280xi32, #tpu.memory_space<vmem>>[vector<16xi32>], vector<16xi32>,
        %swap3A_1101 = arith.index_cast %rem3A_114 : i32 to index
        %swap3A_1102 = arith.constant 736 : index
        %swap3A_1103 = tpu.vector_load %arg6[%swap3A_1101, %swap3A_1102] {strides = array<i32>} : memref<2x1280xi32, #tpu.memory_space<vmem>>, vector<16xi32>,
        tpu.vector_store %arg6[%swap3A_1101, %swap3A_1102], %gather3A_1100 {strides = array<i32>} : memref<2x1280xi32, #tpu.memory_space<vmem>>, vector<16xi32>,
        %add3A_1104 = arith.constant 752 : i32
        %add3A_1105 = vector.broadcast %add3A_1104 : i32 to vector<16xi32>
        %add3A_1106 = arith.addi %iota3A, %add3A_1105 : vector<16xi32>
        %and3A_1107 = arith.constant 3 : i32
        %and3A_1108 = vector.broadcast %and3A_1107 : i32 to vector<16xi32>
        %and3A_1109 = arith.andi %add3A_1106, %and3A_1108 : vector<16xi32>
        %mul3A_1110 = arith.constant 320 : i32
        %mul3A_1111 = vector.broadcast %mul3A_1110 : i32 to vector<16xi32>
        %mul3A_1112 = arith.muli %and3A_1109, %mul3A_1111 : vector<16xi32>
        %shift_right_arithmetic3A_1113 = arith.constant 2 : i32
        %shift_right_arithmetic3A_1114 = vector.broadcast %shift_right_arithmetic3A_1113 : i32 to vector<16xi32>
        %shift_right_arithmetic3A_1115 = arith.shrsi %add3A_1106, %shift_right_arithmetic3A_1114 : vector<16xi32>
        %add3A_1116 = arith.addi %mul3A_1112, %shift_right_arithmetic3A_1115 : vector<16xi32>
        %gather3A_1117 = arith.constant 0 : i32
        %gather3A_1118 = tpu.memref_slice %arg5[%rem3A_114, %gather3A_1117] : memref<2x1280xi32, #tpu.memory_space<vmem>> -> memref<1x1280xi32, #tpu.memory_space<vmem>>
        %gather3A_1119 = tpu.memref_squeeze %gather3A_1118 : memref<1x1280xi32, #tpu.memory_space<vmem>> -> memref<1280xi32, #tpu.memory_space<vmem>>
        %gather3A_1120 = tpu.vector_load_idx %gather3A_1119[%add3A_1116] : memref<1280xi32, #tpu.memory_space<vmem>>[vector<16xi32>], vector<16xi32>,
        %swap3A_1121 = arith.index_cast %rem3A_114 : i32 to index
        %swap3A_1122 = arith.constant 752 : index
        %swap3A_1123 = tpu.vector_load %arg6[%swap3A_1121, %swap3A_1122] {strides = array<i32>} : memref<2x1280xi32, #tpu.memory_space<vmem>>, vector<16xi32>,
        tpu.vector_store %arg6[%swap3A_1121, %swap3A_1122], %gather3A_1120 {strides = array<i32>} : memref<2x1280xi32, #tpu.memory_space<vmem>>, vector<16xi32>,
        %add3A_1124 = arith.constant 768 : i32
        %add3A_1125 = vector.broadcast %add3A_1124 : i32 to vector<16xi32>
        %add3A_1126 = arith.addi %iota3A, %add3A_1125 : vector<16xi32>
        %and3A_1127 = arith.constant 3 : i32
        %and3A_1128 = vector.broadcast %and3A_1127 : i32 to vector<16xi32>
        %and3A_1129 = arith.andi %add3A_1126, %and3A_1128 : vector<16xi32>
        %mul3A_1130 = arith.constant 320 : i32
        %mul3A_1131 = vector.broadcast %mul3A_1130 : i32 to vector<16xi32>
        %mul3A_1132 = arith.muli %and3A_1129, %mul3A_1131 : vector<16xi32>
        %shift_right_arithmetic3A_1133 = arith.constant 2 : i32
        %shift_right_arithmetic3A_1134 = vector.broadcast %shift_right_arithmetic3A_1133 : i32 to vector<16xi32>
        %shift_right_arithmetic3A_1135 = arith.shrsi %add3A_1126, %shift_right_arithmetic3A_1134 : vector<16xi32>
        %add3A_1136 = arith.addi %mul3A_1132, %shift_right_arithmetic3A_1135 : vector<16xi32>
        %gather3A_1137 = arith.constant 0 : i32
        %gather3A_1138 = tpu.memref_slice %arg5[%rem3A_114, %gather3A_1137] : memref<2x1280xi32, #tpu.memory_space<vmem>> -> memref<1x1280xi32, #tpu.memory_space<vmem>>
        %gather3A_1139 = tpu.memref_squeeze %gather3A_1138 : memref<1x1280xi32, #tpu.memory_space<vmem>> -> memref<1280xi32, #tpu.memory_space<vmem>>
        %gather3A_1140 = tpu.vector_load_idx %gather3A_1139[%add3A_1136] : memref<1280xi32, #tpu.memory_space<vmem>>[vector<16xi32>], vector<16xi32>,
        %swap3A_1141 = arith.index_cast %rem3A_114 : i32 to index
        %swap3A_1142 = arith.constant 768 : index
        %swap3A_1143 = tpu.vector_load %arg6[%swap3A_1141, %swap3A_1142] {strides = array<i32>} : memref<2x1280xi32, #tpu.memory_space<vmem>>, vector<16xi32>,
        tpu.vector_store %arg6[%swap3A_1141, %swap3A_1142], %gather3A_1140 {strides = array<i32>} : memref<2x1280xi32, #tpu.memory_space<vmem>>, vector<16xi32>,
        %add3A_1144 = arith.constant 784 : i32
        %add3A_1145 = vector.broadcast %add3A_1144 : i32 to vector<16xi32>
        %add3A_1146 = arith.addi %iota3A, %add3A_1145 : vector<16xi32>
        %and3A_1147 = arith.constant 3 : i32
        %and3A_1148 = vector.broadcast %and3A_1147 : i32 to vector<16xi32>
        %and3A_1149 = arith.andi %add3A_1146, %and3A_1148 : vector<16xi32>
        %mul3A_1150 = arith.constant 320 : i32
        %mul3A_1151 = vector.broadcast %mul3A_1150 : i32 to vector<16xi32>
        %mul3A_1152 = arith.muli %and3A_1149, %mul3A_1151 : vector<16xi32>
        %shift_right_arithmetic3A_1153 = arith.constant 2 : i32
        %shift_right_arithmetic3A_1154 = vector.broadcast %shift_right_arithmetic3A_1153 : i32 to vector<16xi32>
        %shift_right_arithmetic3A_1155 = arith.shrsi %add3A_1146, %shift_right_arithmetic3A_1154 : vector<16xi32>
        %add3A_1156 = arith.addi %mul3A_1152, %shift_right_arithmetic3A_1155 : vector<16xi32>
        %gather3A_1157 = arith.constant 0 : i32
        %gather3A_1158 = tpu.memref_slice %arg5[%rem3A_114, %gather3A_1157] : memref<2x1280xi32, #tpu.memory_space<vmem>> -> memref<1x1280xi32, #tpu.memory_space<vmem>>
        %gather3A_1159 = tpu.memref_squeeze %gather3A_1158 : memref<1x1280xi32, #tpu.memory_space<vmem>> -> memref<1280xi32, #tpu.memory_space<vmem>>
        %gather3A_1160 = tpu.vector_load_idx %gather3A_1159[%add3A_1156] : memref<1280xi32, #tpu.memory_space<vmem>>[vector<16xi32>], vector<16xi32>,
        %swap3A_1161 = arith.index_cast %rem3A_114 : i32 to index
        %swap3A_1162 = arith.constant 784 : index
        %swap3A_1163 = tpu.vector_load %arg6[%swap3A_1161, %swap3A_1162] {strides = array<i32>} : memref<2x1280xi32, #tpu.memory_space<vmem>>, vector<16xi32>,
        tpu.vector_store %arg6[%swap3A_1161, %swap3A_1162], %gather3A_1160 {strides = array<i32>} : memref<2x1280xi32, #tpu.memory_space<vmem>>, vector<16xi32>,
        %add3A_1164 = arith.constant 800 : i32
        %add3A_1165 = vector.broadcast %add3A_1164 : i32 to vector<16xi32>
        %add3A_1166 = arith.addi %iota3A, %add3A_1165 : vector<16xi32>
        %and3A_1167 = arith.constant 3 : i32
        %and3A_1168 = vector.broadcast %and3A_1167 : i32 to vector<16xi32>
        %and3A_1169 = arith.andi %add3A_1166, %and3A_1168 : vector<16xi32>
        %mul3A_1170 = arith.constant 320 : i32
        %mul3A_1171 = vector.broadcast %mul3A_1170 : i32 to vector<16xi32>
        %mul3A_1172 = arith.muli %and3A_1169, %mul3A_1171 : vector<16xi32>
        %shift_right_arithmetic3A_1173 = arith.constant 2 : i32
        %shift_right_arithmetic3A_1174 = vector.broadcast %shift_right_arithmetic3A_1173 : i32 to vector<16xi32>
        %shift_right_arithmetic3A_1175 = arith.shrsi %add3A_1166, %shift_right_arithmetic3A_1174 : vector<16xi32>
        %add3A_1176 = arith.addi %mul3A_1172, %shift_right_arithmetic3A_1175 : vector<16xi32>
        %gather3A_1177 = arith.constant 0 : i32
        %gather3A_1178 = tpu.memref_slice %arg5[%rem3A_114, %gather3A_1177] : memref<2x1280xi32, #tpu.memory_space<vmem>> -> memref<1x1280xi32, #tpu.memory_space<vmem>>
        %gather3A_1179 = tpu.memref_squeeze %gather3A_1178 : memref<1x1280xi32, #tpu.memory_space<vmem>> -> memref<1280xi32, #tpu.memory_space<vmem>>
        %gather3A_1180 = tpu.vector_load_idx %gather3A_1179[%add3A_1176] : memref<1280xi32, #tpu.memory_space<vmem>>[vector<16xi32>], vector<16xi32>,
        %swap3A_1181 = arith.index_cast %rem3A_114 : i32 to index
        %swap3A_1182 = arith.constant 800 : index
        %swap3A_1183 = tpu.vector_load %arg6[%swap3A_1181, %swap3A_1182] {strides = array<i32>} : memref<2x1280xi32, #tpu.memory_space<vmem>>, vector<16xi32>,
        tpu.vector_store %arg6[%swap3A_1181, %swap3A_1182], %gather3A_1180 {strides = array<i32>} : memref<2x1280xi32, #tpu.memory_space<vmem>>, vector<16xi32>,
        %add3A_1184 = arith.constant 816 : i32
        %add3A_1185 = vector.broadcast %add3A_1184 : i32 to vector<16xi32>
        %add3A_1186 = arith.addi %iota3A, %add3A_1185 : vector<16xi32>
        %and3A_1187 = arith.constant 3 : i32
        %and3A_1188 = vector.broadcast %and3A_1187 : i32 to vector<16xi32>
        %and3A_1189 = arith.andi %add3A_1186, %and3A_1188 : vector<16xi32>
        %mul3A_1190 = arith.constant 320 : i32
        %mul3A_1191 = vector.broadcast %mul3A_1190 : i32 to vector<16xi32>
        %mul3A_1192 = arith.muli %and3A_1189, %mul3A_1191 : vector<16xi32>
        %shift_right_arithmetic3A_1193 = arith.constant 2 : i32
        %shift_right_arithmetic3A_1194 = vector.broadcast %shift_right_arithmetic3A_1193 : i32 to vector<16xi32>
        %shift_right_arithmetic3A_1195 = arith.shrsi %add3A_1186, %shift_right_arithmetic3A_1194 : vector<16xi32>
        %add3A_1196 = arith.addi %mul3A_1192, %shift_right_arithmetic3A_1195 : vector<16xi32>
        %gather3A_1197 = arith.constant 0 : i32
        %gather3A_1198 = tpu.memref_slice %arg5[%rem3A_114, %gather3A_1197] : memref<2x1280xi32, #tpu.memory_space<vmem>> -> memref<1x1280xi32, #tpu.memory_space<vmem>>
        %gather3A_1199 = tpu.memref_squeeze %gather3A_1198 : memref<1x1280xi32, #tpu.memory_space<vmem>> -> memref<1280xi32, #tpu.memory_space<vmem>>
        %gather3A_1200 = tpu.vector_load_idx %gather3A_1199[%add3A_1196] : memref<1280xi32, #tpu.memory_space<vmem>>[vector<16xi32>], vector<16xi32>,
        %swap3A_1201 = arith.index_cast %rem3A_114 : i32 to index
        %swap3A_1202 = arith.constant 816 : index
        %swap3A_1203 = tpu.vector_load %arg6[%swap3A_1201, %swap3A_1202] {strides = array<i32>} : memref<2x1280xi32, #tpu.memory_space<vmem>>, vector<16xi32>,
        tpu.vector_store %arg6[%swap3A_1201, %swap3A_1202], %gather3A_1200 {strides = array<i32>} : memref<2x1280xi32, #tpu.memory_space<vmem>>, vector<16xi32>,
        %add3A_1204 = arith.constant 832 : i32
        %add3A_1205 = vector.broadcast %add3A_1204 : i32 to vector<16xi32>
        %add3A_1206 = arith.addi %iota3A, %add3A_1205 : vector<16xi32>
        %and3A_1207 = arith.constant 3 : i32
        %and3A_1208 = vector.broadcast %and3A_1207 : i32 to vector<16xi32>
        %and3A_1209 = arith.andi %add3A_1206, %and3A_1208 : vector<16xi32>
        %mul3A_1210 = arith.constant 320 : i32
        %mul3A_1211 = vector.broadcast %mul3A_1210 : i32 to vector<16xi32>
        %mul3A_1212 = arith.muli %and3A_1209, %mul3A_1211 : vector<16xi32>
        %shift_right_arithmetic3A_1213 = arith.constant 2 : i32
        %shift_right_arithmetic3A_1214 = vector.broadcast %shift_right_arithmetic3A_1213 : i32 to vector<16xi32>
        %shift_right_arithmetic3A_1215 = arith.shrsi %add3A_1206, %shift_right_arithmetic3A_1214 : vector<16xi32>
        %add3A_1216 = arith.addi %mul3A_1212, %shift_right_arithmetic3A_1215 : vector<16xi32>
        %gather3A_1217 = arith.constant 0 : i32
        %gather3A_1218 = tpu.memref_slice %arg5[%rem3A_114, %gather3A_1217] : memref<2x1280xi32, #tpu.memory_space<vmem>> -> memref<1x1280xi32, #tpu.memory_space<vmem>>
        %gather3A_1219 = tpu.memref_squeeze %gather3A_1218 : memref<1x1280xi32, #tpu.memory_space<vmem>> -> memref<1280xi32, #tpu.memory_space<vmem>>
        %gather3A_1220 = tpu.vector_load_idx %gather3A_1219[%add3A_1216] : memref<1280xi32, #tpu.memory_space<vmem>>[vector<16xi32>], vector<16xi32>,
        %swap3A_1221 = arith.index_cast %rem3A_114 : i32 to index
        %swap3A_1222 = arith.constant 832 : index
        %swap3A_1223 = tpu.vector_load %arg6[%swap3A_1221, %swap3A_1222] {strides = array<i32>} : memref<2x1280xi32, #tpu.memory_space<vmem>>, vector<16xi32>,
        tpu.vector_store %arg6[%swap3A_1221, %swap3A_1222], %gather3A_1220 {strides = array<i32>} : memref<2x1280xi32, #tpu.memory_space<vmem>>, vector<16xi32>,
        %add3A_1224 = arith.constant 848 : i32
        %add3A_1225 = vector.broadcast %add3A_1224 : i32 to vector<16xi32>
        %add3A_1226 = arith.addi %iota3A, %add3A_1225 : vector<16xi32>
        %and3A_1227 = arith.constant 3 : i32
        %and3A_1228 = vector.broadcast %and3A_1227 : i32 to vector<16xi32>
        %and3A_1229 = arith.andi %add3A_1226, %and3A_1228 : vector<16xi32>
        %mul3A_1230 = arith.constant 320 : i32
        %mul3A_1231 = vector.broadcast %mul3A_1230 : i32 to vector<16xi32>
        %mul3A_1232 = arith.muli %and3A_1229, %mul3A_1231 : vector<16xi32>
        %shift_right_arithmetic3A_1233 = arith.constant 2 : i32
        %shift_right_arithmetic3A_1234 = vector.broadcast %shift_right_arithmetic3A_1233 : i32 to vector<16xi32>
        %shift_right_arithmetic3A_1235 = arith.shrsi %add3A_1226, %shift_right_arithmetic3A_1234 : vector<16xi32>
        %add3A_1236 = arith.addi %mul3A_1232, %shift_right_arithmetic3A_1235 : vector<16xi32>
        %gather3A_1237 = arith.constant 0 : i32
        %gather3A_1238 = tpu.memref_slice %arg5[%rem3A_114, %gather3A_1237] : memref<2x1280xi32, #tpu.memory_space<vmem>> -> memref<1x1280xi32, #tpu.memory_space<vmem>>
        %gather3A_1239 = tpu.memref_squeeze %gather3A_1238 : memref<1x1280xi32, #tpu.memory_space<vmem>> -> memref<1280xi32, #tpu.memory_space<vmem>>
        %gather3A_1240 = tpu.vector_load_idx %gather3A_1239[%add3A_1236] : memref<1280xi32, #tpu.memory_space<vmem>>[vector<16xi32>], vector<16xi32>,
        %swap3A_1241 = arith.index_cast %rem3A_114 : i32 to index
        %swap3A_1242 = arith.constant 848 : index
        %swap3A_1243 = tpu.vector_load %arg6[%swap3A_1241, %swap3A_1242] {strides = array<i32>} : memref<2x1280xi32, #tpu.memory_space<vmem>>, vector<16xi32>,
        tpu.vector_store %arg6[%swap3A_1241, %swap3A_1242], %gather3A_1240 {strides = array<i32>} : memref<2x1280xi32, #tpu.memory_space<vmem>>, vector<16xi32>,
        %add3A_1244 = arith.constant 864 : i32
        %add3A_1245 = vector.broadcast %add3A_1244 : i32 to vector<16xi32>
        %add3A_1246 = arith.addi %iota3A, %add3A_1245 : vector<16xi32>
        %and3A_1247 = arith.constant 3 : i32
        %and3A_1248 = vector.broadcast %and3A_1247 : i32 to vector<16xi32>
        %and3A_1249 = arith.andi %add3A_1246, %and3A_1248 : vector<16xi32>
        %mul3A_1250 = arith.constant 320 : i32
        %mul3A_1251 = vector.broadcast %mul3A_1250 : i32 to vector<16xi32>
        %mul3A_1252 = arith.muli %and3A_1249, %mul3A_1251 : vector<16xi32>
        %shift_right_arithmetic3A_1253 = arith.constant 2 : i32
        %shift_right_arithmetic3A_1254 = vector.broadcast %shift_right_arithmetic3A_1253 : i32 to vector<16xi32>
        %shift_right_arithmetic3A_1255 = arith.shrsi %add3A_1246, %shift_right_arithmetic3A_1254 : vector<16xi32>
        %add3A_1256 = arith.addi %mul3A_1252, %shift_right_arithmetic3A_1255 : vector<16xi32>
        %gather3A_1257 = arith.constant 0 : i32
        %gather3A_1258 = tpu.memref_slice %arg5[%rem3A_114, %gather3A_1257] : memref<2x1280xi32, #tpu.memory_space<vmem>> -> memref<1x1280xi32, #tpu.memory_space<vmem>>
        %gather3A_1259 = tpu.memref_squeeze %gather3A_1258 : memref<1x1280xi32, #tpu.memory_space<vmem>> -> memref<1280xi32, #tpu.memory_space<vmem>>
        %gather3A_1260 = tpu.vector_load_idx %gather3A_1259[%add3A_1256] : memref<1280xi32, #tpu.memory_space<vmem>>[vector<16xi32>], vector<16xi32>,
        %swap3A_1261 = arith.index_cast %rem3A_114 : i32 to index
        %swap3A_1262 = arith.constant 864 : index
        %swap3A_1263 = tpu.vector_load %arg6[%swap3A_1261, %swap3A_1262] {strides = array<i32>} : memref<2x1280xi32, #tpu.memory_space<vmem>>, vector<16xi32>,
        tpu.vector_store %arg6[%swap3A_1261, %swap3A_1262], %gather3A_1260 {strides = array<i32>} : memref<2x1280xi32, #tpu.memory_space<vmem>>, vector<16xi32>,
        %add3A_1264 = arith.constant 880 : i32
        %add3A_1265 = vector.broadcast %add3A_1264 : i32 to vector<16xi32>
        %add3A_1266 = arith.addi %iota3A, %add3A_1265 : vector<16xi32>
        %and3A_1267 = arith.constant 3 : i32
        %and3A_1268 = vector.broadcast %and3A_1267 : i32 to vector<16xi32>
        %and3A_1269 = arith.andi %add3A_1266, %and3A_1268 : vector<16xi32>
        %mul3A_1270 = arith.constant 320 : i32
        %mul3A_1271 = vector.broadcast %mul3A_1270 : i32 to vector<16xi32>
        %mul3A_1272 = arith.muli %and3A_1269, %mul3A_1271 : vector<16xi32>
        %shift_right_arithmetic3A_1273 = arith.constant 2 : i32
        %shift_right_arithmetic3A_1274 = vector.broadcast %shift_right_arithmetic3A_1273 : i32 to vector<16xi32>
        %shift_right_arithmetic3A_1275 = arith.shrsi %add3A_1266, %shift_right_arithmetic3A_1274 : vector<16xi32>
        %add3A_1276 = arith.addi %mul3A_1272, %shift_right_arithmetic3A_1275 : vector<16xi32>
        %gather3A_1277 = arith.constant 0 : i32
        %gather3A_1278 = tpu.memref_slice %arg5[%rem3A_114, %gather3A_1277] : memref<2x1280xi32, #tpu.memory_space<vmem>> -> memref<1x1280xi32, #tpu.memory_space<vmem>>
        %gather3A_1279 = tpu.memref_squeeze %gather3A_1278 : memref<1x1280xi32, #tpu.memory_space<vmem>> -> memref<1280xi32, #tpu.memory_space<vmem>>
        %gather3A_1280 = tpu.vector_load_idx %gather3A_1279[%add3A_1276] : memref<1280xi32, #tpu.memory_space<vmem>>[vector<16xi32>], vector<16xi32>,
        %swap3A_1281 = arith.index_cast %rem3A_114 : i32 to index
        %swap3A_1282 = arith.constant 880 : index
        %swap3A_1283 = tpu.vector_load %arg6[%swap3A_1281, %swap3A_1282] {strides = array<i32>} : memref<2x1280xi32, #tpu.memory_space<vmem>>, vector<16xi32>,
        tpu.vector_store %arg6[%swap3A_1281, %swap3A_1282], %gather3A_1280 {strides = array<i32>} : memref<2x1280xi32, #tpu.memory_space<vmem>>, vector<16xi32>,
        %add3A_1284 = arith.constant 896 : i32
        %add3A_1285 = vector.broadcast %add3A_1284 : i32 to vector<16xi32>
        %add3A_1286 = arith.addi %iota3A, %add3A_1285 : vector<16xi32>
        %and3A_1287 = arith.constant 3 : i32
        %and3A_1288 = vector.broadcast %and3A_1287 : i32 to vector<16xi32>
        %and3A_1289 = arith.andi %add3A_1286, %and3A_1288 : vector<16xi32>
        %mul3A_1290 = arith.constant 320 : i32
        %mul3A_1291 = vector.broadcast %mul3A_1290 : i32 to vector<16xi32>
        %mul3A_1292 = arith.muli %and3A_1289, %mul3A_1291 : vector<16xi32>
        %shift_right_arithmetic3A_1293 = arith.constant 2 : i32
        %shift_right_arithmetic3A_1294 = vector.broadcast %shift_right_arithmetic3A_1293 : i32 to vector<16xi32>
        %shift_right_arithmetic3A_1295 = arith.shrsi %add3A_1286, %shift_right_arithmetic3A_1294 : vector<16xi32>
        %add3A_1296 = arith.addi %mul3A_1292, %shift_right_arithmetic3A_1295 : vector<16xi32>
        %gather3A_1297 = arith.constant 0 : i32
        %gather3A_1298 = tpu.memref_slice %arg5[%rem3A_114, %gather3A_1297] : memref<2x1280xi32, #tpu.memory_space<vmem>> -> memref<1x1280xi32, #tpu.memory_space<vmem>>
        %gather3A_1299 = tpu.memref_squeeze %gather3A_1298 : memref<1x1280xi32, #tpu.memory_space<vmem>> -> memref<1280xi32, #tpu.memory_space<vmem>>
        %gather3A_1300 = tpu.vector_load_idx %gather3A_1299[%add3A_1296] : memref<1280xi32, #tpu.memory_space<vmem>>[vector<16xi32>], vector<16xi32>,
        %swap3A_1301 = arith.index_cast %rem3A_114 : i32 to index
        %swap3A_1302 = arith.constant 896 : index
        %swap3A_1303 = tpu.vector_load %arg6[%swap3A_1301, %swap3A_1302] {strides = array<i32>} : memref<2x1280xi32, #tpu.memory_space<vmem>>, vector<16xi32>,
        tpu.vector_store %arg6[%swap3A_1301, %swap3A_1302], %gather3A_1300 {strides = array<i32>} : memref<2x1280xi32, #tpu.memory_space<vmem>>, vector<16xi32>,
        %add3A_1304 = arith.constant 912 : i32
        %add3A_1305 = vector.broadcast %add3A_1304 : i32 to vector<16xi32>
        %add3A_1306 = arith.addi %iota3A, %add3A_1305 : vector<16xi32>
        %and3A_1307 = arith.constant 3 : i32
        %and3A_1308 = vector.broadcast %and3A_1307 : i32 to vector<16xi32>
        %and3A_1309 = arith.andi %add3A_1306, %and3A_1308 : vector<16xi32>
        %mul3A_1310 = arith.constant 320 : i32
        %mul3A_1311 = vector.broadcast %mul3A_1310 : i32 to vector<16xi32>
        %mul3A_1312 = arith.muli %and3A_1309, %mul3A_1311 : vector<16xi32>
        %shift_right_arithmetic3A_1313 = arith.constant 2 : i32
        %shift_right_arithmetic3A_1314 = vector.broadcast %shift_right_arithmetic3A_1313 : i32 to vector<16xi32>
        %shift_right_arithmetic3A_1315 = arith.shrsi %add3A_1306, %shift_right_arithmetic3A_1314 : vector<16xi32>
        %add3A_1316 = arith.addi %mul3A_1312, %shift_right_arithmetic3A_1315 : vector<16xi32>
        %gather3A_1317 = arith.constant 0 : i32
        %gather3A_1318 = tpu.memref_slice %arg5[%rem3A_114, %gather3A_1317] : memref<2x1280xi32, #tpu.memory_space<vmem>> -> memref<1x1280xi32, #tpu.memory_space<vmem>>
        %gather3A_1319 = tpu.memref_squeeze %gather3A_1318 : memref<1x1280xi32, #tpu.memory_space<vmem>> -> memref<1280xi32, #tpu.memory_space<vmem>>
        %gather3A_1320 = tpu.vector_load_idx %gather3A_1319[%add3A_1316] : memref<1280xi32, #tpu.memory_space<vmem>>[vector<16xi32>], vector<16xi32>,
        %swap3A_1321 = arith.index_cast %rem3A_114 : i32 to index
        %swap3A_1322 = arith.constant 912 : index
        %swap3A_1323 = tpu.vector_load %arg6[%swap3A_1321, %swap3A_1322] {strides = array<i32>} : memref<2x1280xi32, #tpu.memory_space<vmem>>, vector<16xi32>,
        tpu.vector_store %arg6[%swap3A_1321, %swap3A_1322], %gather3A_1320 {strides = array<i32>} : memref<2x1280xi32, #tpu.memory_space<vmem>>, vector<16xi32>,
        %add3A_1324 = arith.constant 928 : i32
        %add3A_1325 = vector.broadcast %add3A_1324 : i32 to vector<16xi32>
        %add3A_1326 = arith.addi %iota3A, %add3A_1325 : vector<16xi32>
        %and3A_1327 = arith.constant 3 : i32
        %and3A_1328 = vector.broadcast %and3A_1327 : i32 to vector<16xi32>
        %and3A_1329 = arith.andi %add3A_1326, %and3A_1328 : vector<16xi32>
        %mul3A_1330 = arith.constant 320 : i32
        %mul3A_1331 = vector.broadcast %mul3A_1330 : i32 to vector<16xi32>
        %mul3A_1332 = arith.muli %and3A_1329, %mul3A_1331 : vector<16xi32>
        %shift_right_arithmetic3A_1333 = arith.constant 2 : i32
        %shift_right_arithmetic3A_1334 = vector.broadcast %shift_right_arithmetic3A_1333 : i32 to vector<16xi32>
        %shift_right_arithmetic3A_1335 = arith.shrsi %add3A_1326, %shift_right_arithmetic3A_1334 : vector<16xi32>
        %add3A_1336 = arith.addi %mul3A_1332, %shift_right_arithmetic3A_1335 : vector<16xi32>
        %gather3A_1337 = arith.constant 0 : i32
        %gather3A_1338 = tpu.memref_slice %arg5[%rem3A_114, %gather3A_1337] : memref<2x1280xi32, #tpu.memory_space<vmem>> -> memref<1x1280xi32, #tpu.memory_space<vmem>>
        %gather3A_1339 = tpu.memref_squeeze %gather3A_1338 : memref<1x1280xi32, #tpu.memory_space<vmem>> -> memref<1280xi32, #tpu.memory_space<vmem>>
        %gather3A_1340 = tpu.vector_load_idx %gather3A_1339[%add3A_1336] : memref<1280xi32, #tpu.memory_space<vmem>>[vector<16xi32>], vector<16xi32>,
        %swap3A_1341 = arith.index_cast %rem3A_114 : i32 to index
        %swap3A_1342 = arith.constant 928 : index
        %swap3A_1343 = tpu.vector_load %arg6[%swap3A_1341, %swap3A_1342] {strides = array<i32>} : memref<2x1280xi32, #tpu.memory_space<vmem>>, vector<16xi32>,
        tpu.vector_store %arg6[%swap3A_1341, %swap3A_1342], %gather3A_1340 {strides = array<i32>} : memref<2x1280xi32, #tpu.memory_space<vmem>>, vector<16xi32>,
        %add3A_1344 = arith.constant 944 : i32
        %add3A_1345 = vector.broadcast %add3A_1344 : i32 to vector<16xi32>
        %add3A_1346 = arith.addi %iota3A, %add3A_1345 : vector<16xi32>
        %and3A_1347 = arith.constant 3 : i32
        %and3A_1348 = vector.broadcast %and3A_1347 : i32 to vector<16xi32>
        %and3A_1349 = arith.andi %add3A_1346, %and3A_1348 : vector<16xi32>
        %mul3A_1350 = arith.constant 320 : i32
        %mul3A_1351 = vector.broadcast %mul3A_1350 : i32 to vector<16xi32>
        %mul3A_1352 = arith.muli %and3A_1349, %mul3A_1351 : vector<16xi32>
        %shift_right_arithmetic3A_1353 = arith.constant 2 : i32
        %shift_right_arithmetic3A_1354 = vector.broadcast %shift_right_arithmetic3A_1353 : i32 to vector<16xi32>
        %shift_right_arithmetic3A_1355 = arith.shrsi %add3A_1346, %shift_right_arithmetic3A_1354 : vector<16xi32>
        %add3A_1356 = arith.addi %mul3A_1352, %shift_right_arithmetic3A_1355 : vector<16xi32>
        %gather3A_1357 = arith.constant 0 : i32
        %gather3A_1358 = tpu.memref_slice %arg5[%rem3A_114, %gather3A_1357] : memref<2x1280xi32, #tpu.memory_space<vmem>> -> memref<1x1280xi32, #tpu.memory_space<vmem>>
        %gather3A_1359 = tpu.memref_squeeze %gather3A_1358 : memref<1x1280xi32, #tpu.memory_space<vmem>> -> memref<1280xi32, #tpu.memory_space<vmem>>
        %gather3A_1360 = tpu.vector_load_idx %gather3A_1359[%add3A_1356] : memref<1280xi32, #tpu.memory_space<vmem>>[vector<16xi32>], vector<16xi32>,
        %swap3A_1361 = arith.index_cast %rem3A_114 : i32 to index
        %swap3A_1362 = arith.constant 944 : index
        %swap3A_1363 = tpu.vector_load %arg6[%swap3A_1361, %swap3A_1362] {strides = array<i32>} : memref<2x1280xi32, #tpu.memory_space<vmem>>, vector<16xi32>,
        tpu.vector_store %arg6[%swap3A_1361, %swap3A_1362], %gather3A_1360 {strides = array<i32>} : memref<2x1280xi32, #tpu.memory_space<vmem>>, vector<16xi32>,
        %add3A_1364 = arith.constant 960 : i32
        %add3A_1365 = vector.broadcast %add3A_1364 : i32 to vector<16xi32>
        %add3A_1366 = arith.addi %iota3A, %add3A_1365 : vector<16xi32>
        %and3A_1367 = arith.constant 3 : i32
        %and3A_1368 = vector.broadcast %and3A_1367 : i32 to vector<16xi32>
        %and3A_1369 = arith.andi %add3A_1366, %and3A_1368 : vector<16xi32>
        %mul3A_1370 = arith.constant 320 : i32
        %mul3A_1371 = vector.broadcast %mul3A_1370 : i32 to vector<16xi32>
        %mul3A_1372 = arith.muli %and3A_1369, %mul3A_1371 : vector<16xi32>
        %shift_right_arithmetic3A_1373 = arith.constant 2 : i32
        %shift_right_arithmetic3A_1374 = vector.broadcast %shift_right_arithmetic3A_1373 : i32 to vector<16xi32>
        %shift_right_arithmetic3A_1375 = arith.shrsi %add3A_1366, %shift_right_arithmetic3A_1374 : vector<16xi32>
        %add3A_1376 = arith.addi %mul3A_1372, %shift_right_arithmetic3A_1375 : vector<16xi32>
        %gather3A_1377 = arith.constant 0 : i32
        %gather3A_1378 = tpu.memref_slice %arg5[%rem3A_114, %gather3A_1377] : memref<2x1280xi32, #tpu.memory_space<vmem>> -> memref<1x1280xi32, #tpu.memory_space<vmem>>
        %gather3A_1379 = tpu.memref_squeeze %gather3A_1378 : memref<1x1280xi32, #tpu.memory_space<vmem>> -> memref<1280xi32, #tpu.memory_space<vmem>>
        %gather3A_1380 = tpu.vector_load_idx %gather3A_1379[%add3A_1376] : memref<1280xi32, #tpu.memory_space<vmem>>[vector<16xi32>], vector<16xi32>,
        %swap3A_1381 = arith.index_cast %rem3A_114 : i32 to index
        %swap3A_1382 = arith.constant 960 : index
        %swap3A_1383 = tpu.vector_load %arg6[%swap3A_1381, %swap3A_1382] {strides = array<i32>} : memref<2x1280xi32, #tpu.memory_space<vmem>>, vector<16xi32>,
        tpu.vector_store %arg6[%swap3A_1381, %swap3A_1382], %gather3A_1380 {strides = array<i32>} : memref<2x1280xi32, #tpu.memory_space<vmem>>, vector<16xi32>,
        %add3A_1384 = arith.constant 976 : i32
        %add3A_1385 = vector.broadcast %add3A_1384 : i32 to vector<16xi32>
        %add3A_1386 = arith.addi %iota3A, %add3A_1385 : vector<16xi32>
        %and3A_1387 = arith.constant 3 : i32
        %and3A_1388 = vector.broadcast %and3A_1387 : i32 to vector<16xi32>
        %and3A_1389 = arith.andi %add3A_1386, %and3A_1388 : vector<16xi32>
        %mul3A_1390 = arith.constant 320 : i32
        %mul3A_1391 = vector.broadcast %mul3A_1390 : i32 to vector<16xi32>
        %mul3A_1392 = arith.muli %and3A_1389, %mul3A_1391 : vector<16xi32>
        %shift_right_arithmetic3A_1393 = arith.constant 2 : i32
        %shift_right_arithmetic3A_1394 = vector.broadcast %shift_right_arithmetic3A_1393 : i32 to vector<16xi32>
        %shift_right_arithmetic3A_1395 = arith.shrsi %add3A_1386, %shift_right_arithmetic3A_1394 : vector<16xi32>
        %add3A_1396 = arith.addi %mul3A_1392, %shift_right_arithmetic3A_1395 : vector<16xi32>
        %gather3A_1397 = arith.constant 0 : i32
        %gather3A_1398 = tpu.memref_slice %arg5[%rem3A_114, %gather3A_1397] : memref<2x1280xi32, #tpu.memory_space<vmem>> -> memref<1x1280xi32, #tpu.memory_space<vmem>>
        %gather3A_1399 = tpu.memref_squeeze %gather3A_1398 : memref<1x1280xi32, #tpu.memory_space<vmem>> -> memref<1280xi32, #tpu.memory_space<vmem>>
        %gather3A_1400 = tpu.vector_load_idx %gather3A_1399[%add3A_1396] : memref<1280xi32, #tpu.memory_space<vmem>>[vector<16xi32>], vector<16xi32>,
        %swap3A_1401 = arith.index_cast %rem3A_114 : i32 to index
        %swap3A_1402 = arith.constant 976 : index
        %swap3A_1403 = tpu.vector_load %arg6[%swap3A_1401, %swap3A_1402] {strides = array<i32>} : memref<2x1280xi32, #tpu.memory_space<vmem>>, vector<16xi32>,
        tpu.vector_store %arg6[%swap3A_1401, %swap3A_1402], %gather3A_1400 {strides = array<i32>} : memref<2x1280xi32, #tpu.memory_space<vmem>>, vector<16xi32>,
        %add3A_1404 = arith.constant 992 : i32
        %add3A_1405 = vector.broadcast %add3A_1404 : i32 to vector<16xi32>
        %add3A_1406 = arith.addi %iota3A, %add3A_1405 : vector<16xi32>
        %and3A_1407 = arith.constant 3 : i32
        %and3A_1408 = vector.broadcast %and3A_1407 : i32 to vector<16xi32>
        %and3A_1409 = arith.andi %add3A_1406, %and3A_1408 : vector<16xi32>
        %mul3A_1410 = arith.constant 320 : i32
        %mul3A_1411 = vector.broadcast %mul3A_1410 : i32 to vector<16xi32>
        %mul3A_1412 = arith.muli %and3A_1409, %mul3A_1411 : vector<16xi32>
        %shift_right_arithmetic3A_1413 = arith.constant 2 : i32
        %shift_right_arithmetic3A_1414 = vector.broadcast %shift_right_arithmetic3A_1413 : i32 to vector<16xi32>
        %shift_right_arithmetic3A_1415 = arith.shrsi %add3A_1406, %shift_right_arithmetic3A_1414 : vector<16xi32>
        %add3A_1416 = arith.addi %mul3A_1412, %shift_right_arithmetic3A_1415 : vector<16xi32>
        %gather3A_1417 = arith.constant 0 : i32
        %gather3A_1418 = tpu.memref_slice %arg5[%rem3A_114, %gather3A_1417] : memref<2x1280xi32, #tpu.memory_space<vmem>> -> memref<1x1280xi32, #tpu.memory_space<vmem>>
        %gather3A_1419 = tpu.memref_squeeze %gather3A_1418 : memref<1x1280xi32, #tpu.memory_space<vmem>> -> memref<1280xi32, #tpu.memory_space<vmem>>
        %gather3A_1420 = tpu.vector_load_idx %gather3A_1419[%add3A_1416] : memref<1280xi32, #tpu.memory_space<vmem>>[vector<16xi32>], vector<16xi32>,
        %swap3A_1421 = arith.index_cast %rem3A_114 : i32 to index
        %swap3A_1422 = arith.constant 992 : index
        %swap3A_1423 = tpu.vector_load %arg6[%swap3A_1421, %swap3A_1422] {strides = array<i32>} : memref<2x1280xi32, #tpu.memory_space<vmem>>, vector<16xi32>,
        tpu.vector_store %arg6[%swap3A_1421, %swap3A_1422], %gather3A_1420 {strides = array<i32>} : memref<2x1280xi32, #tpu.memory_space<vmem>>, vector<16xi32>,
        %add3A_1424 = arith.constant 1008 : i32
        %add3A_1425 = vector.broadcast %add3A_1424 : i32 to vector<16xi32>
        %add3A_1426 = arith.addi %iota3A, %add3A_1425 : vector<16xi32>
        %and3A_1427 = arith.constant 3 : i32
        %and3A_1428 = vector.broadcast %and3A_1427 : i32 to vector<16xi32>
        %and3A_1429 = arith.andi %add3A_1426, %and3A_1428 : vector<16xi32>
        %mul3A_1430 = arith.constant 320 : i32
        %mul3A_1431 = vector.broadcast %mul3A_1430 : i32 to vector<16xi32>
        %mul3A_1432 = arith.muli %and3A_1429, %mul3A_1431 : vector<16xi32>
        %shift_right_arithmetic3A_1433 = arith.constant 2 : i32
        %shift_right_arithmetic3A_1434 = vector.broadcast %shift_right_arithmetic3A_1433 : i32 to vector<16xi32>
        %shift_right_arithmetic3A_1435 = arith.shrsi %add3A_1426, %shift_right_arithmetic3A_1434 : vector<16xi32>
        %add3A_1436 = arith.addi %mul3A_1432, %shift_right_arithmetic3A_1435 : vector<16xi32>
        %gather3A_1437 = arith.constant 0 : i32
        %gather3A_1438 = tpu.memref_slice %arg5[%rem3A_114, %gather3A_1437] : memref<2x1280xi32, #tpu.memory_space<vmem>> -> memref<1x1280xi32, #tpu.memory_space<vmem>>
        %gather3A_1439 = tpu.memref_squeeze %gather3A_1438 : memref<1x1280xi32, #tpu.memory_space<vmem>> -> memref<1280xi32, #tpu.memory_space<vmem>>
        %gather3A_1440 = tpu.vector_load_idx %gather3A_1439[%add3A_1436] : memref<1280xi32, #tpu.memory_space<vmem>>[vector<16xi32>], vector<16xi32>,
        %swap3A_1441 = arith.index_cast %rem3A_114 : i32 to index
        %swap3A_1442 = arith.constant 1008 : index
        %swap3A_1443 = tpu.vector_load %arg6[%swap3A_1441, %swap3A_1442] {strides = array<i32>} : memref<2x1280xi32, #tpu.memory_space<vmem>>, vector<16xi32>,
        tpu.vector_store %arg6[%swap3A_1441, %swap3A_1442], %gather3A_1440 {strides = array<i32>} : memref<2x1280xi32, #tpu.memory_space<vmem>>, vector<16xi32>,
        %add3A_1444 = arith.constant 1024 : i32
        %add3A_1445 = vector.broadcast %add3A_1444 : i32 to vector<16xi32>
        %add3A_1446 = arith.addi %iota3A, %add3A_1445 : vector<16xi32>
        %and3A_1447 = arith.constant 3 : i32
        %and3A_1448 = vector.broadcast %and3A_1447 : i32 to vector<16xi32>
        %and3A_1449 = arith.andi %add3A_1446, %and3A_1448 : vector<16xi32>
        %mul3A_1450 = arith.constant 320 : i32
        %mul3A_1451 = vector.broadcast %mul3A_1450 : i32 to vector<16xi32>
        %mul3A_1452 = arith.muli %and3A_1449, %mul3A_1451 : vector<16xi32>
        %shift_right_arithmetic3A_1453 = arith.constant 2 : i32
        %shift_right_arithmetic3A_1454 = vector.broadcast %shift_right_arithmetic3A_1453 : i32 to vector<16xi32>
        %shift_right_arithmetic3A_1455 = arith.shrsi %add3A_1446, %shift_right_arithmetic3A_1454 : vector<16xi32>
        %add3A_1456 = arith.addi %mul3A_1452, %shift_right_arithmetic3A_1455 : vector<16xi32>
        %gather3A_1457 = arith.constant 0 : i32
        %gather3A_1458 = tpu.memref_slice %arg5[%rem3A_114, %gather3A_1457] : memref<2x1280xi32, #tpu.memory_space<vmem>> -> memref<1x1280xi32, #tpu.memory_space<vmem>>
        %gather3A_1459 = tpu.memref_squeeze %gather3A_1458 : memref<1x1280xi32, #tpu.memory_space<vmem>> -> memref<1280xi32, #tpu.memory_space<vmem>>
        %gather3A_1460 = tpu.vector_load_idx %gather3A_1459[%add3A_1456] : memref<1280xi32, #tpu.memory_space<vmem>>[vector<16xi32>], vector<16xi32>,
        %swap3A_1461 = arith.index_cast %rem3A_114 : i32 to index
        %swap3A_1462 = arith.constant 1024 : index
        %swap3A_1463 = tpu.vector_load %arg6[%swap3A_1461, %swap3A_1462] {strides = array<i32>} : memref<2x1280xi32, #tpu.memory_space<vmem>>, vector<16xi32>,
        tpu.vector_store %arg6[%swap3A_1461, %swap3A_1462], %gather3A_1460 {strides = array<i32>} : memref<2x1280xi32, #tpu.memory_space<vmem>>, vector<16xi32>,
        %add3A_1464 = arith.constant 1040 : i32
        %add3A_1465 = vector.broadcast %add3A_1464 : i32 to vector<16xi32>
        %add3A_1466 = arith.addi %iota3A, %add3A_1465 : vector<16xi32>
        %and3A_1467 = arith.constant 3 : i32
        %and3A_1468 = vector.broadcast %and3A_1467 : i32 to vector<16xi32>
        %and3A_1469 = arith.andi %add3A_1466, %and3A_1468 : vector<16xi32>
        %mul3A_1470 = arith.constant 320 : i32
        %mul3A_1471 = vector.broadcast %mul3A_1470 : i32 to vector<16xi32>
        %mul3A_1472 = arith.muli %and3A_1469, %mul3A_1471 : vector<16xi32>
        %shift_right_arithmetic3A_1473 = arith.constant 2 : i32
        %shift_right_arithmetic3A_1474 = vector.broadcast %shift_right_arithmetic3A_1473 : i32 to vector<16xi32>
        %shift_right_arithmetic3A_1475 = arith.shrsi %add3A_1466, %shift_right_arithmetic3A_1474 : vector<16xi32>
        %add3A_1476 = arith.addi %mul3A_1472, %shift_right_arithmetic3A_1475 : vector<16xi32>
        %gather3A_1477 = arith.constant 0 : i32
        %gather3A_1478 = tpu.memref_slice %arg5[%rem3A_114, %gather3A_1477] : memref<2x1280xi32, #tpu.memory_space<vmem>> -> memref<1x1280xi32, #tpu.memory_space<vmem>>
        %gather3A_1479 = tpu.memref_squeeze %gather3A_1478 : memref<1x1280xi32, #tpu.memory_space<vmem>> -> memref<1280xi32, #tpu.memory_space<vmem>>
        %gather3A_1480 = tpu.vector_load_idx %gather3A_1479[%add3A_1476] : memref<1280xi32, #tpu.memory_space<vmem>>[vector<16xi32>], vector<16xi32>,
        %swap3A_1481 = arith.index_cast %rem3A_114 : i32 to index
        %swap3A_1482 = arith.constant 1040 : index
        %swap3A_1483 = tpu.vector_load %arg6[%swap3A_1481, %swap3A_1482] {strides = array<i32>} : memref<2x1280xi32, #tpu.memory_space<vmem>>, vector<16xi32>,
        tpu.vector_store %arg6[%swap3A_1481, %swap3A_1482], %gather3A_1480 {strides = array<i32>} : memref<2x1280xi32, #tpu.memory_space<vmem>>, vector<16xi32>,
        %add3A_1484 = arith.constant 1056 : i32
        %add3A_1485 = vector.broadcast %add3A_1484 : i32 to vector<16xi32>
        %add3A_1486 = arith.addi %iota3A, %add3A_1485 : vector<16xi32>
        %and3A_1487 = arith.constant 3 : i32
        %and3A_1488 = vector.broadcast %and3A_1487 : i32 to vector<16xi32>
        %and3A_1489 = arith.andi %add3A_1486, %and3A_1488 : vector<16xi32>
        %mul3A_1490 = arith.constant 320 : i32
        %mul3A_1491 = vector.broadcast %mul3A_1490 : i32 to vector<16xi32>
        %mul3A_1492 = arith.muli %and3A_1489, %mul3A_1491 : vector<16xi32>
        %shift_right_arithmetic3A_1493 = arith.constant 2 : i32
        %shift_right_arithmetic3A_1494 = vector.broadcast %shift_right_arithmetic3A_1493 : i32 to vector<16xi32>
        %shift_right_arithmetic3A_1495 = arith.shrsi %add3A_1486, %shift_right_arithmetic3A_1494 : vector<16xi32>
        %add3A_1496 = arith.addi %mul3A_1492, %shift_right_arithmetic3A_1495 : vector<16xi32>
        %gather3A_1497 = arith.constant 0 : i32
        %gather3A_1498 = tpu.memref_slice %arg5[%rem3A_114, %gather3A_1497] : memref<2x1280xi32, #tpu.memory_space<vmem>> -> memref<1x1280xi32, #tpu.memory_space<vmem>>
        %gather3A_1499 = tpu.memref_squeeze %gather3A_1498 : memref<1x1280xi32, #tpu.memory_space<vmem>> -> memref<1280xi32, #tpu.memory_space<vmem>>
        %gather3A_1500 = tpu.vector_load_idx %gather3A_1499[%add3A_1496] : memref<1280xi32, #tpu.memory_space<vmem>>[vector<16xi32>], vector<16xi32>,
        %swap3A_1501 = arith.index_cast %rem3A_114 : i32 to index
        %swap3A_1502 = arith.constant 1056 : index
        %swap3A_1503 = tpu.vector_load %arg6[%swap3A_1501, %swap3A_1502] {strides = array<i32>} : memref<2x1280xi32, #tpu.memory_space<vmem>>, vector<16xi32>,
        tpu.vector_store %arg6[%swap3A_1501, %swap3A_1502], %gather3A_1500 {strides = array<i32>} : memref<2x1280xi32, #tpu.memory_space<vmem>>, vector<16xi32>,
        %add3A_1504 = arith.constant 1072 : i32
        %add3A_1505 = vector.broadcast %add3A_1504 : i32 to vector<16xi32>
        %add3A_1506 = arith.addi %iota3A, %add3A_1505 : vector<16xi32>
        %and3A_1507 = arith.constant 3 : i32
        %and3A_1508 = vector.broadcast %and3A_1507 : i32 to vector<16xi32>
        %and3A_1509 = arith.andi %add3A_1506, %and3A_1508 : vector<16xi32>
        %mul3A_1510 = arith.constant 320 : i32
        %mul3A_1511 = vector.broadcast %mul3A_1510 : i32 to vector<16xi32>
        %mul3A_1512 = arith.muli %and3A_1509, %mul3A_1511 : vector<16xi32>
        %shift_right_arithmetic3A_1513 = arith.constant 2 : i32
        %shift_right_arithmetic3A_1514 = vector.broadcast %shift_right_arithmetic3A_1513 : i32 to vector<16xi32>
        %shift_right_arithmetic3A_1515 = arith.shrsi %add3A_1506, %shift_right_arithmetic3A_1514 : vector<16xi32>
        %add3A_1516 = arith.addi %mul3A_1512, %shift_right_arithmetic3A_1515 : vector<16xi32>
        %gather3A_1517 = arith.constant 0 : i32
        %gather3A_1518 = tpu.memref_slice %arg5[%rem3A_114, %gather3A_1517] : memref<2x1280xi32, #tpu.memory_space<vmem>> -> memref<1x1280xi32, #tpu.memory_space<vmem>>
        %gather3A_1519 = tpu.memref_squeeze %gather3A_1518 : memref<1x1280xi32, #tpu.memory_space<vmem>> -> memref<1280xi32, #tpu.memory_space<vmem>>
        %gather3A_1520 = tpu.vector_load_idx %gather3A_1519[%add3A_1516] : memref<1280xi32, #tpu.memory_space<vmem>>[vector<16xi32>], vector<16xi32>,
        %swap3A_1521 = arith.index_cast %rem3A_114 : i32 to index
        %swap3A_1522 = arith.constant 1072 : index
        %swap3A_1523 = tpu.vector_load %arg6[%swap3A_1521, %swap3A_1522] {strides = array<i32>} : memref<2x1280xi32, #tpu.memory_space<vmem>>, vector<16xi32>,
        tpu.vector_store %arg6[%swap3A_1521, %swap3A_1522], %gather3A_1520 {strides = array<i32>} : memref<2x1280xi32, #tpu.memory_space<vmem>>, vector<16xi32>,
        %add3A_1524 = arith.constant 1088 : i32
        %add3A_1525 = vector.broadcast %add3A_1524 : i32 to vector<16xi32>
        %add3A_1526 = arith.addi %iota3A, %add3A_1525 : vector<16xi32>
        %and3A_1527 = arith.constant 3 : i32
        %and3A_1528 = vector.broadcast %and3A_1527 : i32 to vector<16xi32>
        %and3A_1529 = arith.andi %add3A_1526, %and3A_1528 : vector<16xi32>
        %mul3A_1530 = arith.constant 320 : i32
        %mul3A_1531 = vector.broadcast %mul3A_1530 : i32 to vector<16xi32>
        %mul3A_1532 = arith.muli %and3A_1529, %mul3A_1531 : vector<16xi32>
        %shift_right_arithmetic3A_1533 = arith.constant 2 : i32
        %shift_right_arithmetic3A_1534 = vector.broadcast %shift_right_arithmetic3A_1533 : i32 to vector<16xi32>
        %shift_right_arithmetic3A_1535 = arith.shrsi %add3A_1526, %shift_right_arithmetic3A_1534 : vector<16xi32>
        %add3A_1536 = arith.addi %mul3A_1532, %shift_right_arithmetic3A_1535 : vector<16xi32>
        %gather3A_1537 = arith.constant 0 : i32
        %gather3A_1538 = tpu.memref_slice %arg5[%rem3A_114, %gather3A_1537] : memref<2x1280xi32, #tpu.memory_space<vmem>> -> memref<1x1280xi32, #tpu.memory_space<vmem>>
        %gather3A_1539 = tpu.memref_squeeze %gather3A_1538 : memref<1x1280xi32, #tpu.memory_space<vmem>> -> memref<1280xi32, #tpu.memory_space<vmem>>
        %gather3A_1540 = tpu.vector_load_idx %gather3A_1539[%add3A_1536] : memref<1280xi32, #tpu.memory_space<vmem>>[vector<16xi32>], vector<16xi32>,
        %swap3A_1541 = arith.index_cast %rem3A_114 : i32 to index
        %swap3A_1542 = arith.constant 1088 : index
        %swap3A_1543 = tpu.vector_load %arg6[%swap3A_1541, %swap3A_1542] {strides = array<i32>} : memref<2x1280xi32, #tpu.memory_space<vmem>>, vector<16xi32>,
        tpu.vector_store %arg6[%swap3A_1541, %swap3A_1542], %gather3A_1540 {strides = array<i32>} : memref<2x1280xi32, #tpu.memory_space<vmem>>, vector<16xi32>,
        %add3A_1544 = arith.constant 1104 : i32
        %add3A_1545 = vector.broadcast %add3A_1544 : i32 to vector<16xi32>
        %add3A_1546 = arith.addi %iota3A, %add3A_1545 : vector<16xi32>
        %and3A_1547 = arith.constant 3 : i32
        %and3A_1548 = vector.broadcast %and3A_1547 : i32 to vector<16xi32>
        %and3A_1549 = arith.andi %add3A_1546, %and3A_1548 : vector<16xi32>
        %mul3A_1550 = arith.constant 320 : i32
        %mul3A_1551 = vector.broadcast %mul3A_1550 : i32 to vector<16xi32>
        %mul3A_1552 = arith.muli %and3A_1549, %mul3A_1551 : vector<16xi32>
        %shift_right_arithmetic3A_1553 = arith.constant 2 : i32
        %shift_right_arithmetic3A_1554 = vector.broadcast %shift_right_arithmetic3A_1553 : i32 to vector<16xi32>
        %shift_right_arithmetic3A_1555 = arith.shrsi %add3A_1546, %shift_right_arithmetic3A_1554 : vector<16xi32>
        %add3A_1556 = arith.addi %mul3A_1552, %shift_right_arithmetic3A_1555 : vector<16xi32>
        %gather3A_1557 = arith.constant 0 : i32
        %gather3A_1558 = tpu.memref_slice %arg5[%rem3A_114, %gather3A_1557] : memref<2x1280xi32, #tpu.memory_space<vmem>> -> memref<1x1280xi32, #tpu.memory_space<vmem>>
        %gather3A_1559 = tpu.memref_squeeze %gather3A_1558 : memref<1x1280xi32, #tpu.memory_space<vmem>> -> memref<1280xi32, #tpu.memory_space<vmem>>
        %gather3A_1560 = tpu.vector_load_idx %gather3A_1559[%add3A_1556] : memref<1280xi32, #tpu.memory_space<vmem>>[vector<16xi32>], vector<16xi32>,
        %swap3A_1561 = arith.index_cast %rem3A_114 : i32 to index
        %swap3A_1562 = arith.constant 1104 : index
        %swap3A_1563 = tpu.vector_load %arg6[%swap3A_1561, %swap3A_1562] {strides = array<i32>} : memref<2x1280xi32, #tpu.memory_space<vmem>>, vector<16xi32>,
        tpu.vector_store %arg6[%swap3A_1561, %swap3A_1562], %gather3A_1560 {strides = array<i32>} : memref<2x1280xi32, #tpu.memory_space<vmem>>, vector<16xi32>,
        %add3A_1564 = arith.constant 1120 : i32
        %add3A_1565 = vector.broadcast %add3A_1564 : i32 to vector<16xi32>
        %add3A_1566 = arith.addi %iota3A, %add3A_1565 : vector<16xi32>
        %and3A_1567 = arith.constant 3 : i32
        %and3A_1568 = vector.broadcast %and3A_1567 : i32 to vector<16xi32>
        %and3A_1569 = arith.andi %add3A_1566, %and3A_1568 : vector<16xi32>
        %mul3A_1570 = arith.constant 320 : i32
        %mul3A_1571 = vector.broadcast %mul3A_1570 : i32 to vector<16xi32>
        %mul3A_1572 = arith.muli %and3A_1569, %mul3A_1571 : vector<16xi32>
        %shift_right_arithmetic3A_1573 = arith.constant 2 : i32
        %shift_right_arithmetic3A_1574 = vector.broadcast %shift_right_arithmetic3A_1573 : i32 to vector<16xi32>
        %shift_right_arithmetic3A_1575 = arith.shrsi %add3A_1566, %shift_right_arithmetic3A_1574 : vector<16xi32>
        %add3A_1576 = arith.addi %mul3A_1572, %shift_right_arithmetic3A_1575 : vector<16xi32>
        %gather3A_1577 = arith.constant 0 : i32
        %gather3A_1578 = tpu.memref_slice %arg5[%rem3A_114, %gather3A_1577] : memref<2x1280xi32, #tpu.memory_space<vmem>> -> memref<1x1280xi32, #tpu.memory_space<vmem>>
        %gather3A_1579 = tpu.memref_squeeze %gather3A_1578 : memref<1x1280xi32, #tpu.memory_space<vmem>> -> memref<1280xi32, #tpu.memory_space<vmem>>
        %gather3A_1580 = tpu.vector_load_idx %gather3A_1579[%add3A_1576] : memref<1280xi32, #tpu.memory_space<vmem>>[vector<16xi32>], vector<16xi32>,
        %swap3A_1581 = arith.index_cast %rem3A_114 : i32 to index
        %swap3A_1582 = arith.constant 1120 : index
        %swap3A_1583 = tpu.vector_load %arg6[%swap3A_1581, %swap3A_1582] {strides = array<i32>} : memref<2x1280xi32, #tpu.memory_space<vmem>>, vector<16xi32>,
        tpu.vector_store %arg6[%swap3A_1581, %swap3A_1582], %gather3A_1580 {strides = array<i32>} : memref<2x1280xi32, #tpu.memory_space<vmem>>, vector<16xi32>,
        %add3A_1584 = arith.constant 1136 : i32
        %add3A_1585 = vector.broadcast %add3A_1584 : i32 to vector<16xi32>
        %add3A_1586 = arith.addi %iota3A, %add3A_1585 : vector<16xi32>
        %and3A_1587 = arith.constant 3 : i32
        %and3A_1588 = vector.broadcast %and3A_1587 : i32 to vector<16xi32>
        %and3A_1589 = arith.andi %add3A_1586, %and3A_1588 : vector<16xi32>
        %mul3A_1590 = arith.constant 320 : i32
        %mul3A_1591 = vector.broadcast %mul3A_1590 : i32 to vector<16xi32>
        %mul3A_1592 = arith.muli %and3A_1589, %mul3A_1591 : vector<16xi32>
        %shift_right_arithmetic3A_1593 = arith.constant 2 : i32
        %shift_right_arithmetic3A_1594 = vector.broadcast %shift_right_arithmetic3A_1593 : i32 to vector<16xi32>
        %shift_right_arithmetic3A_1595 = arith.shrsi %add3A_1586, %shift_right_arithmetic3A_1594 : vector<16xi32>
        %add3A_1596 = arith.addi %mul3A_1592, %shift_right_arithmetic3A_1595 : vector<16xi32>
        %gather3A_1597 = arith.constant 0 : i32
        %gather3A_1598 = tpu.memref_slice %arg5[%rem3A_114, %gather3A_1597] : memref<2x1280xi32, #tpu.memory_space<vmem>> -> memref<1x1280xi32, #tpu.memory_space<vmem>>
        %gather3A_1599 = tpu.memref_squeeze %gather3A_1598 : memref<1x1280xi32, #tpu.memory_space<vmem>> -> memref<1280xi32, #tpu.memory_space<vmem>>
        %gather3A_1600 = tpu.vector_load_idx %gather3A_1599[%add3A_1596] : memref<1280xi32, #tpu.memory_space<vmem>>[vector<16xi32>], vector<16xi32>,
        %swap3A_1601 = arith.index_cast %rem3A_114 : i32 to index
        %swap3A_1602 = arith.constant 1136 : index
        %swap3A_1603 = tpu.vector_load %arg6[%swap3A_1601, %swap3A_1602] {strides = array<i32>} : memref<2x1280xi32, #tpu.memory_space<vmem>>, vector<16xi32>,
        tpu.vector_store %arg6[%swap3A_1601, %swap3A_1602], %gather3A_1600 {strides = array<i32>} : memref<2x1280xi32, #tpu.memory_space<vmem>>, vector<16xi32>,
        %add3A_1604 = arith.constant 1152 : i32
        %add3A_1605 = vector.broadcast %add3A_1604 : i32 to vector<16xi32>
        %add3A_1606 = arith.addi %iota3A, %add3A_1605 : vector<16xi32>
        %and3A_1607 = arith.constant 3 : i32
        %and3A_1608 = vector.broadcast %and3A_1607 : i32 to vector<16xi32>
        %and3A_1609 = arith.andi %add3A_1606, %and3A_1608 : vector<16xi32>
        %mul3A_1610 = arith.constant 320 : i32
        %mul3A_1611 = vector.broadcast %mul3A_1610 : i32 to vector<16xi32>
        %mul3A_1612 = arith.muli %and3A_1609, %mul3A_1611 : vector<16xi32>
        %shift_right_arithmetic3A_1613 = arith.constant 2 : i32
        %shift_right_arithmetic3A_1614 = vector.broadcast %shift_right_arithmetic3A_1613 : i32 to vector<16xi32>
        %shift_right_arithmetic3A_1615 = arith.shrsi %add3A_1606, %shift_right_arithmetic3A_1614 : vector<16xi32>
        %add3A_1616 = arith.addi %mul3A_1612, %shift_right_arithmetic3A_1615 : vector<16xi32>
        %gather3A_1617 = arith.constant 0 : i32
        %gather3A_1618 = tpu.memref_slice %arg5[%rem3A_114, %gather3A_1617] : memref<2x1280xi32, #tpu.memory_space<vmem>> -> memref<1x1280xi32, #tpu.memory_space<vmem>>
        %gather3A_1619 = tpu.memref_squeeze %gather3A_1618 : memref<1x1280xi32, #tpu.memory_space<vmem>> -> memref<1280xi32, #tpu.memory_space<vmem>>
        %gather3A_1620 = tpu.vector_load_idx %gather3A_1619[%add3A_1616] : memref<1280xi32, #tpu.memory_space<vmem>>[vector<16xi32>], vector<16xi32>,
        %swap3A_1621 = arith.index_cast %rem3A_114 : i32 to index
        %swap3A_1622 = arith.constant 1152 : index
        %swap3A_1623 = tpu.vector_load %arg6[%swap3A_1621, %swap3A_1622] {strides = array<i32>} : memref<2x1280xi32, #tpu.memory_space<vmem>>, vector<16xi32>,
        tpu.vector_store %arg6[%swap3A_1621, %swap3A_1622], %gather3A_1620 {strides = array<i32>} : memref<2x1280xi32, #tpu.memory_space<vmem>>, vector<16xi32>,
        %add3A_1624 = arith.constant 1168 : i32
        %add3A_1625 = vector.broadcast %add3A_1624 : i32 to vector<16xi32>
        %add3A_1626 = arith.addi %iota3A, %add3A_1625 : vector<16xi32>
        %and3A_1627 = arith.constant 3 : i32
        %and3A_1628 = vector.broadcast %and3A_1627 : i32 to vector<16xi32>
        %and3A_1629 = arith.andi %add3A_1626, %and3A_1628 : vector<16xi32>
        %mul3A_1630 = arith.constant 320 : i32
        %mul3A_1631 = vector.broadcast %mul3A_1630 : i32 to vector<16xi32>
        %mul3A_1632 = arith.muli %and3A_1629, %mul3A_1631 : vector<16xi32>
        %shift_right_arithmetic3A_1633 = arith.constant 2 : i32
        %shift_right_arithmetic3A_1634 = vector.broadcast %shift_right_arithmetic3A_1633 : i32 to vector<16xi32>
        %shift_right_arithmetic3A_1635 = arith.shrsi %add3A_1626, %shift_right_arithmetic3A_1634 : vector<16xi32>
        %add3A_1636 = arith.addi %mul3A_1632, %shift_right_arithmetic3A_1635 : vector<16xi32>
        %gather3A_1637 = arith.constant 0 : i32
        %gather3A_1638 = tpu.memref_slice %arg5[%rem3A_114, %gather3A_1637] : memref<2x1280xi32, #tpu.memory_space<vmem>> -> memref<1x1280xi32, #tpu.memory_space<vmem>>
        %gather3A_1639 = tpu.memref_squeeze %gather3A_1638 : memref<1x1280xi32, #tpu.memory_space<vmem>> -> memref<1280xi32, #tpu.memory_space<vmem>>
        %gather3A_1640 = tpu.vector_load_idx %gather3A_1639[%add3A_1636] : memref<1280xi32, #tpu.memory_space<vmem>>[vector<16xi32>], vector<16xi32>,
        %swap3A_1641 = arith.index_cast %rem3A_114 : i32 to index
        %swap3A_1642 = arith.constant 1168 : index
        %swap3A_1643 = tpu.vector_load %arg6[%swap3A_1641, %swap3A_1642] {strides = array<i32>} : memref<2x1280xi32, #tpu.memory_space<vmem>>, vector<16xi32>,
        tpu.vector_store %arg6[%swap3A_1641, %swap3A_1642], %gather3A_1640 {strides = array<i32>} : memref<2x1280xi32, #tpu.memory_space<vmem>>, vector<16xi32>,
        %add3A_1644 = arith.constant 1184 : i32
        %add3A_1645 = vector.broadcast %add3A_1644 : i32 to vector<16xi32>
        %add3A_1646 = arith.addi %iota3A, %add3A_1645 : vector<16xi32>
        %and3A_1647 = arith.constant 3 : i32
        %and3A_1648 = vector.broadcast %and3A_1647 : i32 to vector<16xi32>
        %and3A_1649 = arith.andi %add3A_1646, %and3A_1648 : vector<16xi32>
        %mul3A_1650 = arith.constant 320 : i32
        %mul3A_1651 = vector.broadcast %mul3A_1650 : i32 to vector<16xi32>
        %mul3A_1652 = arith.muli %and3A_1649, %mul3A_1651 : vector<16xi32>
        %shift_right_arithmetic3A_1653 = arith.constant 2 : i32
        %shift_right_arithmetic3A_1654 = vector.broadcast %shift_right_arithmetic3A_1653 : i32 to vector<16xi32>
        %shift_right_arithmetic3A_1655 = arith.shrsi %add3A_1646, %shift_right_arithmetic3A_1654 : vector<16xi32>
        %add3A_1656 = arith.addi %mul3A_1652, %shift_right_arithmetic3A_1655 : vector<16xi32>
        %gather3A_1657 = arith.constant 0 : i32
        %gather3A_1658 = tpu.memref_slice %arg5[%rem3A_114, %gather3A_1657] : memref<2x1280xi32, #tpu.memory_space<vmem>> -> memref<1x1280xi32, #tpu.memory_space<vmem>>
        %gather3A_1659 = tpu.memref_squeeze %gather3A_1658 : memref<1x1280xi32, #tpu.memory_space<vmem>> -> memref<1280xi32, #tpu.memory_space<vmem>>
        %gather3A_1660 = tpu.vector_load_idx %gather3A_1659[%add3A_1656] : memref<1280xi32, #tpu.memory_space<vmem>>[vector<16xi32>], vector<16xi32>,
        %swap3A_1661 = arith.index_cast %rem3A_114 : i32 to index
        %swap3A_1662 = arith.constant 1184 : index
        %swap3A_1663 = tpu.vector_load %arg6[%swap3A_1661, %swap3A_1662] {strides = array<i32>} : memref<2x1280xi32, #tpu.memory_space<vmem>>, vector<16xi32>,
        tpu.vector_store %arg6[%swap3A_1661, %swap3A_1662], %gather3A_1660 {strides = array<i32>} : memref<2x1280xi32, #tpu.memory_space<vmem>>, vector<16xi32>,
        %add3A_1664 = arith.constant 1200 : i32
        %add3A_1665 = vector.broadcast %add3A_1664 : i32 to vector<16xi32>
        %add3A_1666 = arith.addi %iota3A, %add3A_1665 : vector<16xi32>
        %and3A_1667 = arith.constant 3 : i32
        %and3A_1668 = vector.broadcast %and3A_1667 : i32 to vector<16xi32>
        %and3A_1669 = arith.andi %add3A_1666, %and3A_1668 : vector<16xi32>
        %mul3A_1670 = arith.constant 320 : i32
        %mul3A_1671 = vector.broadcast %mul3A_1670 : i32 to vector<16xi32>
        %mul3A_1672 = arith.muli %and3A_1669, %mul3A_1671 : vector<16xi32>
        %shift_right_arithmetic3A_1673 = arith.constant 2 : i32
        %shift_right_arithmetic3A_1674 = vector.broadcast %shift_right_arithmetic3A_1673 : i32 to vector<16xi32>
        %shift_right_arithmetic3A_1675 = arith.shrsi %add3A_1666, %shift_right_arithmetic3A_1674 : vector<16xi32>
        %add3A_1676 = arith.addi %mul3A_1672, %shift_right_arithmetic3A_1675 : vector<16xi32>
        %gather3A_1677 = arith.constant 0 : i32
        %gather3A_1678 = tpu.memref_slice %arg5[%rem3A_114, %gather3A_1677] : memref<2x1280xi32, #tpu.memory_space<vmem>> -> memref<1x1280xi32, #tpu.memory_space<vmem>>
        %gather3A_1679 = tpu.memref_squeeze %gather3A_1678 : memref<1x1280xi32, #tpu.memory_space<vmem>> -> memref<1280xi32, #tpu.memory_space<vmem>>
        %gather3A_1680 = tpu.vector_load_idx %gather3A_1679[%add3A_1676] : memref<1280xi32, #tpu.memory_space<vmem>>[vector<16xi32>], vector<16xi32>,
        %swap3A_1681 = arith.index_cast %rem3A_114 : i32 to index
        %swap3A_1682 = arith.constant 1200 : index
        %swap3A_1683 = tpu.vector_load %arg6[%swap3A_1681, %swap3A_1682] {strides = array<i32>} : memref<2x1280xi32, #tpu.memory_space<vmem>>, vector<16xi32>,
        tpu.vector_store %arg6[%swap3A_1681, %swap3A_1682], %gather3A_1680 {strides = array<i32>} : memref<2x1280xi32, #tpu.memory_space<vmem>>, vector<16xi32>,
        %add3A_1684 = arith.constant 1216 : i32
        %add3A_1685 = vector.broadcast %add3A_1684 : i32 to vector<16xi32>
        %add3A_1686 = arith.addi %iota3A, %add3A_1685 : vector<16xi32>
        %and3A_1687 = arith.constant 3 : i32
        %and3A_1688 = vector.broadcast %and3A_1687 : i32 to vector<16xi32>
        %and3A_1689 = arith.andi %add3A_1686, %and3A_1688 : vector<16xi32>
        %mul3A_1690 = arith.constant 320 : i32
        %mul3A_1691 = vector.broadcast %mul3A_1690 : i32 to vector<16xi32>
        %mul3A_1692 = arith.muli %and3A_1689, %mul3A_1691 : vector<16xi32>
        %shift_right_arithmetic3A_1693 = arith.constant 2 : i32
        %shift_right_arithmetic3A_1694 = vector.broadcast %shift_right_arithmetic3A_1693 : i32 to vector<16xi32>
        %shift_right_arithmetic3A_1695 = arith.shrsi %add3A_1686, %shift_right_arithmetic3A_1694 : vector<16xi32>
        %add3A_1696 = arith.addi %mul3A_1692, %shift_right_arithmetic3A_1695 : vector<16xi32>
        %gather3A_1697 = arith.constant 0 : i32
        %gather3A_1698 = tpu.memref_slice %arg5[%rem3A_114, %gather3A_1697] : memref<2x1280xi32, #tpu.memory_space<vmem>> -> memref<1x1280xi32, #tpu.memory_space<vmem>>
        %gather3A_1699 = tpu.memref_squeeze %gather3A_1698 : memref<1x1280xi32, #tpu.memory_space<vmem>> -> memref<1280xi32, #tpu.memory_space<vmem>>
        %gather3A_1700 = tpu.vector_load_idx %gather3A_1699[%add3A_1696] : memref<1280xi32, #tpu.memory_space<vmem>>[vector<16xi32>], vector<16xi32>,
        %swap3A_1701 = arith.index_cast %rem3A_114 : i32 to index
        %swap3A_1702 = arith.constant 1216 : index
        %swap3A_1703 = tpu.vector_load %arg6[%swap3A_1701, %swap3A_1702] {strides = array<i32>} : memref<2x1280xi32, #tpu.memory_space<vmem>>, vector<16xi32>,
        tpu.vector_store %arg6[%swap3A_1701, %swap3A_1702], %gather3A_1700 {strides = array<i32>} : memref<2x1280xi32, #tpu.memory_space<vmem>>, vector<16xi32>,
        %add3A_1704 = arith.constant 1232 : i32
        %add3A_1705 = vector.broadcast %add3A_1704 : i32 to vector<16xi32>
        %add3A_1706 = arith.addi %iota3A, %add3A_1705 : vector<16xi32>
        %and3A_1707 = arith.constant 3 : i32
        %and3A_1708 = vector.broadcast %and3A_1707 : i32 to vector<16xi32>
        %and3A_1709 = arith.andi %add3A_1706, %and3A_1708 : vector<16xi32>
        %mul3A_1710 = arith.constant 320 : i32
        %mul3A_1711 = vector.broadcast %mul3A_1710 : i32 to vector<16xi32>
        %mul3A_1712 = arith.muli %and3A_1709, %mul3A_1711 : vector<16xi32>
        %shift_right_arithmetic3A_1713 = arith.constant 2 : i32
        %shift_right_arithmetic3A_1714 = vector.broadcast %shift_right_arithmetic3A_1713 : i32 to vector<16xi32>
        %shift_right_arithmetic3A_1715 = arith.shrsi %add3A_1706, %shift_right_arithmetic3A_1714 : vector<16xi32>
        %add3A_1716 = arith.addi %mul3A_1712, %shift_right_arithmetic3A_1715 : vector<16xi32>
        %gather3A_1717 = arith.constant 0 : i32
        %gather3A_1718 = tpu.memref_slice %arg5[%rem3A_114, %gather3A_1717] : memref<2x1280xi32, #tpu.memory_space<vmem>> -> memref<1x1280xi32, #tpu.memory_space<vmem>>
        %gather3A_1719 = tpu.memref_squeeze %gather3A_1718 : memref<1x1280xi32, #tpu.memory_space<vmem>> -> memref<1280xi32, #tpu.memory_space<vmem>>
        %gather3A_1720 = tpu.vector_load_idx %gather3A_1719[%add3A_1716] : memref<1280xi32, #tpu.memory_space<vmem>>[vector<16xi32>], vector<16xi32>,
        %swap3A_1721 = arith.index_cast %rem3A_114 : i32 to index
        %swap3A_1722 = arith.constant 1232 : index
        %swap3A_1723 = tpu.vector_load %arg6[%swap3A_1721, %swap3A_1722] {strides = array<i32>} : memref<2x1280xi32, #tpu.memory_space<vmem>>, vector<16xi32>,
        tpu.vector_store %arg6[%swap3A_1721, %swap3A_1722], %gather3A_1720 {strides = array<i32>} : memref<2x1280xi32, #tpu.memory_space<vmem>>, vector<16xi32>,
        %add3A_1724 = arith.constant 1248 : i32
        %add3A_1725 = vector.broadcast %add3A_1724 : i32 to vector<16xi32>
        %add3A_1726 = arith.addi %iota3A, %add3A_1725 : vector<16xi32>
        %and3A_1727 = arith.constant 3 : i32
        %and3A_1728 = vector.broadcast %and3A_1727 : i32 to vector<16xi32>
        %and3A_1729 = arith.andi %add3A_1726, %and3A_1728 : vector<16xi32>
        %mul3A_1730 = arith.constant 320 : i32
        %mul3A_1731 = vector.broadcast %mul3A_1730 : i32 to vector<16xi32>
        %mul3A_1732 = arith.muli %and3A_1729, %mul3A_1731 : vector<16xi32>
        %shift_right_arithmetic3A_1733 = arith.constant 2 : i32
        %shift_right_arithmetic3A_1734 = vector.broadcast %shift_right_arithmetic3A_1733 : i32 to vector<16xi32>
        %shift_right_arithmetic3A_1735 = arith.shrsi %add3A_1726, %shift_right_arithmetic3A_1734 : vector<16xi32>
        %add3A_1736 = arith.addi %mul3A_1732, %shift_right_arithmetic3A_1735 : vector<16xi32>
        %gather3A_1737 = arith.constant 0 : i32
        %gather3A_1738 = tpu.memref_slice %arg5[%rem3A_114, %gather3A_1737] : memref<2x1280xi32, #tpu.memory_space<vmem>> -> memref<1x1280xi32, #tpu.memory_space<vmem>>
        %gather3A_1739 = tpu.memref_squeeze %gather3A_1738 : memref<1x1280xi32, #tpu.memory_space<vmem>> -> memref<1280xi32, #tpu.memory_space<vmem>>
        %gather3A_1740 = tpu.vector_load_idx %gather3A_1739[%add3A_1736] : memref<1280xi32, #tpu.memory_space<vmem>>[vector<16xi32>], vector<16xi32>,
        %swap3A_1741 = arith.index_cast %rem3A_114 : i32 to index
        %swap3A_1742 = arith.constant 1248 : index
        %swap3A_1743 = tpu.vector_load %arg6[%swap3A_1741, %swap3A_1742] {strides = array<i32>} : memref<2x1280xi32, #tpu.memory_space<vmem>>, vector<16xi32>,
        tpu.vector_store %arg6[%swap3A_1741, %swap3A_1742], %gather3A_1740 {strides = array<i32>} : memref<2x1280xi32, #tpu.memory_space<vmem>>, vector<16xi32>,
        %add3A_1744 = arith.constant 1264 : i32
        %add3A_1745 = vector.broadcast %add3A_1744 : i32 to vector<16xi32>
        %add3A_1746 = arith.addi %iota3A, %add3A_1745 : vector<16xi32>
        %and3A_1747 = arith.constant 3 : i32
        %and3A_1748 = vector.broadcast %and3A_1747 : i32 to vector<16xi32>
        %and3A_1749 = arith.andi %add3A_1746, %and3A_1748 : vector<16xi32>
        %mul3A_1750 = arith.constant 320 : i32
        %mul3A_1751 = vector.broadcast %mul3A_1750 : i32 to vector<16xi32>
        %mul3A_1752 = arith.muli %and3A_1749, %mul3A_1751 : vector<16xi32>
        %shift_right_arithmetic3A_1753 = arith.constant 2 : i32
        %shift_right_arithmetic3A_1754 = vector.broadcast %shift_right_arithmetic3A_1753 : i32 to vector<16xi32>
        %shift_right_arithmetic3A_1755 = arith.shrsi %add3A_1746, %shift_right_arithmetic3A_1754 : vector<16xi32>
        %add3A_1756 = arith.addi %mul3A_1752, %shift_right_arithmetic3A_1755 : vector<16xi32>
        %gather3A_1757 = arith.constant 0 : i32
        %gather3A_1758 = tpu.memref_slice %arg5[%rem3A_114, %gather3A_1757] : memref<2x1280xi32, #tpu.memory_space<vmem>> -> memref<1x1280xi32, #tpu.memory_space<vmem>>
        %gather3A_1759 = tpu.memref_squeeze %gather3A_1758 : memref<1x1280xi32, #tpu.memory_space<vmem>> -> memref<1280xi32, #tpu.memory_space<vmem>>
        %gather3A_1760 = tpu.vector_load_idx %gather3A_1759[%add3A_1756] : memref<1280xi32, #tpu.memory_space<vmem>>[vector<16xi32>], vector<16xi32>,
        %swap3A_1761 = arith.index_cast %rem3A_114 : i32 to index
        %swap3A_1762 = arith.constant 1264 : index
        %swap3A_1763 = tpu.vector_load %arg6[%swap3A_1761, %swap3A_1762] {strides = array<i32>} : memref<2x1280xi32, #tpu.memory_space<vmem>>, vector<16xi32>,
        tpu.vector_store %arg6[%swap3A_1761, %swap3A_1762], %gather3A_1760 {strides = array<i32>} : memref<2x1280xi32, #tpu.memory_space<vmem>>, vector<16xi32>,
        %ge3A_1764 = arith.constant 2 : i32
        %ge3A_1765 = arith.cmpi sge, %scan3A_112, %ge3A_1764 : i32
        %convert_element_type3A_1766 = arith.extui %ge3A_1765 : i1 to i32
        %cond3A_1767 = arith.constant 0 : i32
        %cond3A_1768 = arith.cmpi ne, %convert_element_type3A_1766, %cond3A_1767 : i32
        scf.if %cond3A_1768 {
          %dma_wait3A_1983 = arith.constant 0 : i32
          %dma_wait3A_1984 = arith.constant 0 : i32
          %dma_wait3A_1985 = tpu.memref_slice %arg7[%rem3A_114, %dma_wait3A_1983, %dma_wait3A_1984] : memref<2x1280x32xi32, #tpu.memory_space<vmem>> -> memref<1x1280x32xi32, #tpu.memory_space<vmem>>
          %dma_wait3A_1986 = tpu.memref_squeeze %dma_wait3A_1985 : memref<1x1280x32xi32, #tpu.memory_space<vmem>> -> memref<1280x32xi32, #tpu.memory_space<vmem>>
          %dma_wait3A_1987 = arith.constant 0 : i32
          %dma_wait3A_1988 = arith.constant 0 : i32
          %dma_wait3A_1989 = tpu.memref_slice %arg4[%dma_wait3A_1987, %dma_wait3A_1988] : memref<1600000x32xi32, #tpu.memory_space<hbm>> -> memref<1280x32xi32, #tpu.memory_space<hbm>>
          %dma_wait3A_1990 = arith.constant 0 : i32
          %dma_wait3A_1991 = arith.constant 0 : i32
          %dma_wait3A_1992 = tpu.memref_slice %arg4[%dma_wait3A_1990, %dma_wait3A_1991] : memref<1600000x32xi32, #tpu.memory_space<hbm>> -> memref<1280x32xi32, #tpu.memory_space<hbm>>
          %dma_wait3A_1993 = arith.constant 0 : i32
          %dma_wait3A_1994 = arith.constant 0 : i32
          %dma_wait3A_1995 = tpu.memref_slice %arg7[%rem3A_114, %dma_wait3A_1993, %dma_wait3A_1994] : memref<2x1280x32xi32, #tpu.memory_space<vmem>> -> memref<1x1280x32xi32, #tpu.memory_space<vmem>>
          %dma_wait3A_1996 = tpu.memref_squeeze %dma_wait3A_1995 : memref<1x1280x32xi32, #tpu.memory_space<vmem>> -> memref<1280x32xi32, #tpu.memory_space<vmem>>
          tpu.wait_dma2 semaphore(%arg10 : memref<!tpu.dma_semaphore, #tpu.memory_space<semaphore_mem>>) src(%dma_wait3A_1996 : memref<1280x32xi32, #tpu.memory_space<vmem>>) dst(%dma_wait3A_1992 : memref<1280x32xi32, #tpu.memory_space<hbm>>)
        } else {
        }
        %dma_start3A_1769 = arith.constant 0 : i32
        %dma_start3A_1770 = arith.constant 0 : i32
        %dma_start3A_1771 = tpu.memref_slice %arg7[%rem3A_114, %dma_start3A_1769, %dma_start3A_1770] : memref<2x1280x32xi32, #tpu.memory_space<vmem>> -> memref<1x128x32xi32, #tpu.memory_space<vmem>>
        %dma_start3A_1772 = tpu.memref_squeeze %dma_start3A_1771 : memref<1x128x32xi32, #tpu.memory_space<vmem>> -> memref<128x32xi32, #tpu.memory_space<vmem>>
        %dma_start3A_1773 = arith.constant 0 : i32
        %dma_start3A_1774 = tpu.memref_slice %arg6[%rem3A_114, %dma_start3A_1773] : memref<2x1280xi32, #tpu.memory_space<vmem>> -> memref<1x128xi32, #tpu.memory_space<vmem>>
        %dma_start3A_1775 = tpu.memref_squeeze %dma_start3A_1774 : memref<1x128xi32, #tpu.memory_space<vmem>> -> memref<128xi32, #tpu.memory_space<vmem>>
        %dma_start3A_1776 = arith.constant 0 : i32
        %dma_start3A_1777 = arith.constant 0 : i32
        %dma_start3A_1778 = tpu.memref_slice %arg2[%dma_start3A_1776, %dma_start3A_1777] : memref<320000x32xi32, #tpu.memory_space<hbm>> -> memref<320000x32xi32, #tpu.memory_space<hbm>>
        tpu.enqueue_indirect_dma source(%dma_start3A_1778 : memref<320000x32xi32, #tpu.memory_space<hbm>>) target(%dma_start3A_1772 : memref<128x32xi32, #tpu.memory_space<vmem>>) offsets(%dma_start3A_1775 : memref<128xi32, #tpu.memory_space<vmem>>) semaphore(%arg9 : memref<!tpu.dma_semaphore, #tpu.memory_space<semaphore_mem>>)
        %dma_start3A_1779 = arith.constant 128 : i32
        %dma_start3A_1780 = arith.constant 0 : i32
        %dma_start3A_1781 = tpu.memref_slice %arg7[%rem3A_114, %dma_start3A_1779, %dma_start3A_1780] : memref<2x1280x32xi32, #tpu.memory_space<vmem>> -> memref<1x128x32xi32, #tpu.memory_space<vmem>>
        %dma_start3A_1782 = tpu.memref_squeeze %dma_start3A_1781 : memref<1x128x32xi32, #tpu.memory_space<vmem>> -> memref<128x32xi32, #tpu.memory_space<vmem>>
        %dma_start3A_1783 = arith.constant 128 : i32
        %dma_start3A_1784 = tpu.memref_slice %arg6[%rem3A_114, %dma_start3A_1783] : memref<2x1280xi32, #tpu.memory_space<vmem>> -> memref<1x128xi32, #tpu.memory_space<vmem>>
        %dma_start3A_1785 = tpu.memref_squeeze %dma_start3A_1784 : memref<1x128xi32, #tpu.memory_space<vmem>> -> memref<128xi32, #tpu.memory_space<vmem>>
        %dma_start3A_1786 = arith.constant 0 : i32
        %dma_start3A_1787 = arith.constant 0 : i32
        %dma_start3A_1788 = tpu.memref_slice %arg2[%dma_start3A_1786, %dma_start3A_1787] : memref<320000x32xi32, #tpu.memory_space<hbm>> -> memref<320000x32xi32, #tpu.memory_space<hbm>>
        tpu.enqueue_indirect_dma source(%dma_start3A_1788 : memref<320000x32xi32, #tpu.memory_space<hbm>>) target(%dma_start3A_1782 : memref<128x32xi32, #tpu.memory_space<vmem>>) offsets(%dma_start3A_1785 : memref<128xi32, #tpu.memory_space<vmem>>) semaphore(%arg9 : memref<!tpu.dma_semaphore, #tpu.memory_space<semaphore_mem>>)
        %dma_start3A_1789 = arith.constant 256 : i32
        %dma_start3A_1790 = arith.constant 0 : i32
        %dma_start3A_1791 = tpu.memref_slice %arg7[%rem3A_114, %dma_start3A_1789, %dma_start3A_1790] : memref<2x1280x32xi32, #tpu.memory_space<vmem>> -> memref<1x128x32xi32, #tpu.memory_space<vmem>>
        %dma_start3A_1792 = tpu.memref_squeeze %dma_start3A_1791 : memref<1x128x32xi32, #tpu.memory_space<vmem>> -> memref<128x32xi32, #tpu.memory_space<vmem>>
        %dma_start3A_1793 = arith.constant 256 : i32
        %dma_start3A_1794 = tpu.memref_slice %arg6[%rem3A_114, %dma_start3A_1793] : memref<2x1280xi32, #tpu.memory_space<vmem>> -> memref<1x128xi32, #tpu.memory_space<vmem>>
        %dma_start3A_1795 = tpu.memref_squeeze %dma_start3A_1794 : memref<1x128xi32, #tpu.memory_space<vmem>> -> memref<128xi32, #tpu.memory_space<vmem>>
        %dma_start3A_1796 = arith.constant 0 : i32
        %dma_start3A_1797 = arith.constant 0 : i32
        %dma_start3A_1798 = tpu.memref_slice %arg2[%dma_start3A_1796, %dma_start3A_1797] : memref<320000x32xi32, #tpu.memory_space<hbm>> -> memref<320000x32xi32, #tpu.memory_space<hbm>>
        tpu.enqueue_indirect_dma source(%dma_start3A_1798 : memref<320000x32xi32, #tpu.memory_space<hbm>>) target(%dma_start3A_1792 : memref<128x32xi32, #tpu.memory_space<vmem>>) offsets(%dma_start3A_1795 : memref<128xi32, #tpu.memory_space<vmem>>) semaphore(%arg9 : memref<!tpu.dma_semaphore, #tpu.memory_space<semaphore_mem>>)
        %dma_start3A_1799 = arith.constant 384 : i32
        %dma_start3A_1800 = arith.constant 0 : i32
        %dma_start3A_1801 = tpu.memref_slice %arg7[%rem3A_114, %dma_start3A_1799, %dma_start3A_1800] : memref<2x1280x32xi32, #tpu.memory_space<vmem>> -> memref<1x128x32xi32, #tpu.memory_space<vmem>>
        %dma_start3A_1802 = tpu.memref_squeeze %dma_start3A_1801 : memref<1x128x32xi32, #tpu.memory_space<vmem>> -> memref<128x32xi32, #tpu.memory_space<vmem>>
        %dma_start3A_1803 = arith.constant 384 : i32
        %dma_start3A_1804 = tpu.memref_slice %arg6[%rem3A_114, %dma_start3A_1803] : memref<2x1280xi32, #tpu.memory_space<vmem>> -> memref<1x128xi32, #tpu.memory_space<vmem>>
        %dma_start3A_1805 = tpu.memref_squeeze %dma_start3A_1804 : memref<1x128xi32, #tpu.memory_space<vmem>> -> memref<128xi32, #tpu.memory_space<vmem>>
        %dma_start3A_1806 = arith.constant 0 : i32
        %dma_start3A_1807 = arith.constant 0 : i32
        %dma_start3A_1808 = tpu.memref_slice %arg2[%dma_start3A_1806, %dma_start3A_1807] : memref<320000x32xi32, #tpu.memory_space<hbm>> -> memref<320000x32xi32, #tpu.memory_space<hbm>>
        tpu.enqueue_indirect_dma source(%dma_start3A_1808 : memref<320000x32xi32, #tpu.memory_space<hbm>>) target(%dma_start3A_1802 : memref<128x32xi32, #tpu.memory_space<vmem>>) offsets(%dma_start3A_1805 : memref<128xi32, #tpu.memory_space<vmem>>) semaphore(%arg9 : memref<!tpu.dma_semaphore, #tpu.memory_space<semaphore_mem>>)
        %dma_start3A_1809 = arith.constant 512 : i32
        %dma_start3A_1810 = arith.constant 0 : i32
        %dma_start3A_1811 = tpu.memref_slice %arg7[%rem3A_114, %dma_start3A_1809, %dma_start3A_1810] : memref<2x1280x32xi32, #tpu.memory_space<vmem>> -> memref<1x128x32xi32, #tpu.memory_space<vmem>>
        %dma_start3A_1812 = tpu.memref_squeeze %dma_start3A_1811 : memref<1x128x32xi32, #tpu.memory_space<vmem>> -> memref<128x32xi32, #tpu.memory_space<vmem>>
        %dma_start3A_1813 = arith.constant 512 : i32
        %dma_start3A_1814 = tpu.memref_slice %arg6[%rem3A_114, %dma_start3A_1813] : memref<2x1280xi32, #tpu.memory_space<vmem>> -> memref<1x128xi32, #tpu.memory_space<vmem>>
        %dma_start3A_1815 = tpu.memref_squeeze %dma_start3A_1814 : memref<1x128xi32, #tpu.memory_space<vmem>> -> memref<128xi32, #tpu.memory_space<vmem>>
        %dma_start3A_1816 = arith.constant 0 : i32
        %dma_start3A_1817 = arith.constant 0 : i32
        %dma_start3A_1818 = tpu.memref_slice %arg2[%dma_start3A_1816, %dma_start3A_1817] : memref<320000x32xi32, #tpu.memory_space<hbm>> -> memref<320000x32xi32, #tpu.memory_space<hbm>>
        tpu.enqueue_indirect_dma source(%dma_start3A_1818 : memref<320000x32xi32, #tpu.memory_space<hbm>>) target(%dma_start3A_1812 : memref<128x32xi32, #tpu.memory_space<vmem>>) offsets(%dma_start3A_1815 : memref<128xi32, #tpu.memory_space<vmem>>) semaphore(%arg9 : memref<!tpu.dma_semaphore, #tpu.memory_space<semaphore_mem>>)
        %dma_start3A_1819 = arith.constant 640 : i32
        %dma_start3A_1820 = arith.constant 0 : i32
        %dma_start3A_1821 = tpu.memref_slice %arg7[%rem3A_114, %dma_start3A_1819, %dma_start3A_1820] : memref<2x1280x32xi32, #tpu.memory_space<vmem>> -> memref<1x128x32xi32, #tpu.memory_space<vmem>>
        %dma_start3A_1822 = tpu.memref_squeeze %dma_start3A_1821 : memref<1x128x32xi32, #tpu.memory_space<vmem>> -> memref<128x32xi32, #tpu.memory_space<vmem>>
        %dma_start3A_1823 = arith.constant 640 : i32
        %dma_start3A_1824 = tpu.memref_slice %arg6[%rem3A_114, %dma_start3A_1823] : memref<2x1280xi32, #tpu.memory_space<vmem>> -> memref<1x128xi32, #tpu.memory_space<vmem>>
        %dma_start3A_1825 = tpu.memref_squeeze %dma_start3A_1824 : memref<1x128xi32, #tpu.memory_space<vmem>> -> memref<128xi32, #tpu.memory_space<vmem>>
        %dma_start3A_1826 = arith.constant 0 : i32
        %dma_start3A_1827 = arith.constant 0 : i32
        %dma_start3A_1828 = tpu.memref_slice %arg2[%dma_start3A_1826, %dma_start3A_1827] : memref<320000x32xi32, #tpu.memory_space<hbm>> -> memref<320000x32xi32, #tpu.memory_space<hbm>>
        tpu.enqueue_indirect_dma source(%dma_start3A_1828 : memref<320000x32xi32, #tpu.memory_space<hbm>>) target(%dma_start3A_1822 : memref<128x32xi32, #tpu.memory_space<vmem>>) offsets(%dma_start3A_1825 : memref<128xi32, #tpu.memory_space<vmem>>) semaphore(%arg9 : memref<!tpu.dma_semaphore, #tpu.memory_space<semaphore_mem>>)
        %dma_start3A_1829 = arith.constant 768 : i32
        %dma_start3A_1830 = arith.constant 0 : i32
        %dma_start3A_1831 = tpu.memref_slice %arg7[%rem3A_114, %dma_start3A_1829, %dma_start3A_1830] : memref<2x1280x32xi32, #tpu.memory_space<vmem>> -> memref<1x128x32xi32, #tpu.memory_space<vmem>>
        %dma_start3A_1832 = tpu.memref_squeeze %dma_start3A_1831 : memref<1x128x32xi32, #tpu.memory_space<vmem>> -> memref<128x32xi32, #tpu.memory_space<vmem>>
        %dma_start3A_1833 = arith.constant 768 : i32
        %dma_start3A_1834 = tpu.memref_slice %arg6[%rem3A_114, %dma_start3A_1833] : memref<2x1280xi32, #tpu.memory_space<vmem>> -> memref<1x128xi32, #tpu.memory_space<vmem>>
        %dma_start3A_1835 = tpu.memref_squeeze %dma_start3A_1834 : memref<1x128xi32, #tpu.memory_space<vmem>> -> memref<128xi32, #tpu.memory_space<vmem>>
        %dma_start3A_1836 = arith.constant 0 : i32
        %dma_start3A_1837 = arith.constant 0 : i32
        %dma_start3A_1838 = tpu.memref_slice %arg2[%dma_start3A_1836, %dma_start3A_1837] : memref<320000x32xi32, #tpu.memory_space<hbm>> -> memref<320000x32xi32, #tpu.memory_space<hbm>>
        tpu.enqueue_indirect_dma source(%dma_start3A_1838 : memref<320000x32xi32, #tpu.memory_space<hbm>>) target(%dma_start3A_1832 : memref<128x32xi32, #tpu.memory_space<vmem>>) offsets(%dma_start3A_1835 : memref<128xi32, #tpu.memory_space<vmem>>) semaphore(%arg9 : memref<!tpu.dma_semaphore, #tpu.memory_space<semaphore_mem>>)
        %dma_start3A_1839 = arith.constant 896 : i32
        %dma_start3A_1840 = arith.constant 0 : i32
        %dma_start3A_1841 = tpu.memref_slice %arg7[%rem3A_114, %dma_start3A_1839, %dma_start3A_1840] : memref<2x1280x32xi32, #tpu.memory_space<vmem>> -> memref<1x128x32xi32, #tpu.memory_space<vmem>>
        %dma_start3A_1842 = tpu.memref_squeeze %dma_start3A_1841 : memref<1x128x32xi32, #tpu.memory_space<vmem>> -> memref<128x32xi32, #tpu.memory_space<vmem>>
        %dma_start3A_1843 = arith.constant 896 : i32
        %dma_start3A_1844 = tpu.memref_slice %arg6[%rem3A_114, %dma_start3A_1843] : memref<2x1280xi32, #tpu.memory_space<vmem>> -> memref<1x128xi32, #tpu.memory_space<vmem>>
        %dma_start3A_1845 = tpu.memref_squeeze %dma_start3A_1844 : memref<1x128xi32, #tpu.memory_space<vmem>> -> memref<128xi32, #tpu.memory_space<vmem>>
        %dma_start3A_1846 = arith.constant 0 : i32
        %dma_start3A_1847 = arith.constant 0 : i32
        %dma_start3A_1848 = tpu.memref_slice %arg2[%dma_start3A_1846, %dma_start3A_1847] : memref<320000x32xi32, #tpu.memory_space<hbm>> -> memref<320000x32xi32, #tpu.memory_space<hbm>>
        tpu.enqueue_indirect_dma source(%dma_start3A_1848 : memref<320000x32xi32, #tpu.memory_space<hbm>>) target(%dma_start3A_1842 : memref<128x32xi32, #tpu.memory_space<vmem>>) offsets(%dma_start3A_1845 : memref<128xi32, #tpu.memory_space<vmem>>) semaphore(%arg9 : memref<!tpu.dma_semaphore, #tpu.memory_space<semaphore_mem>>)
        %dma_start3A_1849 = arith.constant 1024 : i32
        %dma_start3A_1850 = arith.constant 0 : i32
        %dma_start3A_1851 = tpu.memref_slice %arg7[%rem3A_114, %dma_start3A_1849, %dma_start3A_1850] : memref<2x1280x32xi32, #tpu.memory_space<vmem>> -> memref<1x128x32xi32, #tpu.memory_space<vmem>>
        %dma_start3A_1852 = tpu.memref_squeeze %dma_start3A_1851 : memref<1x128x32xi32, #tpu.memory_space<vmem>> -> memref<128x32xi32, #tpu.memory_space<vmem>>
        %dma_start3A_1853 = arith.constant 1024 : i32
        %dma_start3A_1854 = tpu.memref_slice %arg6[%rem3A_114, %dma_start3A_1853] : memref<2x1280xi32, #tpu.memory_space<vmem>> -> memref<1x128xi32, #tpu.memory_space<vmem>>
        %dma_start3A_1855 = tpu.memref_squeeze %dma_start3A_1854 : memref<1x128xi32, #tpu.memory_space<vmem>> -> memref<128xi32, #tpu.memory_space<vmem>>
        %dma_start3A_1856 = arith.constant 0 : i32
        %dma_start3A_1857 = arith.constant 0 : i32
        %dma_start3A_1858 = tpu.memref_slice %arg2[%dma_start3A_1856, %dma_start3A_1857] : memref<320000x32xi32, #tpu.memory_space<hbm>> -> memref<320000x32xi32, #tpu.memory_space<hbm>>
        tpu.enqueue_indirect_dma source(%dma_start3A_1858 : memref<320000x32xi32, #tpu.memory_space<hbm>>) target(%dma_start3A_1852 : memref<128x32xi32, #tpu.memory_space<vmem>>) offsets(%dma_start3A_1855 : memref<128xi32, #tpu.memory_space<vmem>>) semaphore(%arg9 : memref<!tpu.dma_semaphore, #tpu.memory_space<semaphore_mem>>)
        %dma_start3A_1859 = arith.constant 1152 : i32
        %dma_start3A_1860 = arith.constant 0 : i32
        %dma_start3A_1861 = tpu.memref_slice %arg7[%rem3A_114, %dma_start3A_1859, %dma_start3A_1860] : memref<2x1280x32xi32, #tpu.memory_space<vmem>> -> memref<1x128x32xi32, #tpu.memory_space<vmem>>
        %dma_start3A_1862 = tpu.memref_squeeze %dma_start3A_1861 : memref<1x128x32xi32, #tpu.memory_space<vmem>> -> memref<128x32xi32, #tpu.memory_space<vmem>>
        %dma_start3A_1863 = arith.constant 1152 : i32
        %dma_start3A_1864 = tpu.memref_slice %arg6[%rem3A_114, %dma_start3A_1863] : memref<2x1280xi32, #tpu.memory_space<vmem>> -> memref<1x128xi32, #tpu.memory_space<vmem>>
        %dma_start3A_1865 = tpu.memref_squeeze %dma_start3A_1864 : memref<1x128xi32, #tpu.memory_space<vmem>> -> memref<128xi32, #tpu.memory_space<vmem>>
        %dma_start3A_1866 = arith.constant 0 : i32
        %dma_start3A_1867 = arith.constant 0 : i32
        %dma_start3A_1868 = tpu.memref_slice %arg2[%dma_start3A_1866, %dma_start3A_1867] : memref<320000x32xi32, #tpu.memory_space<hbm>> -> memref<320000x32xi32, #tpu.memory_space<hbm>>
        tpu.enqueue_indirect_dma source(%dma_start3A_1868 : memref<320000x32xi32, #tpu.memory_space<hbm>>) target(%dma_start3A_1862 : memref<128x32xi32, #tpu.memory_space<vmem>>) offsets(%dma_start3A_1865 : memref<128xi32, #tpu.memory_space<vmem>>) semaphore(%arg9 : memref<!tpu.dma_semaphore, #tpu.memory_space<semaphore_mem>>)
        %dma_wait3A_1869 = arith.constant 0 : i32
        %dma_wait3A_1870 = arith.constant 0 : i32
        %dma_wait3A_1871 = tpu.memref_slice %arg7[%rem3A_114, %dma_wait3A_1869, %dma_wait3A_1870] : memref<2x1280x32xi32, #tpu.memory_space<vmem>> -> memref<1x128x32xi32, #tpu.memory_space<vmem>>
        %dma_wait3A_1872 = tpu.memref_squeeze %dma_wait3A_1871 : memref<1x128x32xi32, #tpu.memory_space<vmem>> -> memref<128x32xi32, #tpu.memory_space<vmem>>
        %dma_wait3A_1873 = arith.constant 0 : i32
        %dma_wait3A_1874 = tpu.memref_slice %arg6[%rem3A_114, %dma_wait3A_1873] : memref<2x1280xi32, #tpu.memory_space<vmem>> -> memref<1x128xi32, #tpu.memory_space<vmem>>
        %dma_wait3A_1875 = tpu.memref_squeeze %dma_wait3A_1874 : memref<1x128xi32, #tpu.memory_space<vmem>> -> memref<128xi32, #tpu.memory_space<vmem>>
        %dma_wait3A_1876 = arith.constant 0 : i32
        %dma_wait3A_1877 = arith.constant 0 : i32
        %dma_wait3A_1878 = tpu.memref_slice %arg2[%dma_wait3A_1876, %dma_wait3A_1877] : memref<320000x32xi32, #tpu.memory_space<hbm>> -> memref<320000x32xi32, #tpu.memory_space<hbm>>
        tpu.wait_indirect_dma semaphore(%arg9 : memref<!tpu.dma_semaphore, #tpu.memory_space<semaphore_mem>>) src(%dma_wait3A_1878 : memref<320000x32xi32, #tpu.memory_space<hbm>>) dst(%dma_wait3A_1872 : memref<128x32xi32, #tpu.memory_space<vmem>>)
        %dma_wait3A_1879 = arith.constant 128 : i32
        %dma_wait3A_1880 = arith.constant 0 : i32
        %dma_wait3A_1881 = tpu.memref_slice %arg7[%rem3A_114, %dma_wait3A_1879, %dma_wait3A_1880] : memref<2x1280x32xi32, #tpu.memory_space<vmem>> -> memref<1x128x32xi32, #tpu.memory_space<vmem>>
        %dma_wait3A_1882 = tpu.memref_squeeze %dma_wait3A_1881 : memref<1x128x32xi32, #tpu.memory_space<vmem>> -> memref<128x32xi32, #tpu.memory_space<vmem>>
        %dma_wait3A_1883 = arith.constant 128 : i32
        %dma_wait3A_1884 = tpu.memref_slice %arg6[%rem3A_114, %dma_wait3A_1883] : memref<2x1280xi32, #tpu.memory_space<vmem>> -> memref<1x128xi32, #tpu.memory_space<vmem>>
        %dma_wait3A_1885 = tpu.memref_squeeze %dma_wait3A_1884 : memref<1x128xi32, #tpu.memory_space<vmem>> -> memref<128xi32, #tpu.memory_space<vmem>>
        %dma_wait3A_1886 = arith.constant 0 : i32
        %dma_wait3A_1887 = arith.constant 0 : i32
        %dma_wait3A_1888 = tpu.memref_slice %arg2[%dma_wait3A_1886, %dma_wait3A_1887] : memref<320000x32xi32, #tpu.memory_space<hbm>> -> memref<320000x32xi32, #tpu.memory_space<hbm>>
        tpu.wait_indirect_dma semaphore(%arg9 : memref<!tpu.dma_semaphore, #tpu.memory_space<semaphore_mem>>) src(%dma_wait3A_1888 : memref<320000x32xi32, #tpu.memory_space<hbm>>) dst(%dma_wait3A_1882 : memref<128x32xi32, #tpu.memory_space<vmem>>)
        %dma_wait3A_1889 = arith.constant 256 : i32
        %dma_wait3A_1890 = arith.constant 0 : i32
        %dma_wait3A_1891 = tpu.memref_slice %arg7[%rem3A_114, %dma_wait3A_1889, %dma_wait3A_1890] : memref<2x1280x32xi32, #tpu.memory_space<vmem>> -> memref<1x128x32xi32, #tpu.memory_space<vmem>>
        %dma_wait3A_1892 = tpu.memref_squeeze %dma_wait3A_1891 : memref<1x128x32xi32, #tpu.memory_space<vmem>> -> memref<128x32xi32, #tpu.memory_space<vmem>>
        %dma_wait3A_1893 = arith.constant 256 : i32
        %dma_wait3A_1894 = tpu.memref_slice %arg6[%rem3A_114, %dma_wait3A_1893] : memref<2x1280xi32, #tpu.memory_space<vmem>> -> memref<1x128xi32, #tpu.memory_space<vmem>>
        %dma_wait3A_1895 = tpu.memref_squeeze %dma_wait3A_1894 : memref<1x128xi32, #tpu.memory_space<vmem>> -> memref<128xi32, #tpu.memory_space<vmem>>
        %dma_wait3A_1896 = arith.constant 0 : i32
        %dma_wait3A_1897 = arith.constant 0 : i32
        %dma_wait3A_1898 = tpu.memref_slice %arg2[%dma_wait3A_1896, %dma_wait3A_1897] : memref<320000x32xi32, #tpu.memory_space<hbm>> -> memref<320000x32xi32, #tpu.memory_space<hbm>>
        tpu.wait_indirect_dma semaphore(%arg9 : memref<!tpu.dma_semaphore, #tpu.memory_space<semaphore_mem>>) src(%dma_wait3A_1898 : memref<320000x32xi32, #tpu.memory_space<hbm>>) dst(%dma_wait3A_1892 : memref<128x32xi32, #tpu.memory_space<vmem>>)
        %dma_wait3A_1899 = arith.constant 384 : i32
        %dma_wait3A_1900 = arith.constant 0 : i32
        %dma_wait3A_1901 = tpu.memref_slice %arg7[%rem3A_114, %dma_wait3A_1899, %dma_wait3A_1900] : memref<2x1280x32xi32, #tpu.memory_space<vmem>> -> memref<1x128x32xi32, #tpu.memory_space<vmem>>
        %dma_wait3A_1902 = tpu.memref_squeeze %dma_wait3A_1901 : memref<1x128x32xi32, #tpu.memory_space<vmem>> -> memref<128x32xi32, #tpu.memory_space<vmem>>
        %dma_wait3A_1903 = arith.constant 384 : i32
        %dma_wait3A_1904 = tpu.memref_slice %arg6[%rem3A_114, %dma_wait3A_1903] : memref<2x1280xi32, #tpu.memory_space<vmem>> -> memref<1x128xi32, #tpu.memory_space<vmem>>
        %dma_wait3A_1905 = tpu.memref_squeeze %dma_wait3A_1904 : memref<1x128xi32, #tpu.memory_space<vmem>> -> memref<128xi32, #tpu.memory_space<vmem>>
        %dma_wait3A_1906 = arith.constant 0 : i32
        %dma_wait3A_1907 = arith.constant 0 : i32
        %dma_wait3A_1908 = tpu.memref_slice %arg2[%dma_wait3A_1906, %dma_wait3A_1907] : memref<320000x32xi32, #tpu.memory_space<hbm>> -> memref<320000x32xi32, #tpu.memory_space<hbm>>
        tpu.wait_indirect_dma semaphore(%arg9 : memref<!tpu.dma_semaphore, #tpu.memory_space<semaphore_mem>>) src(%dma_wait3A_1908 : memref<320000x32xi32, #tpu.memory_space<hbm>>) dst(%dma_wait3A_1902 : memref<128x32xi32, #tpu.memory_space<vmem>>)
        %dma_wait3A_1909 = arith.constant 512 : i32
        %dma_wait3A_1910 = arith.constant 0 : i32
        %dma_wait3A_1911 = tpu.memref_slice %arg7[%rem3A_114, %dma_wait3A_1909, %dma_wait3A_1910] : memref<2x1280x32xi32, #tpu.memory_space<vmem>> -> memref<1x128x32xi32, #tpu.memory_space<vmem>>
        %dma_wait3A_1912 = tpu.memref_squeeze %dma_wait3A_1911 : memref<1x128x32xi32, #tpu.memory_space<vmem>> -> memref<128x32xi32, #tpu.memory_space<vmem>>
        %dma_wait3A_1913 = arith.constant 512 : i32
        %dma_wait3A_1914 = tpu.memref_slice %arg6[%rem3A_114, %dma_wait3A_1913] : memref<2x1280xi32, #tpu.memory_space<vmem>> -> memref<1x128xi32, #tpu.memory_space<vmem>>
        %dma_wait3A_1915 = tpu.memref_squeeze %dma_wait3A_1914 : memref<1x128xi32, #tpu.memory_space<vmem>> -> memref<128xi32, #tpu.memory_space<vmem>>
        %dma_wait3A_1916 = arith.constant 0 : i32
        %dma_wait3A_1917 = arith.constant 0 : i32
        %dma_wait3A_1918 = tpu.memref_slice %arg2[%dma_wait3A_1916, %dma_wait3A_1917] : memref<320000x32xi32, #tpu.memory_space<hbm>> -> memref<320000x32xi32, #tpu.memory_space<hbm>>
        tpu.wait_indirect_dma semaphore(%arg9 : memref<!tpu.dma_semaphore, #tpu.memory_space<semaphore_mem>>) src(%dma_wait3A_1918 : memref<320000x32xi32, #tpu.memory_space<hbm>>) dst(%dma_wait3A_1912 : memref<128x32xi32, #tpu.memory_space<vmem>>)
        %dma_wait3A_1919 = arith.constant 640 : i32
        %dma_wait3A_1920 = arith.constant 0 : i32
        %dma_wait3A_1921 = tpu.memref_slice %arg7[%rem3A_114, %dma_wait3A_1919, %dma_wait3A_1920] : memref<2x1280x32xi32, #tpu.memory_space<vmem>> -> memref<1x128x32xi32, #tpu.memory_space<vmem>>
        %dma_wait3A_1922 = tpu.memref_squeeze %dma_wait3A_1921 : memref<1x128x32xi32, #tpu.memory_space<vmem>> -> memref<128x32xi32, #tpu.memory_space<vmem>>
        %dma_wait3A_1923 = arith.constant 640 : i32
        %dma_wait3A_1924 = tpu.memref_slice %arg6[%rem3A_114, %dma_wait3A_1923] : memref<2x1280xi32, #tpu.memory_space<vmem>> -> memref<1x128xi32, #tpu.memory_space<vmem>>
        %dma_wait3A_1925 = tpu.memref_squeeze %dma_wait3A_1924 : memref<1x128xi32, #tpu.memory_space<vmem>> -> memref<128xi32, #tpu.memory_space<vmem>>
        %dma_wait3A_1926 = arith.constant 0 : i32
        %dma_wait3A_1927 = arith.constant 0 : i32
        %dma_wait3A_1928 = tpu.memref_slice %arg2[%dma_wait3A_1926, %dma_wait3A_1927] : memref<320000x32xi32, #tpu.memory_space<hbm>> -> memref<320000x32xi32, #tpu.memory_space<hbm>>
        tpu.wait_indirect_dma semaphore(%arg9 : memref<!tpu.dma_semaphore, #tpu.memory_space<semaphore_mem>>) src(%dma_wait3A_1928 : memref<320000x32xi32, #tpu.memory_space<hbm>>) dst(%dma_wait3A_1922 : memref<128x32xi32, #tpu.memory_space<vmem>>)
        %dma_wait3A_1929 = arith.constant 768 : i32
        %dma_wait3A_1930 = arith.constant 0 : i32
        %dma_wait3A_1931 = tpu.memref_slice %arg7[%rem3A_114, %dma_wait3A_1929, %dma_wait3A_1930] : memref<2x1280x32xi32, #tpu.memory_space<vmem>> -> memref<1x128x32xi32, #tpu.memory_space<vmem>>
        %dma_wait3A_1932 = tpu.memref_squeeze %dma_wait3A_1931 : memref<1x128x32xi32, #tpu.memory_space<vmem>> -> memref<128x32xi32, #tpu.memory_space<vmem>>
        %dma_wait3A_1933 = arith.constant 768 : i32
        %dma_wait3A_1934 = tpu.memref_slice %arg6[%rem3A_114, %dma_wait3A_1933] : memref<2x1280xi32, #tpu.memory_space<vmem>> -> memref<1x128xi32, #tpu.memory_space<vmem>>
        %dma_wait3A_1935 = tpu.memref_squeeze %dma_wait3A_1934 : memref<1x128xi32, #tpu.memory_space<vmem>> -> memref<128xi32, #tpu.memory_space<vmem>>
        %dma_wait3A_1936 = arith.constant 0 : i32
        %dma_wait3A_1937 = arith.constant 0 : i32
        %dma_wait3A_1938 = tpu.memref_slice %arg2[%dma_wait3A_1936, %dma_wait3A_1937] : memref<320000x32xi32, #tpu.memory_space<hbm>> -> memref<320000x32xi32, #tpu.memory_space<hbm>>
        tpu.wait_indirect_dma semaphore(%arg9 : memref<!tpu.dma_semaphore, #tpu.memory_space<semaphore_mem>>) src(%dma_wait3A_1938 : memref<320000x32xi32, #tpu.memory_space<hbm>>) dst(%dma_wait3A_1932 : memref<128x32xi32, #tpu.memory_space<vmem>>)
        %dma_wait3A_1939 = arith.constant 896 : i32
        %dma_wait3A_1940 = arith.constant 0 : i32
        %dma_wait3A_1941 = tpu.memref_slice %arg7[%rem3A_114, %dma_wait3A_1939, %dma_wait3A_1940] : memref<2x1280x32xi32, #tpu.memory_space<vmem>> -> memref<1x128x32xi32, #tpu.memory_space<vmem>>
        %dma_wait3A_1942 = tpu.memref_squeeze %dma_wait3A_1941 : memref<1x128x32xi32, #tpu.memory_space<vmem>> -> memref<128x32xi32, #tpu.memory_space<vmem>>
        %dma_wait3A_1943 = arith.constant 896 : i32
        %dma_wait3A_1944 = tpu.memref_slice %arg6[%rem3A_114, %dma_wait3A_1943] : memref<2x1280xi32, #tpu.memory_space<vmem>> -> memref<1x128xi32, #tpu.memory_space<vmem>>
        %dma_wait3A_1945 = tpu.memref_squeeze %dma_wait3A_1944 : memref<1x128xi32, #tpu.memory_space<vmem>> -> memref<128xi32, #tpu.memory_space<vmem>>
        %dma_wait3A_1946 = arith.constant 0 : i32
        %dma_wait3A_1947 = arith.constant 0 : i32
        %dma_wait3A_1948 = tpu.memref_slice %arg2[%dma_wait3A_1946, %dma_wait3A_1947] : memref<320000x32xi32, #tpu.memory_space<hbm>> -> memref<320000x32xi32, #tpu.memory_space<hbm>>
        tpu.wait_indirect_dma semaphore(%arg9 : memref<!tpu.dma_semaphore, #tpu.memory_space<semaphore_mem>>) src(%dma_wait3A_1948 : memref<320000x32xi32, #tpu.memory_space<hbm>>) dst(%dma_wait3A_1942 : memref<128x32xi32, #tpu.memory_space<vmem>>)
        %dma_wait3A_1949 = arith.constant 1024 : i32
        %dma_wait3A_1950 = arith.constant 0 : i32
        %dma_wait3A_1951 = tpu.memref_slice %arg7[%rem3A_114, %dma_wait3A_1949, %dma_wait3A_1950] : memref<2x1280x32xi32, #tpu.memory_space<vmem>> -> memref<1x128x32xi32, #tpu.memory_space<vmem>>
        %dma_wait3A_1952 = tpu.memref_squeeze %dma_wait3A_1951 : memref<1x128x32xi32, #tpu.memory_space<vmem>> -> memref<128x32xi32, #tpu.memory_space<vmem>>
        %dma_wait3A_1953 = arith.constant 1024 : i32
        %dma_wait3A_1954 = tpu.memref_slice %arg6[%rem3A_114, %dma_wait3A_1953] : memref<2x1280xi32, #tpu.memory_space<vmem>> -> memref<1x128xi32, #tpu.memory_space<vmem>>
        %dma_wait3A_1955 = tpu.memref_squeeze %dma_wait3A_1954 : memref<1x128xi32, #tpu.memory_space<vmem>> -> memref<128xi32, #tpu.memory_space<vmem>>
        %dma_wait3A_1956 = arith.constant 0 : i32
        %dma_wait3A_1957 = arith.constant 0 : i32
        %dma_wait3A_1958 = tpu.memref_slice %arg2[%dma_wait3A_1956, %dma_wait3A_1957] : memref<320000x32xi32, #tpu.memory_space<hbm>> -> memref<320000x32xi32, #tpu.memory_space<hbm>>
        tpu.wait_indirect_dma semaphore(%arg9 : memref<!tpu.dma_semaphore, #tpu.memory_space<semaphore_mem>>) src(%dma_wait3A_1958 : memref<320000x32xi32, #tpu.memory_space<hbm>>) dst(%dma_wait3A_1952 : memref<128x32xi32, #tpu.memory_space<vmem>>)
        %dma_wait3A_1959 = arith.constant 1152 : i32
        %dma_wait3A_1960 = arith.constant 0 : i32
        %dma_wait3A_1961 = tpu.memref_slice %arg7[%rem3A_114, %dma_wait3A_1959, %dma_wait3A_1960] : memref<2x1280x32xi32, #tpu.memory_space<vmem>> -> memref<1x128x32xi32, #tpu.memory_space<vmem>>
        %dma_wait3A_1962 = tpu.memref_squeeze %dma_wait3A_1961 : memref<1x128x32xi32, #tpu.memory_space<vmem>> -> memref<128x32xi32, #tpu.memory_space<vmem>>
        %dma_wait3A_1963 = arith.constant 1152 : i32
        %dma_wait3A_1964 = tpu.memref_slice %arg6[%rem3A_114, %dma_wait3A_1963] : memref<2x1280xi32, #tpu.memory_space<vmem>> -> memref<1x128xi32, #tpu.memory_space<vmem>>
        %dma_wait3A_1965 = tpu.memref_squeeze %dma_wait3A_1964 : memref<1x128xi32, #tpu.memory_space<vmem>> -> memref<128xi32, #tpu.memory_space<vmem>>
        %dma_wait3A_1966 = arith.constant 0 : i32
        %dma_wait3A_1967 = arith.constant 0 : i32
        %dma_wait3A_1968 = tpu.memref_slice %arg2[%dma_wait3A_1966, %dma_wait3A_1967] : memref<320000x32xi32, #tpu.memory_space<hbm>> -> memref<320000x32xi32, #tpu.memory_space<hbm>>
        tpu.wait_indirect_dma semaphore(%arg9 : memref<!tpu.dma_semaphore, #tpu.memory_space<semaphore_mem>>) src(%dma_wait3A_1968 : memref<320000x32xi32, #tpu.memory_space<hbm>>) dst(%dma_wait3A_1962 : memref<128x32xi32, #tpu.memory_space<vmem>>)
        %mul3A_1969 = arith.constant 1280 : i32
        %mul3A_1970 = arith.muli %add3A_117, %mul3A_1969 : i32
        %dma_start3A_1971 = arith.constant 0 : i32
        %dma_start3A_1972 = arith.constant 0 : i32
        %dma_start3A_1973 = tpu.memref_slice %arg7[%rem3A_114, %dma_start3A_1971, %dma_start3A_1972] : memref<2x1280x32xi32, #tpu.memory_space<vmem>> -> memref<1x1280x32xi32, #tpu.memory_space<vmem>>
        %dma_start3A_1974 = tpu.memref_squeeze %dma_start3A_1973 : memref<1x1280x32xi32, #tpu.memory_space<vmem>> -> memref<1280x32xi32, #tpu.memory_space<vmem>>
        %dma_start3A_1975 = arith.constant 0 : i32
        %dma_start3A_1976 = tpu.memref_slice %arg4[%mul3A_1970, %dma_start3A_1975] : memref<1600000x32xi32, #tpu.memory_space<hbm>> -> memref<1280x32xi32, #tpu.memory_space<hbm>>
        %dma_start3A_1977 = arith.constant 0 : i32
        %dma_start3A_1978 = tpu.memref_slice %arg4[%mul3A_1970, %dma_start3A_1977] : memref<1600000x32xi32, #tpu.memory_space<hbm>> -> memref<1280x32xi32, #tpu.memory_space<hbm>>
        %dma_start3A_1979 = arith.constant 0 : i32
        %dma_start3A_1980 = arith.constant 0 : i32
        %dma_start3A_1981 = tpu.memref_slice %arg7[%rem3A_114, %dma_start3A_1979, %dma_start3A_1980] : memref<2x1280x32xi32, #tpu.memory_space<vmem>> -> memref<1x1280x32xi32, #tpu.memory_space<vmem>>
        %dma_start3A_1982 = tpu.memref_squeeze %dma_start3A_1981 : memref<1x1280x32xi32, #tpu.memory_space<vmem>> -> memref<1280x32xi32, #tpu.memory_space<vmem>>
        tpu.enqueue_dma source(%dma_start3A_1982 : memref<1280x32xi32, #tpu.memory_space<vmem>>) target(%dma_start3A_1978 : memref<1280x32xi32, #tpu.memory_space<hbm>>) target_semaphore(%arg10 : memref<!tpu.dma_semaphore, #tpu.memory_space<semaphore_mem>>)
      } else {
      }
    }
    %scan3A_104 = arith.constant 40 : i32
    %ge3A = arith.constant 2 : i32
    %ge3A_105 = arith.cmpi sge, %select_n3A, %ge3A : i32
    %convert_element_type3A = arith.extui %ge3A_105 : i1 to i32
    %cond3A = arith.constant 0 : i32
    %cond3A_106 = arith.cmpi ne, %convert_element_type3A, %cond3A : i32
    scf.if %cond3A_106 {
      %dma_wait3A = arith.constant 0 : i32
      %dma_wait3A_112 = arith.constant 0 : i32
      %dma_wait3A_113 = arith.constant 0 : i32
      %dma_wait3A_114 = tpu.memref_slice %arg7[%dma_wait3A, %dma_wait3A_112, %dma_wait3A_113] : memref<2x1280x32xi32, #tpu.memory_space<vmem>> -> memref<1x1280x32xi32, #tpu.memory_space<vmem>>
      %dma_wait3A_115 = tpu.memref_squeeze %dma_wait3A_114 : memref<1x1280x32xi32, #tpu.memory_space<vmem>> -> memref<1280x32xi32, #tpu.memory_space<vmem>>
      %dma_wait3A_116 = arith.constant 0 : i32
      %dma_wait3A_117 = arith.constant 0 : i32
      %dma_wait3A_118 = tpu.memref_slice %arg4[%dma_wait3A_116, %dma_wait3A_117] : memref<1600000x32xi32, #tpu.memory_space<hbm>> -> memref<1280x32xi32, #tpu.memory_space<hbm>>
      %dma_wait3A_119 = arith.constant 0 : i32
      %dma_wait3A_120 = arith.constant 0 : i32
      %dma_wait3A_121 = tpu.memref_slice %arg4[%dma_wait3A_119, %dma_wait3A_120] : memref<1600000x32xi32, #tpu.memory_space<hbm>> -> memref<1280x32xi32, #tpu.memory_space<hbm>>
      %dma_wait3A_122 = arith.constant 0 : i32
      %dma_wait3A_123 = arith.constant 0 : i32
      %dma_wait3A_124 = tpu.memref_slice %arg7[%dma_wait3A, %dma_wait3A_122, %dma_wait3A_123] : memref<2x1280x32xi32, #tpu.memory_space<vmem>> -> memref<1x1280x32xi32, #tpu.memory_space<vmem>>
      %dma_wait3A_125 = tpu.memref_squeeze %dma_wait3A_124 : memref<1x1280x32xi32, #tpu.memory_space<vmem>> -> memref<1280x32xi32, #tpu.memory_space<vmem>>
      tpu.wait_dma2 semaphore(%arg10 : memref<!tpu.dma_semaphore, #tpu.memory_space<semaphore_mem>>) src(%dma_wait3A_125 : memref<1280x32xi32, #tpu.memory_space<vmem>>) dst(%dma_wait3A_121 : memref<1280x32xi32, #tpu.memory_space<hbm>>)
    } else {
    }
    %ge3A_107 = arith.constant 1 : i32
    %ge3A_108 = arith.cmpi sge, %select_n3A, %ge3A_107 : i32
    %convert_element_type3A_109 = arith.extui %ge3A_108 : i1 to i32
    %cond3A_110 = arith.constant 0 : i32
    %cond3A_111 = arith.cmpi ne, %convert_element_type3A_109, %cond3A_110 : i32
    scf.if %cond3A_111 {
      %dma_wait3A = arith.constant 1 : i32
      %dma_wait3A_112 = arith.constant 0 : i32
      %dma_wait3A_113 = arith.constant 0 : i32
      %dma_wait3A_114 = tpu.memref_slice %arg7[%dma_wait3A, %dma_wait3A_112, %dma_wait3A_113] : memref<2x1280x32xi32, #tpu.memory_space<vmem>> -> memref<1x1280x32xi32, #tpu.memory_space<vmem>>
      %dma_wait3A_115 = tpu.memref_squeeze %dma_wait3A_114 : memref<1x1280x32xi32, #tpu.memory_space<vmem>> -> memref<1280x32xi32, #tpu.memory_space<vmem>>
      %dma_wait3A_116 = arith.constant 0 : i32
      %dma_wait3A_117 = arith.constant 0 : i32
      %dma_wait3A_118 = tpu.memref_slice %arg4[%dma_wait3A_116, %dma_wait3A_117] : memref<1600000x32xi32, #tpu.memory_space<hbm>> -> memref<1280x32xi32, #tpu.memory_space<hbm>>
      %dma_wait3A_119 = arith.constant 0 : i32
      %dma_wait3A_120 = arith.constant 0 : i32
      %dma_wait3A_121 = tpu.memref_slice %arg4[%dma_wait3A_119, %dma_wait3A_120] : memref<1600000x32xi32, #tpu.memory_space<hbm>> -> memref<1280x32xi32, #tpu.memory_space<hbm>>
      %dma_wait3A_122 = arith.constant 0 : i32
      %dma_wait3A_123 = arith.constant 0 : i32
      %dma_wait3A_124 = tpu.memref_slice %arg7[%dma_wait3A, %dma_wait3A_122, %dma_wait3A_123] : memref<2x1280x32xi32, #tpu.memory_space<vmem>> -> memref<1x1280x32xi32, #tpu.memory_space<vmem>>
      %dma_wait3A_125 = tpu.memref_squeeze %dma_wait3A_124 : memref<1x1280x32xi32, #tpu.memory_space<vmem>> -> memref<1280x32xi32, #tpu.memory_space<vmem>>
      tpu.wait_dma2 semaphore(%arg10 : memref<!tpu.dma_semaphore, #tpu.memory_space<semaphore_mem>>) src(%dma_wait3A_125 : memref<1280x32xi32, #tpu.memory_space<vmem>>) dst(%dma_wait3A_121 : memref<1280x32xi32, #tpu.memory_space<hbm>>)
    } else {
    }
    return
  }
}

module attributes {stable_mosaic.version = 14 : i64} {
  func.func @body(%arg0: i32, %arg1: memref<64x2560xf32, #tpu.memory_space<vmem>>, %arg2: memref<640x128xi32, #tpu.memory_space<vmem>>) attributes {dimension_semantics = [#tpu.dimension_semantics<arbitrary>], iteration_bounds = array<i64: 125>, scalar_prefetch = 0 : i64, scratch_operands = 0 : i64, tpu.core_type = #tpu.core_type<tc>, window_params = [{transform_indices = @transform_0, window_bounds = array<i64: 64, 2560>}, {transform_indices = @transform_1, window_bounds = array<i64: 640, 128>}]} {
    %get3A = arith.constant 0 : index
    %get3A_0 = arith.constant 0 : index
    %get3A_1 = vector.load %arg1[%get3A, %get3A_0] : memref<64x2560xf32, #tpu.memory_space<vmem>>, vector<64x2560xf32>
    %bitcast_convert_type3A = tpu.bitcast %get3A_1 : vector<64x2560xf32> -> vector<64x2560xi32>
    %add3A = arith.constant 32767 : i32
    %add3A_2 = vector.broadcast %add3A : i32 to vector<64x2560xi32>
    %add3A_3 = arith.addi %bitcast_convert_type3A, %add3A_2 : vector<64x2560xi32>
    %shift_right_logical3A = arith.constant 16 : i32
    %shift_right_logical3A_4 = vector.broadcast %shift_right_logical3A : i32 to vector<64x2560xi32>
    %shift_right_logical3A_5 = arith.shrui %bitcast_convert_type3A, %shift_right_logical3A_4 : vector<64x2560xi32>
    %and3A = arith.constant 1 : i32
    %and3A_6 = vector.broadcast %and3A : i32 to vector<64x2560xi32>
    %and3A_7 = arith.andi %shift_right_logical3A_5, %and3A_6 : vector<64x2560xi32>
    %add3A_8 = arith.addi %add3A_3, %and3A_7 : vector<64x2560xi32>
    %shift_right_logical3A_9 = arith.constant 16 : i32
    %shift_right_logical3A_10 = vector.broadcast %shift_right_logical3A_9 : i32 to vector<64x2560xi32>
    %shift_right_logical3A_11 = arith.shrui %add3A_8, %shift_right_logical3A_10 : vector<64x2560xi32>
    %slice3A = vector.extract_strided_slice %shift_right_logical3A_11 {offsets = [32, 0], sizes = [32, 2560], strides = [1, 1]} : vector<64x2560xi32> to vector<32x2560xi32>
    %shift_left3A = arith.constant 16 : i32
    %shift_left3A_12 = vector.broadcast %shift_left3A : i32 to vector<32x2560xi32>
    %shift_left3A_13 = arith.shli %slice3A, %shift_left3A_12 : vector<32x2560xi32>
    %slice3A_14 = vector.extract_strided_slice %shift_right_logical3A_11 {offsets = [0, 0], sizes = [32, 2560], strides = [1, 1]} : vector<64x2560xi32> to vector<32x2560xi32>
    %or3A = arith.ori %shift_left3A_13, %slice3A_14 : vector<32x2560xi32>
    %transpose3A = tpu.transpose %or3A, [1, 0] : vector<32x2560xi32> -> vector<2560x32xi32>
    %bitcast_convert_type3A_15 = tpu.bitcast %transpose3A : vector<2560x32xi32> -> vector<2560x32xi32>
    %reshape3A = vector.shape_cast %bitcast_convert_type3A_15 : vector<2560x32xi32> to vector<640x4x32xi32>
    %slice3A_16 = vector.extract_strided_slice %reshape3A {offsets = [0, 0, 0], sizes = [640, 1, 32], strides = [1, 1, 1]} : vector<640x4x32xi32> to vector<640x1x32xi32>
    %squeeze3A = vector.shape_cast %slice3A_16 : vector<640x1x32xi32> to vector<640x32xi32>
    %swap3A = arith.constant 0 : index
    %swap3A_17 = arith.constant 0 : index
    %swap3A_18 = vector.load %arg2[%swap3A, %swap3A_17] : memref<640x128xi32, #tpu.memory_space<vmem>>, vector<640x32xi32>
    tpu.vector_store %arg2[%swap3A, %swap3A_17], %squeeze3A {strides = array<i32>} : memref<640x128xi32, #tpu.memory_space<vmem>>, vector<640x32xi32>,
    %slice3A_19 = vector.extract_strided_slice %reshape3A {offsets = [0, 1, 0], sizes = [640, 1, 32], strides = [1, 1, 1]} : vector<640x4x32xi32> to vector<640x1x32xi32>
    %squeeze3A_20 = vector.shape_cast %slice3A_19 : vector<640x1x32xi32> to vector<640x32xi32>
    %swap3A_21 = arith.constant 0 : index
    %swap3A_22 = arith.constant 32 : index
    %swap3A_23 = vector.load %arg2[%swap3A_21, %swap3A_22] : memref<640x128xi32, #tpu.memory_space<vmem>>, vector<640x32xi32>
    tpu.vector_store %arg2[%swap3A_21, %swap3A_22], %squeeze3A_20 {strides = array<i32>} : memref<640x128xi32, #tpu.memory_space<vmem>>, vector<640x32xi32>,
    %slice3A_24 = vector.extract_strided_slice %reshape3A {offsets = [0, 2, 0], sizes = [640, 1, 32], strides = [1, 1, 1]} : vector<640x4x32xi32> to vector<640x1x32xi32>
    %squeeze3A_25 = vector.shape_cast %slice3A_24 : vector<640x1x32xi32> to vector<640x32xi32>
    %swap3A_26 = arith.constant 0 : index
    %swap3A_27 = arith.constant 64 : index
    %swap3A_28 = vector.load %arg2[%swap3A_26, %swap3A_27] : memref<640x128xi32, #tpu.memory_space<vmem>>, vector<640x32xi32>
    tpu.vector_store %arg2[%swap3A_26, %swap3A_27], %squeeze3A_25 {strides = array<i32>} : memref<640x128xi32, #tpu.memory_space<vmem>>, vector<640x32xi32>,
    %slice3A_29 = vector.extract_strided_slice %reshape3A {offsets = [0, 3, 0], sizes = [640, 1, 32], strides = [1, 1, 1]} : vector<640x4x32xi32> to vector<640x1x32xi32>
    %squeeze3A_30 = vector.shape_cast %slice3A_29 : vector<640x1x32xi32> to vector<640x32xi32>
    %swap3A_31 = arith.constant 0 : index
    %swap3A_32 = arith.constant 96 : index
    %swap3A_33 = vector.load %arg2[%swap3A_31, %swap3A_32] : memref<640x128xi32, #tpu.memory_space<vmem>>, vector<640x32xi32>
    tpu.vector_store %arg2[%swap3A_31, %swap3A_32], %squeeze3A_30 {strides = array<i32>} : memref<640x128xi32, #tpu.memory_space<vmem>>, vector<640x32xi32>,
    return
  }
  func.func @transform_0(%arg0: i32) -> (i32, i32) {
    %c0_i32 = arith.constant 0 : i32
    %c0_i32_0 = arith.constant 0 : i32
    return %c0_i32, %arg0 : i32, i32
  }
  func.func @transform_1(%arg0: i32) -> (i32, i32) {
    %c0_i32 = arith.constant 0 : i32
    %c0_i32_0 = arith.constant 0 : i32
    return %arg0, %c0_i32 : i32, i32
  }
}

module attributes {stable_mosaic.version = 14 : i64} {
  func.func @body(%arg0: i32, %arg1: memref<3200x128xi32, #tpu.memory_space<vmem>>, %arg2: memref<256x1792xbf16, #tpu.memory_space<vmem>>, %arg3: memref<256x640xbf16, #tpu.memory_space<vmem>>, %arg4: memref<256x2xf32, #tpu.memory_space<vmem>>) attributes {dimension_semantics = [#tpu.dimension_semantics<arbitrary>], iteration_bounds = array<i64: 125>, scalar_prefetch = 0 : i64, scratch_operands = 0 : i64, tpu.core_type = #tpu.core_type<tc>, window_params = [{transform_indices = @transform_0, window_bounds = array<i64: 3200, 128>}, {pipeline_mode = #tpu.pipeline_mode<synchronous>, transform_indices = @transform_1, window_bounds = array<i64: 256, 1792>}, {transform_indices = @transform_2, window_bounds = array<i64: 256, 640>}, {pipeline_mode = #tpu.pipeline_mode<synchronous>, transform_indices = @transform_3, window_bounds = array<i64: 256, 2>}]} {
    %get3A = arith.constant 0 : index
    %get3A_0 = arith.constant 0 : index
    %get3A_1 = vector.load %arg1[%get3A, %get3A_0] : memref<3200x128xi32, #tpu.memory_space<vmem>>, vector<3200x128xi32>
    %slice3A = vector.extract_strided_slice %get3A_1 {offsets = [0, 0], sizes = [640, 128], strides = [1, 1]} : vector<3200x128xi32> to vector<640x128xi32>
    %bitcast_convert_type3A = tpu.bitcast %slice3A : vector<640x128xi32> -> vector<640x128xi32>
    %shift_left3A = arith.constant 16 : i32
    %shift_left3A_2 = vector.broadcast %shift_left3A : i32 to vector<640x128xi32>
    %shift_left3A_3 = arith.shli %bitcast_convert_type3A, %shift_left3A_2 : vector<640x128xi32>
    %bitcast_convert_type3A_4 = tpu.bitcast %shift_left3A_3 : vector<640x128xi32> -> vector<640x128xf32>
    %and3A = arith.constant -65536 : i32
    %and3A_5 = vector.broadcast %and3A : i32 to vector<640x128xi32>
    %and3A_6 = arith.andi %bitcast_convert_type3A, %and3A_5 : vector<640x128xi32>
    %bitcast_convert_type3A_7 = tpu.bitcast %and3A_6 : vector<640x128xi32> -> vector<640x128xf32>
    %slice3A_8 = vector.extract_strided_slice %get3A_1 {offsets = [640, 0], sizes = [640, 128], strides = [1, 1]} : vector<3200x128xi32> to vector<640x128xi32>
    %bitcast_convert_type3A_9 = tpu.bitcast %slice3A_8 : vector<640x128xi32> -> vector<640x128xi32>
    %shift_left3A_10 = arith.constant 16 : i32
    %shift_left3A_11 = vector.broadcast %shift_left3A_10 : i32 to vector<640x128xi32>
    %shift_left3A_12 = arith.shli %bitcast_convert_type3A_9, %shift_left3A_11 : vector<640x128xi32>
    %bitcast_convert_type3A_13 = tpu.bitcast %shift_left3A_12 : vector<640x128xi32> -> vector<640x128xf32>
    %and3A_14 = arith.constant -65536 : i32
    %and3A_15 = vector.broadcast %and3A_14 : i32 to vector<640x128xi32>
    %and3A_16 = arith.andi %bitcast_convert_type3A_9, %and3A_15 : vector<640x128xi32>
    %bitcast_convert_type3A_17 = tpu.bitcast %and3A_16 : vector<640x128xi32> -> vector<640x128xf32>
    %slice3A_18 = vector.extract_strided_slice %get3A_1 {offsets = [1280, 0], sizes = [640, 128], strides = [1, 1]} : vector<3200x128xi32> to vector<640x128xi32>
    %bitcast_convert_type3A_19 = tpu.bitcast %slice3A_18 : vector<640x128xi32> -> vector<640x128xi32>
    %shift_left3A_20 = arith.constant 16 : i32
    %shift_left3A_21 = vector.broadcast %shift_left3A_20 : i32 to vector<640x128xi32>
    %shift_left3A_22 = arith.shli %bitcast_convert_type3A_19, %shift_left3A_21 : vector<640x128xi32>
    %bitcast_convert_type3A_23 = tpu.bitcast %shift_left3A_22 : vector<640x128xi32> -> vector<640x128xf32>
    %and3A_24 = arith.constant -65536 : i32
    %and3A_25 = vector.broadcast %and3A_24 : i32 to vector<640x128xi32>
    %and3A_26 = arith.andi %bitcast_convert_type3A_19, %and3A_25 : vector<640x128xi32>
    %bitcast_convert_type3A_27 = tpu.bitcast %and3A_26 : vector<640x128xi32> -> vector<640x128xf32>
    %slice3A_28 = vector.extract_strided_slice %get3A_1 {offsets = [1920, 0], sizes = [640, 128], strides = [1, 1]} : vector<3200x128xi32> to vector<640x128xi32>
    %bitcast_convert_type3A_29 = tpu.bitcast %slice3A_28 : vector<640x128xi32> -> vector<640x128xi32>
    %shift_left3A_30 = arith.constant 16 : i32
    %shift_left3A_31 = vector.broadcast %shift_left3A_30 : i32 to vector<640x128xi32>
    %shift_left3A_32 = arith.shli %bitcast_convert_type3A_29, %shift_left3A_31 : vector<640x128xi32>
    %bitcast_convert_type3A_33 = tpu.bitcast %shift_left3A_32 : vector<640x128xi32> -> vector<640x128xf32>
    %and3A_34 = arith.constant -65536 : i32
    %and3A_35 = vector.broadcast %and3A_34 : i32 to vector<640x128xi32>
    %and3A_36 = arith.andi %bitcast_convert_type3A_29, %and3A_35 : vector<640x128xi32>
    %bitcast_convert_type3A_37 = tpu.bitcast %and3A_36 : vector<640x128xi32> -> vector<640x128xf32>
    %slice3A_38 = vector.extract_strided_slice %get3A_1 {offsets = [2560, 0], sizes = [640, 128], strides = [1, 1]} : vector<3200x128xi32> to vector<640x128xi32>
    %bitcast_convert_type3A_39 = tpu.bitcast %slice3A_38 : vector<640x128xi32> -> vector<640x128xi32>
    %shift_left3A_40 = arith.constant 16 : i32
    %shift_left3A_41 = vector.broadcast %shift_left3A_40 : i32 to vector<640x128xi32>
    %shift_left3A_42 = arith.shli %bitcast_convert_type3A_39, %shift_left3A_41 : vector<640x128xi32>
    %bitcast_convert_type3A_43 = tpu.bitcast %shift_left3A_42 : vector<640x128xi32> -> vector<640x128xf32>
    %and3A_44 = arith.constant -65536 : i32
    %and3A_45 = vector.broadcast %and3A_44 : i32 to vector<640x128xi32>
    %and3A_46 = arith.andi %bitcast_convert_type3A_39, %and3A_45 : vector<640x128xi32>
    %bitcast_convert_type3A_47 = tpu.bitcast %and3A_46 : vector<640x128xi32> -> vector<640x128xf32>
    %sub3A = arith.subf %bitcast_convert_type3A_13, %bitcast_convert_type3A_33 : vector<640x128xf32>
    %abs3A = math.absf %sub3A : vector<640x128xf32>
    %sub3A_48 = arith.subf %bitcast_convert_type3A_23, %bitcast_convert_type3A_43 : vector<640x128xf32>
    %abs3A_49 = math.absf %sub3A_48 : vector<640x128xf32>
    %sub3A_50 = arith.subf %bitcast_convert_type3A_17, %bitcast_convert_type3A_37 : vector<640x128xf32>
    %abs3A_51 = math.absf %sub3A_50 : vector<640x128xf32>
    %sub3A_52 = arith.subf %bitcast_convert_type3A_27, %bitcast_convert_type3A_47 : vector<640x128xf32>
    %abs3A_53 = math.absf %sub3A_52 : vector<640x128xf32>
    %concatenate3A = tpu.concatenate %bitcast_convert_type3A_4, %bitcast_convert_type3A_13, %bitcast_convert_type3A_23, %bitcast_convert_type3A_33, %bitcast_convert_type3A_43, %bitcast_convert_type3A_7, %bitcast_convert_type3A_17, %bitcast_convert_type3A_27, %bitcast_convert_type3A_37, %bitcast_convert_type3A_47, %abs3A, %abs3A_49, %abs3A_51, %abs3A_53 in 1 : vector<640x128xf32>, vector<640x128xf32>, vector<640x128xf32>, vector<640x128xf32>, vector<640x128xf32>, vector<640x128xf32>, vector<640x128xf32>, vector<640x128xf32>, vector<640x128xf32>, vector<640x128xf32>, vector<640x128xf32>, vector<640x128xf32>, vector<640x128xf32>, vector<640x128xf32> -> vector<640x1792xf32>
    %convert_element_type3A = arith.truncf %concatenate3A : vector<640x1792xf32> to vector<640x1792xbf16>
    %get3A_54 = arith.constant 0 : index
    %get3A_55 = arith.constant 0 : index
    %get3A_56 = vector.load %arg2[%get3A_54, %get3A_55] : memref<256x1792xbf16, #tpu.memory_space<vmem>>, vector<256x1792xbf16>
    %dot_general3A = arith.constant dense<0.000000e+00> : vector<256x640xf32>
    %dot_general3A_57 = tpu.matmul %get3A_56, %convert_element_type3A, %dot_general3A {dimension_numbers = #tpu.dot_dimension_numbers<[1], [1], [0], [0], [0, 0, 1, 0], [], []>, transpose_lhs_hint = false} : vector<256x1792xbf16>, vector<640x1792xbf16>, vector<256x640xf32> -> vector<256x640xf32>
    %convert_element_type3A_58 = arith.truncf %dot_general3A_57 : vector<256x640xf32> to vector<256x640xbf16>
    %swap3A = arith.constant 0 : index
    %swap3A_59 = arith.constant 0 : index
    %swap3A_60 = vector.load %arg3[%swap3A, %swap3A_59] : memref<256x640xbf16, #tpu.memory_space<vmem>>, vector<256x640xbf16>
    tpu.vector_store %arg3[%swap3A, %swap3A_59], %convert_element_type3A_58 {strides = array<i32>} : memref<256x640xbf16, #tpu.memory_space<vmem>>, vector<256x640xbf16>,
    %eq3A = arith.constant 0 : i32
    %eq3A_61 = arith.cmpi eq, %arg0, %eq3A : i32
    %convert_element_type3A_62 = arith.extui %eq3A_61 : i1 to i32
    %cond3A = arith.constant 0 : i32
    %cond3A_63 = arith.cmpi ne, %convert_element_type3A_62, %cond3A : i32
    scf.if %cond3A_63 {
      %broadcast_in_dim3A_75 = arith.constant 0.000000e+00 : f32
      %broadcast_in_dim3A_76 = vector.broadcast %broadcast_in_dim3A_75 : f32 to vector<256x2xf32>
      %swap3A_77 = arith.constant 0 : index
      %swap3A_78 = arith.constant 0 : index
      %swap3A_79 = vector.load %arg4[%swap3A_77, %swap3A_78] : memref<256x2xf32, #tpu.memory_space<vmem>>, vector<256x2xf32>
      tpu.vector_store %arg4[%swap3A_77, %swap3A_78], %broadcast_in_dim3A_76 {strides = array<i32>} : memref<256x2xf32, #tpu.memory_space<vmem>>, vector<256x2xf32>,
    } else {
    }
    %reduce_sum3A = arith.constant dense<0.000000e+00> : vector<256xf32>
    %reduce_sum3A_64 = vector.multi_reduction <add>, %dot_general3A_57, %reduce_sum3A [1] : vector<256x640xf32> to vector<256xf32>
    %broadcast_in_dim3A = vector.shape_cast %reduce_sum3A_64 : vector<256xf32> to vector<256x1xf32>
    %mul3A = arith.mulf %dot_general3A_57, %dot_general3A_57 : vector<256x640xf32>
    %reduce_sum3A_65 = arith.constant dense<0.000000e+00> : vector<256xf32>
    %reduce_sum3A_66 = vector.multi_reduction <add>, %mul3A, %reduce_sum3A_65 [1] : vector<256x640xf32> to vector<256xf32>
    %broadcast_in_dim3A_67 = vector.shape_cast %reduce_sum3A_66 : vector<256xf32> to vector<256x1xf32>
    %get3A_68 = arith.constant 0 : index
    %get3A_69 = arith.constant 0 : index
    %get3A_70 = vector.load %arg4[%get3A_68, %get3A_69] : memref<256x2xf32, #tpu.memory_space<vmem>>, vector<256x2xf32>
    %concatenate3A_71 = tpu.concatenate %broadcast_in_dim3A, %broadcast_in_dim3A_67 in 1 : vector<256x1xf32>, vector<256x1xf32> -> vector<256x2xf32>
    %add3A = arith.addf %get3A_70, %concatenate3A_71 : vector<256x2xf32>
    %swap3A_72 = arith.constant 0 : index
    %swap3A_73 = arith.constant 0 : index
    %swap3A_74 = vector.load %arg4[%swap3A_72, %swap3A_73] : memref<256x2xf32, #tpu.memory_space<vmem>>, vector<256x2xf32>
    tpu.vector_store %arg4[%swap3A_72, %swap3A_73], %add3A {strides = array<i32>} : memref<256x2xf32, #tpu.memory_space<vmem>>, vector<256x2xf32>,
    return
  }
  func.func @transform_0(%arg0: i32) -> (i32, i32) {
    %c0_i32 = arith.constant 0 : i32
    %c0_i32_0 = arith.constant 0 : i32
    return %arg0, %c0_i32 : i32, i32
  }
  func.func @transform_1(%arg0: i32) -> (i32, i32) {
    %c0_i32 = arith.constant 0 : i32
    %c0_i32_0 = arith.constant 0 : i32
    %c0_i32_1 = arith.constant 0 : i32
    return %c0_i32, %c0_i32_0 : i32, i32
  }
  func.func @transform_2(%arg0: i32) -> (i32, i32) {
    %c0_i32 = arith.constant 0 : i32
    %c0_i32_0 = arith.constant 0 : i32
    return %c0_i32, %arg0 : i32, i32
  }
  func.func @transform_3(%arg0: i32) -> (i32, i32) {
    %c0_i32 = arith.constant 0 : i32
    %c0_i32_0 = arith.constant 0 : i32
    %c0_i32_1 = arith.constant 0 : i32
    return %c0_i32, %c0_i32_0 : i32, i32
  }
}

module attributes {stable_mosaic.version = 14 : i64} {
  func.func @body(%arg0: i32, %arg1: memref<256x640xbf16, #tpu.memory_space<vmem>>, %arg2: memref<256x2xf32, #tpu.memory_space<vmem>>, %arg3: memref<64x2560xf32, #tpu.memory_space<vmem>>) attributes {dimension_semantics = [#tpu.dimension_semantics<arbitrary>], iteration_bounds = array<i64: 125>, scalar_prefetch = 0 : i64, scratch_operands = 0 : i64, tpu.core_type = #tpu.core_type<tc>, window_params = [{transform_indices = @transform_0, window_bounds = array<i64: 256, 640>}, {pipeline_mode = #tpu.pipeline_mode<synchronous>, transform_indices = @transform_1, window_bounds = array<i64: 256, 2>}, {transform_indices = @transform_2, window_bounds = array<i64: 64, 2560>}]} {
    %get3A = arith.constant 0 : index
    %get3A_0 = arith.constant 0 : index
    %get3A_1 = vector.load %arg2[%get3A, %get3A_0] : memref<256x2xf32, #tpu.memory_space<vmem>>, vector<256x2xf32>
    %slice3A = vector.extract_strided_slice %get3A_1 {offsets = [0, 0], sizes = [64, 2], strides = [1, 1]} : vector<256x2xf32> to vector<64x2xf32>
    %slice3A_2 = vector.extract_strided_slice %get3A_1 {offsets = [64, 0], sizes = [64, 2], strides = [1, 1]} : vector<256x2xf32> to vector<64x2xf32>
    %add3A = arith.addf %slice3A, %slice3A_2 : vector<64x2xf32>
    %slice3A_3 = vector.extract_strided_slice %get3A_1 {offsets = [128, 0], sizes = [64, 2], strides = [1, 1]} : vector<256x2xf32> to vector<64x2xf32>
    %add3A_4 = arith.addf %add3A, %slice3A_3 : vector<64x2xf32>
    %slice3A_5 = vector.extract_strided_slice %get3A_1 {offsets = [192, 0], sizes = [64, 2], strides = [1, 1]} : vector<256x2xf32> to vector<64x2xf32>
    %add3A_6 = arith.addf %add3A_4, %slice3A_5 : vector<64x2xf32>
    %slice3A_7 = vector.extract_strided_slice %add3A_6 {offsets = [0, 0], sizes = [64, 1], strides = [1, 1]} : vector<64x2xf32> to vector<64x1xf32>
    %mul3A = arith.constant 3.125000e-06 : f32
    %mul3A_8 = vector.broadcast %mul3A : f32 to vector<64x1xf32>
    %mul3A_9 = arith.mulf %slice3A_7, %mul3A_8 : vector<64x1xf32>
    %slice3A_10 = vector.extract_strided_slice %add3A_6 {offsets = [0, 1], sizes = [64, 1], strides = [1, 1]} : vector<64x2xf32> to vector<64x1xf32>
    %mul3A_11 = arith.constant 3.125000e-06 : f32
    %mul3A_12 = vector.broadcast %mul3A_11 : f32 to vector<64x1xf32>
    %mul3A_13 = arith.mulf %slice3A_10, %mul3A_12 : vector<64x1xf32>
    %mul3A_14 = arith.mulf %mul3A_9, %mul3A_9 : vector<64x1xf32>
    %sub3A = arith.subf %mul3A_13, %mul3A_14 : vector<64x1xf32>
    %max3A = arith.constant 0.000000e+00 : f32
    %max3A_15 = vector.broadcast %max3A : f32 to vector<64x1xf32>
    %max3A_16 = arith.maximumf %sub3A, %max3A_15 : vector<64x1xf32>
    %sqrt3A = math.sqrt %max3A_16 : vector<64x1xf32>
    %add3A_17 = arith.constant 9.99999974E-6 : f32
    %add3A_18 = vector.broadcast %add3A_17 : f32 to vector<64x1xf32>
    %add3A_19 = arith.addf %sqrt3A, %add3A_18 : vector<64x1xf32>
    %div3A = arith.constant 1.000000e+00 : f32
    %div3A_20 = vector.broadcast %div3A : f32 to vector<64x1xf32>
    %div3A_21 = arith.divf %div3A_20, %add3A_19 : vector<64x1xf32>
    %concatenate3A = tpu.concatenate %mul3A_9, %mul3A_9, %mul3A_9, %mul3A_9 in 0 : vector<64x1xf32>, vector<64x1xf32>, vector<64x1xf32>, vector<64x1xf32> -> vector<256x1xf32>
    %concatenate3A_22 = tpu.concatenate %div3A_21, %div3A_21, %div3A_21, %div3A_21 in 0 : vector<64x1xf32>, vector<64x1xf32>, vector<64x1xf32>, vector<64x1xf32> -> vector<256x1xf32>
    %get3A_23 = arith.constant 0 : index
    %get3A_24 = arith.constant 0 : index
    %get3A_25 = vector.load %arg1[%get3A_23, %get3A_24] : memref<256x640xbf16, #tpu.memory_space<vmem>>, vector<256x640xbf16>
    %convert_element_type3A = arith.extf %get3A_25 : vector<256x640xbf16> to vector<256x640xf32>
    %sub3A_26 = vector.broadcast %concatenate3A : vector<256x1xf32> to vector<256x640xf32>
    %sub3A_27 = arith.subf %convert_element_type3A, %sub3A_26 : vector<256x640xf32>
    %mul3A_28 = vector.broadcast %concatenate3A_22 : vector<256x1xf32> to vector<256x640xf32>
    %mul3A_29 = arith.mulf %sub3A_27, %mul3A_28 : vector<256x640xf32>
    %max3A_30 = arith.constant 0.000000e+00 : f32
    %max3A_31 = vector.broadcast %max3A_30 : f32 to vector<256x640xf32>
    %max3A_32 = arith.maximumf %mul3A_29, %max3A_31 : vector<256x640xf32>
    %slice3A_33 = vector.extract_strided_slice %max3A_32 {offsets = [0, 0], sizes = [64, 640], strides = [1, 1]} : vector<256x640xf32> to vector<64x640xf32>
    %swap3A = arith.constant 0 : index
    %swap3A_34 = arith.constant 0 : index
    %swap3A_35 = vector.load %arg3[%swap3A, %swap3A_34] : memref<64x2560xf32, #tpu.memory_space<vmem>>, vector<64x640xf32>
    tpu.vector_store %arg3[%swap3A, %swap3A_34], %slice3A_33 {strides = array<i32>} : memref<64x2560xf32, #tpu.memory_space<vmem>>, vector<64x640xf32>,
    %slice3A_36 = vector.extract_strided_slice %max3A_32 {offsets = [64, 0], sizes = [64, 640], strides = [1, 1]} : vector<256x640xf32> to vector<64x640xf32>
    %swap3A_37 = arith.constant 0 : index
    %swap3A_38 = arith.constant 640 : index
    %swap3A_39 = vector.load %arg3[%swap3A_37, %swap3A_38] : memref<64x2560xf32, #tpu.memory_space<vmem>>, vector<64x640xf32>
    tpu.vector_store %arg3[%swap3A_37, %swap3A_38], %slice3A_36 {strides = array<i32>} : memref<64x2560xf32, #tpu.memory_space<vmem>>, vector<64x640xf32>,
    %slice3A_40 = vector.extract_strided_slice %max3A_32 {offsets = [128, 0], sizes = [64, 640], strides = [1, 1]} : vector<256x640xf32> to vector<64x640xf32>
    %swap3A_41 = arith.constant 0 : index
    %swap3A_42 = arith.constant 1280 : index
    %swap3A_43 = vector.load %arg3[%swap3A_41, %swap3A_42] : memref<64x2560xf32, #tpu.memory_space<vmem>>, vector<64x640xf32>
    tpu.vector_store %arg3[%swap3A_41, %swap3A_42], %slice3A_40 {strides = array<i32>} : memref<64x2560xf32, #tpu.memory_space<vmem>>, vector<64x640xf32>,
    %slice3A_44 = vector.extract_strided_slice %max3A_32 {offsets = [192, 0], sizes = [64, 640], strides = [1, 1]} : vector<256x640xf32> to vector<64x640xf32>
    %swap3A_45 = arith.constant 0 : index
    %swap3A_46 = arith.constant 1920 : index
    %swap3A_47 = vector.load %arg3[%swap3A_45, %swap3A_46] : memref<64x2560xf32, #tpu.memory_space<vmem>>, vector<64x640xf32>
    tpu.vector_store %arg3[%swap3A_45, %swap3A_46], %slice3A_44 {strides = array<i32>} : memref<64x2560xf32, #tpu.memory_space<vmem>>, vector<64x640xf32>,
    return
  }
  func.func @transform_0(%arg0: i32) -> (i32, i32) {
    %c0_i32 = arith.constant 0 : i32
    %c0_i32_0 = arith.constant 0 : i32
    return %c0_i32, %arg0 : i32, i32
  }
  func.func @transform_1(%arg0: i32) -> (i32, i32) {
    %c0_i32 = arith.constant 0 : i32
    %c0_i32_0 = arith.constant 0 : i32
    %c0_i32_1 = arith.constant 0 : i32
    return %c0_i32, %c0_i32_0 : i32, i32
  }
  func.func @transform_2(%arg0: i32) -> (i32, i32) {
    %c0_i32 = arith.constant 0 : i32
    %c0_i32_0 = arith.constant 0 : i32
    return %c0_i32, %arg0 : i32, i32
  }
}

</mosaic_0001>

<sc_bundles>
// kernel: kernel.6.cloned.1.call-start
scs
__scs_entry_jumppad:
0x0: {  	(pc) =	sbr.rel $0x88, $3  }
0x1: {  	(tag) =	ssettag $0x0;
	lr =	simm.s32 $0x1  }
0x2: {  	[smem:$0x3F9E] =	sst lr;
	_ =	strace $0xD0000000  }
0x3: {  	_ = 	snop  }
0x4: {  	_ = 	snop  }
0x5: {  	_ = 	snop  }
0x6: {  	_ = 	snop  }
0x7: {  	_ = 	snop  }
__scs_overlays_trampoline_lowered:
0x8: {  	[smem:$0x3FAD] =	sst s0  }
0x9: {  	[smem:$0x3FAE] =	sst s1  }
0xa: {  	[smem:$0x3FAF] =	sst s2  }
0xb: {  	[smem:$0x3FB0] =	sst s3  }
0xc: {  	[smem:$0x3FB1] =	sst s4  }
0xd: {  	[smem:$0x3FB2] =	sst s5  }
0xe: {  	[smem:$0x3FB3] =	sst s6  }
0xf: {  	[smem:$0x3FB4] =	sst s7  }
0x10: {  	[smem:$0x3FB5] =	sst s8  }
0x11: {  	[smem:$0x3FB6] =	sst s9;
	s0 =	simm.s32 @!p0 $0x0  }
0x12: {  	s1 =	sld [smem:$0x3F9C];
	s0 =	simm.s32 @p0 $0x1  }
0x13: {  	[smem:$0x3FB7] =	sst s0;
	s0 =	simm.s32 @!p1 $0x0  }
0x14: {  	s2 =	sld [smem:$0x3F9B];
	s0 =	simm.s32 @p1 $0x1  }
0x15: {  	[smem:$0x3FB8] =	sst s0;
	s0 =	simm.s32 @!p2 $0x0  }
0x16: {  	s3 =	sld [smem:$0x3FDB];
	s0 =	simm.s32 @p2 $0x1  }
0x17: {  	s4 =	simm.s32 $0x1BF5;
	[smem:$0x3FBA] =	sst s0  }
0x18: {  	s0 =	sld [smem:$0x3F9D];
	_ =	swait.ge [sflag:s4], $0x0  }
0x19: {  	s7 =	sld [smem:$0x3F9E]  }
0x1a: {  	s8 =	sadd.s32 $0xFFFFE003, lr  }
0x1b: {  	s9 =	sadd.s32 $0xFFFFFEF7, lr;
	s5 =	simm.s32 $0xFFFFFFFF;
	p2 =	slt.u32 s8, $0xFFFFF086  }
0x1c: {  	p1 =	slt.u32 s9, $0xF7A;
	s5 =	simm.s32 @!p2 $0x0  }
0x1d: {  	s5 =	simm.s32 @p1 $0x1;
	p0 =	seq.s32 s7, s2  }
0x1e: {  	s7 =	smul.u32 @!p0 $0xF7A, s2;
	p2 =	seq.s32 @!p0 s5, $0x0  }
0x1f: {  	s9 =	smul.u32 $0xF7A, s1;
	s8 =	simm.s32 @!p0 $0x1BF5;
	p2 =	por !p2, p0  }
0x20: {  	[sflag:s8] =	ssyncset.s32 @!p0 $0xFFFFF086;
	s6 =	sadd.s32 @!p0 s3, s7;
	s7 =	simm.s32 @!p0 $0x108  }
0x21: {  	s3 =	sadd.s32 s3, s9;
	s6 =	sadd.s32 @!p0 $0x88, s6;
	s7 =	simm.s32 @p2 $0x1082  }
0x22: {  	[simem:s7], [sflag:s8] =	dma.local @!p0 [hbm:s6], $0xF7A  }
0x23: {  	s9 =	sor.u32 $0xD0000000, s2;
	s6 =	simm.s32 $0x108;
	_ =	swait.ge @!p0 [sflag:s8], $0x0  }
0x24: {  	s3 =	sadd.s32 $0x88, s3;
	s6 =	simm.s32 @!p1 $0x1082;
	[sflag:s4] =	ssyncset.s32 $0xFFFFF086  }
0x25: {  	[simem:s6], [sflag:s4] =	dma.local [hbm:s3], $0xF7A  }
0x26: {  	[smem:$0x3F9E] =	sst s1;
	(tag) =	ssettag s2;
	_ =	strace s9  }
0x27: {  	s1 =	sld [smem:$0x3FAE]  }
0x28: {  	s2 =	sld [smem:$0x3FAF]  }
0x29: {  	s4 =	sld [smem:$0x3FB1]  }
0x2a: {  	p0 =	seq.s32 s5, $0x0;
	s5 =	sld [smem:$0x3FB2]  }
0x2b: {  	s6 =	sld [smem:$0x3FB3]  }
0x2c: {  	s7 =	sld [smem:$0x3FB4]  }
0x2d: {  	s3 =	simm.s32 $0x108;
	s8 =	sld [smem:$0x3FB5]  }
0x2e: {  	s3 =	simm.s32 @!p0 $0x1082;
	s9 =	sld [smem:$0x3FB6]  }
0x2f: {  	lr =	sadd.s32 s0, s3;
	s0 =	sld [smem:$0x3FAD]  }
0x30: {  	s3 =	sld [smem:$0x3FB0]  }
0x31: {  	[smem:$0x3FB9] =	sst s10  }
0x32: {  	s10 =	sld [smem:$0x3FB7];
	_ =	sdelay $0x3  }
0x33: {  	p0 =	seq.s32 s10, $0x1;
	s10 =	sld [smem:$0x3FB9];
	_ =	sdelay $0x3  }
0x34: {  	[smem:$0x3FB9] =	sst s10  }
0x35: {  	s10 =	sld [smem:$0x3FB8];
	_ =	sdelay $0x3  }
0x36: {  	p1 =	seq.s32 s10, $0x1;
	s10 =	sld [smem:$0x3FB9];
	_ =	sdelay $0x3  }
0x37: {  	[smem:$0x3FB9] =	sst s10  }
0x38: {  	s10 =	sld [smem:$0x3FBA]  }
0x39: {  	_ = 	snop;
	(pc) =	sbr.ind lr, $3  }
0x3a: {  	_ = 	snop  }
0x3b: {  	_ = 	snop  }
0x3c: {  	p2 =	seq.s32 s10, $0x1;
	s10 =	sld [smem:$0x3FB9]  }
0x3d: {  	_ =	shalt  }
0x3e: {  	_ =	shalt  }
0x3f: {  	_ =	shalt  }
0x40: {  	_ =	shalt  }
0x41: {  	_ =	shalt  }
0x42: {  	_ =	shalt  }
0x43: {  	_ =	shalt  }
0x44: {  	_ =	shalt  }
0x45: {  	_ =	shalt  }
0x46: {  	_ =	shalt  }
0x47: {  	_ =	shalt  }
0x48: {  	_ =	shalt  }
0x49: {  	_ =	shalt  }
0x4a: {  	_ =	shalt  }
0x4b: {  	_ =	shalt  }
0x4c: {  	_ =	shalt  }
0x4d: {  	_ =	shalt  }
0x4e: {  	_ =	shalt  }
0x4f: {  	_ =	shalt  }
0x50: {  	_ =	shalt  }
0x51: {  	_ =	shalt  }
0x52: {  	_ =	shalt  }
0x53: {  	_ =	shalt  }
0x54: {  	_ =	shalt  }
0x55: {  	_ =	shalt  }
0x56: {  	_ =	shalt  }
0x57: {  	_ =	shalt  }
0x58: {  	_ =	shalt  }
0x59: {  	_ =	shalt  }
0x5a: {  	_ =	shalt  }
0x5b: {  	_ =	shalt  }
0x5c: {  	_ =	shalt  }
0x5d: {  	_ =	shalt  }
0x5e: {  	_ =	shalt  }
0x5f: {  	_ =	shalt  }
0x60: {  	_ =	shalt  }
0x61: {  	_ =	shalt  }
0x62: {  	_ =	shalt  }
0x63: {  	_ =	shalt  }
0x64: {  	_ =	shalt  }
0x65: {  	_ =	shalt  }
0x66: {  	_ =	shalt  }
0x67: {  	_ =	shalt  }
0x68: {  	_ =	shalt  }
0x69: {  	_ =	shalt  }
0x6a: {  	_ =	shalt  }
0x6b: {  	_ =	shalt  }
0x6c: {  	_ =	shalt  }
0x6d: {  	_ =	shalt  }
0x6e: {  	_ =	shalt  }
0x6f: {  	_ =	shalt  }
0x70: {  	_ =	shalt  }
0x71: {  	_ =	shalt  }
0x72: {  	_ =	shalt  }
0x73: {  	_ =	shalt  }
0x74: {  	_ =	shalt  }
0x75: {  	_ =	shalt  }
0x76: {  	_ =	shalt  }
0x77: {  	_ =	shalt  }
0x78: {  	_ =	shalt  }
0x79: {  	_ =	shalt  }
0x7a: {  	_ =	shalt  }
0x7b: {  	_ =	shalt  }
0x7c: {  	_ =	shalt  }
0x7d: {  	_ =	shalt  }
0x7e: {  	_ =	shalt  }
0x7f: {  	_ =	shalt  }
0x80: {  	_ =	shalt  }
0x81: {  	_ =	shalt  }
0x82: {  	_ =	shalt  }
0x83: {  	_ =	shalt  }
0x84: {  	_ =	shalt  }
0x85: {  	_ =	shalt  }
0x86: {  	_ =	shalt  }
0x87: {  	_ =	shalt  }
.Lfunc_end0:
.L_simem_size_0:
called_computation_lowered:
.L_overlay_start_0:
0x88: {  	s2 =	sld [smem:$0x3FD9]  }
0x89: {  	s3 =	sld [smem:$0x3FFE];
	_ =	sdelay $0x1  }
0x8a: {  	s1 =	srdreg.scid  }
0x8b: {  	s0 =	sand.u32 $0x1, s1  }
0x8c: {  	s17 =	sshll.u32 s0, $0xA;
	s2 =	sadd.s32 s3, s2  }
0x8d: {  	s2 =	sadd.s32 s2, s17  }
0x8e: {  	[smem:$0x3FC5] =	sst s2  }
0x8f: {  	_ = 	snop  }
0x90: {  	s2 =	sld [smem:$0x3FD0];
	(tm) =	ssettm $0x1  }
0x91: {  	s18 =	sld [smem:$0x3FFB];
	_ =	sdelay $0x3  }
0x92: {  	_ =	strace s18  }
0x93: {  	s3 =	sld [smem:$0x3FFC];
	_ =	sdelay $0x3  }
0x94: {  	_ =	strace s3  }
0x95: {  	s3 =	sld [smem:$0x3FFD];
	_ =	sdelay $0x3  }
0x96: {  	_ =	strace s3  }
0x97: {  	_ =	strace $0x8FFFFFFF  }
0x98: {  	s19 =	sld [smem:$0x3FDB];
	_ =	sdelay $0x1  }
0x99: {  	s4 =	simm.s32 $_scs_section_size  }
0x9a: {  	s5 =	simm.s32 $_size__tile_overlayer_lowered;
	s6 =	simm.s32 $_tile_overlayer_lowered  }
0x9b: {  	s22 =	simm.s32 $0x1BFF;
	s21 =	sshll.u32 s6, $0x1;
	s3 =	sadd.s32 s4, s19  }
0x9c: {  	s7 =	simm.s32 $0x0;
	s20 =	sshll.u32 s5, $0x1;
	s5 =	sadd.s32 s21, s3  }
0x9d: {  	[timem:s7], [sflag:s22] =	dma.local [hbm:s5], s20  }
0x9e: {  	_ =	swait.ge [sflag:s22], s20  }
0x9f: {  	s4 =	ssub.s32 $0x0, s20;
	[sflag:s22] =	ssyncset.done $0x0  }
0xa0: {  	[sflag:s22] =	ssyncadd.s32 s4;
	_ =	sdelay $0x1  }
0xa1: {  	s23 =	simm.s32 $0x1B8B  }
0xa2: {  	_ =	swait.ge [sflag:s23], $0x1  }
0xa3: {  	[sflag:s23] =	ssyncset.done $0x0  }
0xa4: {  	s25 =	simm.s32 $0x1B8E;
	s24 =	sld [smem:$0x3FFE];
	[sflag:s23] =	ssyncadd.s32 $0xFFFFFFFF  }
0xa5: {  	s26 =	simm.s32 $execute0_lowered;
	[smem:$0x3FD2] =	sst s25  }
0xa6: {  	s5 =	sshll.u32 s26, $0x1;
	_ =	strace $0x80000046;
	[dreg:$0x1] =	wrdreg $0xFFFFFFFF  }
0xa7: {  	s28 =	simm.s32 $_size_execute0_lowered;
	s3 =	sadd.s32 s3, s5;
	[dreg:$0x0] =	wrdreg $0x0  }
0xa8: {  	s5 =	sshll.u32 s28, $0x1;
	[dreg:$0x2] =	wrdreg s3  }
0xa9: {  	[dreg:$0x3] =	wrdreg s5  }
0xaa: {  	[dreg:$0x4] =	wrdreg $0xC0  }
0xab: {  	_ =	task [dreg:s7], $0x5FFFF  }
0xac: {  	[dreg:$0x1] =	wrdreg $0xFFFFFFFF  }
0xad: {  	[dreg:$0x0] =	wrdreg $0x60  }
0xae: {  	[dreg:$0x2] =	wrdreg s2  }
0xaf: {  	[dreg:$0x3] =	wrdreg s24  }
0xb0: {  	[dreg:$0x4] =	wrdreg $0x9  }
0xb1: {  	_ =	task.clear_ibuf [dreg:s7], $0x5FFFF;
	_ =	strace $0x90000046  }
0xb2: {  	s29 =	simm.s32 $0x9;
	_ =	strace $0x80000048  }
0xb3: {  	_ =	swait.ge [sflag:s29], $0x1  }
0xb4: {  	[sflag:s29] =	ssyncadd.s32 $0xFFFFFFFF  }
0xb5: {  	_ =	strace $0x90000048  }
0xb6: {  	_ =	sfence  }
0xb7: {  	s30 =	sld [smem:$0x0];
	_ =	sdelay $0x2  }
0xb8: {  	s31 =	sshll.u32 s1, $0xD;
	s1 =	sshrl.u32 s1, $0x2  }
0xb9: {  	s3 =	sand.u32 $0x4000, s31;
	s1 =	sadd.s32 s1, s30  }
0xba: {  	s0 =	sor.u32 s3, s0;
	s1 =	sshll.u32 s1, $0x11  }
0xbb: {  	s0 =	sor.u32 s1, s0  }
0xbc: {  	s0 =	sadd.s32 $0x8F2B, s0  }
0xbd: {  	[sflag:s0] =	ssyncadd.remote.s32 $0x1  }
0xbe: {  	_ =	sfence.sel $0xFFFF  }
0xbf: {  	[dreg:$0x0] =	wrdreg $0xFFFFFFFF;
	(pc) =	sbr.abs _section_cstart, $3  }
0xc0: {  	[dreg:$0x1] =	wrdreg $0xFFFFFFFF  }
0xc1: {  	_ =	task.clear_ibuf [dreg:s7], $0x2FFFF;
	_ =	strace $0x9FFFFFFF  }
0xc2: {  	(tm) =	ssettm $0x7FFFFFFF  }
0xc3: {  	_ =	shalt  }
tec
execute0_lowered:
.L_overlay_start_1:
0x0: {  	(tag) =	ssettag $0x1  }
0x1: {  	v0 =	vimm.s32 $0x3C3;
	vm14 =	vcmask $0x300  }
0x2: {  	v1 =	vimm.s32 $0x3C7;
	vm13 =	vcmask $0x704;
	vm12 =	vcmask $0xB08  }
0x3: {  	vm11 =	vcmask $0xF0C;
	vm10 =	vcmask $0x1310;
	vm9 =	vcmask $0x1714  }
0x4: {  	vm8 =	vcmask $0x1B18;
	vm7 =	vcmask $0x1F1C;
	vm6 =	vcmask $0x2320  }
0x5: {  	vm5 =	vcmask $0x2724;
	vm4 =	vcmask $0x2B28;
	vm3 =	vcmask $0x2F2C  }
0x6: {  	vm2 =	vcmask $0x3330;
	vm1 =	vcmask $0x3734;
	vm0 =	vcmask $0x3B38  }
0x7: {  	v2 =	vimm.s32 $0x3D3;
	v3 =	vimm.s32 $0x4CF;
	v4 =	vimm.s32 $0x4D3  }
0x8: {  	v5 =	vimm.s32 $0x4D7;
	v6 =	vimm.s32 $0x4DB;
	v7 =	vimm.s32 $0x4DF  }
0x9: {  	v8 =	vimm.s32 $0x4E3;
	v9 =	vimm.s32 $0x4E7;
	v10 =	vimm.s32 $0x4EB  }
0xa: {  	v11 =	vimm.s32 $0x4EF;
	v12 =	vimm.s32 $0x4F3;
	v13 =	vimm.s32 $0x4F7  }
0xb: {  	v14 =	vimm.s32 $0x4FB;
	v15 =	vimm.s32 $0x4FF;
	v0 =	vsel vm14, $0x0, v0  }
0xc: {  	v1 =	vsel vm14, $0x4, v1;
	v2 =	vsel vm14, $0x10, v2;
	v3 =	vsel vm14, $0x10C, v3  }
0xd: {  	v4 =	vsel vm14, $0x110, v4;
	v5 =	vsel vm14, $0x114, v5;
	v6 =	vsel vm14, $0x118, v6  }
0xe: {  	v7 =	vsel vm14, $0x11C, v7;
	v8 =	vsel vm14, $0x120, v8;
	v9 =	vsel vm14, $0x124, v9  }
0xf: {  	v10 =	vsel vm14, $0x128, v10;
	v11 =	vsel vm14, $0x12C, v11;
	v12 =	vsel vm14, $0x130, v12  }
0x10: {  	v13 =	vsel vm14, $0x134, v13;
	v14 =	vsel vm14, $0x138, v14;
	v15 =	vsel vm14, $0x13C, v15  }
0x11: {  	v0 =	vsel vm13, $0x140, v0;
	v1 =	vsel vm13, $0x144, v1;
	v2 =	vsel vm13, $0x150, v2  }
0x12: {  	v3 =	vsel vm13, $0x24C, v3;
	v4 =	vsel vm13, $0x250, v4;
	v5 =	vsel vm13, $0x254, v5  }
0x13: {  	v6 =	vsel vm13, $0x258, v6;
	v7 =	vsel vm13, $0x25C, v7;
	v8 =	vsel vm13, $0x260, v8  }
0x14: {  	v9 =	vsel vm13, $0x264, v9;
	v10 =	vsel vm13, $0x268, v10;
	v11 =	vsel vm13, $0x26C, v11  }
0x15: {  	v12 =	vsel vm13, $0x270, v12;
	v13 =	vsel vm13, $0x274, v13;
	v14 =	vsel vm13, $0x278, v14  }
0x16: {  	v15 =	vsel vm13, $0x27C, v15;
	v0 =	vsel vm12, $0x280, v0;
	v1 =	vsel vm12, $0x284, v1  }
0x17: {  	v2 =	vsel vm12, $0x290, v2;
	v3 =	vsel vm12, $0x38C, v3;
	v4 =	vsel vm12, $0x390, v4  }
0x18: {  	v5 =	vsel vm12, $0x394, v5;
	v6 =	vsel vm12, $0x398, v6;
	v7 =	vsel vm12, $0x39C, v7  }
0x19: {  	v8 =	vsel vm12, $0x3A0, v8;
	v9 =	vsel vm12, $0x3A4, v9;
	v10 =	vsel vm12, $0x3A8, v10  }
0x1a: {  	v11 =	vsel vm12, $0x3AC, v11;
	v12 =	vsel vm12, $0x3B0, v12;
	v13 =	vsel vm12, $0x3B4, v13  }
0x1b: {  	v14 =	vsel vm12, $0x3B8, v14;
	v15 =	vsel vm12, $0x3BC, v15;
	v0 =	vsel vm11, $0x3C0, v0  }
0x1c: {  	v1 =	vsel vm11, $0x3C4, v1;
	v2 =	vsel vm11, $0x3D0, v2;
	v3 =	vsel vm11, $0x4CC, v3  }
0x1d: {  	v4 =	vsel vm11, $0x4D0, v4;
	v5 =	vsel vm11, $0x4D4, v5;
	v6 =	vsel vm11, $0x4D8, v6  }
0x1e: {  	v7 =	vsel vm11, $0x4DC, v7;
	v8 =	vsel vm11, $0x4E0, v8;
	v9 =	vsel vm11, $0x4E4, v9  }
0x1f: {  	v10 =	vsel vm11, $0x4E8, v10;
	v11 =	vsel vm11, $0x4EC, v11;
	v12 =	vsel vm11, $0x4F0, v12  }
0x20: {  	v13 =	vsel vm11, $0x4F4, v13;
	v14 =	vsel vm11, $0x4F8, v14;
	v15 =	vsel vm11, $0x4FC, v15  }
0x21: {  	v0 =	vsel vm10, $0x1, v0;
	v1 =	vsel vm10, $0x5, v1;
	v2 =	vsel vm10, $0x11, v2  }
0x22: {  	v3 =	vsel vm10, $0x10D, v3;
	v4 =	vsel vm10, $0x111, v4;
	v5 =	vsel vm10, $0x115, v5  }
0x23: {  	v6 =	vsel vm10, $0x119, v6;
	v7 =	vsel vm10, $0x11D, v7;
	v8 =	vsel vm10, $0x121, v8  }
0x24: {  	v9 =	vsel vm10, $0x125, v9;
	v10 =	vsel vm10, $0x129, v10;
	v11 =	vsel vm10, $0x12D, v11  }
0x25: {  	v12 =	vsel vm10, $0x131, v12;
	v13 =	vsel vm10, $0x135, v13;
	v14 =	vsel vm10, $0x139, v14  }
0x26: {  	v15 =	vsel vm10, $0x13D, v15;
	v0 =	vsel vm9, $0x141, v0;
	v1 =	vsel vm9, $0x145, v1  }
0x27: {  	v2 =	vsel vm9, $0x151, v2;
	v3 =	vsel vm9, $0x24D, v3;
	v4 =	vsel vm9, $0x251, v4  }
0x28: {  	v5 =	vsel vm9, $0x255, v5;
	v6 =	vsel vm9, $0x259, v6;
	v7 =	vsel vm9, $0x25D, v7  }
0x29: {  	v8 =	vsel vm9, $0x261, v8;
	v9 =	vsel vm9, $0x265, v9;
	v10 =	vsel vm9, $0x269, v10  }
0x2a: {  	v11 =	vsel vm9, $0x26D, v11;
	v12 =	vsel vm9, $0x271, v12;
	v13 =	vsel vm9, $0x275, v13  }
0x2b: {  	v14 =	vsel vm9, $0x279, v14;
	v15 =	vsel vm9, $0x27D, v15;
	v0 =	vsel vm8, $0x281, v0  }
0x2c: {  	v1 =	vsel vm8, $0x285, v1;
	v2 =	vsel vm8, $0x291, v2;
	v3 =	vsel vm8, $0x38D, v3  }
0x2d: {  	v4 =	vsel vm8, $0x391, v4;
	v5 =	vsel vm8, $0x395, v5;
	v6 =	vsel vm8, $0x399, v6  }
0x2e: {  	v7 =	vsel vm8, $0x39D, v7;
	v8 =	vsel vm8, $0x3A1, v8;
	v9 =	vsel vm8, $0x3A5, v9  }
0x2f: {  	v10 =	vsel vm8, $0x3A9, v10;
	v11 =	vsel vm8, $0x3AD, v11;
	v12 =	vsel vm8, $0x3B1, v12  }
0x30: {  	v13 =	vsel vm8, $0x3B5, v13;
	v14 =	vsel vm8, $0x3B9, v14;
	v15 =	vsel vm8, $0x3BD, v15  }
0x31: {  	v0 =	vsel vm7, $0x3C1, v0;
	v1 =	vsel vm7, $0x3C5, v1;
	v2 =	vsel vm7, $0x3D1, v2  }
0x32: {  	v3 =	vsel vm7, $0x4CD, v3;
	v4 =	vsel vm7, $0x4D1, v4;
	v5 =	vsel vm7, $0x4D5, v5  }
0x33: {  	v6 =	vsel vm7, $0x4D9, v6;
	v7 =	vsel vm7, $0x4DD, v7;
	v8 =	vsel vm7, $0x4E1, v8  }
0x34: {  	v9 =	vsel vm7, $0x4E5, v9;
	v10 =	vsel vm7, $0x4E9, v10;
	v11 =	vsel vm7, $0x4ED, v11  }
0x35: {  	v12 =	vsel vm7, $0x4F1, v12;
	v13 =	vsel vm7, $0x4F5, v13;
	v14 =	vsel vm7, $0x4F9, v14  }
0x36: {  	v15 =	vsel vm7, $0x4FD, v15;
	v0 =	vsel vm6, $0x2, v0;
	v1 =	vsel vm6, $0x6, v1  }
0x37: {  	v2 =	vsel vm6, $0x12, v2;
	v3 =	vsel vm6, $0x10E, v3;
	v4 =	vsel vm6, $0x112, v4  }
0x38: {  	v5 =	vsel vm6, $0x116, v5;
	v6 =	vsel vm6, $0x11A, v6;
	v7 =	vsel vm6, $0x11E, v7  }
0x39: {  	v8 =	vsel vm6, $0x122, v8;
	v9 =	vsel vm6, $0x126, v9;
	v10 =	vsel vm6, $0x12A, v10  }
0x3a: {  	v11 =	vsel vm6, $0x12E, v11;
	v12 =	vsel vm6, $0x132, v12;
	v13 =	vsel vm6, $0x136, v13  }
0x3b: {  	v14 =	vsel vm6, $0x13A, v14;
	v15 =	vsel vm6, $0x13E, v15;
	v0 =	vsel vm5, $0x142, v0  }
0x3c: {  	v1 =	vsel vm5, $0x146, v1;
	v2 =	vsel vm5, $0x152, v2;
	v3 =	vsel vm5, $0x24E, v3  }
0x3d: {  	v4 =	vsel vm5, $0x252, v4;
	v5 =	vsel vm5, $0x256, v5;
	v6 =	vsel vm5, $0x25A, v6  }
0x3e: {  	v7 =	vsel vm5, $0x25E, v7;
	v8 =	vsel vm5, $0x262, v8;
	v9 =	vsel vm5, $0x266, v9  }
0x3f: {  	v10 =	vsel vm5, $0x26A, v10;
	v11 =	vsel vm5, $0x26E, v11;
	v12 =	vsel vm5, $0x272, v12  }
0x40: {  	v13 =	vsel vm5, $0x276, v13;
	v14 =	vsel vm5, $0x27A, v14;
	v15 =	vsel vm5, $0x27E, v15  }
0x41: {  	v0 =	vsel vm4, $0x282, v0;
	v1 =	vsel vm4, $0x286, v1;
	v2 =	vsel vm4, $0x292, v2  }
0x42: {  	v3 =	vsel vm4, $0x38E, v3;
	v4 =	vsel vm4, $0x392, v4;
	v5 =	vsel vm4, $0x396, v5  }
0x43: {  	v6 =	vsel vm4, $0x39A, v6;
	v7 =	vsel vm4, $0x39E, v7;
	v0 =	vsel vm3, $0x3C2, v0  }
0x44: {  	v8 =	vsel vm4, $0x3A2, v8;
	v1 =	vsel vm3, $0x3C6, v1;
	v0 =	vsel vm2, $0x3, v0  }
0x45: {  	v9 =	vsel vm4, $0x3A6, v9;
	v1 =	vsel vm2, $0x7, v1;
	v0 =	vsel vm1, $0x143, v0  }
0x46: {  	v10 =	vsel vm4, $0x3AA, v10;
	v1 =	vsel vm1, $0x147, v1;
	v0 =	vsel vm0, $0x283, v0  }
0x47: {  	v11 =	vsel vm4, $0x3AE, v11;
	v12 =	vsel vm4, $0x3B2, v12;
	[tilespmem:$0x1FEF0] =	vst v0;
	v0 =	vsel vm0, $0x287, v1  }
0x48: {  	v13 =	vsel vm4, $0x3B6, v13;
	v14 =	vsel vm4, $0x3BA, v14;
	[tilespmem:$0x1FF00] =	vst v0;
	v0 =	vimm.s32 $0x3CB  }
0x49: {  	v15 =	vsel vm4, $0x3BE, v15;
	v1 =	vimm.s32 $0x3CF;
	v0 =	vsel vm14, $0x8, v0  }
0x4a: {  	v2 =	vsel vm3, $0x3D2, v2;
	v1 =	vsel vm14, $0xC, v1;
	v0 =	vsel vm13, $0x148, v0  }
0x4b: {  	v3 =	vsel vm3, $0x4CE, v3;
	v1 =	vsel vm13, $0x14C, v1;
	v0 =	vsel vm12, $0x288, v0  }
0x4c: {  	v4 =	vsel vm3, $0x4D2, v4;
	v1 =	vsel vm12, $0x28C, v1;
	v0 =	vsel vm11, $0x3C8, v0  }
0x4d: {  	v5 =	vsel vm3, $0x4D6, v5;
	v1 =	vsel vm11, $0x3CC, v1;
	v0 =	vsel vm10, $0x9, v0  }
0x4e: {  	v6 =	vsel vm3, $0x4DA, v6;
	v1 =	vsel vm10, $0xD, v1;
	v0 =	vsel vm9, $0x149, v0  }
0x4f: {  	v7 =	vsel vm3, $0x4DE, v7;
	v1 =	vsel vm9, $0x14D, v1;
	v0 =	vsel vm8, $0x289, v0  }
0x50: {  	v8 =	vsel vm3, $0x4E2, v8;
	v1 =	vsel vm8, $0x28D, v1;
	v0 =	vsel vm7, $0x3C9, v0  }
0x51: {  	v9 =	vsel vm3, $0x4E6, v9;
	v1 =	vsel vm7, $0x3CD, v1;
	v0 =	vsel vm6, $0xA, v0  }
0x52: {  	v10 =	vsel vm3, $0x4EA, v10;
	v1 =	vsel vm6, $0xE, v1;
	v0 =	vsel vm5, $0x14A, v0  }
0x53: {  	v11 =	vsel vm3, $0x4EE, v11;
	v1 =	vsel vm5, $0x14E, v1;
	v0 =	vsel vm4, $0x28A, v0  }
0x54: {  	v12 =	vsel vm3, $0x4F2, v12;
	v1 =	vsel vm4, $0x28E, v1;
	v0 =	vsel vm3, $0x3CA, v0  }
0x55: {  	v13 =	vsel vm3, $0x4F6, v13;
	v1 =	vsel vm3, $0x3CE, v1;
	v0 =	vsel vm2, $0xB, v0  }
0x56: {  	v14 =	vsel vm3, $0x4FA, v14;
	v1 =	vsel vm2, $0xF, v1;
	v0 =	vsel vm1, $0x14B, v0  }
0x57: {  	v2 =	vsel vm2, $0x13, v2;
	v1 =	vsel vm1, $0x14F, v1;
	v0 =	vsel vm0, $0x28B, v0  }
0x58: {  	v15 =	vsel vm3, $0x4FE, v15;
	v2 =	vsel vm1, $0x153, v2;
	[tilespmem:$0x1FF10] =	vst v0;
	v0 =	vsel vm0, $0x28F, v1  }
0x59: {  	v3 =	vsel vm2, $0x10F, v3;
	v4 =	vsel vm2, $0x113, v4;
	[tilespmem:$0x1FF20] =	vst v0;
	v0 =	vsel vm0, $0x293, v2  }
0x5a: {  	v5 =	vsel vm2, $0x117, v5;
	v6 =	vsel vm2, $0x11B, v6;
	[tilespmem:$0x1FF30] =	vst v0;
	v0 =	vimm.s32 $0x3D7  }
0x5b: {  	v7 =	vsel vm2, $0x11F, v7;
	v1 =	vimm.s32 $0x3DB;
	v0 =	vsel vm14, $0x14, v0  }
0x5c: {  	v2 =	vimm.s32 $0x3DF;
	v1 =	vsel vm14, $0x18, v1;
	v0 =	vsel vm13, $0x154, v0  }
0x5d: {  	v2 =	vsel vm14, $0x1C, v2;
	v1 =	vsel vm13, $0x158, v1;
	v0 =	vsel vm12, $0x294, v0  }
0x5e: {  	v2 =	vsel vm13, $0x15C, v2;
	v1 =	vsel vm12, $0x298, v1;
	v0 =	vsel vm11, $0x3D4, v0  }
0x5f: {  	v2 =	vsel vm12, $0x29C, v2;
	v1 =	vsel vm11, $0x3D8, v1;
	v0 =	vsel vm10, $0x15, v0  }
0x60: {  	v2 =	vsel vm11, $0x3DC, v2;
	v1 =	vsel vm10, $0x19, v1;
	v0 =	vsel vm9, $0x155, v0  }
0x61: {  	v2 =	vsel vm10, $0x1D, v2;
	v1 =	vsel vm9, $0x159, v1;
	v0 =	vsel vm8, $0x295, v0  }
0x62: {  	v2 =	vsel vm9, $0x15D, v2;
	v1 =	vsel vm8, $0x299, v1;
	v0 =	vsel vm7, $0x3D5, v0  }
0x63: {  	v2 =	vsel vm8, $0x29D, v2;
	v1 =	vsel vm7, $0x3D9, v1;
	v0 =	vsel vm6, $0x16, v0  }
0x64: {  	v2 =	vsel vm7, $0x3DD, v2;
	v1 =	vsel vm6, $0x1A, v1;
	v0 =	vsel vm5, $0x156, v0  }
0x65: {  	v2 =	vsel vm6, $0x1E, v2;
	v1 =	vsel vm5, $0x15A, v1;
	v0 =	vsel vm4, $0x296, v0  }
0x66: {  	v2 =	vsel vm5, $0x15E, v2;
	v1 =	vsel vm4, $0x29A, v1;
	v0 =	vsel vm3, $0x3D6, v0  }
0x67: {  	v2 =	vsel vm4, $0x29E, v2;
	v1 =	vsel vm3, $0x3DA, v1;
	v0 =	vsel vm2, $0x17, v0  }
0x68: {  	v2 =	vsel vm3, $0x3DE, v2;
	v1 =	vsel vm2, $0x1B, v1;
	v0 =	vsel vm1, $0x157, v0  }
0x69: {  	v2 =	vsel vm2, $0x1F, v2;
	v1 =	vsel vm1, $0x15B, v1;
	v0 =	vsel vm0, $0x297, v0  }
0x6a: {  	v8 =	vsel vm2, $0x123, v8;
	v2 =	vsel vm1, $0x15F, v2;
	[tilespmem:$0x1FF40] =	vst v0;
	v0 =	vsel vm0, $0x29B, v1  }
0x6b: {  	v9 =	vsel vm2, $0x127, v9;
	v10 =	vsel vm2, $0x12B, v10;
	[tilespmem:$0x1FF50] =	vst v0;
	v0 =	vsel vm0, $0x29F, v2  }
0x6c: {  	v11 =	vsel vm2, $0x12F, v11;
	v12 =	vsel vm2, $0x133, v12;
	[tilespmem:$0x1FF60] =	vst v0;
	v0 =	vimm.s32 $0x3E3  }
0x6d: {  	v13 =	vsel vm2, $0x137, v13;
	v1 =	vimm.s32 $0x3E7;
	v0 =	vsel vm14, $0x20, v0  }
0x6e: {  	v2 =	vimm.s32 $0x3EB;
	v1 =	vsel vm14, $0x24, v1;
	v0 =	vsel vm13, $0x160, v0  }
0x6f: {  	v2 =	vsel vm14, $0x28, v2;
	v1 =	vsel vm13, $0x164, v1;
	v0 =	vsel vm12, $0x2A0, v0  }
0x70: {  	v2 =	vsel vm13, $0x168, v2;
	v1 =	vsel vm12, $0x2A4, v1;
	v0 =	vsel vm11, $0x3E0, v0  }
0x71: {  	v2 =	vsel vm12, $0x2A8, v2;
	v1 =	vsel vm11, $0x3E4, v1;
	v0 =	vsel vm10, $0x21, v0  }
0x72: {  	v2 =	vsel vm11, $0x3E8, v2;
	v1 =	vsel vm10, $0x25, v1;
	v0 =	vsel vm9, $0x161, v0  }
0x73: {  	v2 =	vsel vm10, $0x29, v2;
	v1 =	vsel vm9, $0x165, v1;
	v0 =	vsel vm8, $0x2A1, v0  }
0x74: {  	v2 =	vsel vm9, $0x169, v2;
	v1 =	vsel vm8, $0x2A5, v1;
	v0 =	vsel vm7, $0x3E1, v0  }
0x75: {  	v2 =	vsel vm8, $0x2A9, v2;
	v1 =	vsel vm7, $0x3E5, v1;
	v0 =	vsel vm6, $0x22, v0  }
0x76: {  	v2 =	vsel vm7, $0x3E9, v2;
	v1 =	vsel vm6, $0x26, v1;
	v0 =	vsel vm5, $0x162, v0  }
0x77: {  	v2 =	vsel vm6, $0x2A, v2;
	v1 =	vsel vm5, $0x166, v1;
	v0 =	vsel vm4, $0x2A2, v0  }
0x78: {  	v2 =	vsel vm5, $0x16A, v2;
	v1 =	vsel vm4, $0x2A6, v1;
	v0 =	vsel vm3, $0x3E2, v0  }
0x79: {  	v2 =	vsel vm4, $0x2AA, v2;
	v1 =	vsel vm3, $0x3E6, v1;
	v0 =	vsel vm2, $0x23, v0  }
0x7a: {  	v2 =	vsel vm3, $0x3EA, v2;
	v1 =	vsel vm2, $0x27, v1;
	v0 =	vsel vm1, $0x163, v0  }
0x7b: {  	v2 =	vsel vm2, $0x2B, v2;
	v1 =	vsel vm1, $0x167, v1;
	v0 =	vsel vm0, $0x2A3, v0  }
0x7c: {  	v14 =	vsel vm2, $0x13B, v14;
	v2 =	vsel vm1, $0x16B, v2;
	[tilespmem:$0x1FF70] =	vst v0;
	v0 =	vsel vm0, $0x2A7, v1  }
0x7d: {  	v15 =	vsel vm2, $0x13F, v15;
	v3 =	vsel vm1, $0x24F, v3;
	[tilespmem:$0x1FF80] =	vst v0;
	v0 =	vsel vm0, $0x2AB, v2  }
0x7e: {  	v4 =	vsel vm1, $0x253, v4;
	v5 =	vsel vm1, $0x257, v5;
	[tilespmem:$0x1FF90] =	vst v0;
	v0 =	vimm.s32 $0x3EF  }
0x7f: {  	v6 =	vsel vm1, $0x25B, v6;
	v1 =	vimm.s32 $0x3F3;
	v0 =	vsel vm14, $0x2C, v0  }
0x80: {  	v2 =	vimm.s32 $0x3F7;
	v1 =	vsel vm14, $0x30, v1;
	v0 =	vsel vm13, $0x16C, v0  }
0x81: {  	v2 =	vsel vm14, $0x34, v2;
	v1 =	vsel vm13, $0x170, v1;
	v0 =	vsel vm12, $0x2AC, v0  }
0x82: {  	v2 =	vsel vm13, $0x174, v2;
	v1 =	vsel vm12, $0x2B0, v1;
	v0 =	vsel vm11, $0x3EC, v0  }
0x83: {  	v2 =	vsel vm12, $0x2B4, v2;
	v1 =	vsel vm11, $0x3F0, v1;
	v0 =	vsel vm10, $0x2D, v0  }
0x84: {  	v2 =	vsel vm11, $0x3F4, v2;
	v1 =	vsel vm10, $0x31, v1;
	v0 =	vsel vm9, $0x16D, v0  }
0x85: {  	v2 =	vsel vm10, $0x35, v2;
	v1 =	vsel vm9, $0x171, v1;
	v0 =	vsel vm8, $0x2AD, v0  }
0x86: {  	v2 =	vsel vm9, $0x175, v2;
	v1 =	vsel vm8, $0x2B1, v1;
	v0 =	vsel vm7, $0x3ED, v0  }
0x87: {  	v2 =	vsel vm8, $0x2B5, v2;
	v1 =	vsel vm7, $0x3F1, v1;
	v0 =	vsel vm6, $0x2E, v0  }
0x88: {  	v2 =	vsel vm7, $0x3F5, v2;
	v1 =	vsel vm6, $0x32, v1;
	v0 =	vsel vm5, $0x16E, v0  }
0x89: {  	v2 =	vsel vm6, $0x36, v2;
	v1 =	vsel vm5, $0x172, v1;
	v0 =	vsel vm4, $0x2AE, v0  }
0x8a: {  	v2 =	vsel vm5, $0x176, v2;
	v1 =	vsel vm4, $0x2B2, v1;
	v0 =	vsel vm3, $0x3EE, v0  }
0x8b: {  	v2 =	vsel vm4, $0x2B6, v2;
	v1 =	vsel vm3, $0x3F2, v1;
	v0 =	vsel vm2, $0x2F, v0  }
0x8c: {  	v2 =	vsel vm3, $0x3F6, v2;
	v1 =	vsel vm2, $0x33, v1;
	v0 =	vsel vm1, $0x16F, v0  }
0x8d: {  	v2 =	vsel vm2, $0x37, v2;
	v1 =	vsel vm1, $0x173, v1;
	v0 =	vsel vm0, $0x2AF, v0  }
0x8e: {  	v7 =	vsel vm1, $0x25F, v7;
	v2 =	vsel vm1, $0x177, v2;
	[tilespmem:$0x1FFA0] =	vst v0;
	v0 =	vsel vm0, $0x2B3, v1  }
0x8f: {  	v8 =	vsel vm1, $0x263, v8;
	v9 =	vsel vm1, $0x267, v9;
	[tilespmem:$0x1FFB0] =	vst v0;
	v0 =	vsel vm0, $0x2B7, v2  }
0x90: {  	v10 =	vsel vm1, $0x26B, v10;
	v11 =	vsel vm1, $0x26F, v11;
	[tilespmem:$0x1FFC0] =	vst v0;
	v0 =	vimm.s32 $0x3FB  }
0x91: {  	v12 =	vsel vm1, $0x273, v12;
	v1 =	vimm.s32 $0x3FF;
	v0 =	vsel vm14, $0x38, v0  }
0x92: {  	v2 =	vimm.s32 $0x403;
	v1 =	vsel vm14, $0x3C, v1;
	v0 =	vsel vm13, $0x178, v0  }
0x93: {  	v2 =	vsel vm14, $0x40, v2;
	v1 =	vsel vm13, $0x17C, v1;
	v0 =	vsel vm12, $0x2B8, v0  }
0x94: {  	v2 =	vsel vm13, $0x180, v2;
	v1 =	vsel vm12, $0x2BC, v1;
	v0 =	vsel vm11, $0x3F8, v0  }
0x95: {  	v2 =	vsel vm12, $0x2C0, v2;
	v1 =	vsel vm11, $0x3FC, v1;
	v0 =	vsel vm10, $0x39, v0  }
0x96: {  	v2 =	vsel vm11, $0x400, v2;
	v1 =	vsel vm10, $0x3D, v1;
	v0 =	vsel vm9, $0x179, v0  }
0x97: {  	v2 =	vsel vm10, $0x41, v2;
	v1 =	vsel vm9, $0x17D, v1;
	v0 =	vsel vm8, $0x2B9, v0  }
0x98: {  	v2 =	vsel vm9, $0x181, v2;
	v1 =	vsel vm8, $0x2BD, v1;
	v0 =	vsel vm7, $0x3F9, v0  }
0x99: {  	v2 =	vsel vm8, $0x2C1, v2;
	v1 =	vsel vm7, $0x3FD, v1;
	v0 =	vsel vm6, $0x3A, v0  }
0x9a: {  	v2 =	vsel vm7, $0x401, v2;
	v1 =	vsel vm6, $0x3E, v1;
	v0 =	vsel vm5, $0x17A, v0  }
0x9b: {  	v2 =	vsel vm6, $0x42, v2;
	v1 =	vsel vm5, $0x17E, v1;
	v0 =	vsel vm4, $0x2BA, v0  }
0x9c: {  	v2 =	vsel vm5, $0x182, v2;
	v1 =	vsel vm4, $0x2BE, v1;
	v0 =	vsel vm3, $0x3FA, v0  }
0x9d: {  	v2 =	vsel vm4, $0x2C2, v2;
	v1 =	vsel vm3, $0x3FE, v1;
	v0 =	vsel vm2, $0x3B, v0  }
0x9e: {  	v2 =	vsel vm3, $0x402, v2;
	v1 =	vsel vm2, $0x3F, v1;
	v0 =	vsel vm1, $0x17B, v0  }
0x9f: {  	v2 =	vsel vm2, $0x43, v2;
	v1 =	vsel vm1, $0x17F, v1;
	v0 =	vsel vm0, $0x2BB, v0  }
0xa0: {  	v13 =	vsel vm1, $0x277, v13;
	v2 =	vsel vm1, $0x183, v2;
	[tilespmem:$0x1FFD0] =	vst v0;
	v0 =	vsel vm0, $0x2BF, v1  }
0xa1: {  	v1 =	vimm.s32 $0x40B;
	[tilespmem:$0x1FFE0] =	vst v0;
	v0 =	vsel vm0, $0x2C3, v2;
	v2 =	vimm.s32 $0x40F  }
0xa2: {  	v1 =	vsel vm14, $0x48, v1;
	[tilespmem:$0x1FFF0] =	vst v0;
	v0 =	vimm.s32 $0x407;
	v2 =	vsel vm14, $0x4C, v2  }
0xa3: {  	v1 =	vsel vm13, $0x188, v1;
	v0 =	vsel vm14, $0x44, v0;
	v2 =	vsel vm13, $0x18C, v2  }
0xa4: {  	v1 =	vsel vm12, $0x2C8, v1;
	v0 =	vsel vm13, $0x184, v0;
	v2 =	vsel vm12, $0x2CC, v2  }
0xa5: {  	v1 =	vsel vm11, $0x408, v1;
	v0 =	vsel vm12, $0x2C4, v0;
	v2 =	vsel vm11, $0x40C, v2  }
0xa6: {  	v1 =	vsel vm10, $0x49, v1;
	v0 =	vsel vm11, $0x404, v0;
	v2 =	vsel vm10, $0x4D, v2  }
0xa7: {  	v1 =	vsel vm9, $0x189, v1;
	v0 =	vsel vm10, $0x45, v0;
	v2 =	vsel vm9, $0x18D, v2  }
0xa8: {  	v1 =	vsel vm8, $0x2C9, v1;
	v0 =	vsel vm9, $0x185, v0;
	v2 =	vsel vm8, $0x2CD, v2  }
0xa9: {  	v1 =	vsel vm7, $0x409, v1;
	v0 =	vsel vm8, $0x2C5, v0;
	v2 =	vsel vm7, $0x40D, v2  }
0xaa: {  	v1 =	vsel vm6, $0x4A, v1;
	v0 =	vsel vm7, $0x405, v0;
	v2 =	vsel vm6, $0x4E, v2  }
0xab: {  	v1 =	vsel vm5, $0x18A, v1;
	v0 =	vsel vm6, $0x46, v0;
	v2 =	vsel vm5, $0x18E, v2  }
0xac: {  	v1 =	vsel vm4, $0x2CA, v1;
	v0 =	vsel vm5, $0x186, v0;
	v2 =	vsel vm4, $0x2CE, v2  }
0xad: {  	v1 =	vsel vm3, $0x40A, v1;
	v0 =	vsel vm4, $0x2C6, v0;
	v2 =	vsel vm3, $0x40E, v2  }
0xae: {  	v1 =	vsel vm2, $0x4B, v1;
	v0 =	vsel vm3, $0x406, v0;
	v2 =	vsel vm2, $0x4F, v2  }
0xaf: {  	v1 =	vsel vm1, $0x18B, v1;
	v0 =	vsel vm2, $0x47, v0;
	v2 =	vsel vm1, $0x18F, v2  }
0xb0: {  	v18 =	vsel vm0, $0x2CB, v1;
	v1 =	vimm.s32 $0x417;
	v0 =	vsel vm1, $0x187, v0  }
0xb1: {  	v19 =	vsel vm0, $0x2CF, v2;
	v2 =	vimm.s32 $0x41B;
	v1 =	vsel vm14, $0x54, v1  }
0xb2: {  	v17 =	vsel vm0, $0x2C7, v0;
	v0 =	vimm.s32 $0x413;
	v2 =	vsel vm14, $0x58, v2  }
0xb3: {  	v1 =	vsel vm13, $0x194, v1;
	v0 =	vsel vm14, $0x50, v0;
	v2 =	vsel vm13, $0x198, v2  }
0xb4: {  	v1 =	vsel vm12, $0x2D4, v1;
	v0 =	vsel vm13, $0x190, v0;
	v2 =	vsel vm12, $0x2D8, v2  }
0xb5: {  	v1 =	vsel vm11, $0x414, v1;
	v0 =	vsel vm12, $0x2D0, v0;
	v2 =	vsel vm11, $0x418, v2  }
0xb6: {  	v1 =	vsel vm10, $0x55, v1;
	v0 =	vsel vm11, $0x410, v0;
	v2 =	vsel vm10, $0x59, v2  }
0xb7: {  	v1 =	vsel vm9, $0x195, v1;
	v0 =	vsel vm10, $0x51, v0;
	v2 =	vsel vm9, $0x199, v2  }
0xb8: {  	v1 =	vsel vm8, $0x2D5, v1;
	v0 =	vsel vm9, $0x191, v0;
	v2 =	vsel vm8, $0x2D9, v2  }
0xb9: {  	v1 =	vsel vm7, $0x415, v1;
	v0 =	vsel vm8, $0x2D1, v0;
	v2 =	vsel vm7, $0x419, v2  }
0xba: {  	v1 =	vsel vm6, $0x56, v1;
	v0 =	vsel vm7, $0x411, v0;
	v2 =	vsel vm6, $0x5A, v2  }
0xbb: {  	v1 =	vsel vm5, $0x196, v1;
	v0 =	vsel vm6, $0x52, v0;
	v2 =	vsel vm5, $0x19A, v2  }
0xbc: {  	v1 =	vsel vm4, $0x2D6, v1;
	v0 =	vsel vm5, $0x192, v0;
	v2 =	vsel vm4, $0x2DA, v2  }
0xbd: {  	v1 =	vsel vm3, $0x416, v1;
	v0 =	vsel vm4, $0x2D2, v0;
	v2 =	vsel vm3, $0x41A, v2  }
0xbe: {  	v1 =	vsel vm2, $0x57, v1;
	v0 =	vsel vm3, $0x412, v0;
	v2 =	vsel vm2, $0x5B, v2  }
0xbf: {  	v1 =	vsel vm1, $0x197, v1;
	v0 =	vsel vm2, $0x53, v0;
	v2 =	vsel vm1, $0x19B, v2  }
0xc0: {  	v21 =	vsel vm0, $0x2D7, v1;
	v1 =	vimm.s32 $0x423;
	v0 =	vsel vm1, $0x193, v0  }
0xc1: {  	v22 =	vsel vm0, $0x2DB, v2;
	v2 =	vimm.s32 $0x427;
	v1 =	vsel vm14, $0x60, v1  }
0xc2: {  	v20 =	vsel vm0, $0x2D3, v0;
	v0 =	vimm.s32 $0x41F;
	v2 =	vsel vm14, $0x64, v2  }
0xc3: {  	v1 =	vsel vm13, $0x1A0, v1;
	v0 =	vsel vm14, $0x5C, v0;
	v2 =	vsel vm13, $0x1A4, v2  }
0xc4: {  	v1 =	vsel vm12, $0x2E0, v1;
	v0 =	vsel vm13, $0x19C, v0;
	v2 =	vsel vm12, $0x2E4, v2  }
0xc5: {  	v1 =	vsel vm11, $0x420, v1;
	v0 =	vsel vm12, $0x2DC, v0;
	v2 =	vsel vm11, $0x424, v2  }
0xc6: {  	v1 =	vsel vm10, $0x61, v1;
	v0 =	vsel vm11, $0x41C, v0;
	v2 =	vsel vm10, $0x65, v2  }
0xc7: {  	v1 =	vsel vm9, $0x1A1, v1;
	v0 =	vsel vm10, $0x5D, v0;
	v2 =	vsel vm9, $0x1A5, v2  }
0xc8: {  	v1 =	vsel vm8, $0x2E1, v1;
	v0 =	vsel vm9, $0x19D, v0;
	v2 =	vsel vm8, $0x2E5, v2  }
0xc9: {  	v1 =	vsel vm7, $0x421, v1;
	v0 =	vsel vm8, $0x2DD, v0;
	v2 =	vsel vm7, $0x425, v2  }
0xca: {  	v1 =	vsel vm6, $0x62, v1;
	v0 =	vsel vm7, $0x41D, v0;
	v2 =	vsel vm6, $0x66, v2  }
0xcb: {  	v1 =	vsel vm5, $0x1A2, v1;
	v0 =	vsel vm6, $0x5E, v0;
	v2 =	vsel vm5, $0x1A6, v2  }
0xcc: {  	v1 =	vsel vm4, $0x2E2, v1;
	v0 =	vsel vm5, $0x19E, v0;
	v2 =	vsel vm4, $0x2E6, v2  }
0xcd: {  	v1 =	vsel vm3, $0x422, v1;
	v0 =	vsel vm4, $0x2DE, v0;
	v2 =	vsel vm3, $0x426, v2  }
0xce: {  	v1 =	vsel vm2, $0x63, v1;
	v0 =	vsel vm3, $0x41E, v0;
	v2 =	vsel vm2, $0x67, v2  }
0xcf: {  	v1 =	vsel vm1, $0x1A3, v1;
	v0 =	vsel vm2, $0x5F, v0;
	v2 =	vsel vm1, $0x1A7, v2  }
0xd0: {  	v24 =	vsel vm0, $0x2E3, v1;
	v1 =	vimm.s32 $0x42F;
	v0 =	vsel vm1, $0x19F, v0  }
0xd1: {  	v25 =	vsel vm0, $0x2E7, v2;
	v2 =	vimm.s32 $0x433;
	v1 =	vsel vm14, $0x6C, v1  }
0xd2: {  	v23 =	vsel vm0, $0x2DF, v0;
	v0 =	vimm.s32 $0x42B;
	v2 =	vsel vm14, $0x70, v2  }
0xd3: {  	v1 =	vsel vm13, $0x1AC, v1;
	v0 =	vsel vm14, $0x68, v0;
	v2 =	vsel vm13, $0x1B0, v2  }
0xd4: {  	v1 =	vsel vm12, $0x2EC, v1;
	v0 =	vsel vm13, $0x1A8, v0;
	v2 =	vsel vm12, $0x2F0, v2  }
0xd5: {  	v1 =	vsel vm11, $0x42C, v1;
	v0 =	vsel vm12, $0x2E8, v0;
	v2 =	vsel vm11, $0x430, v2  }
0xd6: {  	v1 =	vsel vm10, $0x6D, v1;
	v0 =	vsel vm11, $0x428, v0;
	v2 =	vsel vm10, $0x71, v2  }
0xd7: {  	v1 =	vsel vm9, $0x1AD, v1;
	v0 =	vsel vm10, $0x69, v0;
	v2 =	vsel vm9, $0x1B1, v2  }
0xd8: {  	v1 =	vsel vm8, $0x2ED, v1;
	v0 =	vsel vm9, $0x1A9, v0;
	v2 =	vsel vm8, $0x2F1, v2  }
0xd9: {  	v1 =	vsel vm7, $0x42D, v1;
	v0 =	vsel vm8, $0x2E9, v0;
	v2 =	vsel vm7, $0x431, v2  }
0xda: {  	v1 =	vsel vm6, $0x6E, v1;
	v0 =	vsel vm7, $0x429, v0;
	v2 =	vsel vm6, $0x72, v2  }
0xdb: {  	v1 =	vsel vm5, $0x1AE, v1;
	v0 =	vsel vm6, $0x6A, v0;
	v2 =	vsel vm5, $0x1B2, v2  }
0xdc: {  	v1 =	vsel vm4, $0x2EE, v1;
	v0 =	vsel vm5, $0x1AA, v0;
	v2 =	vsel vm4, $0x2F2, v2  }
0xdd: {  	v1 =	vsel vm3, $0x42E, v1;
	v0 =	vsel vm4, $0x2EA, v0;
	v2 =	vsel vm3, $0x432, v2  }
0xde: {  	v1 =	vsel vm2, $0x6F, v1;
	v0 =	vsel vm3, $0x42A, v0;
	v2 =	vsel vm2, $0x73, v2  }
0xdf: {  	v1 =	vsel vm1, $0x1AF, v1;
	v0 =	vsel vm2, $0x6B, v0;
	v2 =	vsel vm1, $0x1B3, v2  }
0xe0: {  	v27 =	vsel vm0, $0x2EF, v1;
	v1 =	vimm.s32 $0x43B;
	v0 =	vsel vm1, $0x1AB, v0  }
0xe1: {  	v28 =	vsel vm0, $0x2F3, v2;
	v2 =	vimm.s32 $0x43F;
	v1 =	vsel vm14, $0x78, v1  }
0xe2: {  	v26 =	vsel vm0, $0x2EB, v0;
	v0 =	vimm.s32 $0x437;
	v2 =	vsel vm14, $0x7C, v2  }
0xe3: {  	v1 =	vsel vm13, $0x1B8, v1;
	v0 =	vsel vm14, $0x74, v0;
	v2 =	vsel vm13, $0x1BC, v2  }
0xe4: {  	v1 =	vsel vm12, $0x2F8, v1;
	v0 =	vsel vm13, $0x1B4, v0;
	v2 =	vsel vm12, $0x2FC, v2  }
0xe5: {  	v1 =	vsel vm11, $0x438, v1;
	v0 =	vsel vm12, $0x2F4, v0;
	v2 =	vsel vm11, $0x43C, v2  }
0xe6: {  	v1 =	vsel vm10, $0x79, v1;
	v0 =	vsel vm11, $0x434, v0;
	v2 =	vsel vm10, $0x7D, v2  }
0xe7: {  	v1 =	vsel vm9, $0x1B9, v1;
	v0 =	vsel vm10, $0x75, v0;
	v2 =	vsel vm9, $0x1BD, v2  }
0xe8: {  	v1 =	vsel vm8, $0x2F9, v1;
	v0 =	vsel vm9, $0x1B5, v0;
	v2 =	vsel vm8, $0x2FD, v2  }
0xe9: {  	v1 =	vsel vm7, $0x439, v1;
	v0 =	vsel vm8, $0x2F5, v0;
	v2 =	vsel vm7, $0x43D, v2  }
0xea: {  	v1 =	vsel vm6, $0x7A, v1;
	v0 =	vsel vm7, $0x435, v0;
	v2 =	vsel vm6, $0x7E, v2  }
0xeb: {  	v1 =	vsel vm5, $0x1BA, v1;
	v0 =	vsel vm6, $0x76, v0;
	v2 =	vsel vm5, $0x1BE, v2  }
0xec: {  	v1 =	vsel vm4, $0x2FA, v1;
	v0 =	vsel vm5, $0x1B6, v0;
	v2 =	vsel vm4, $0x2FE, v2  }
0xed: {  	v1 =	vsel vm3, $0x43A, v1;
	v0 =	vsel vm4, $0x2F6, v0;
	v2 =	vsel vm3, $0x43E, v2  }
0xee: {  	v1 =	vsel vm2, $0x7B, v1;
	v0 =	vsel vm3, $0x436, v0;
	v2 =	vsel vm2, $0x7F, v2  }
0xef: {  	v1 =	vsel vm1, $0x1BB, v1;
	v0 =	vsel vm2, $0x77, v0;
	v2 =	vsel vm1, $0x1BF, v2  }
0xf0: {  	v30 =	vsel vm0, $0x2FB, v1;
	v1 =	vimm.s32 $0x447;
	v0 =	vsel vm1, $0x1B7, v0  }
0xf1: {  	v31 =	vsel vm0, $0x2FF, v2;
	v2 =	vimm.s32 $0x44B;
	v1 =	vsel vm14, $0x84, v1  }
0xf2: {  	v29 =	vsel vm0, $0x2F7, v0;
	v0 =	vimm.s32 $0x443;
	v2 =	vsel vm14, $0x88, v2  }
0xf3: {  	v1 =	vsel vm13, $0x1C4, v1;
	v0 =	vsel vm14, $0x80, v0;
	v2 =	vsel vm13, $0x1C8, v2  }
0xf4: {  	v1 =	vsel vm12, $0x304, v1;
	v0 =	vsel vm13, $0x1C0, v0;
	v2 =	vsel vm12, $0x308, v2  }
0xf5: {  	v1 =	vsel vm11, $0x444, v1;
	v0 =	vsel vm12, $0x300, v0;
	v2 =	vsel vm11, $0x448, v2  }
0xf6: {  	v1 =	vsel vm10, $0x85, v1;
	v0 =	vsel vm11, $0x440, v0;
	v2 =	vsel vm10, $0x89, v2  }
0xf7: {  	v1 =	vsel vm9, $0x1C5, v1;
	v0 =	vsel vm10, $0x81, v0;
	v2 =	vsel vm9, $0x1C9, v2  }
0xf8: {  	v1 =	vsel vm8, $0x305, v1;
	v0 =	vsel vm9, $0x1C1, v0;
	v2 =	vsel vm8, $0x309, v2  }
0xf9: {  	v1 =	vsel vm7, $0x445, v1;
	v0 =	vsel vm8, $0x301, v0;
	v2 =	vsel vm7, $0x449, v2  }
0xfa: {  	v1 =	vsel vm6, $0x86, v1;
	v0 =	vsel vm7, $0x441, v0;
	v2 =	vsel vm6, $0x8A, v2  }
0xfb: {  	v1 =	vsel vm5, $0x1C6, v1;
	v0 =	vsel vm6, $0x82, v0;
	v2 =	vsel vm5, $0x1CA, v2  }
0xfc: {  	v1 =	vsel vm4, $0x306, v1;
	v0 =	vsel vm5, $0x1C2, v0;
	v2 =	vsel vm4, $0x30A, v2  }
0xfd: {  	v1 =	vsel vm3, $0x446, v1;
	v0 =	vsel vm4, $0x302, v0;
	v2 =	vsel vm3, $0x44A, v2  }
0xfe: {  	v1 =	vsel vm2, $0x87, v1;
	v0 =	vsel vm3, $0x442, v0;
	v2 =	vsel vm2, $0x8B, v2  }
0xff: {  	v1 =	vsel vm1, $0x1C7, v1;
	v0 =	vsel vm2, $0x83, v0;
	v2 =	vsel vm1, $0x1CB, v2  }
0x100: {  	v33 =	vsel vm0, $0x307, v1;
	v1 =	vimm.s32 $0x453;
	v0 =	vsel vm1, $0x1C3, v0  }
0x101: {  	v34 =	vsel vm0, $0x30B, v2;
	v2 =	vimm.s32 $0x457;
	v1 =	vsel vm14, $0x90, v1  }
0x102: {  	v32 =	vsel vm0, $0x303, v0;
	v0 =	vimm.s32 $0x44F;
	v2 =	vsel vm14, $0x94, v2  }
0x103: {  	v1 =	vsel vm13, $0x1D0, v1;
	v0 =	vsel vm14, $0x8C, v0;
	v2 =	vsel vm13, $0x1D4, v2  }
0x104: {  	v1 =	vsel vm12, $0x310, v1;
	v0 =	vsel vm13, $0x1CC, v0;
	v2 =	vsel vm12, $0x314, v2  }
0x105: {  	v1 =	vsel vm11, $0x450, v1;
	v0 =	vsel vm12, $0x30C, v0;
	v2 =	vsel vm11, $0x454, v2  }
0x106: {  	v1 =	vsel vm10, $0x91, v1;
	v0 =	vsel vm11, $0x44C, v0;
	v2 =	vsel vm10, $0x95, v2  }
0x107: {  	v1 =	vsel vm9, $0x1D1, v1;
	v0 =	vsel vm10, $0x8D, v0;
	v2 =	vsel vm9, $0x1D5, v2  }
0x108: {  	v1 =	vsel vm8, $0x311, v1;
	v0 =	vsel vm9, $0x1CD, v0;
	v2 =	vsel vm8, $0x315, v2  }
0x109: {  	v1 =	vsel vm7, $0x451, v1;
	v0 =	vsel vm8, $0x30D, v0;
	v2 =	vsel vm7, $0x455, v2  }
0x10a: {  	v1 =	vsel vm6, $0x92, v1;
	v0 =	vsel vm7, $0x44D, v0;
	v2 =	vsel vm6, $0x96, v2  }
0x10b: {  	v1 =	vsel vm5, $0x1D2, v1;
	v0 =	vsel vm6, $0x8E, v0;
	v2 =	vsel vm5, $0x1D6, v2  }
0x10c: {  	v1 =	vsel vm4, $0x312, v1;
	v0 =	vsel vm5, $0x1CE, v0;
	v2 =	vsel vm4, $0x316, v2  }
0x10d: {  	v1 =	vsel vm3, $0x452, v1;
	v0 =	vsel vm4, $0x30E, v0;
	v2 =	vsel vm3, $0x456, v2  }
0x10e: {  	v1 =	vsel vm2, $0x93, v1;
	v0 =	vsel vm3, $0x44E, v0;
	v2 =	vsel vm2, $0x97, v2  }
0x10f: {  	v1 =	vsel vm1, $0x1D3, v1;
	v0 =	vsel vm2, $0x8F, v0;
	v2 =	vsel vm1, $0x1D7, v2  }
0x110: {  	v36 =	vsel vm0, $0x313, v1;
	v1 =	vimm.s32 $0x45F;
	v0 =	vsel vm1, $0x1CF, v0  }
0x111: {  	v37 =	vsel vm0, $0x317, v2;
	v2 =	vimm.s32 $0x463;
	v1 =	vsel vm14, $0x9C, v1  }
0x112: {  	v35 =	vsel vm0, $0x30F, v0;
	v0 =	vimm.s32 $0x45B;
	v2 =	vsel vm14, $0xA0, v2  }
0x113: {  	v1 =	vsel vm13, $0x1DC, v1;
	v0 =	vsel vm14, $0x98, v0;
	v2 =	vsel vm13, $0x1E0, v2  }
0x114: {  	v1 =	vsel vm12, $0x31C, v1;
	v0 =	vsel vm13, $0x1D8, v0;
	v2 =	vsel vm12, $0x320, v2  }
0x115: {  	v1 =	vsel vm11, $0x45C, v1;
	v0 =	vsel vm12, $0x318, v0;
	v2 =	vsel vm11, $0x460, v2  }
0x116: {  	v1 =	vsel vm10, $0x9D, v1;
	v0 =	vsel vm11, $0x458, v0;
	v2 =	vsel vm10, $0xA1, v2  }
0x117: {  	v1 =	vsel vm9, $0x1DD, v1;
	v0 =	vsel vm10, $0x99, v0;
	v2 =	vsel vm9, $0x1E1, v2  }
0x118: {  	v1 =	vsel vm8, $0x31D, v1;
	v0 =	vsel vm9, $0x1D9, v0;
	v2 =	vsel vm8, $0x321, v2  }
0x119: {  	v1 =	vsel vm7, $0x45D, v1;
	v0 =	vsel vm8, $0x319, v0;
	v2 =	vsel vm7, $0x461, v2  }
0x11a: {  	v1 =	vsel vm6, $0x9E, v1;
	v0 =	vsel vm7, $0x459, v0;
	v2 =	vsel vm6, $0xA2, v2  }
0x11b: {  	v1 =	vsel vm5, $0x1DE, v1;
	v0 =	vsel vm6, $0x9A, v0;
	v2 =	vsel vm5, $0x1E2, v2  }
0x11c: {  	v1 =	vsel vm4, $0x31E, v1;
	v0 =	vsel vm5, $0x1DA, v0;
	v2 =	vsel vm4, $0x322, v2  }
0x11d: {  	v1 =	vsel vm3, $0x45E, v1;
	v0 =	vsel vm4, $0x31A, v0;
	v2 =	vsel vm3, $0x462, v2  }
0x11e: {  	v1 =	vsel vm2, $0x9F, v1;
	v0 =	vsel vm3, $0x45A, v0;
	v2 =	vsel vm2, $0xA3, v2  }
0x11f: {  	v1 =	vsel vm1, $0x1DF, v1;
	v0 =	vsel vm2, $0x9B, v0;
	v2 =	vsel vm1, $0x1E3, v2  }
0x120: {  	v39 =	vsel vm0, $0x31F, v1;
	v1 =	vimm.s32 $0x46B;
	v0 =	vsel vm1, $0x1DB, v0  }
0x121: {  	v40 =	vsel vm0, $0x323, v2;
	v2 =	vimm.s32 $0x46F;
	v1 =	vsel vm14, $0xA8, v1  }
0x122: {  	v38 =	vsel vm0, $0x31B, v0;
	v0 =	vimm.s32 $0x467;
	v2 =	vsel vm14, $0xAC, v2  }
0x123: {  	v1 =	vsel vm13, $0x1E8, v1;
	v0 =	vsel vm14, $0xA4, v0;
	v2 =	vsel vm13, $0x1EC, v2  }
0x124: {  	v1 =	vsel vm12, $0x328, v1;
	v0 =	vsel vm13, $0x1E4, v0;
	v2 =	vsel vm12, $0x32C, v2  }
0x125: {  	v1 =	vsel vm11, $0x468, v1;
	v0 =	vsel vm12, $0x324, v0;
	v2 =	vsel vm11, $0x46C, v2  }
0x126: {  	v1 =	vsel vm10, $0xA9, v1;
	v0 =	vsel vm11, $0x464, v0;
	v2 =	vsel vm10, $0xAD, v2  }
0x127: {  	v1 =	vsel vm9, $0x1E9, v1;
	v0 =	vsel vm10, $0xA5, v0;
	v2 =	vsel vm9, $0x1ED, v2  }
0x128: {  	v1 =	vsel vm8, $0x329, v1;
	v0 =	vsel vm9, $0x1E5, v0;
	v2 =	vsel vm8, $0x32D, v2  }
0x129: {  	v1 =	vsel vm7, $0x469, v1;
	v0 =	vsel vm8, $0x325, v0;
	v2 =	vsel vm7, $0x46D, v2  }
0x12a: {  	v1 =	vsel vm6, $0xAA, v1;
	v0 =	vsel vm7, $0x465, v0;
	v2 =	vsel vm6, $0xAE, v2  }
0x12b: {  	v1 =	vsel vm5, $0x1EA, v1;
	v0 =	vsel vm6, $0xA6, v0;
	v2 =	vsel vm5, $0x1EE, v2  }
0x12c: {  	v1 =	vsel vm4, $0x32A, v1;
	v0 =	vsel vm5, $0x1E6, v0;
	v2 =	vsel vm4, $0x32E, v2  }
0x12d: {  	v1 =	vsel vm3, $0x46A, v1;
	v0 =	vsel vm4, $0x326, v0;
	v2 =	vsel vm3, $0x46E, v2  }
0x12e: {  	v1 =	vsel vm2, $0xAB, v1;
	v0 =	vsel vm3, $0x466, v0;
	v2 =	vsel vm2, $0xAF, v2  }
0x12f: {  	v1 =	vsel vm1, $0x1EB, v1;
	v0 =	vsel vm2, $0xA7, v0;
	v2 =	vsel vm1, $0x1EF, v2  }
0x130: {  	v42 =	vsel vm0, $0x32B, v1;
	v1 =	vimm.s32 $0x477;
	v0 =	vsel vm1, $0x1E7, v0  }
0x131: {  	v43 =	vsel vm0, $0x32F, v2;
	v2 =	vimm.s32 $0x47B;
	v1 =	vsel vm14, $0xB4, v1  }
0x132: {  	v41 =	vsel vm0, $0x327, v0;
	v0 =	vimm.s32 $0x473;
	v2 =	vsel vm14, $0xB8, v2  }
0x133: {  	v1 =	vsel vm13, $0x1F4, v1;
	v0 =	vsel vm14, $0xB0, v0;
	v2 =	vsel vm13, $0x1F8, v2  }
0x134: {  	v1 =	vsel vm12, $0x334, v1;
	v0 =	vsel vm13, $0x1F0, v0;
	v2 =	vsel vm12, $0x338, v2  }
0x135: {  	v1 =	vsel vm11, $0x474, v1;
	v0 =	vsel vm12, $0x330, v0;
	v2 =	vsel vm11, $0x478, v2  }
0x136: {  	v1 =	vsel vm10, $0xB5, v1;
	v0 =	vsel vm11, $0x470, v0;
	v2 =	vsel vm10, $0xB9, v2  }
0x137: {  	v1 =	vsel vm9, $0x1F5, v1;
	v0 =	vsel vm10, $0xB1, v0;
	v2 =	vsel vm9, $0x1F9, v2  }
0x138: {  	v1 =	vsel vm8, $0x335, v1;
	v0 =	vsel vm9, $0x1F1, v0;
	v2 =	vsel vm8, $0x339, v2  }
0x139: {  	v1 =	vsel vm7, $0x475, v1;
	v0 =	vsel vm8, $0x331, v0;
	v2 =	vsel vm7, $0x479, v2  }
0x13a: {  	v1 =	vsel vm6, $0xB6, v1;
	v0 =	vsel vm7, $0x471, v0;
	v2 =	vsel vm6, $0xBA, v2  }
0x13b: {  	v1 =	vsel vm5, $0x1F6, v1;
	v0 =	vsel vm6, $0xB2, v0;
	v2 =	vsel vm5, $0x1FA, v2  }
0x13c: {  	v1 =	vsel vm4, $0x336, v1;
	v0 =	vsel vm5, $0x1F2, v0;
	v2 =	vsel vm4, $0x33A, v2  }
0x13d: {  	v1 =	vsel vm3, $0x476, v1;
	v0 =	vsel vm4, $0x332, v0;
	v2 =	vsel vm3, $0x47A, v2  }
0x13e: {  	v1 =	vsel vm2, $0xB7, v1;
	v0 =	vsel vm3, $0x472, v0;
	v2 =	vsel vm2, $0xBB, v2  }
0x13f: {  	v1 =	vsel vm1, $0x1F7, v1;
	v0 =	vsel vm2, $0xB3, v0;
	v2 =	vsel vm1, $0x1FB, v2  }
0x140: {  	v45 =	vsel vm0, $0x337, v1;
	v1 =	vimm.s32 $0x483;
	v0 =	vsel vm1, $0x1F3, v0  }
0x141: {  	v46 =	vsel vm0, $0x33B, v2;
	v2 =	vimm.s32 $0x487;
	v1 =	vsel vm14, $0xC0, v1  }
0x142: {  	v44 =	vsel vm0, $0x333, v0;
	v0 =	vimm.s32 $0x47F;
	v2 =	vsel vm14, $0xC4, v2  }
0x143: {  	v1 =	vsel vm13, $0x200, v1;
	v0 =	vsel vm14, $0xBC, v0;
	v2 =	vsel vm13, $0x204, v2  }
0x144: {  	v1 =	vsel vm12, $0x340, v1;
	v0 =	vsel vm13, $0x1FC, v0;
	v2 =	vsel vm12, $0x344, v2  }
0x145: {  	v1 =	vsel vm11, $0x480, v1;
	v0 =	vsel vm12, $0x33C, v0;
	v2 =	vsel vm11, $0x484, v2  }
0x146: {  	v1 =	vsel vm10, $0xC1, v1;
	v0 =	vsel vm11, $0x47C, v0;
	v2 =	vsel vm10, $0xC5, v2  }
0x147: {  	v1 =	vsel vm9, $0x201, v1;
	v0 =	vsel vm10, $0xBD, v0;
	v2 =	vsel vm9, $0x205, v2  }
0x148: {  	v1 =	vsel vm8, $0x341, v1;
	v0 =	vsel vm9, $0x1FD, v0;
	v2 =	vsel vm8, $0x345, v2  }
0x149: {  	v1 =	vsel vm7, $0x481, v1;
	v0 =	vsel vm8, $0x33D, v0;
	v2 =	vsel vm7, $0x485, v2  }
0x14a: {  	v1 =	vsel vm6, $0xC2, v1;
	v0 =	vsel vm7, $0x47D, v0;
	v2 =	vsel vm6, $0xC6, v2  }
0x14b: {  	v1 =	vsel vm5, $0x202, v1;
	v0 =	vsel vm6, $0xBE, v0;
	v2 =	vsel vm5, $0x206, v2  }
0x14c: {  	v1 =	vsel vm4, $0x342, v1;
	v0 =	vsel vm5, $0x1FE, v0;
	v2 =	vsel vm4, $0x346, v2  }
0x14d: {  	v1 =	vsel vm3, $0x482, v1;
	v0 =	vsel vm4, $0x33E, v0;
	v2 =	vsel vm3, $0x486, v2  }
0x14e: {  	v1 =	vsel vm2, $0xC3, v1;
	v0 =	vsel vm3, $0x47E, v0;
	v2 =	vsel vm2, $0xC7, v2  }
0x14f: {  	v1 =	vsel vm1, $0x203, v1;
	v0 =	vsel vm2, $0xBF, v0;
	v2 =	vsel vm1, $0x207, v2  }
0x150: {  	v48 =	vsel vm0, $0x343, v1;
	v1 =	vimm.s32 $0x48F;
	v0 =	vsel vm1, $0x1FF, v0  }
0x151: {  	v49 =	vsel vm0, $0x347, v2;
	v2 =	vimm.s32 $0x493;
	v1 =	vsel vm14, $0xCC, v1  }
0x152: {  	v47 =	vsel vm0, $0x33F, v0;
	v0 =	vimm.s32 $0x48B;
	v2 =	vsel vm14, $0xD0, v2  }
0x153: {  	v1 =	vsel vm13, $0x20C, v1;
	v0 =	vsel vm14, $0xC8, v0;
	v2 =	vsel vm13, $0x210, v2  }
0x154: {  	v1 =	vsel vm12, $0x34C, v1;
	v0 =	vsel vm13, $0x208, v0;
	v2 =	vsel vm12, $0x350, v2  }
0x155: {  	v1 =	vsel vm11, $0x48C, v1;
	v0 =	vsel vm12, $0x348, v0;
	v2 =	vsel vm11, $0x490, v2  }
0x156: {  	v1 =	vsel vm10, $0xCD, v1;
	v0 =	vsel vm11, $0x488, v0;
	v2 =	vsel vm10, $0xD1, v2  }
0x157: {  	v1 =	vsel vm9, $0x20D, v1;
	v0 =	vsel vm10, $0xC9, v0;
	v2 =	vsel vm9, $0x211, v2  }
0x158: {  	v1 =	vsel vm8, $0x34D, v1;
	v0 =	vsel vm9, $0x209, v0;
	v2 =	vsel vm8, $0x351, v2  }
0x159: {  	v1 =	vsel vm7, $0x48D, v1;
	v0 =	vsel vm8, $0x349, v0;
	v2 =	vsel vm7, $0x491, v2  }
0x15a: {  	v1 =	vsel vm6, $0xCE, v1;
	v0 =	vsel vm7, $0x489, v0;
	v2 =	vsel vm6, $0xD2, v2  }
0x15b: {  	v1 =	vsel vm5, $0x20E, v1;
	v0 =	vsel vm6, $0xCA, v0;
	v2 =	vsel vm5, $0x212, v2  }
0x15c: {  	v1 =	vsel vm4, $0x34E, v1;
	v0 =	vsel vm5, $0x20A, v0;
	v2 =	vsel vm4, $0x352, v2  }
0x15d: {  	v1 =	vsel vm3, $0x48E, v1;
	v0 =	vsel vm4, $0x34A, v0;
	v2 =	vsel vm3, $0x492, v2  }
0x15e: {  	v1 =	vsel vm2, $0xCF, v1;
	v0 =	vsel vm3, $0x48A, v0;
	v2 =	vsel vm2, $0xD3, v2  }
0x15f: {  	v1 =	vsel vm1, $0x20F, v1;
	v0 =	vsel vm2, $0xCB, v0;
	v2 =	vsel vm1, $0x213, v2  }
0x160: {  	v51 =	vsel vm0, $0x34F, v1;
	v1 =	vimm.s32 $0x49B;
	v0 =	vsel vm1, $0x20B, v0  }
0x161: {  	v52 =	vsel vm0, $0x353, v2;
	v2 =	vimm.s32 $0x49F;
	v1 =	vsel vm14, $0xD8, v1  }
0x162: {  	v50 =	vsel vm0, $0x34B, v0;
	v0 =	vimm.s32 $0x497;
	v2 =	vsel vm14, $0xDC, v2  }
0x163: {  	v1 =	vsel vm13, $0x218, v1;
	v0 =	vsel vm14, $0xD4, v0;
	v2 =	vsel vm13, $0x21C, v2  }
0x164: {  	v1 =	vsel vm12, $0x358, v1;
	v0 =	vsel vm13, $0x214, v0;
	v2 =	vsel vm12, $0x35C, v2  }
0x165: {  	v1 =	vsel vm11, $0x498, v1;
	v0 =	vsel vm12, $0x354, v0;
	v2 =	vsel vm11, $0x49C, v2  }
0x166: {  	v1 =	vsel vm10, $0xD9, v1;
	v0 =	vsel vm11, $0x494, v0;
	v2 =	vsel vm10, $0xDD, v2  }
0x167: {  	v1 =	vsel vm9, $0x219, v1;
	v0 =	vsel vm10, $0xD5, v0;
	v2 =	vsel vm9, $0x21D, v2  }
0x168: {  	v1 =	vsel vm8, $0x359, v1;
	v0 =	vsel vm9, $0x215, v0;
	v2 =	vsel vm8, $0x35D, v2  }
0x169: {  	v1 =	vsel vm7, $0x499, v1;
	v0 =	vsel vm8, $0x355, v0;
	v2 =	vsel vm7, $0x49D, v2  }
0x16a: {  	v1 =	vsel vm6, $0xDA, v1;
	v0 =	vsel vm7, $0x495, v0;
	v2 =	vsel vm6, $0xDE, v2  }
0x16b: {  	v1 =	vsel vm5, $0x21A, v1;
	v0 =	vsel vm6, $0xD6, v0;
	v2 =	vsel vm5, $0x21E, v2  }
0x16c: {  	v1 =	vsel vm4, $0x35A, v1;
	v0 =	vsel vm5, $0x216, v0;
	v2 =	vsel vm4, $0x35E, v2  }
0x16d: {  	v1 =	vsel vm3, $0x49A, v1;
	v0 =	vsel vm4, $0x356, v0;
	v2 =	vsel vm3, $0x49E, v2  }
0x16e: {  	v1 =	vsel vm2, $0xDB, v1;
	v0 =	vsel vm3, $0x496, v0;
	v2 =	vsel vm2, $0xDF, v2  }
0x16f: {  	v1 =	vsel vm1, $0x21B, v1;
	v0 =	vsel vm2, $0xD7, v0;
	v2 =	vsel vm1, $0x21F, v2  }
0x170: {  	v54 =	vsel vm0, $0x35B, v1;
	v1 =	vimm.s32 $0x4A7;
	v0 =	vsel vm1, $0x217, v0  }
0x171: {  	v55 =	vsel vm0, $0x35F, v2;
	v2 =	vimm.s32 $0x4AB;
	v1 =	vsel vm14, $0xE4, v1  }
0x172: {  	v53 =	vsel vm0, $0x357, v0;
	v0 =	vimm.s32 $0x4A3;
	v2 =	vsel vm14, $0xE8, v2  }
0x173: {  	v1 =	vsel vm13, $0x224, v1;
	v0 =	vsel vm14, $0xE0, v0;
	v2 =	vsel vm13, $0x228, v2  }
0x174: {  	v1 =	vsel vm12, $0x364, v1;
	v0 =	vsel vm13, $0x220, v0;
	v2 =	vsel vm12, $0x368, v2  }
0x175: {  	v1 =	vsel vm11, $0x4A4, v1;
	v0 =	vsel vm12, $0x360, v0;
	v2 =	vsel vm11, $0x4A8, v2  }
0x176: {  	v1 =	vsel vm10, $0xE5, v1;
	v0 =	vsel vm11, $0x4A0, v0;
	v2 =	vsel vm10, $0xE9, v2  }
0x177: {  	v1 =	vsel vm9, $0x225, v1;
	v0 =	vsel vm10, $0xE1, v0;
	v2 =	vsel vm9, $0x229, v2  }
0x178: {  	v1 =	vsel vm8, $0x365, v1;
	v0 =	vsel vm9, $0x221, v0;
	v2 =	vsel vm8, $0x369, v2  }
0x179: {  	v1 =	vsel vm7, $0x4A5, v1;
	v0 =	vsel vm8, $0x361, v0;
	v2 =	vsel vm7, $0x4A9, v2  }
0x17a: {  	v1 =	vsel vm6, $0xE6, v1;
	v0 =	vsel vm7, $0x4A1, v0;
	v2 =	vsel vm6, $0xEA, v2  }
0x17b: {  	v1 =	vsel vm5, $0x226, v1;
	v0 =	vsel vm6, $0xE2, v0;
	v2 =	vsel vm5, $0x22A, v2  }
0x17c: {  	v1 =	vsel vm4, $0x366, v1;
	v0 =	vsel vm5, $0x222, v0;
	v2 =	vsel vm4, $0x36A, v2  }
0x17d: {  	v1 =	vsel vm3, $0x4A6, v1;
	v0 =	vsel vm4, $0x362, v0;
	v2 =	vsel vm3, $0x4AA, v2  }
0x17e: {  	v1 =	vsel vm2, $0xE7, v1;
	v0 =	vsel vm3, $0x4A2, v0;
	v2 =	vsel vm2, $0xEB, v2  }
0x17f: {  	v1 =	vsel vm1, $0x227, v1;
	v0 =	vsel vm2, $0xE3, v0;
	v2 =	vsel vm1, $0x22B, v2  }
0x180: {  	v57 =	vsel vm0, $0x367, v1;
	v1 =	vimm.s32 $0x4B3;
	v0 =	vsel vm1, $0x223, v0  }
0x181: {  	v58 =	vsel vm0, $0x36B, v2;
	v2 =	vimm.s32 $0x4B7;
	v1 =	vsel vm14, $0xF0, v1  }
0x182: {  	v56 =	vsel vm0, $0x363, v0;
	v0 =	vimm.s32 $0x4AF;
	v2 =	vsel vm14, $0xF4, v2  }
0x183: {  	v1 =	vsel vm13, $0x230, v1;
	v0 =	vsel vm14, $0xEC, v0;
	v2 =	vsel vm13, $0x234, v2  }
0x184: {  	v1 =	vsel vm12, $0x370, v1;
	v0 =	vsel vm13, $0x22C, v0;
	v2 =	vsel vm12, $0x374, v2  }
0x185: {  	v1 =	vsel vm11, $0x4B0, v1;
	v0 =	vsel vm12, $0x36C, v0;
	v2 =	vsel vm11, $0x4B4, v2  }
0x186: {  	v1 =	vsel vm10, $0xF1, v1;
	v0 =	vsel vm11, $0x4AC, v0;
	v2 =	vsel vm10, $0xF5, v2  }
0x187: {  	v1 =	vsel vm9, $0x231, v1;
	v0 =	vsel vm10, $0xED, v0;
	v2 =	vsel vm9, $0x235, v2  }
0x188: {  	v1 =	vsel vm8, $0x371, v1;
	v0 =	vsel vm9, $0x22D, v0;
	v2 =	vsel vm8, $0x375, v2  }
0x189: {  	v1 =	vsel vm7, $0x4B1, v1;
	v0 =	vsel vm8, $0x36D, v0;
	v2 =	vsel vm7, $0x4B5, v2  }
0x18a: {  	v1 =	vsel vm6, $0xF2, v1;
	v0 =	vsel vm7, $0x4AD, v0;
	v2 =	vsel vm6, $0xF6, v2  }
0x18b: {  	v1 =	vsel vm5, $0x232, v1;
	v0 =	vsel vm6, $0xEE, v0;
	v2 =	vsel vm5, $0x236, v2  }
0x18c: {  	v1 =	vsel vm4, $0x372, v1;
	v0 =	vsel vm5, $0x22E, v0;
	v2 =	vsel vm4, $0x376, v2  }
0x18d: {  	v1 =	vsel vm3, $0x4B2, v1;
	v0 =	vsel vm4, $0x36E, v0;
	v2 =	vsel vm3, $0x4B6, v2  }
0x18e: {  	v1 =	vsel vm2, $0xF3, v1;
	v0 =	vsel vm3, $0x4AE, v0;
	v2 =	vsel vm2, $0xF7, v2  }
0x18f: {  	v1 =	vsel vm1, $0x233, v1;
	v0 =	vsel vm2, $0xEF, v0;
	v2 =	vsel vm1, $0x237, v2  }
0x190: {  	v60 =	vsel vm0, $0x373, v1;
	v1 =	vimm.s32 $0x4BF;
	v0 =	vsel vm1, $0x22F, v0  }
0x191: {  	v61 =	vsel vm0, $0x377, v2;
	v2 =	vimm.s32 $0x4C3;
	v1 =	vsel vm14, $0xFC, v1  }
0x192: {  	v59 =	vsel vm0, $0x36F, v0;
	v0 =	vimm.s32 $0x4BB;
	v2 =	vsel vm14, $0x100, v2  }
0x193: {  	s0 =	stileid.u32;
	s1 =	srdreg.scid;
	v1 =	vsel vm13, $0x23C, v1;
	v0 =	vsel vm14, $0xF8, v0;
	v2 =	vsel vm13, $0x240, v2  }
0x194: {  	s13 =	sand.u32 $0x1, s1;
	s24 =	sshll.u32 s0, $0x1;
	v1 =	vsel vm12, $0x37C, v1;
	v0 =	vsel vm13, $0x238, v0;
	v2 =	vsel vm12, $0x380, v2  }
0x195: {  	s16 =	sor.u32 s13, s24;
	v1 =	vsel vm11, $0x4BC, v1;
	v0 =	vsel vm12, $0x378, v0;
	v2 =	vsel vm11, $0x4C0, v2  }
0x196: {  	p0 =	seq.s32 s13, $0x1;
	p1 =	seq.s32 s16, $0x0;
	v1 =	vsel vm10, $0xFD, v1;
	v0 =	vsel vm11, $0x4B8, v0;
	v2 =	vsel vm10, $0x101, v2  }
0x197: {  	p1 =	por !p1, !p0;
	v1 =	vsel vm9, $0x23D, v1;
	v0 =	vsel vm10, $0xF9, v0;
	v2 =	vsel vm9, $0x241, v2  }
0x198: {  	s1 =	simm.s32 $0x1;
	p1 =	por !p1, !p1;
	v1 =	vsel vm8, $0x37D, v1;
	v0 =	vsel vm9, $0x239, v0;
	v2 =	vsel vm8, $0x381, v2  }
0x199: {  	s1 =	simm.s32 @!p1 $0x0;
	v1 =	vsel vm7, $0x4BD, v1;
	v0 =	vsel vm8, $0x379, v0;
	v2 =	vsel vm7, $0x4C1, v2  }
0x19a: {  	s4 =	ssub.s32 s0, s1;
	v1 =	vsel vm6, $0xFE, v1;
	v0 =	vsel vm7, $0x4B9, v0;
	v2 =	vsel vm6, $0x102, v2  }
0x19b: {  	s1 =	smul.u32 $0x67, s4;
	v1 =	vsel vm5, $0x23E, v1;
	v0 =	vsel vm6, $0xFA, v0;
	v2 =	vsel vm5, $0x242, v2  }
0x19c: {  	s6 =	rddreg [dreg:$0x1];
	s3 =	simm.s32 $0x0;
	v1 =	vsel vm4, $0x37E, v1;
	v0 =	vsel vm5, $0x23A, v0;
	v2 =	vsel vm4, $0x382, v2  }
0x19d: {  	s18 =	simm.s32 $0x3C0;
	s2 =	sshrl.u32 s1, $0x1F;
	s1 =	sshra.s32 s1, $0x9;
	v1 =	vsel vm3, $0x4BE, v1;
	v0 =	vsel vm4, $0x37A, v0;
	v2 =	vsel vm3, $0x4C2, v2  }
0x19e: {  	s19 =	simm.s32 $0x80;
	s26 =	smul.u32 $0x2800, s0;
	s5 =	sadd.s32 s2, s1;
	v1 =	vsel vm2, $0xFF, v1;
	v0 =	vsel vm3, $0x4BA, v0;
	v2 =	vsel vm2, $0x103, v2  }
0x19f: {  	s20 =	simm.s32 $0x2;
	s21 =	simm.s32 $0x3;
	s2 =	smul.u32 $0x5, s5;
	v1 =	vsel vm1, $0x23F, v1;
	v0 =	vsel vm2, $0xFB, v0;
	v2 =	vsel vm1, $0x243, v2  }
0x1a0: {  	s22 =	simm.s32 $0x0;
	[smem:$0x7FF] =	sst s3;
	s17 =	smul.u32 $0x1400, s13;
	v63 =	vsel vm0, $0x37F, v1;
	v1 =	vimm.s32 $0x4C7;
	v0 =	vsel vm1, $0x23B, v0  }
0x1a1: {  	s9 =	ssub.s32 $0x2, s13;
	s13 =	smul.u32 $0x140, s13;
	s7 =	ssub.s32 s4, s2;
	v62 =	vsel vm0, $0x37B, v0;
	v0 =	vsel vm0, $0x383, v2;
	v2 =	vimm.s32 $0x4CB  }
0x1a2: {  	s14 =	sadd.s32 s26, s6;
	s29 =	sshrl.u32 s9, $0x1;
	v14 =	vsel vm1, $0x27B, v14;
	s8 =	sand.u32 $0xFF, s7;
	v1 =	vsel vm14, $0x104, v1;
	v2 =	vsel vm14, $0x108, v2  }
0x1a3: {  	s16 =	sor.u32 $0x20, s16;
	p6 =	slt.s32 s4, $0x1;
	v15 =	vsel vm1, $0x27F, v15;
	p2 =	sne.s32 s8, $0x0;
	v1 =	vsel vm13, $0x244, v1;
	v2 =	vsel vm13, $0x248, v2  }
0x1a4: {  	s15 =	ssub.s32 s9, s29;
	s17 =	sadd.s32 s17, s14;
	v3 =	vsel vm0, $0x38F, v3;
	p1 =	por !p6, !p2;
	v1 =	vsel vm12, $0x384, v1;
	v2 =	vsel vm12, $0x388, v2  }
0x1a5: {  	v4 =	vsel vm0, $0x393, v4;
	s25 =	sshll.u32 s7, $0x18;
	s7 =	simm.s32 $0x1;
	p1 =	por !p1, !p1;
	v1 =	vsel vm11, $0x4C4, v1;
	v2 =	vsel vm11, $0x4C8, v2  }
0x1a6: {  	s14 =	smax.u32 s15, $0x1;
	v5 =	vsel vm0, $0x397, v5;
	s4 =	sshra.s32 s25, $0x18;
	s7 =	simm.s32 @!p1 $0x0;
	v1 =	vsel vm10, $0x105, v1;
	v2 =	vsel vm10, $0x109, v2  }
0x1a7: {  	s15 =	sadd.s32 $0x31A00, s17;
	v6 =	vsel vm0, $0x39B, v6;
	s28 =	smul.u32 $0x4E200, s4;
	s5 =	ssub.s32 s5, s7;
	v1 =	vsel vm9, $0x245, v1;
	v2 =	vsel vm9, $0x249, v2  }
0x1a8: {  	s17 =	simm.s32 $0x280;
	v7 =	vsel vm0, $0x39F, v7;
	s8 =	simm.s32 $0x140;
	s5 =	smul.u32 $0xA00, s5;
	v1 =	vsel vm8, $0x385, v1;
	v2 =	vsel vm8, $0x389, v2  }
0x1a9: {  	s1 =	rddreg [dreg:$0x0];
	v8 =	vsel vm0, $0x3A3, v8;
	s4 =	sadd.s32 $0xC00, s6;
	s8 =	simm.s32 @!p0 $0x0;
	v1 =	vsel vm7, $0x4C5, v1;
	v2 =	vsel vm7, $0x4C9, v2  }
0x1aa: {  	v9 =	vsel vm0, $0x3A7, v9;
	p0 =	seq.s32 s0, $0x0;
	s6 =	simm.s32 $0x1;
	s30 =	sadd.s32 s28, s5;
	v1 =	vsel vm6, $0x106, v1;
	v2 =	vsel vm6, $0x10A, v2  }
0x1ab: {  	v10 =	vsel vm0, $0x3AB, v10;
	s7 =	simm.s32 $0x140;
	s5 =	simm.s32 $0x28;
	s31 =	sor.u32 s8, s30;
	v1 =	vsel vm5, $0x246, v1;
	v2 =	vsel vm5, $0x24A, v2  }
.Ltmp0:
0x1ac: {  	v11 =	vsel vm0, $0x3AF, v11;
	s5 =	simm.s32 @!p0 $0x27;
	s8 =	sshrl.u32 s31, $0x3;
	v1 =	vsel vm4, $0x386, v1;
	v2 =	vsel vm4, $0x38A, v2;
	(pc) =	sbr.rel .LBB2_1-.Ltmp0, $4  }
0x1ad: {  	v12 =	vsel vm0, $0x3B3, v12;
	s10 =	sadd.s32 $0x280, s31;
	s11 =	sadd.s32 $0x500, s31;
	s9 =	sadd.s32 $0x780, s31;
	v1 =	vsel vm3, $0x4C6, v1;
	v2 =	vsel vm3, $0x4CA, v2  }
0x1ae: {  	v13 =	vsel vm0, $0x3B7, v13;
	s8 =	sadd.s32 s4, s8;
	s10 =	sshrl.u32 s10, $0x3;
	s11 =	sshrl.u32 s11, $0x3;
	v1 =	vsel vm2, $0x107, v1;
	v2 =	vsel vm2, $0x10B, v2  }
0x1af: {  	v14 =	vsel vm0, $0x3BB, v14;
	s12 =	sshrl.u32 s9, $0x3;
	s9 =	sadd.s32 s4, s10;
	s10 =	sadd.s32 s4, s11;
	v1 =	vsel vm1, $0x247, v1;
	v2 =	vsel vm1, $0x24B, v2  }
0x1b0: {  	v15 =	vsel vm0, $0x3BF, v15;
	s11 =	sadd.s32 s4, s12;
	s12 =	sadd.s32 $0xFFFFFFFF, s5;
	_ =	strace $0x80000047;
	v1 =	vsel vm0, $0x387, v1;
	v2 =	vsel vm0, $0x38B, v2  }
.LBB2_5:
0x1b1: {  	s22 =	sadd.s32 $0x1, s22  }
0x1b2: {  	_ =	swait.ge [sflag:s21], $0xA000;
	p0 =	sne.s32 s22, s14  }
.Ltmp1:
0x1b3: {  	[sflag:s21] =	ssyncset.done $0x0;
	(pc) =	sbr.rel @!p0 .LBB2_6-.Ltmp1, $4  }
0x1b4: {  	[sflag:s21] =	ssyncadd.s32 $0xFFFF6000  }
0x1b5: {  	_ =	swait.ge [sflag:s21], $0xA000  }
0x1b6: {  	[sflag:s21] =	ssyncset.done $0x0  }
0x1b7: {  	[sflag:s21] =	ssyncadd.s32 $0xFFFF6000  }
.LBB2_1:
0x1b8: {  	[tilespmem:s3], [sflag:$0x1] =	stream.linear.gather [hbm4b:s8+s3], $0x140, $0x38;
	[tilespmem:$0x15400] =	vst v63  }
0x1b9: {  	_ = 	snop  }
0x1ba: {  	[tilespmem:s7], [sflag:$0x1] =	stream.linear.gather [hbm4b:s9+s3], $0x140, $0x38;
	[tilespmem:$0x15400] =	vst v63  }
.Ltmp2:
0x1bb: {  	_ = 	snop;
	(pc) =	sbr.rel .LBB2_2-.Ltmp2, $4  }
0x1bc: {  	_ = 	snop  }
0x1bd: {  	[tilespmem:s17], [sflag:$0x1] =	stream.linear.gather [hbm4b:s10+s3], $0x140, $0x38;
	[tilespmem:$0x15400] =	vst v63  }
0x1be: {  	s23 =	smov.u32 s16;
	s24 =	smov.u32 s15;
	s25 =	simm.s32 $0x0  }
0x1bf: {  	[tilespmem:s18], [sflag:$0x1] =	stream.linear.gather [hbm4b:s11+s3], $0x140, $0x38;
	[tilespmem:$0x15400] =	vst v63  }
.LBB2_4:
0x1c0: {  	s25 =	sadd.s32 $0x1, s25  }
0x1c1: {  	p0 =	sne.s32 s25, $0x28  }
.Ltmp3:
0x1c2: {  	_ = 	snop;
	(pc) =	sbr.rel @!p0 .LBB2_5-.Ltmp3, $2  }
0x1c3: {  	_ =	sdelay $0x2  }
0x1c4: {  	s24 =	sadd.s32 $0x28000, s24;
	s23 =	sadd.s32 $0x20, s23  }
.LBB2_2:
0x1c5: {  	p0 =	sge.u32 s25, s5  }
.Ltmp4:
0x1c6: {  	_ = 	snop;
	(pc) =	sbr.rel @p0 .LBB2_4-.Ltmp4, $1  }
0x1c7: {  	_ =	sdelay $0x3  }
0x1c8: {  	p0 =	sge.u32 s25, s12  }
0x1c9: {  	s26 =	sshrl.u32 @!p0 s23, $0x1  }
0x1ca: {  	s28 =	smulhi.u32 @!p0 $0x66666667, s26  }
0x1cb: {  	_ =	swait.ge [sflag:s6], $0x140  }
0x1cc: {  	[sflag:s6] =	ssyncset.done $0x0;
	s28 =	sshrl.u32 @!p0 s28, $0x1  }
0x1cd: {  	[sflag:s6] =	ssyncadd.s32 $0xFFFFFEC0;
	s28 =	smul.u32 @!p0 $0x5, s28  }
0x1ce: {  	s29 =	smulhi.u32 @!p0 $0xCCCCCCCD, s23;
	_ =	swait.ge [sflag:s6], $0x140  }
0x1cf: {  	[sflag:s6] =	ssyncset.done $0x0;
	s26 =	ssub.s32 @!p0 s26, s28  }
0x1d0: {  	[sflag:s6] =	ssyncadd.s32 $0xFFFFFEC0;
	s28 =	sshrl.u32 @!p0 s29, $0x3;
	s26 =	smul.u32 @!p0 $0x4E200, s26  }
0x1d1: {  	_ =	swait.ge [sflag:s6], $0x140;
	s29 =	smul.u32 @!p0 $0xA00, s28  }
0x1d2: {  	[sflag:s6] =	ssyncset.done $0x0;
	s28 =	sand.u32 $0x1, s25  }
0x1d3: {  	[sflag:s6] =	ssyncadd.s32 $0xFFFFFEC0;
	s30 =	sxor.u32 @!p0 $0x1, s28;
	s26 =	sadd.s32 @!p0 s29, s26  }
0x1d4: {  	_ =	swait.ge [sflag:s6], $0x140;
	s29 =	smul.u32 @!p0 $0x1400, s30;
	s26 =	sor.u32 @!p0 s13, s26  }
0x1d5: {  	[sflag:s6] =	ssyncset.done $0x0;
	s30 =	simm.s32 @!p0 $0x0;
	s26 =	sshrl.u32 @!p0 s26, $0x3  }
0x1d6: {  	v16 =	vld [tilespmem:$0x1FEF0];
	[sflag:s6] =	ssyncadd.s32 $0xFFFFFEC0;
	s29 =	sshrl.u32 @!p0 s29, $0x2;
	s26 =	sadd.s32 @!p0 s4, s26  }
0x1d7: {  	[tilespmem:s29], [sflag:$0x1] =	stream.linear.gather @!p0 [hbm4b:s26+s30], $0x140, $0x38;
	[tilespmem:$0x15400] =	vst v63  }
0x1d8: {  	s31 =	sadd.s32 @!p0 $0x140, s29;
	s2 =	sadd.s32 @!p0 $0x50, s26  }
0x1d9: {  	[tilespmem:s31], [sflag:$0x1] =	stream.linear.gather @!p0 [hbm4b:s2+s30], $0x140, $0x38;
	[tilespmem:$0x15400] =	vst v63  }
0x1da: {  	s2 =	sadd.s32 @!p0 $0x280, s29;
	s31 =	sadd.s32 @!p0 $0xA0, s26  }
0x1db: {  	[tilespmem:s2], [sflag:$0x1] =	stream.linear.gather @!p0 [hbm4b:s31+s30], $0x140, $0x38;
	[tilespmem:$0x15400] =	vst v63  }
0x1dc: {  	s2 =	sadd.s32 @!p0 $0x3C0, s29;
	s29 =	sadd.s32 @!p0 $0xF0, s26;
	s26 =	smul.u32 $0x500, s28  }
0x1dd: {  	[tilespmem:s2], [sflag:$0x1] =	stream.linear.gather @!p0 [hbm4b:s29+s30], $0x140, $0x38;
	[tilespmem:$0x15400] =	vst v63  }
0x1de: {  	v16 =	vld.idx.msk [tilespmem:v16+s26+$0x0], $0xffff;
	_ =	sdelay $0x4  }
0x1df: {  	[tilespmem:s26+$0xA00] =	vst v16;
	v16 =	vld [tilespmem:$0x1FF00];
	_ =	sdelay $0x7  }
0x1e0: {  	v16 =	vld.idx.msk [tilespmem:v16+s26+$0x0], $0xffff;
	_ =	sdelay $0x4  }
0x1e1: {  	[tilespmem:s26+$0xA10] =	vst v16;
	v16 =	vld [tilespmem:$0x1FF10];
	_ =	sdelay $0x7  }
0x1e2: {  	v16 =	vld.idx.msk [tilespmem:v16+s26+$0x0], $0xffff;
	_ =	sdelay $0x4  }
0x1e3: {  	[tilespmem:s26+$0xA20] =	vst v16;
	v16 =	vld [tilespmem:$0x1FF20];
	_ =	sdelay $0x7  }
0x1e4: {  	v16 =	vld.idx.msk [tilespmem:v16+s26+$0x0], $0xffff;
	_ =	sdelay $0x4  }
0x1e5: {  	[tilespmem:s26+$0xA30] =	vst v16;
	v16 =	vld [tilespmem:$0x1FF30];
	_ =	sdelay $0x7  }
0x1e6: {  	v16 =	vld.idx.msk [tilespmem:v16+s26+$0x0], $0xffff;
	_ =	sdelay $0x4  }
0x1e7: {  	[tilespmem:s26+$0xA40] =	vst v16;
	v16 =	vld [tilespmem:$0x1FF40];
	_ =	sdelay $0x7  }
0x1e8: {  	v16 =	vld.idx.msk [tilespmem:v16+s26+$0x0], $0xffff;
	_ =	sdelay $0x4  }
0x1e9: {  	[tilespmem:s26+$0xA50] =	vst v16;
	v16 =	vld [tilespmem:$0x1FF50];
	_ =	sdelay $0x7  }
0x1ea: {  	v16 =	vld.idx.msk [tilespmem:v16+s26+$0x0], $0xffff;
	_ =	sdelay $0x4  }
0x1eb: {  	[tilespmem:s26+$0xA60] =	vst v16;
	v16 =	vld [tilespmem:$0x1FF60];
	_ =	sdelay $0x7  }
0x1ec: {  	v16 =	vld.idx.msk [tilespmem:v16+s26+$0x0], $0xffff;
	_ =	sdelay $0x4  }
0x1ed: {  	[tilespmem:s26+$0xA70] =	vst v16;
	v16 =	vld [tilespmem:$0x1FF70];
	_ =	sdelay $0x7  }
0x1ee: {  	v16 =	vld.idx.msk [tilespmem:v16+s26+$0x0], $0xffff;
	_ =	sdelay $0x4  }
0x1ef: {  	[tilespmem:s26+$0xA80] =	vst v16;
	v16 =	vld [tilespmem:$0x1FF80];
	_ =	sdelay $0x7  }
0x1f0: {  	v16 =	vld.idx.msk [tilespmem:v16+s26+$0x0], $0xffff;
	_ =	sdelay $0x4  }
0x1f1: {  	[tilespmem:s26+$0xA90] =	vst v16;
	v16 =	vld [tilespmem:$0x1FF90];
	_ =	sdelay $0x7  }
0x1f2: {  	v16 =	vld.idx.msk [tilespmem:v16+s26+$0x0], $0xffff;
	_ =	sdelay $0x4  }
0x1f3: {  	[tilespmem:s26+$0xAA0] =	vst v16;
	v16 =	vld [tilespmem:$0x1FFA0];
	_ =	sdelay $0x7  }
0x1f4: {  	v16 =	vld.idx.msk [tilespmem:v16+s26+$0x0], $0xffff;
	_ =	sdelay $0x4  }
0x1f5: {  	[tilespmem:s26+$0xAB0] =	vst v16;
	v16 =	vld [tilespmem:$0x1FFB0];
	_ =	sdelay $0x7  }
0x1f6: {  	v16 =	vld.idx.msk [tilespmem:v16+s26+$0x0], $0xffff;
	_ =	sdelay $0x4  }
0x1f7: {  	[tilespmem:s26+$0xAC0] =	vst v16;
	v16 =	vld [tilespmem:$0x1FFC0];
	_ =	sdelay $0x7  }
0x1f8: {  	v16 =	vld.idx.msk [tilespmem:v16+s26+$0x0], $0xffff;
	_ =	sdelay $0x4  }
0x1f9: {  	[tilespmem:s26+$0xAD0] =	vst v16;
	v16 =	vld [tilespmem:$0x1FFD0];
	_ =	sdelay $0x7  }
0x1fa: {  	v16 =	vld.idx.msk [tilespmem:v16+s26+$0x0], $0xffff;
	_ =	sdelay $0x4  }
0x1fb: {  	[tilespmem:s26+$0xAE0] =	vst v16;
	v16 =	vld [tilespmem:$0x1FFE0];
	_ =	sdelay $0x7  }
0x1fc: {  	v16 =	vld.idx.msk [tilespmem:v16+s26+$0x0], $0xffff;
	_ =	sdelay $0x4  }
0x1fd: {  	[tilespmem:s26+$0xAF0] =	vst v16;
	v16 =	vld [tilespmem:$0x1FFF0];
	_ =	sdelay $0x7  }
0x1fe: {  	v16 =	vld.idx.msk [tilespmem:v16+s26+$0x0], $0xffff;
	_ =	sdelay $0x4  }
0x1ff: {  	[tilespmem:s26+$0xB00] =	vst v16  }
0x200: {  	v16 =	vld.idx.msk [tilespmem:v17+s26+$0x0], $0xffff;
	_ =	sdelay $0x4  }
0x201: {  	[tilespmem:s26+$0xB10] =	vst v16  }
0x202: {  	v16 =	vld.idx.msk [tilespmem:v18+s26+$0x0], $0xffff;
	_ =	sdelay $0x4  }
0x203: {  	[tilespmem:s26+$0xB20] =	vst v16  }
0x204: {  	v16 =	vld.idx.msk [tilespmem:v19+s26+$0x0], $0xffff;
	_ =	sdelay $0x4  }
0x205: {  	[tilespmem:s26+$0xB30] =	vst v16  }
0x206: {  	v16 =	vld.idx.msk [tilespmem:v20+s26+$0x0], $0xffff;
	_ =	sdelay $0x4  }
0x207: {  	[tilespmem:s26+$0xB40] =	vst v16  }
0x208: {  	v16 =	vld.idx.msk [tilespmem:v21+s26+$0x0], $0xffff;
	_ =	sdelay $0x4  }
0x209: {  	[tilespmem:s26+$0xB50] =	vst v16  }
0x20a: {  	v16 =	vld.idx.msk [tilespmem:v22+s26+$0x0], $0xffff;
	_ =	sdelay $0x4  }
0x20b: {  	[tilespmem:s26+$0xB60] =	vst v16  }
0x20c: {  	v16 =	vld.idx.msk [tilespmem:v23+s26+$0x0], $0xffff;
	_ =	sdelay $0x4  }
0x20d: {  	[tilespmem:s26+$0xB70] =	vst v16  }
0x20e: {  	v16 =	vld.idx.msk [tilespmem:v24+s26+$0x0], $0xffff;
	_ =	sdelay $0x4  }
0x20f: {  	[tilespmem:s26+$0xB80] =	vst v16  }
0x210: {  	v16 =	vld.idx.msk [tilespmem:v25+s26+$0x0], $0xffff;
	_ =	sdelay $0x4  }
0x211: {  	[tilespmem:s26+$0xB90] =	vst v16  }
0x212: {  	v16 =	vld.idx.msk [tilespmem:v26+s26+$0x0], $0xffff;
	_ =	sdelay $0x4  }
0x213: {  	[tilespmem:s26+$0xBA0] =	vst v16  }
0x214: {  	v16 =	vld.idx.msk [tilespmem:v27+s26+$0x0], $0xffff;
	_ =	sdelay $0x4  }
0x215: {  	[tilespmem:s26+$0xBB0] =	vst v16  }
0x216: {  	v16 =	vld.idx.msk [tilespmem:v28+s26+$0x0], $0xffff;
	_ =	sdelay $0x4  }
0x217: {  	[tilespmem:s26+$0xBC0] =	vst v16  }
0x218: {  	v16 =	vld.idx.msk [tilespmem:v29+s26+$0x0], $0xffff;
	_ =	sdelay $0x4  }
0x219: {  	[tilespmem:s26+$0xBD0] =	vst v16  }
0x21a: {  	v16 =	vld.idx.msk [tilespmem:v30+s26+$0x0], $0xffff;
	_ =	sdelay $0x4  }
0x21b: {  	[tilespmem:s26+$0xBE0] =	vst v16  }
0x21c: {  	v16 =	vld.idx.msk [tilespmem:v31+s26+$0x0], $0xffff;
	_ =	sdelay $0x4  }
0x21d: {  	[tilespmem:s26+$0xBF0] =	vst v16  }
0x21e: {  	v16 =	vld.idx.msk [tilespmem:v32+s26+$0x0], $0xffff;
	_ =	sdelay $0x4  }
0x21f: {  	[tilespmem:s26+$0xC00] =	vst v16  }
0x220: {  	v16 =	vld.idx.msk [tilespmem:v33+s26+$0x0], $0xffff;
	_ =	sdelay $0x4  }
0x221: {  	[tilespmem:s26+$0xC10] =	vst v16  }
0x222: {  	v16 =	vld.idx.msk [tilespmem:v34+s26+$0x0], $0xffff;
	_ =	sdelay $0x4  }
0x223: {  	[tilespmem:s26+$0xC20] =	vst v16  }
0x224: {  	v16 =	vld.idx.msk [tilespmem:v35+s26+$0x0], $0xffff;
	_ =	sdelay $0x4  }
0x225: {  	[tilespmem:s26+$0xC30] =	vst v16  }
0x226: {  	v16 =	vld.idx.msk [tilespmem:v36+s26+$0x0], $0xffff;
	_ =	sdelay $0x4  }
0x227: {  	[tilespmem:s26+$0xC40] =	vst v16  }
0x228: {  	v16 =	vld.idx.msk [tilespmem:v37+s26+$0x0], $0xffff;
	_ =	sdelay $0x4  }
0x229: {  	[tilespmem:s26+$0xC50] =	vst v16  }
0x22a: {  	v16 =	vld.idx.msk [tilespmem:v38+s26+$0x0], $0xffff;
	_ =	sdelay $0x4  }
0x22b: {  	[tilespmem:s26+$0xC60] =	vst v16  }
0x22c: {  	v16 =	vld.idx.msk [tilespmem:v39+s26+$0x0], $0xffff;
	_ =	sdelay $0x4  }
0x22d: {  	[tilespmem:s26+$0xC70] =	vst v16  }
0x22e: {  	v16 =	vld.idx.msk [tilespmem:v40+s26+$0x0], $0xffff;
	_ =	sdelay $0x4  }
0x22f: {  	[tilespmem:s26+$0xC80] =	vst v16  }
0x230: {  	v16 =	vld.idx.msk [tilespmem:v41+s26+$0x0], $0xffff;
	_ =	sdelay $0x4  }
0x231: {  	[tilespmem:s26+$0xC90] =	vst v16  }
0x232: {  	v16 =	vld.idx.msk [tilespmem:v42+s26+$0x0], $0xffff;
	_ =	sdelay $0x4  }
0x233: {  	[tilespmem:s26+$0xCA0] =	vst v16  }
0x234: {  	v16 =	vld.idx.msk [tilespmem:v43+s26+$0x0], $0xffff;
	_ =	sdelay $0x4  }
0x235: {  	[tilespmem:s26+$0xCB0] =	vst v16  }
0x236: {  	v16 =	vld.idx.msk [tilespmem:v44+s26+$0x0], $0xffff;
	_ =	sdelay $0x4  }
0x237: {  	[tilespmem:s26+$0xCC0] =	vst v16  }
0x238: {  	v16 =	vld.idx.msk [tilespmem:v45+s26+$0x0], $0xffff;
	_ =	sdelay $0x4  }
0x239: {  	[tilespmem:s26+$0xCD0] =	vst v16  }
0x23a: {  	v16 =	vld.idx.msk [tilespmem:v46+s26+$0x0], $0xffff;
	_ =	sdelay $0x4  }
0x23b: {  	[tilespmem:s26+$0xCE0] =	vst v16  }
0x23c: {  	v16 =	vld.idx.msk [tilespmem:v47+s26+$0x0], $0xffff;
	_ =	sdelay $0x4  }
0x23d: {  	[tilespmem:s26+$0xCF0] =	vst v16  }
0x23e: {  	v16 =	vld.idx.msk [tilespmem:v48+s26+$0x0], $0xffff;
	_ =	sdelay $0x4  }
0x23f: {  	[tilespmem:s26+$0xD00] =	vst v16  }
0x240: {  	v16 =	vld.idx.msk [tilespmem:v49+s26+$0x0], $0xffff;
	_ =	sdelay $0x4  }
0x241: {  	[tilespmem:s26+$0xD10] =	vst v16  }
0x242: {  	v16 =	vld.idx.msk [tilespmem:v50+s26+$0x0], $0xffff;
	_ =	sdelay $0x4  }
0x243: {  	[tilespmem:s26+$0xD20] =	vst v16  }
0x244: {  	v16 =	vld.idx.msk [tilespmem:v51+s26+$0x0], $0xffff;
	_ =	sdelay $0x4  }
0x245: {  	[tilespmem:s26+$0xD30] =	vst v16  }
0x246: {  	v16 =	vld.idx.msk [tilespmem:v52+s26+$0x0], $0xffff;
	_ =	sdelay $0x4  }
0x247: {  	[tilespmem:s26+$0xD40] =	vst v16  }
0x248: {  	v16 =	vld.idx.msk [tilespmem:v53+s26+$0x0], $0xffff;
	_ =	sdelay $0x4  }
0x249: {  	[tilespmem:s26+$0xD50] =	vst v16  }
0x24a: {  	v16 =	vld.idx.msk [tilespmem:v54+s26+$0x0], $0xffff;
	_ =	sdelay $0x4  }
0x24b: {  	[tilespmem:s26+$0xD60] =	vst v16  }
0x24c: {  	v16 =	vld.idx.msk [tilespmem:v55+s26+$0x0], $0xffff;
	_ =	sdelay $0x4  }
0x24d: {  	[tilespmem:s26+$0xD70] =	vst v16  }
0x24e: {  	v16 =	vld.idx.msk [tilespmem:v56+s26+$0x0], $0xffff;
	_ =	sdelay $0x4  }
0x24f: {  	[tilespmem:s26+$0xD80] =	vst v16  }
0x250: {  	v16 =	vld.idx.msk [tilespmem:v57+s26+$0x0], $0xffff;
	_ =	sdelay $0x4  }
0x251: {  	[tilespmem:s26+$0xD90] =	vst v16  }
0x252: {  	v16 =	vld.idx.msk [tilespmem:v58+s26+$0x0], $0xffff;
	_ =	sdelay $0x4  }
0x253: {  	[tilespmem:s26+$0xDA0] =	vst v16  }
0x254: {  	v16 =	vld.idx.msk [tilespmem:v59+s26+$0x0], $0xffff;
	_ =	sdelay $0x4  }
0x255: {  	[tilespmem:s26+$0xDB0] =	vst v16  }
0x256: {  	v16 =	vld.idx.msk [tilespmem:v60+s26+$0x0], $0xffff;
	_ =	sdelay $0x4  }
0x257: {  	[tilespmem:s26+$0xDC0] =	vst v16  }
0x258: {  	v16 =	vld.idx.msk [tilespmem:v61+s26+$0x0], $0xffff;
	_ =	sdelay $0x4  }
0x259: {  	[tilespmem:s26+$0xDD0] =	vst v16  }
0x25a: {  	v16 =	vld.idx.msk [tilespmem:v62+s26+$0x0], $0xffff;
	_ =	sdelay $0x4  }
0x25b: {  	[tilespmem:s26+$0xDE0] =	vst v16  }
0x25c: {  	v16 =	vld.idx.msk [tilespmem:v63+s26+$0x0], $0xffff;
	_ =	sdelay $0x4  }
0x25d: {  	[tilespmem:s26+$0xDF0] =	vst v16  }
0x25e: {  	v16 =	vld.idx.msk [tilespmem:v0+s26+$0x0], $0xffff;
	_ =	sdelay $0x4  }
0x25f: {  	[tilespmem:s26+$0xE00] =	vst v16  }
0x260: {  	v16 =	vld.idx.msk [tilespmem:v1+s26+$0x0], $0xffff;
	_ =	sdelay $0x4  }
0x261: {  	[tilespmem:s26+$0xE10] =	vst v16  }
0x262: {  	v16 =	vld.idx.msk [tilespmem:v2+s26+$0x0], $0xffff;
	_ =	sdelay $0x4  }
0x263: {  	[tilespmem:s26+$0xE20] =	vst v16  }
0x264: {  	v16 =	vld.idx.msk [tilespmem:v3+s26+$0x0], $0xffff;
	_ =	sdelay $0x4  }
0x265: {  	[tilespmem:s26+$0xE30] =	vst v16  }
0x266: {  	v16 =	vld.idx.msk [tilespmem:v4+s26+$0x0], $0xffff;
	_ =	sdelay $0x4  }
0x267: {  	[tilespmem:s26+$0xE40] =	vst v16  }
0x268: {  	v16 =	vld.idx.msk [tilespmem:v5+s26+$0x0], $0xffff;
	_ =	sdelay $0x4  }
0x269: {  	[tilespmem:s26+$0xE50] =	vst v16  }
0x26a: {  	v16 =	vld.idx.msk [tilespmem:v6+s26+$0x0], $0xffff;
	_ =	sdelay $0x4  }
0x26b: {  	[tilespmem:s26+$0xE60] =	vst v16  }
0x26c: {  	v16 =	vld.idx.msk [tilespmem:v7+s26+$0x0], $0xffff;
	_ =	sdelay $0x4  }
0x26d: {  	[tilespmem:s26+$0xE70] =	vst v16  }
0x26e: {  	v16 =	vld.idx.msk [tilespmem:v8+s26+$0x0], $0xffff;
	_ =	sdelay $0x4  }
0x26f: {  	[tilespmem:s26+$0xE80] =	vst v16  }
0x270: {  	v16 =	vld.idx.msk [tilespmem:v9+s26+$0x0], $0xffff;
	_ =	sdelay $0x4  }
0x271: {  	[tilespmem:s26+$0xE90] =	vst v16  }
0x272: {  	v16 =	vld.idx.msk [tilespmem:v10+s26+$0x0], $0xffff;
	_ =	sdelay $0x4  }
0x273: {  	[tilespmem:s26+$0xEA0] =	vst v16  }
0x274: {  	v16 =	vld.idx.msk [tilespmem:v11+s26+$0x0], $0xffff;
	_ =	sdelay $0x4  }
0x275: {  	[tilespmem:s26+$0xEB0] =	vst v16  }
0x276: {  	v16 =	vld.idx.msk [tilespmem:v12+s26+$0x0], $0xffff;
	_ =	sdelay $0x4  }
0x277: {  	[tilespmem:s26+$0xEC0] =	vst v16  }
0x278: {  	v16 =	vld.idx.msk [tilespmem:v13+s26+$0x0], $0xffff;
	_ =	sdelay $0x4  }
0x279: {  	[tilespmem:s26+$0xED0] =	vst v16  }
0x27a: {  	v16 =	vld.idx.msk [tilespmem:v14+s26+$0x0], $0xffff;
	_ =	sdelay $0x4  }
0x27b: {  	[tilespmem:s26+$0xEE0] =	vst v16  }
0x27c: {  	v16 =	vld.idx.msk [tilespmem:v15+s26+$0x0], $0xffff;
	_ =	sdelay $0x3  }
0x27d: {  	p0 =	slt.u32 s25, $0x2  }
0x27e: {  	s28 =	smul.u32 $0x28000, s28;
	s2 =	simm.s32 @!p0 $0x3;
	[tilespmem:s26+$0xEF0] =	vst v16  }
0x27f: {  	_ =	swait.ge @!p0 [sflag:s2], $0xA000  }
0x280: {  	s28 =	sshrl.u32 s28, $0x2;
	[sflag:s2] =	ssyncset.done @!p0 $0x0  }
0x281: {  	s30 =	sadd.s32 $0xA00, s26;
	[sflag:s2] =	ssyncadd.s32 @!p0 $0xFFFF6000;
	s2 =	sor.u32 $0x1400, s28  }
0x282: {  	[tilespmem:s2], [sflag:$0x2] =	stream.indirect.gather [hbm4b:s1+s19], $0x20, s30, s19, $0xb8;
	[tilespmem:$0x15400] =	vst v63  }
0x283: {  	s29 =	sadd.s32 $0xA80, s26;
	s31 =	sadd.s32 $0x2400, s28  }
0x284: {  	[tilespmem:s31], [sflag:$0x2] =	stream.indirect.gather [hbm4b:s1+s19], $0x20, s29, s19, $0xb8;
	[tilespmem:$0x15400] =	vst v63  }
0x285: {  	s29 =	sadd.s32 $0xB00, s26;
	s31 =	sadd.s32 $0x3400, s28  }
0x286: {  	[tilespmem:s31], [sflag:$0x2] =	stream.indirect.gather [hbm4b:s1+s19], $0x20, s29, s19, $0xb8;
	[tilespmem:$0x15400] =	vst v63  }
0x287: {  	s29 =	sadd.s32 $0xB80, s26;
	s31 =	sadd.s32 $0x4400, s28  }
0x288: {  	[tilespmem:s31], [sflag:$0x2] =	stream.indirect.gather [hbm4b:s1+s19], $0x20, s29, s19, $0xb8;
	[tilespmem:$0x15400] =	vst v63  }
0x289: {  	s29 =	sadd.s32 $0xC00, s26;
	s31 =	sadd.s32 $0x5400, s28  }
0x28a: {  	[tilespmem:s31], [sflag:$0x2] =	stream.indirect.gather [hbm4b:s1+s19], $0x20, s29, s19, $0xb8;
	[tilespmem:$0x15400] =	vst v63  }
0x28b: {  	s29 =	sadd.s32 $0xC80, s26;
	s31 =	sadd.s32 $0x6400, s28  }
0x28c: {  	[tilespmem:s31], [sflag:$0x2] =	stream.indirect.gather [hbm4b:s1+s19], $0x20, s29, s19, $0xb8;
	[tilespmem:$0x15400] =	vst v63  }
0x28d: {  	s29 =	sadd.s32 $0xD00, s26;
	s31 =	sadd.s32 $0x7400, s28  }
0x28e: {  	[tilespmem:s31], [sflag:$0x2] =	stream.indirect.gather [hbm4b:s1+s19], $0x20, s29, s19, $0xb8;
	[tilespmem:$0x15400] =	vst v63  }
0x28f: {  	s29 =	sadd.s32 $0xD80, s26;
	s31 =	sadd.s32 $0x8400, s28  }
0x290: {  	[tilespmem:s31], [sflag:$0x2] =	stream.indirect.gather [hbm4b:s1+s19], $0x20, s29, s19, $0xb8;
	[tilespmem:$0x15400] =	vst v63  }
0x291: {  	s29 =	sadd.s32 $0xE00, s26;
	s31 =	sadd.s32 $0x9400, s28  }
0x292: {  	[tilespmem:s31], [sflag:$0x2] =	stream.indirect.gather [hbm4b:s1+s19], $0x20, s29, s19, $0xb8;
	[tilespmem:$0x15400] =	vst v63  }
0x293: {  	s26 =	sadd.s32 $0xE80, s26;
	s28 =	sadd.s32 $0xA400, s28  }
0x294: {  	[tilespmem:s28], [sflag:$0x2] =	stream.indirect.gather [hbm4b:s1+s19], $0x20, s26, s19, $0xb8;
	[tilespmem:$0x15400] =	vst v63  }
0x295: {  	_ =	swait.ge [sflag:s20], $0x1000  }
0x296: {  	[sflag:s20] =	ssyncset.done $0x0  }
0x297: {  	[sflag:s20] =	ssyncadd.s32 $0xFFFFF000  }
0x298: {  	_ =	swait.ge [sflag:s20], $0x1000  }
0x299: {  	[sflag:s20] =	ssyncset.done $0x0  }
0x29a: {  	[sflag:s20] =	ssyncadd.s32 $0xFFFFF000  }
0x29b: {  	_ =	swait.ge [sflag:s20], $0x1000  }
0x29c: {  	[sflag:s20] =	ssyncset.done $0x0  }
0x29d: {  	[sflag:s20] =	ssyncadd.s32 $0xFFFFF000  }
0x29e: {  	_ =	swait.ge [sflag:s20], $0x1000  }
0x29f: {  	[sflag:s20] =	ssyncset.done $0x0  }
0x2a0: {  	[sflag:s20] =	ssyncadd.s32 $0xFFFFF000  }
0x2a1: {  	_ =	swait.ge [sflag:s20], $0x1000  }
0x2a2: {  	[sflag:s20] =	ssyncset.done $0x0  }
0x2a3: {  	[sflag:s20] =	ssyncadd.s32 $0xFFFFF000  }
0x2a4: {  	_ =	swait.ge [sflag:s20], $0x1000  }
0x2a5: {  	[sflag:s20] =	ssyncset.done $0x0  }
0x2a6: {  	[sflag:s20] =	ssyncadd.s32 $0xFFFFF000  }
0x2a7: {  	_ =	swait.ge [sflag:s20], $0x1000  }
0x2a8: {  	[sflag:s20] =	ssyncset.done $0x0  }
0x2a9: {  	[sflag:s20] =	ssyncadd.s32 $0xFFFFF000  }
0x2aa: {  	_ =	swait.ge [sflag:s20], $0x1000  }
0x2ab: {  	[sflag:s20] =	ssyncset.done $0x0  }
0x2ac: {  	[sflag:s20] =	ssyncadd.s32 $0xFFFFF000  }
0x2ad: {  	_ =	swait.ge [sflag:s20], $0x1000  }
0x2ae: {  	[sflag:s20] =	ssyncset.done $0x0  }
.Ltmp5:
0x2af: {  	[sflag:s20] =	ssyncadd.s32 $0xFFFFF000;
	(pc) =	sbr.rel .LBB2_4-.Ltmp5, $4  }
0x2b0: {  	_ =	swait.ge [sflag:s20], $0x1000  }
0x2b1: {  	[sflag:s20] =	ssyncset.done $0x0  }
0x2b2: {  	[sflag:s20] =	ssyncadd.s32 $0xFFFFF000  }
0x2b3: {  	[hbm4b:s24+s3] =	stream.linear.scatter [tilespmem:s2], [sflag:$0x3], $0xA000, $0x38;
	[tilespmem:$0x15400] =	vst v63  }
.LBB2_6:
0x2b4: {  	_ =	sfence.sel $0x180000  }
0x2b5: {  	[bflag:$0x0] =	sbarrier.arrive $0xFFFF  }
0x2b6: {  	_ =	strace $0x90000047  }
0x2b7: {  	[bflag:$0x2] =	sbarrier.arrive $0xFFFF  }
0x2b8: {  	p0 =	sne.s32 s0, $0x0;
	s0 =	rddreg [dreg:$0x2]  }
0x2b9: {  	s0 =	sadd.s32 @!p0 $0x100000, s0  }
0x2ba: {  	[sflag:s0] =	ssyncadd.tile.s32 @!p0 $0x1;
	_ =	shalt  }
.Lfunc_end2:
_tile_overlayer_lowered:
.L_overlay_start_2:
0x2bb: {  	(tag) =	ssettag $0x2  }
0x2bc: {  	s0 =	rddreg [dreg:$0x0];
	s2 =	stileid.u32  }
0x2bd: {  	s1 =	rddreg [dreg:$0x1];
	p0 =	sne.s32 s2, $0x0  }
0x2be: {  	s3 =	rddreg [dreg:$0x2];
	[bflag:$0x3] =	sbarrier.arrive $0xFFFF;
	s2 =	simm.s32 @!p0 $0x1C04  }
0x2bf: {  	[timem:s3], [sflag:s2] =	dma.local @!p0 [hbm:s0], s1  }
0x2c0: {  	s0 =	simm.s32 @!p0 $0x4  }
0x2c1: {  	_ =	swait.ge @!p0 [sflag:s0], s1  }
0x2c2: {  	s1 =	ssub.s32 @!p0 $0x0, s1;
	[sflag:s0] =	ssyncset.done @!p0 $0x0  }
0x2c3: {  	[sflag:s0] =	ssyncadd.s32 @!p0 s1  }
0x2c4: {  	[bflag:$0x3] =	sbarrier.arrive $0xFFFF  }
0x2c5: {  	_ =	shalt  }

</sc_bundles>
